<compile_context>
chip_gen: v7x
topology: tpu7x:2x2x1
jax: 0.10.2.dev20260603
libtpu: 0.0.44.dev20260713+nightly
codegen_flags: <defaults>
</compile_context>

<pallas_src>
import functools

import jax
import jax.numpy as jnp
from jax import lax
from jax.experimental import pallas as pl
from jax.experimental.pallas import tpu as pltpu
from jax.experimental.pallas import tpu_sc as plsc

NC, NS, L = 2, 16, 16
POSN = 64


def _make_sc_sumsq(B, T, D, R=32, unroll=4, interpret=False):
  NW = NC * NS
  assert B % NW == 0 and T % R == 0 and R % L == 0 and D % L == 0
  BPW = B // NW
  NCH = T // R
  assert NCH % 2 == 0
  G = R // L

  mesh = plsc.VectorSubcoreMesh(
      core_axis_name="c", subcore_axis_name="s",
      num_cores=NC, num_subcores=NS)

  @functools.partial(
      pl.kernel,
      out_type=jax.ShapeDtypeStruct((B, T), jnp.float32),
      mesh=mesh,
      scratch_types=[
          pltpu.VMEM((2, R, D), jnp.float32),
          pltpu.VMEM((2, R, D), jnp.float32),
          pltpu.VMEM((2, R, D), jnp.float32),
          pltpu.VMEM((D,), jnp.float32),
          pltpu.VMEM((D,), jnp.float32),
          pltpu.VMEM((D,), jnp.float32),
          pltpu.VMEM((T,), jnp.float32),
          pltpu.SemaphoreType.DMA,
          pltpu.SemaphoreType.DMA,
      ],
      compiler_params=pltpu.CompilerParams(
          use_tc_tiling_on_sc=False, needs_layout_passes=False),
      interpret=interpret,
  )
  def sc_fn(h_hbm, t_hbm, r_hbm, htr_hbm, ttr_hbm, rtr_hbm, out_hbm,
            hbuf, tbuf, rbuf, htr_v, ttr_v, rtr_v, out_v, sem0, sem1):
    wid = lax.axis_index("s") * NC + lax.axis_index("c")
    b0 = wid * BPW

    def start_chunk(b, c, slot, sem):
      src = pl.ds(c * R, R)
      pltpu.async_copy(h_hbm.at[b, src], hbuf.at[slot], sem)
      pltpu.async_copy(t_hbm.at[b, src], tbuf.at[slot], sem)
      pltpu.async_copy(r_hbm.at[b, src], rbuf.at[slot], sem)

    def wait_chunk(b, c, slot, sem):
      src = pl.ds(c * R, R)
      pltpu.make_async_copy(h_hbm.at[b, src], hbuf.at[slot], sem).wait()
      pltpu.make_async_copy(t_hbm.at[b, src], tbuf.at[slot], sem).wait()
      pltpu.make_async_copy(r_hbm.at[b, src], rbuf.at[slot], sem).wait()

    lanes = lax.iota(jnp.int32, L)
    row_idx = [jnp.int32(g * L) + lanes for g in range(G)]

    def compute_chunk(slot, c, s_rtr):
      slot_v = jnp.full((L,), slot, jnp.int32)

      def dcstep(dc, carry):
        accs = [list(a) for a in carry]
        base = dc * L
        htr_c = htr_v[pl.ds(base, L)]
        ttr_c = ttr_v[pl.ds(base, L)]
        rtr_c = rtr_v[pl.ds(base, L)]
        d_vec0 = jnp.full((L,), base, jnp.int32)
        for k in range(L):
          d_vec = d_vec0 + k
          htr_d = htr_c[k]
          ttr_d = ttr_c[k]
          rtr_d = rtr_c[k]
          for g in range(G):
            a_u2, a_ur, a_h, a_t = accs[g]
            hd = plsc.load_gather(hbuf, [slot_v, row_idx[g], d_vec])
            td = plsc.load_gather(tbuf, [slot_v, row_idx[g], d_vec])
            rd = plsc.load_gather(rbuf, [slot_v, row_idx[g], d_vec])
            u = hd + rd - td
            accs[g] = (a_u2 + u * u, a_ur + u * rtr_d,
                       a_h + hd * htr_d, a_t + td * ttr_d)
        return tuple(tuple(a) for a in accs)

      zeros = jnp.zeros((L,), jnp.float32)
      init = tuple((zeros, zeros, zeros, zeros) for _ in range(G))
      accs = plsc.parallel_loop(0, D // L, 1, unroll=2, carry=init)(
          lambda i, c: dcstep(i, c))
      for g in range(G):
        a_u2, a_ur, a_h, a_t = accs[g]
        alpha = a_h - a_t
        ss = a_u2 + 2.0 * alpha * a_ur + alpha * alpha * s_rtr
        out_v[pl.ds(c * R + g * L, L)] = ss

    def batch_body(ib, _):
      b = b0 + ib
      pltpu.sync_copy(htr_hbm.at[b], htr_v)
      pltpu.sync_copy(ttr_hbm.at[b], ttr_v)
      pltpu.sync_copy(rtr_hbm.at[b], rtr_v)
      start_chunk(b, 0, 0, sem0)
      acc = jnp.zeros((L,), jnp.float32)
      for i in range(D // L):
        v = rtr_v[pl.ds(i * L, L)]
        acc = acc + v * v
      s_rtr = acc[0]
      for k in range(1, L):
        s_rtr = s_rtr + acc[k]

      def pair_body(p, _):
        c0 = 2 * p
        start_chunk(b, c0 + 1, 1, sem1)
        wait_chunk(b, c0, 0, sem0)
        compute_chunk(0, c0, s_rtr)

        @pl.when(p + 1 < NCH // 2)
        def _():
          start_chunk(b, c0 + 2, 0, sem0)
        wait_chunk(b, c0 + 1, 1, sem1)
        compute_chunk(1, c0 + 1, s_rtr)
        return _

      lax.fori_loop(0, NCH // 2, pair_body, None)
      pltpu.sync_copy(out_v, out_hbm.at[b])
      return _

    lax.fori_loop(0, BPW, batch_body, None)

  return sc_fn


def _make_tc_negsqrt(B, T, interpret=False):
  def body(ss_ref, o_ref):
    o_ref[...] = -jnp.sqrt(ss_ref[...])

  return pl.pallas_call(
      body,
      out_shape=jax.ShapeDtypeStruct((B, T), jnp.float32),
      interpret=interpret,
  )


def kernel(h, t, r, pos_num, h_transfer, r_transfer, t_transfer):
  B, T, _, D = h.shape
  h3 = h.reshape(B, T, D)
  t3 = t.reshape(B, T, D)
  r3 = r.reshape(B, T, D)
  htr = h_transfer.reshape(B, D)
  ttr = t_transfer.reshape(B, D)
  rtr = r_transfer.reshape(B, D)
  ss = _make_sc_sumsq(B, T, D)(h3, t3, r3, htr, ttr, rtr)
  score = _make_tc_negsqrt(B, T)(ss)
  p_score = score[:, :POSN]
  n_score = lax.dynamic_slice_in_dim(score, pos_num, T - POSN, axis=1)
  return (p_score, n_score)

# --- scband reference (transcript-rebuilt; emitter-appended) ---
"""Pipeline reference for scband-meta-r-86586540688043 (READ-ONLY COPY).

The authoritative reference and input builder live on the scoring server;
editing this copy changes nothing except your own understanding.
"""

import jax, jax.numpy as jnp
import numpy as np

B, T, D = 256, 512, 512
POS = 64

def setup_inputs(seed: int = 0) -> dict:
    key = jax.random.key(seed)
    k1, k2, k3, k4, k5, k6 = jax.random.split(key, 6)
    return {
        "h": jax.random.normal(k1, (B, T, 1, D), dtype=jnp.float32),
        "t": jax.random.normal(k2, (B, T, 1, D), dtype=jnp.float32),
        "r": jax.random.normal(k3, (B, T, 1, D), dtype=jnp.float32),
        "pos_num": POS,
        "h_transfer": jax.random.normal(k4, (B, 1, 1, D), dtype=jnp.float32),
        "r_transfer": jax.random.normal(k5, (B, 1, 1, D), dtype=jnp.float32),
        "t_transfer": jax.random.normal(k6, (B, 1, 1, D), dtype=jnp.float32),
    }

def reference(h, t, r, pos_num, h_transfer, r_transfer, t_transfer):
    # EmbeddingLearner.forward with norm_transfer = (h_transfer, r_transfer, t_transfer)
    h2 = h + jnp.sum(h * h_transfer, axis=-1, keepdims=True) * r_transfer
    t2 = t + jnp.sum(t * t_transfer, axis=-1, keepdims=True) * r_transfer
    # -torch.norm(h + r - t, 2, -1).squeeze(2)
    diff = h2 + r - t2
    score = -jnp.sqrt(jnp.sum(diff * diff, axis=-1))  # [B, T, 1]
    score = jnp.squeeze(score, axis=2)  # [B, T]
    seq_len = score.shape[1]
    p_score = score[:, :POS]
    n_score = jax.lax.dynamic_slice_in_dim(score, pos_num, seq_len - POS, axis=1)
    return (p_score, n_score)

if __name__ == "__main__":
    import jax
    _d = setup_inputs()
    print(jax.jit(kernel)(*tuple(_d.values())))

</pallas_src>

<mosaic_0001>
#map = affine_map<(d0, d1) -> (0, 0, 0)>
#map1 = affine_map<(d0, d1) -> (0, 0)>
module attributes {stable_mosaic.version = 14 : i64} {
  func.func @sc_fn(%arg0: i32, %arg1: i32, %arg2: memref<256x512x512xf32, #tpu.memory_space<hbm>>, %arg3: memref<256x512x512xf32, #tpu.memory_space<hbm>>, %arg4: memref<256x512x512xf32, #tpu.memory_space<hbm>>, %arg5: memref<256x512xf32, #tpu.memory_space<hbm>>, %arg6: memref<256x512xf32, #tpu.memory_space<hbm>>, %arg7: memref<256x512xf32, #tpu.memory_space<hbm>>, %arg8: memref<256x512xf32, #tpu.memory_space<hbm>>, %arg9: memref<2x32x512xf32, #tpu.memory_space<vmem>>, %arg10: memref<2x32x512xf32, #tpu.memory_space<vmem>>, %arg11: memref<2x32x512xf32, #tpu.memory_space<vmem>>, %arg12: memref<512xf32, #tpu.memory_space<vmem>>, %arg13: memref<512xf32, #tpu.memory_space<vmem>>, %arg14: memref<512xf32, #tpu.memory_space<vmem>>, %arg15: memref<512xf32, #tpu.memory_space<vmem>>, %arg16: memref<!tpu.dma_semaphore, #tpu.memory_space<semaphore_mem>>, %arg17: memref<!tpu.dma_semaphore, #tpu.memory_space<semaphore_mem>>) attributes {dimension_semantics = [#tpu.dimension_semantics<core_parallel>, #tpu.dimension_semantics<subcore_parallel>], iteration_bounds = array<i64: 2, 16>, scalar_prefetch = 0 : i64, scratch_operands = 9 : i64, tpu.core_type = #tpu.core_type<sc_vector_subcore>, window_params = [{transform_indices = #map}, {transform_indices = #map}, {transform_indices = #map}, {transform_indices = #map1}, {transform_indices = #map1}, {transform_indices = #map1}, {transform_indices = #map1}]} {
    %mul3A = arith.constant 2 : i32
    %mul3A_0 = arith.muli %arg1, %mul3A : i32
    %add3A = arith.addi %mul3A_0, %arg0 : i32
    %mul3A_1 = arith.constant 8 : i32
    %mul3A_2 = arith.muli %add3A, %mul3A_1 : i32
    %iota3A = tpu.iota {dimensions = array<i32: 0>} : vector<16xi32>
    %add3A_3 = arith.constant 0 : i32
    %add3A_4 = vector.broadcast %add3A_3 : i32 to vector<16xi32>
    %add3A_5 = arith.addi %add3A_4, %iota3A : vector<16xi32>
    %add3A_6 = arith.constant 16 : i32
    %add3A_7 = vector.broadcast %add3A_6 : i32 to vector<16xi32>
    %add3A_8 = arith.addi %add3A_7, %iota3A : vector<16xi32>
    %scan3A = arith.constant 0 : i32
    %scan3A_9 = arith.constant 8 : i32
    %scan3A_10 = arith.addi %scan3A, %scan3A_9 : i32
    %scan3A_11 = arith.constant 1 : i32
    scf.for %scan3A_13 = %scan3A to %scan3A_10 step %scan3A_11  : i32 {
      %add3A_14 = arith.addi %mul3A_2, %scan3A_13 : i32
      "tpu.region"() ({
        %run_scoped3A = tpu.sem_alloc : memref<!tpu.dma_semaphore, #tpu.memory_space<semaphore_mem>>
        %dma_start3A_243 = arith.constant 0 : i32
        %dma_start3A_244 = tpu.memref_slice %arg5[%add3A_14, %dma_start3A_243] : memref<256x512xf32, #tpu.memory_space<hbm>> -> memref<1x512xf32, #tpu.memory_space<hbm>>
        %dma_start3A_245 = tpu.memref_squeeze %dma_start3A_244 : memref<1x512xf32, #tpu.memory_space<hbm>> -> memref<512xf32, #tpu.memory_space<hbm>>
        %dma_start3A_246 = arith.constant 0 : i32
        %dma_start3A_247 = tpu.memref_slice %arg5[%add3A_14, %dma_start3A_246] : memref<256x512xf32, #tpu.memory_space<hbm>> -> memref<1x512xf32, #tpu.memory_space<hbm>>
        %dma_start3A_248 = tpu.memref_squeeze %dma_start3A_247 : memref<1x512xf32, #tpu.memory_space<hbm>> -> memref<512xf32, #tpu.memory_space<hbm>>
        tpu.enqueue_dma source(%dma_start3A_248 : memref<512xf32, #tpu.memory_space<hbm>>) target(%arg12 : memref<512xf32, #tpu.memory_space<vmem>>) target_semaphore(%run_scoped3A : memref<!tpu.dma_semaphore, #tpu.memory_space<semaphore_mem>>)
        %dma_wait3A = arith.constant 0 : i32
        %dma_wait3A_249 = tpu.memref_slice %arg5[%add3A_14, %dma_wait3A] : memref<256x512xf32, #tpu.memory_space<hbm>> -> memref<1x512xf32, #tpu.memory_space<hbm>>
        %dma_wait3A_250 = tpu.memref_squeeze %dma_wait3A_249 : memref<1x512xf32, #tpu.memory_space<hbm>> -> memref<512xf32, #tpu.memory_space<hbm>>
        %dma_wait3A_251 = arith.constant 0 : i32
        %dma_wait3A_252 = tpu.memref_slice %arg5[%add3A_14, %dma_wait3A_251] : memref<256x512xf32, #tpu.memory_space<hbm>> -> memref<1x512xf32, #tpu.memory_space<hbm>>
        %dma_wait3A_253 = tpu.memref_squeeze %dma_wait3A_252 : memref<1x512xf32, #tpu.memory_space<hbm>> -> memref<512xf32, #tpu.memory_space<hbm>>
        tpu.wait_dma2 semaphore(%run_scoped3A : memref<!tpu.dma_semaphore, #tpu.memory_space<semaphore_mem>>) src(%dma_wait3A_253 : memref<512xf32, #tpu.memory_space<hbm>>) dst(%arg12 : memref<512xf32, #tpu.memory_space<vmem>>)
        tpu.yield
      }) : () -> ()
      "tpu.region"() ({
        %run_scoped3A = tpu.sem_alloc : memref<!tpu.dma_semaphore, #tpu.memory_space<semaphore_mem>>
        %dma_start3A_243 = arith.constant 0 : i32
        %dma_start3A_244 = tpu.memref_slice %arg6[%add3A_14, %dma_start3A_243] : memref<256x512xf32, #tpu.memory_space<hbm>> -> memref<1x512xf32, #tpu.memory_space<hbm>>
        %dma_start3A_245 = tpu.memref_squeeze %dma_start3A_244 : memref<1x512xf32, #tpu.memory_space<hbm>> -> memref<512xf32, #tpu.memory_space<hbm>>
        %dma_start3A_246 = arith.constant 0 : i32
        %dma_start3A_247 = tpu.memref_slice %arg6[%add3A_14, %dma_start3A_246] : memref<256x512xf32, #tpu.memory_space<hbm>> -> memref<1x512xf32, #tpu.memory_space<hbm>>
        %dma_start3A_248 = tpu.memref_squeeze %dma_start3A_247 : memref<1x512xf32, #tpu.memory_space<hbm>> -> memref<512xf32, #tpu.memory_space<hbm>>
        tpu.enqueue_dma source(%dma_start3A_248 : memref<512xf32, #tpu.memory_space<hbm>>) target(%arg13 : memref<512xf32, #tpu.memory_space<vmem>>) target_semaphore(%run_scoped3A : memref<!tpu.dma_semaphore, #tpu.memory_space<semaphore_mem>>)
        %dma_wait3A = arith.constant 0 : i32
        %dma_wait3A_249 = tpu.memref_slice %arg6[%add3A_14, %dma_wait3A] : memref<256x512xf32, #tpu.memory_space<hbm>> -> memref<1x512xf32, #tpu.memory_space<hbm>>
        %dma_wait3A_250 = tpu.memref_squeeze %dma_wait3A_249 : memref<1x512xf32, #tpu.memory_space<hbm>> -> memref<512xf32, #tpu.memory_space<hbm>>
        %dma_wait3A_251 = arith.constant 0 : i32
        %dma_wait3A_252 = tpu.memref_slice %arg6[%add3A_14, %dma_wait3A_251] : memref<256x512xf32, #tpu.memory_space<hbm>> -> memref<1x512xf32, #tpu.memory_space<hbm>>
        %dma_wait3A_253 = tpu.memref_squeeze %dma_wait3A_252 : memref<1x512xf32, #tpu.memory_space<hbm>> -> memref<512xf32, #tpu.memory_space<hbm>>
        tpu.wait_dma2 semaphore(%run_scoped3A : memref<!tpu.dma_semaphore, #tpu.memory_space<semaphore_mem>>) src(%dma_wait3A_253 : memref<512xf32, #tpu.memory_space<hbm>>) dst(%arg13 : memref<512xf32, #tpu.memory_space<vmem>>)
        tpu.yield
      }) : () -> ()
      "tpu.region"() ({
        %run_scoped3A = tpu.sem_alloc : memref<!tpu.dma_semaphore, #tpu.memory_space<semaphore_mem>>
        %dma_start3A_243 = arith.constant 0 : i32
        %dma_start3A_244 = tpu.memref_slice %arg7[%add3A_14, %dma_start3A_243] : memref<256x512xf32, #tpu.memory_space<hbm>> -> memref<1x512xf32, #tpu.memory_space<hbm>>
        %dma_start3A_245 = tpu.memref_squeeze %dma_start3A_244 : memref<1x512xf32, #tpu.memory_space<hbm>> -> memref<512xf32, #tpu.memory_space<hbm>>
        %dma_start3A_246 = arith.constant 0 : i32
        %dma_start3A_247 = tpu.memref_slice %arg7[%add3A_14, %dma_start3A_246] : memref<256x512xf32, #tpu.memory_space<hbm>> -> memref<1x512xf32, #tpu.memory_space<hbm>>
        %dma_start3A_248 = tpu.memref_squeeze %dma_start3A_247 : memref<1x512xf32, #tpu.memory_space<hbm>> -> memref<512xf32, #tpu.memory_space<hbm>>
        tpu.enqueue_dma source(%dma_start3A_248 : memref<512xf32, #tpu.memory_space<hbm>>) target(%arg14 : memref<512xf32, #tpu.memory_space<vmem>>) target_semaphore(%run_scoped3A : memref<!tpu.dma_semaphore, #tpu.memory_space<semaphore_mem>>)
        %dma_wait3A = arith.constant 0 : i32
        %dma_wait3A_249 = tpu.memref_slice %arg7[%add3A_14, %dma_wait3A] : memref<256x512xf32, #tpu.memory_space<hbm>> -> memref<1x512xf32, #tpu.memory_space<hbm>>
        %dma_wait3A_250 = tpu.memref_squeeze %dma_wait3A_249 : memref<1x512xf32, #tpu.memory_space<hbm>> -> memref<512xf32, #tpu.memory_space<hbm>>
        %dma_wait3A_251 = arith.constant 0 : i32
        %dma_wait3A_252 = tpu.memref_slice %arg7[%add3A_14, %dma_wait3A_251] : memref<256x512xf32, #tpu.memory_space<hbm>> -> memref<1x512xf32, #tpu.memory_space<hbm>>
        %dma_wait3A_253 = tpu.memref_squeeze %dma_wait3A_252 : memref<1x512xf32, #tpu.memory_space<hbm>> -> memref<512xf32, #tpu.memory_space<hbm>>
        tpu.wait_dma2 semaphore(%run_scoped3A : memref<!tpu.dma_semaphore, #tpu.memory_space<semaphore_mem>>) src(%dma_wait3A_253 : memref<512xf32, #tpu.memory_space<hbm>>) dst(%arg14 : memref<512xf32, #tpu.memory_space<vmem>>)
        tpu.yield
      }) : () -> ()
      %dma_start3A = arith.constant 0 : i32
      %dma_start3A_15 = arith.constant 0 : i32
      %dma_start3A_16 = arith.constant 0 : i32
      %dma_start3A_17 = tpu.memref_slice %arg9[%dma_start3A, %dma_start3A_15, %dma_start3A_16] : memref<2x32x512xf32, #tpu.memory_space<vmem>> -> memref<1x32x512xf32, #tpu.memory_space<vmem>>
      %dma_start3A_18 = tpu.memref_squeeze %dma_start3A_17 : memref<1x32x512xf32, #tpu.memory_space<vmem>> -> memref<32x512xf32, #tpu.memory_space<vmem>>
      %dma_start3A_19 = arith.constant 0 : i32
      %dma_start3A_20 = arith.constant 0 : i32
      %dma_start3A_21 = tpu.memref_slice %arg2[%add3A_14, %dma_start3A_19, %dma_start3A_20] : memref<256x512x512xf32, #tpu.memory_space<hbm>> -> memref<1x32x512xf32, #tpu.memory_space<hbm>>
      %dma_start3A_22 = tpu.memref_squeeze %dma_start3A_21 : memref<1x32x512xf32, #tpu.memory_space<hbm>> -> memref<32x512xf32, #tpu.memory_space<hbm>>
      %dma_start3A_23 = arith.constant 0 : i32
      %dma_start3A_24 = arith.constant 0 : i32
      %dma_start3A_25 = tpu.memref_slice %arg9[%dma_start3A, %dma_start3A_23, %dma_start3A_24] : memref<2x32x512xf32, #tpu.memory_space<vmem>> -> memref<1x32x512xf32, #tpu.memory_space<vmem>>
      %dma_start3A_26 = tpu.memref_squeeze %dma_start3A_25 : memref<1x32x512xf32, #tpu.memory_space<vmem>> -> memref<32x512xf32, #tpu.memory_space<vmem>>
      %dma_start3A_27 = arith.constant 0 : i32
      %dma_start3A_28 = arith.constant 0 : i32
      %dma_start3A_29 = tpu.memref_slice %arg2[%add3A_14, %dma_start3A_27, %dma_start3A_28] : memref<256x512x512xf32, #tpu.memory_space<hbm>> -> memref<1x32x512xf32, #tpu.memory_space<hbm>>
      %dma_start3A_30 = tpu.memref_squeeze %dma_start3A_29 : memref<1x32x512xf32, #tpu.memory_space<hbm>> -> memref<32x512xf32, #tpu.memory_space<hbm>>
      tpu.enqueue_dma source(%dma_start3A_30 : memref<32x512xf32, #tpu.memory_space<hbm>>) target(%dma_start3A_26 : memref<32x512xf32, #tpu.memory_space<vmem>>) target_semaphore(%arg16 : memref<!tpu.dma_semaphore, #tpu.memory_space<semaphore_mem>>)
      %dma_start3A_31 = arith.constant 0 : i32
      %dma_start3A_32 = arith.constant 0 : i32
      %dma_start3A_33 = arith.constant 0 : i32
      %dma_start3A_34 = tpu.memref_slice %arg10[%dma_start3A_31, %dma_start3A_32, %dma_start3A_33] : memref<2x32x512xf32, #tpu.memory_space<vmem>> -> memref<1x32x512xf32, #tpu.memory_space<vmem>>
      %dma_start3A_35 = tpu.memref_squeeze %dma_start3A_34 : memref<1x32x512xf32, #tpu.memory_space<vmem>> -> memref<32x512xf32, #tpu.memory_space<vmem>>
      %dma_start3A_36 = arith.constant 0 : i32
      %dma_start3A_37 = arith.constant 0 : i32
      %dma_start3A_38 = tpu.memref_slice %arg3[%add3A_14, %dma_start3A_36, %dma_start3A_37] : memref<256x512x512xf32, #tpu.memory_space<hbm>> -> memref<1x32x512xf32, #tpu.memory_space<hbm>>
      %dma_start3A_39 = tpu.memref_squeeze %dma_start3A_38 : memref<1x32x512xf32, #tpu.memory_space<hbm>> -> memref<32x512xf32, #tpu.memory_space<hbm>>
      %dma_start3A_40 = arith.constant 0 : i32
      %dma_start3A_41 = arith.constant 0 : i32
      %dma_start3A_42 = tpu.memref_slice %arg10[%dma_start3A_31, %dma_start3A_40, %dma_start3A_41] : memref<2x32x512xf32, #tpu.memory_space<vmem>> -> memref<1x32x512xf32, #tpu.memory_space<vmem>>
      %dma_start3A_43 = tpu.memref_squeeze %dma_start3A_42 : memref<1x32x512xf32, #tpu.memory_space<vmem>> -> memref<32x512xf32, #tpu.memory_space<vmem>>
      %dma_start3A_44 = arith.constant 0 : i32
      %dma_start3A_45 = arith.constant 0 : i32
      %dma_start3A_46 = tpu.memref_slice %arg3[%add3A_14, %dma_start3A_44, %dma_start3A_45] : memref<256x512x512xf32, #tpu.memory_space<hbm>> -> memref<1x32x512xf32, #tpu.memory_space<hbm>>
      %dma_start3A_47 = tpu.memref_squeeze %dma_start3A_46 : memref<1x32x512xf32, #tpu.memory_space<hbm>> -> memref<32x512xf32, #tpu.memory_space<hbm>>
      tpu.enqueue_dma source(%dma_start3A_47 : memref<32x512xf32, #tpu.memory_space<hbm>>) target(%dma_start3A_43 : memref<32x512xf32, #tpu.memory_space<vmem>>) target_semaphore(%arg16 : memref<!tpu.dma_semaphore, #tpu.memory_space<semaphore_mem>>)
      %dma_start3A_48 = arith.constant 0 : i32
      %dma_start3A_49 = arith.constant 0 : i32
      %dma_start3A_50 = arith.constant 0 : i32
      %dma_start3A_51 = tpu.memref_slice %arg11[%dma_start3A_48, %dma_start3A_49, %dma_start3A_50] : memref<2x32x512xf32, #tpu.memory_space<vmem>> -> memref<1x32x512xf32, #tpu.memory_space<vmem>>
      %dma_start3A_52 = tpu.memref_squeeze %dma_start3A_51 : memref<1x32x512xf32, #tpu.memory_space<vmem>> -> memref<32x512xf32, #tpu.memory_space<vmem>>
      %dma_start3A_53 = arith.constant 0 : i32
      %dma_start3A_54 = arith.constant 0 : i32
      %dma_start3A_55 = tpu.memref_slice %arg4[%add3A_14, %dma_start3A_53, %dma_start3A_54] : memref<256x512x512xf32, #tpu.memory_space<hbm>> -> memref<1x32x512xf32, #tpu.memory_space<hbm>>
      %dma_start3A_56 = tpu.memref_squeeze %dma_start3A_55 : memref<1x32x512xf32, #tpu.memory_space<hbm>> -> memref<32x512xf32, #tpu.memory_space<hbm>>
      %dma_start3A_57 = arith.constant 0 : i32
      %dma_start3A_58 = arith.constant 0 : i32
      %dma_start3A_59 = tpu.memref_slice %arg11[%dma_start3A_48, %dma_start3A_57, %dma_start3A_58] : memref<2x32x512xf32, #tpu.memory_space<vmem>> -> memref<1x32x512xf32, #tpu.memory_space<vmem>>
      %dma_start3A_60 = tpu.memref_squeeze %dma_start3A_59 : memref<1x32x512xf32, #tpu.memory_space<vmem>> -> memref<32x512xf32, #tpu.memory_space<vmem>>
      %dma_start3A_61 = arith.constant 0 : i32
      %dma_start3A_62 = arith.constant 0 : i32
      %dma_start3A_63 = tpu.memref_slice %arg4[%add3A_14, %dma_start3A_61, %dma_start3A_62] : memref<256x512x512xf32, #tpu.memory_space<hbm>> -> memref<1x32x512xf32, #tpu.memory_space<hbm>>
      %dma_start3A_64 = tpu.memref_squeeze %dma_start3A_63 : memref<1x32x512xf32, #tpu.memory_space<hbm>> -> memref<32x512xf32, #tpu.memory_space<hbm>>
      tpu.enqueue_dma source(%dma_start3A_64 : memref<32x512xf32, #tpu.memory_space<hbm>>) target(%dma_start3A_60 : memref<32x512xf32, #tpu.memory_space<vmem>>) target_semaphore(%arg16 : memref<!tpu.dma_semaphore, #tpu.memory_space<semaphore_mem>>)
      %broadcast_in_dim3A = arith.constant 0.000000e+00 : f32
      %broadcast_in_dim3A_65 = vector.broadcast %broadcast_in_dim3A : f32 to vector<16xf32>
      %get3A = arith.constant 0 : index
      %get3A_66 = tpu.vector_load %arg14[%get3A] {strides = array<i32>} : memref<512xf32, #tpu.memory_space<vmem>>, vector<16xf32>,
      %mul3A_67 = arith.mulf %get3A_66, %get3A_66 : vector<16xf32>
      %add3A_68 = arith.addf %broadcast_in_dim3A_65, %mul3A_67 : vector<16xf32>
      %get3A_69 = arith.constant 16 : index
      %get3A_70 = tpu.vector_load %arg14[%get3A_69] {strides = array<i32>} : memref<512xf32, #tpu.memory_space<vmem>>, vector<16xf32>,
      %mul3A_71 = arith.mulf %get3A_70, %get3A_70 : vector<16xf32>
      %add3A_72 = arith.addf %add3A_68, %mul3A_71 : vector<16xf32>
      %get3A_73 = arith.constant 32 : index
      %get3A_74 = tpu.vector_load %arg14[%get3A_73] {strides = array<i32>} : memref<512xf32, #tpu.memory_space<vmem>>, vector<16xf32>,
      %mul3A_75 = arith.mulf %get3A_74, %get3A_74 : vector<16xf32>
      %add3A_76 = arith.addf %add3A_72, %mul3A_75 : vector<16xf32>
      %get3A_77 = arith.constant 48 : index
      %get3A_78 = tpu.vector_load %arg14[%get3A_77] {strides = array<i32>} : memref<512xf32, #tpu.memory_space<vmem>>, vector<16xf32>,
      %mul3A_79 = arith.mulf %get3A_78, %get3A_78 : vector<16xf32>
      %add3A_80 = arith.addf %add3A_76, %mul3A_79 : vector<16xf32>
      %get3A_81 = arith.constant 64 : index
      %get3A_82 = tpu.vector_load %arg14[%get3A_81] {strides = array<i32>} : memref<512xf32, #tpu.memory_space<vmem>>, vector<16xf32>,
      %mul3A_83 = arith.mulf %get3A_82, %get3A_82 : vector<16xf32>
      %add3A_84 = arith.addf %add3A_80, %mul3A_83 : vector<16xf32>
      %get3A_85 = arith.constant 80 : index
      %get3A_86 = tpu.vector_load %arg14[%get3A_85] {strides = array<i32>} : memref<512xf32, #tpu.memory_space<vmem>>, vector<16xf32>,
      %mul3A_87 = arith.mulf %get3A_86, %get3A_86 : vector<16xf32>
      %add3A_88 = arith.addf %add3A_84, %mul3A_87 : vector<16xf32>
      %get3A_89 = arith.constant 96 : index
      %get3A_90 = tpu.vector_load %arg14[%get3A_89] {strides = array<i32>} : memref<512xf32, #tpu.memory_space<vmem>>, vector<16xf32>,
      %mul3A_91 = arith.mulf %get3A_90, %get3A_90 : vector<16xf32>
      %add3A_92 = arith.addf %add3A_88, %mul3A_91 : vector<16xf32>
      %get3A_93 = arith.constant 112 : index
      %get3A_94 = tpu.vector_load %arg14[%get3A_93] {strides = array<i32>} : memref<512xf32, #tpu.memory_space<vmem>>, vector<16xf32>,
      %mul3A_95 = arith.mulf %get3A_94, %get3A_94 : vector<16xf32>
      %add3A_96 = arith.addf %add3A_92, %mul3A_95 : vector<16xf32>
      %get3A_97 = arith.constant 128 : index
      %get3A_98 = tpu.vector_load %arg14[%get3A_97] {strides = array<i32>} : memref<512xf32, #tpu.memory_space<vmem>>, vector<16xf32>,
      %mul3A_99 = arith.mulf %get3A_98, %get3A_98 : vector<16xf32>
      %add3A_100 = arith.addf %add3A_96, %mul3A_99 : vector<16xf32>
      %get3A_101 = arith.constant 144 : index
      %get3A_102 = tpu.vector_load %arg14[%get3A_101] {strides = array<i32>} : memref<512xf32, #tpu.memory_space<vmem>>, vector<16xf32>,
      %mul3A_103 = arith.mulf %get3A_102, %get3A_102 : vector<16xf32>
      %add3A_104 = arith.addf %add3A_100, %mul3A_103 : vector<16xf32>
      %get3A_105 = arith.constant 160 : index
      %get3A_106 = tpu.vector_load %arg14[%get3A_105] {strides = array<i32>} : memref<512xf32, #tpu.memory_space<vmem>>, vector<16xf32>,
      %mul3A_107 = arith.mulf %get3A_106, %get3A_106 : vector<16xf32>
      %add3A_108 = arith.addf %add3A_104, %mul3A_107 : vector<16xf32>
      %get3A_109 = arith.constant 176 : index
      %get3A_110 = tpu.vector_load %arg14[%get3A_109] {strides = array<i32>} : memref<512xf32, #tpu.memory_space<vmem>>, vector<16xf32>,
      %mul3A_111 = arith.mulf %get3A_110, %get3A_110 : vector<16xf32>
      %add3A_112 = arith.addf %add3A_108, %mul3A_111 : vector<16xf32>
      %get3A_113 = arith.constant 192 : index
      %get3A_114 = tpu.vector_load %arg14[%get3A_113] {strides = array<i32>} : memref<512xf32, #tpu.memory_space<vmem>>, vector<16xf32>,
      %mul3A_115 = arith.mulf %get3A_114, %get3A_114 : vector<16xf32>
      %add3A_116 = arith.addf %add3A_112, %mul3A_115 : vector<16xf32>
      %get3A_117 = arith.constant 208 : index
      %get3A_118 = tpu.vector_load %arg14[%get3A_117] {strides = array<i32>} : memref<512xf32, #tpu.memory_space<vmem>>, vector<16xf32>,
      %mul3A_119 = arith.mulf %get3A_118, %get3A_118 : vector<16xf32>
      %add3A_120 = arith.addf %add3A_116, %mul3A_119 : vector<16xf32>
      %get3A_121 = arith.constant 224 : index
      %get3A_122 = tpu.vector_load %arg14[%get3A_121] {strides = array<i32>} : memref<512xf32, #tpu.memory_space<vmem>>, vector<16xf32>,
      %mul3A_123 = arith.mulf %get3A_122, %get3A_122 : vector<16xf32>
      %add3A_124 = arith.addf %add3A_120, %mul3A_123 : vector<16xf32>
      %get3A_125 = arith.constant 240 : index
      %get3A_126 = tpu.vector_load %arg14[%get3A_125] {strides = array<i32>} : memref<512xf32, #tpu.memory_space<vmem>>, vector<16xf32>,
      %mul3A_127 = arith.mulf %get3A_126, %get3A_126 : vector<16xf32>
      %add3A_128 = arith.addf %add3A_124, %mul3A_127 : vector<16xf32>
      %get3A_129 = arith.constant 256 : index
      %get3A_130 = tpu.vector_load %arg14[%get3A_129] {strides = array<i32>} : memref<512xf32, #tpu.memory_space<vmem>>, vector<16xf32>,
      %mul3A_131 = arith.mulf %get3A_130, %get3A_130 : vector<16xf32>
      %add3A_132 = arith.addf %add3A_128, %mul3A_131 : vector<16xf32>
      %get3A_133 = arith.constant 272 : index
      %get3A_134 = tpu.vector_load %arg14[%get3A_133] {strides = array<i32>} : memref<512xf32, #tpu.memory_space<vmem>>, vector<16xf32>,
      %mul3A_135 = arith.mulf %get3A_134, %get3A_134 : vector<16xf32>
      %add3A_136 = arith.addf %add3A_132, %mul3A_135 : vector<16xf32>
      %get3A_137 = arith.constant 288 : index
      %get3A_138 = tpu.vector_load %arg14[%get3A_137] {strides = array<i32>} : memref<512xf32, #tpu.memory_space<vmem>>, vector<16xf32>,
      %mul3A_139 = arith.mulf %get3A_138, %get3A_138 : vector<16xf32>
      %add3A_140 = arith.addf %add3A_136, %mul3A_139 : vector<16xf32>
      %get3A_141 = arith.constant 304 : index
      %get3A_142 = tpu.vector_load %arg14[%get3A_141] {strides = array<i32>} : memref<512xf32, #tpu.memory_space<vmem>>, vector<16xf32>,
      %mul3A_143 = arith.mulf %get3A_142, %get3A_142 : vector<16xf32>
      %add3A_144 = arith.addf %add3A_140, %mul3A_143 : vector<16xf32>
      %get3A_145 = arith.constant 320 : index
      %get3A_146 = tpu.vector_load %arg14[%get3A_145] {strides = array<i32>} : memref<512xf32, #tpu.memory_space<vmem>>, vector<16xf32>,
      %mul3A_147 = arith.mulf %get3A_146, %get3A_146 : vector<16xf32>
      %add3A_148 = arith.addf %add3A_144, %mul3A_147 : vector<16xf32>
      %get3A_149 = arith.constant 336 : index
      %get3A_150 = tpu.vector_load %arg14[%get3A_149] {strides = array<i32>} : memref<512xf32, #tpu.memory_space<vmem>>, vector<16xf32>,
      %mul3A_151 = arith.mulf %get3A_150, %get3A_150 : vector<16xf32>
      %add3A_152 = arith.addf %add3A_148, %mul3A_151 : vector<16xf32>
      %get3A_153 = arith.constant 352 : index
      %get3A_154 = tpu.vector_load %arg14[%get3A_153] {strides = array<i32>} : memref<512xf32, #tpu.memory_space<vmem>>, vector<16xf32>,
      %mul3A_155 = arith.mulf %get3A_154, %get3A_154 : vector<16xf32>
      %add3A_156 = arith.addf %add3A_152, %mul3A_155 : vector<16xf32>
      %get3A_157 = arith.constant 368 : index
      %get3A_158 = tpu.vector_load %arg14[%get3A_157] {strides = array<i32>} : memref<512xf32, #tpu.memory_space<vmem>>, vector<16xf32>,
      %mul3A_159 = arith.mulf %get3A_158, %get3A_158 : vector<16xf32>
      %add3A_160 = arith.addf %add3A_156, %mul3A_159 : vector<16xf32>
      %get3A_161 = arith.constant 384 : index
      %get3A_162 = tpu.vector_load %arg14[%get3A_161] {strides = array<i32>} : memref<512xf32, #tpu.memory_space<vmem>>, vector<16xf32>,
      %mul3A_163 = arith.mulf %get3A_162, %get3A_162 : vector<16xf32>
      %add3A_164 = arith.addf %add3A_160, %mul3A_163 : vector<16xf32>
      %get3A_165 = arith.constant 400 : index
      %get3A_166 = tpu.vector_load %arg14[%get3A_165] {strides = array<i32>} : memref<512xf32, #tpu.memory_space<vmem>>, vector<16xf32>,
      %mul3A_167 = arith.mulf %get3A_166, %get3A_166 : vector<16xf32>
      %add3A_168 = arith.addf %add3A_164, %mul3A_167 : vector<16xf32>
      %get3A_169 = arith.constant 416 : index
      %get3A_170 = tpu.vector_load %arg14[%get3A_169] {strides = array<i32>} : memref<512xf32, #tpu.memory_space<vmem>>, vector<16xf32>,
      %mul3A_171 = arith.mulf %get3A_170, %get3A_170 : vector<16xf32>
      %add3A_172 = arith.addf %add3A_168, %mul3A_171 : vector<16xf32>
      %get3A_173 = arith.constant 432 : index
      %get3A_174 = tpu.vector_load %arg14[%get3A_173] {strides = array<i32>} : memref<512xf32, #tpu.memory_space<vmem>>, vector<16xf32>,
      %mul3A_175 = arith.mulf %get3A_174, %get3A_174 : vector<16xf32>
      %add3A_176 = arith.addf %add3A_172, %mul3A_175 : vector<16xf32>
      %get3A_177 = arith.constant 448 : index
      %get3A_178 = tpu.vector_load %arg14[%get3A_177] {strides = array<i32>} : memref<512xf32, #tpu.memory_space<vmem>>, vector<16xf32>,
      %mul3A_179 = arith.mulf %get3A_178, %get3A_178 : vector<16xf32>
      %add3A_180 = arith.addf %add3A_176, %mul3A_179 : vector<16xf32>
      %get3A_181 = arith.constant 464 : index
      %get3A_182 = tpu.vector_load %arg14[%get3A_181] {strides = array<i32>} : memref<512xf32, #tpu.memory_space<vmem>>, vector<16xf32>,
      %mul3A_183 = arith.mulf %get3A_182, %get3A_182 : vector<16xf32>
      %add3A_184 = arith.addf %add3A_180, %mul3A_183 : vector<16xf32>
      %get3A_185 = arith.constant 480 : index
      %get3A_186 = tpu.vector_load %arg14[%get3A_185] {strides = array<i32>} : memref<512xf32, #tpu.memory_space<vmem>>, vector<16xf32>,
      %mul3A_187 = arith.mulf %get3A_186, %get3A_186 : vector<16xf32>
      %add3A_188 = arith.addf %add3A_184, %mul3A_187 : vector<16xf32>
      %get3A_189 = arith.constant 496 : index
      %get3A_190 = tpu.vector_load %arg14[%get3A_189] {strides = array<i32>} : memref<512xf32, #tpu.memory_space<vmem>>, vector<16xf32>,
      %mul3A_191 = arith.mulf %get3A_190, %get3A_190 : vector<16xf32>
      %add3A_192 = arith.addf %add3A_188, %mul3A_191 : vector<16xf32>
      %slice3A = vector.extract_strided_slice %add3A_192 {offsets = [0], sizes = [1], strides = [1]} : vector<16xf32> to vector<1xf32>
      %squeeze3A = vector.extract %slice3A[0] : f32 from vector<1xf32>
      %slice3A_193 = vector.extract_strided_slice %add3A_192 {offsets = [1], sizes = [1], strides = [1]} : vector<16xf32> to vector<1xf32>
      %squeeze3A_194 = vector.extract %slice3A_193[0] : f32 from vector<1xf32>
      %add3A_195 = arith.addf %squeeze3A, %squeeze3A_194 : f32
      %slice3A_196 = vector.extract_strided_slice %add3A_192 {offsets = [2], sizes = [1], strides = [1]} : vector<16xf32> to vector<1xf32>
      %squeeze3A_197 = vector.extract %slice3A_196[0] : f32 from vector<1xf32>
      %add3A_198 = arith.addf %add3A_195, %squeeze3A_197 : f32
      %slice3A_199 = vector.extract_strided_slice %add3A_192 {offsets = [3], sizes = [1], strides = [1]} : vector<16xf32> to vector<1xf32>
      %squeeze3A_200 = vector.extract %slice3A_199[0] : f32 from vector<1xf32>
      %add3A_201 = arith.addf %add3A_198, %squeeze3A_200 : f32
      %slice3A_202 = vector.extract_strided_slice %add3A_192 {offsets = [4], sizes = [1], strides = [1]} : vector<16xf32> to vector<1xf32>
      %squeeze3A_203 = vector.extract %slice3A_202[0] : f32 from vector<1xf32>
      %add3A_204 = arith.addf %add3A_201, %squeeze3A_203 : f32
      %slice3A_205 = vector.extract_strided_slice %add3A_192 {offsets = [5], sizes = [1], strides = [1]} : vector<16xf32> to vector<1xf32>
      %squeeze3A_206 = vector.extract %slice3A_205[0] : f32 from vector<1xf32>
      %add3A_207 = arith.addf %add3A_204, %squeeze3A_206 : f32
      %slice3A_208 = vector.extract_strided_slice %add3A_192 {offsets = [6], sizes = [1], strides = [1]} : vector<16xf32> to vector<1xf32>
      %squeeze3A_209 = vector.extract %slice3A_208[0] : f32 from vector<1xf32>
      %add3A_210 = arith.addf %add3A_207, %squeeze3A_209 : f32
      %slice3A_211 = vector.extract_strided_slice %add3A_192 {offsets = [7], sizes = [1], strides = [1]} : vector<16xf32> to vector<1xf32>
      %squeeze3A_212 = vector.extract %slice3A_211[0] : f32 from vector<1xf32>
      %add3A_213 = arith.addf %add3A_210, %squeeze3A_212 : f32
      %slice3A_214 = vector.extract_strided_slice %add3A_192 {offsets = [8], sizes = [1], strides = [1]} : vector<16xf32> to vector<1xf32>
      %squeeze3A_215 = vector.extract %slice3A_214[0] : f32 from vector<1xf32>
      %add3A_216 = arith.addf %add3A_213, %squeeze3A_215 : f32
      %slice3A_217 = vector.extract_strided_slice %add3A_192 {offsets = [9], sizes = [1], strides = [1]} : vector<16xf32> to vector<1xf32>
      %squeeze3A_218 = vector.extract %slice3A_217[0] : f32 from vector<1xf32>
      %add3A_219 = arith.addf %add3A_216, %squeeze3A_218 : f32
      %slice3A_220 = vector.extract_strided_slice %add3A_192 {offsets = [10], sizes = [1], strides = [1]} : vector<16xf32> to vector<1xf32>
      %squeeze3A_221 = vector.extract %slice3A_220[0] : f32 from vector<1xf32>
      %add3A_222 = arith.addf %add3A_219, %squeeze3A_221 : f32
      %slice3A_223 = vector.extract_strided_slice %add3A_192 {offsets = [11], sizes = [1], strides = [1]} : vector<16xf32> to vector<1xf32>
      %squeeze3A_224 = vector.extract %slice3A_223[0] : f32 from vector<1xf32>
      %add3A_225 = arith.addf %add3A_222, %squeeze3A_224 : f32
      %slice3A_226 = vector.extract_strided_slice %add3A_192 {offsets = [12], sizes = [1], strides = [1]} : vector<16xf32> to vector<1xf32>
      %squeeze3A_227 = vector.extract %slice3A_226[0] : f32 from vector<1xf32>
      %add3A_228 = arith.addf %add3A_225, %squeeze3A_227 : f32
      %slice3A_229 = vector.extract_strided_slice %add3A_192 {offsets = [13], sizes = [1], strides = [1]} : vector<16xf32> to vector<1xf32>
      %squeeze3A_230 = vector.extract %slice3A_229[0] : f32 from vector<1xf32>
      %add3A_231 = arith.addf %add3A_228, %squeeze3A_230 : f32
      %slice3A_232 = vector.extract_strided_slice %add3A_192 {offsets = [14], sizes = [1], strides = [1]} : vector<16xf32> to vector<1xf32>
      %squeeze3A_233 = vector.extract %slice3A_232[0] : f32 from vector<1xf32>
      %add3A_234 = arith.addf %add3A_231, %squeeze3A_233 : f32
      %slice3A_235 = vector.extract_strided_slice %add3A_192 {offsets = [15], sizes = [1], strides = [1]} : vector<16xf32> to vector<1xf32>
      %squeeze3A_236 = vector.extract %slice3A_235[0] : f32 from vector<1xf32>
      %add3A_237 = arith.addf %add3A_234, %squeeze3A_236 : f32
      %scan3A_238 = arith.constant 0 : i32
      %scan3A_239 = arith.constant 8 : i32
      %scan3A_240 = arith.addi %scan3A_238, %scan3A_239 : i32
      %scan3A_241 = arith.constant 1 : i32
      scf.for %scan3A_243 = %scan3A_238 to %scan3A_240 step %scan3A_241  : i32 {
        %mul3A_244 = arith.constant 2 : i32
        %mul3A_245 = arith.muli %mul3A_244, %scan3A_243 : i32
        %add3A_246 = arith.constant 1 : i32
        %add3A_247 = arith.addi %mul3A_245, %add3A_246 : i32
        %mul3A_248 = arith.constant 32 : i32
        %mul3A_249 = arith.muli %add3A_247, %mul3A_248 : i32
        %dma_start3A_250 = arith.constant 1 : i32
        %dma_start3A_251 = arith.constant 0 : i32
        %dma_start3A_252 = arith.constant 0 : i32
        %dma_start3A_253 = tpu.memref_slice %arg9[%dma_start3A_250, %dma_start3A_251, %dma_start3A_252] : memref<2x32x512xf32, #tpu.memory_space<vmem>> -> memref<1x32x512xf32, #tpu.memory_space<vmem>>
        %dma_start3A_254 = tpu.memref_squeeze %dma_start3A_253 : memref<1x32x512xf32, #tpu.memory_space<vmem>> -> memref<32x512xf32, #tpu.memory_space<vmem>>
        %dma_start3A_255 = arith.constant 0 : i32
        %dma_start3A_256 = tpu.memref_slice %arg2[%add3A_14, %mul3A_249, %dma_start3A_255] : memref<256x512x512xf32, #tpu.memory_space<hbm>> -> memref<1x32x512xf32, #tpu.memory_space<hbm>>
        %dma_start3A_257 = tpu.memref_squeeze %dma_start3A_256 : memref<1x32x512xf32, #tpu.memory_space<hbm>> -> memref<32x512xf32, #tpu.memory_space<hbm>>
        %dma_start3A_258 = arith.constant 0 : i32
        %dma_start3A_259 = arith.constant 0 : i32
        %dma_start3A_260 = tpu.memref_slice %arg9[%dma_start3A_250, %dma_start3A_258, %dma_start3A_259] : memref<2x32x512xf32, #tpu.memory_space<vmem>> -> memref<1x32x512xf32, #tpu.memory_space<vmem>>
        %dma_start3A_261 = tpu.memref_squeeze %dma_start3A_260 : memref<1x32x512xf32, #tpu.memory_space<vmem>> -> memref<32x512xf32, #tpu.memory_space<vmem>>
        %dma_start3A_262 = arith.constant 0 : i32
        %dma_start3A_263 = tpu.memref_slice %arg2[%add3A_14, %mul3A_249, %dma_start3A_262] : memref<256x512x512xf32, #tpu.memory_space<hbm>> -> memref<1x32x512xf32, #tpu.memory_space<hbm>>
        %dma_start3A_264 = tpu.memref_squeeze %dma_start3A_263 : memref<1x32x512xf32, #tpu.memory_space<hbm>> -> memref<32x512xf32, #tpu.memory_space<hbm>>
        tpu.enqueue_dma source(%dma_start3A_264 : memref<32x512xf32, #tpu.memory_space<hbm>>) target(%dma_start3A_261 : memref<32x512xf32, #tpu.memory_space<vmem>>) target_semaphore(%arg17 : memref<!tpu.dma_semaphore, #tpu.memory_space<semaphore_mem>>)
        %dma_start3A_265 = arith.constant 1 : i32
        %dma_start3A_266 = arith.constant 0 : i32
        %dma_start3A_267 = arith.constant 0 : i32
        %dma_start3A_268 = tpu.memref_slice %arg10[%dma_start3A_265, %dma_start3A_266, %dma_start3A_267] : memref<2x32x512xf32, #tpu.memory_space<vmem>> -> memref<1x32x512xf32, #tpu.memory_space<vmem>>
        %dma_start3A_269 = tpu.memref_squeeze %dma_start3A_268 : memref<1x32x512xf32, #tpu.memory_space<vmem>> -> memref<32x512xf32, #tpu.memory_space<vmem>>
        %dma_start3A_270 = arith.constant 0 : i32
        %dma_start3A_271 = tpu.memref_slice %arg3[%add3A_14, %mul3A_249, %dma_start3A_270] : memref<256x512x512xf32, #tpu.memory_space<hbm>> -> memref<1x32x512xf32, #tpu.memory_space<hbm>>
        %dma_start3A_272 = tpu.memref_squeeze %dma_start3A_271 : memref<1x32x512xf32, #tpu.memory_space<hbm>> -> memref<32x512xf32, #tpu.memory_space<hbm>>
        %dma_start3A_273 = arith.constant 0 : i32
        %dma_start3A_274 = arith.constant 0 : i32
        %dma_start3A_275 = tpu.memref_slice %arg10[%dma_start3A_265, %dma_start3A_273, %dma_start3A_274] : memref<2x32x512xf32, #tpu.memory_space<vmem>> -> memref<1x32x512xf32, #tpu.memory_space<vmem>>
        %dma_start3A_276 = tpu.memref_squeeze %dma_start3A_275 : memref<1x32x512xf32, #tpu.memory_space<vmem>> -> memref<32x512xf32, #tpu.memory_space<vmem>>
        %dma_start3A_277 = arith.constant 0 : i32
        %dma_start3A_278 = tpu.memref_slice %arg3[%add3A_14, %mul3A_249, %dma_start3A_277] : memref<256x512x512xf32, #tpu.memory_space<hbm>> -> memref<1x32x512xf32, #tpu.memory_space<hbm>>
        %dma_start3A_279 = tpu.memref_squeeze %dma_start3A_278 : memref<1x32x512xf32, #tpu.memory_space<hbm>> -> memref<32x512xf32, #tpu.memory_space<hbm>>
        tpu.enqueue_dma source(%dma_start3A_279 : memref<32x512xf32, #tpu.memory_space<hbm>>) target(%dma_start3A_276 : memref<32x512xf32, #tpu.memory_space<vmem>>) target_semaphore(%arg17 : memref<!tpu.dma_semaphore, #tpu.memory_space<semaphore_mem>>)
        %dma_start3A_280 = arith.constant 1 : i32
        %dma_start3A_281 = arith.constant 0 : i32
        %dma_start3A_282 = arith.constant 0 : i32
        %dma_start3A_283 = tpu.memref_slice %arg11[%dma_start3A_280, %dma_start3A_281, %dma_start3A_282] : memref<2x32x512xf32, #tpu.memory_space<vmem>> -> memref<1x32x512xf32, #tpu.memory_space<vmem>>
        %dma_start3A_284 = tpu.memref_squeeze %dma_start3A_283 : memref<1x32x512xf32, #tpu.memory_space<vmem>> -> memref<32x512xf32, #tpu.memory_space<vmem>>
        %dma_start3A_285 = arith.constant 0 : i32
        %dma_start3A_286 = tpu.memref_slice %arg4[%add3A_14, %mul3A_249, %dma_start3A_285] : memref<256x512x512xf32, #tpu.memory_space<hbm>> -> memref<1x32x512xf32, #tpu.memory_space<hbm>>
        %dma_start3A_287 = tpu.memref_squeeze %dma_start3A_286 : memref<1x32x512xf32, #tpu.memory_space<hbm>> -> memref<32x512xf32, #tpu.memory_space<hbm>>
        %dma_start3A_288 = arith.constant 0 : i32
        %dma_start3A_289 = arith.constant 0 : i32
        %dma_start3A_290 = tpu.memref_slice %arg11[%dma_start3A_280, %dma_start3A_288, %dma_start3A_289] : memref<2x32x512xf32, #tpu.memory_space<vmem>> -> memref<1x32x512xf32, #tpu.memory_space<vmem>>
        %dma_start3A_291 = tpu.memref_squeeze %dma_start3A_290 : memref<1x32x512xf32, #tpu.memory_space<vmem>> -> memref<32x512xf32, #tpu.memory_space<vmem>>
        %dma_start3A_292 = arith.constant 0 : i32
        %dma_start3A_293 = tpu.memref_slice %arg4[%add3A_14, %mul3A_249, %dma_start3A_292] : memref<256x512x512xf32, #tpu.memory_space<hbm>> -> memref<1x32x512xf32, #tpu.memory_space<hbm>>
        %dma_start3A_294 = tpu.memref_squeeze %dma_start3A_293 : memref<1x32x512xf32, #tpu.memory_space<hbm>> -> memref<32x512xf32, #tpu.memory_space<hbm>>
        tpu.enqueue_dma source(%dma_start3A_294 : memref<32x512xf32, #tpu.memory_space<hbm>>) target(%dma_start3A_291 : memref<32x512xf32, #tpu.memory_space<vmem>>) target_semaphore(%arg17 : memref<!tpu.dma_semaphore, #tpu.memory_space<semaphore_mem>>)
        %mul3A_295 = arith.constant 32 : i32
        %mul3A_296 = arith.muli %mul3A_245, %mul3A_295 : i32
        %dma_wait3A = arith.constant 0 : i32
        %dma_wait3A_297 = arith.constant 0 : i32
        %dma_wait3A_298 = arith.constant 0 : i32
        %dma_wait3A_299 = tpu.memref_slice %arg9[%dma_wait3A, %dma_wait3A_297, %dma_wait3A_298] : memref<2x32x512xf32, #tpu.memory_space<vmem>> -> memref<1x32x512xf32, #tpu.memory_space<vmem>>
        %dma_wait3A_300 = tpu.memref_squeeze %dma_wait3A_299 : memref<1x32x512xf32, #tpu.memory_space<vmem>> -> memref<32x512xf32, #tpu.memory_space<vmem>>
        %dma_wait3A_301 = arith.constant 0 : i32
        %dma_wait3A_302 = tpu.memref_slice %arg2[%add3A_14, %mul3A_296, %dma_wait3A_301] : memref<256x512x512xf32, #tpu.memory_space<hbm>> -> memref<1x32x512xf32, #tpu.memory_space<hbm>>
        %dma_wait3A_303 = tpu.memref_squeeze %dma_wait3A_302 : memref<1x32x512xf32, #tpu.memory_space<hbm>> -> memref<32x512xf32, #tpu.memory_space<hbm>>
        %dma_wait3A_304 = arith.constant 0 : i32
        %dma_wait3A_305 = arith.constant 0 : i32
        %dma_wait3A_306 = tpu.memref_slice %arg9[%dma_wait3A, %dma_wait3A_304, %dma_wait3A_305] : memref<2x32x512xf32, #tpu.memory_space<vmem>> -> memref<1x32x512xf32, #tpu.memory_space<vmem>>
        %dma_wait3A_307 = tpu.memref_squeeze %dma_wait3A_306 : memref<1x32x512xf32, #tpu.memory_space<vmem>> -> memref<32x512xf32, #tpu.memory_space<vmem>>
        %dma_wait3A_308 = arith.constant 0 : i32
        %dma_wait3A_309 = tpu.memref_slice %arg2[%add3A_14, %mul3A_296, %dma_wait3A_308] : memref<256x512x512xf32, #tpu.memory_space<hbm>> -> memref<1x32x512xf32, #tpu.memory_space<hbm>>
        %dma_wait3A_310 = tpu.memref_squeeze %dma_wait3A_309 : memref<1x32x512xf32, #tpu.memory_space<hbm>> -> memref<32x512xf32, #tpu.memory_space<hbm>>
        tpu.wait_dma2 semaphore(%arg16 : memref<!tpu.dma_semaphore, #tpu.memory_space<semaphore_mem>>) src(%dma_wait3A_310 : memref<32x512xf32, #tpu.memory_space<hbm>>) dst(%dma_wait3A_307 : memref<32x512xf32, #tpu.memory_space<vmem>>)
        %dma_wait3A_311 = arith.constant 0 : i32
        %dma_wait3A_312 = arith.constant 0 : i32
        %dma_wait3A_313 = arith.constant 0 : i32
        %dma_wait3A_314 = tpu.memref_slice %arg10[%dma_wait3A_311, %dma_wait3A_312, %dma_wait3A_313] : memref<2x32x512xf32, #tpu.memory_space<vmem>> -> memref<1x32x512xf32, #tpu.memory_space<vmem>>
        %dma_wait3A_315 = tpu.memref_squeeze %dma_wait3A_314 : memref<1x32x512xf32, #tpu.memory_space<vmem>> -> memref<32x512xf32, #tpu.memory_space<vmem>>
        %dma_wait3A_316 = arith.constant 0 : i32
        %dma_wait3A_317 = tpu.memref_slice %arg3[%add3A_14, %mul3A_296, %dma_wait3A_316] : memref<256x512x512xf32, #tpu.memory_space<hbm>> -> memref<1x32x512xf32, #tpu.memory_space<hbm>>
        %dma_wait3A_318 = tpu.memref_squeeze %dma_wait3A_317 : memref<1x32x512xf32, #tpu.memory_space<hbm>> -> memref<32x512xf32, #tpu.memory_space<hbm>>
        %dma_wait3A_319 = arith.constant 0 : i32
        %dma_wait3A_320 = arith.constant 0 : i32
        %dma_wait3A_321 = tpu.memref_slice %arg10[%dma_wait3A_311, %dma_wait3A_319, %dma_wait3A_320] : memref<2x32x512xf32, #tpu.memory_space<vmem>> -> memref<1x32x512xf32, #tpu.memory_space<vmem>>
        %dma_wait3A_322 = tpu.memref_squeeze %dma_wait3A_321 : memref<1x32x512xf32, #tpu.memory_space<vmem>> -> memref<32x512xf32, #tpu.memory_space<vmem>>
        %dma_wait3A_323 = arith.constant 0 : i32
        %dma_wait3A_324 = tpu.memref_slice %arg3[%add3A_14, %mul3A_296, %dma_wait3A_323] : memref<256x512x512xf32, #tpu.memory_space<hbm>> -> memref<1x32x512xf32, #tpu.memory_space<hbm>>
        %dma_wait3A_325 = tpu.memref_squeeze %dma_wait3A_324 : memref<1x32x512xf32, #tpu.memory_space<hbm>> -> memref<32x512xf32, #tpu.memory_space<hbm>>
        tpu.wait_dma2 semaphore(%arg16 : memref<!tpu.dma_semaphore, #tpu.memory_space<semaphore_mem>>) src(%dma_wait3A_325 : memref<32x512xf32, #tpu.memory_space<hbm>>) dst(%dma_wait3A_322 : memref<32x512xf32, #tpu.memory_space<vmem>>)
        %dma_wait3A_326 = arith.constant 0 : i32
        %dma_wait3A_327 = arith.constant 0 : i32
        %dma_wait3A_328 = arith.constant 0 : i32
        %dma_wait3A_329 = tpu.memref_slice %arg11[%dma_wait3A_326, %dma_wait3A_327, %dma_wait3A_328] : memref<2x32x512xf32, #tpu.memory_space<vmem>> -> memref<1x32x512xf32, #tpu.memory_space<vmem>>
        %dma_wait3A_330 = tpu.memref_squeeze %dma_wait3A_329 : memref<1x32x512xf32, #tpu.memory_space<vmem>> -> memref<32x512xf32, #tpu.memory_space<vmem>>
        %dma_wait3A_331 = arith.constant 0 : i32
        %dma_wait3A_332 = tpu.memref_slice %arg4[%add3A_14, %mul3A_296, %dma_wait3A_331] : memref<256x512x512xf32, #tpu.memory_space<hbm>> -> memref<1x32x512xf32, #tpu.memory_space<hbm>>
        %dma_wait3A_333 = tpu.memref_squeeze %dma_wait3A_332 : memref<1x32x512xf32, #tpu.memory_space<hbm>> -> memref<32x512xf32, #tpu.memory_space<hbm>>
        %dma_wait3A_334 = arith.constant 0 : i32
        %dma_wait3A_335 = arith.constant 0 : i32
        %dma_wait3A_336 = tpu.memref_slice %arg11[%dma_wait3A_326, %dma_wait3A_334, %dma_wait3A_335] : memref<2x32x512xf32, #tpu.memory_space<vmem>> -> memref<1x32x512xf32, #tpu.memory_space<vmem>>
        %dma_wait3A_337 = tpu.memref_squeeze %dma_wait3A_336 : memref<1x32x512xf32, #tpu.memory_space<vmem>> -> memref<32x512xf32, #tpu.memory_space<vmem>>
        %dma_wait3A_338 = arith.constant 0 : i32
        %dma_wait3A_339 = tpu.memref_slice %arg4[%add3A_14, %mul3A_296, %dma_wait3A_338] : memref<256x512x512xf32, #tpu.memory_space<hbm>> -> memref<1x32x512xf32, #tpu.memory_space<hbm>>
        %dma_wait3A_340 = tpu.memref_squeeze %dma_wait3A_339 : memref<1x32x512xf32, #tpu.memory_space<hbm>> -> memref<32x512xf32, #tpu.memory_space<hbm>>
        tpu.wait_dma2 semaphore(%arg16 : memref<!tpu.dma_semaphore, #tpu.memory_space<semaphore_mem>>) src(%dma_wait3A_340 : memref<32x512xf32, #tpu.memory_space<hbm>>) dst(%dma_wait3A_337 : memref<32x512xf32, #tpu.memory_space<vmem>>)
        %broadcast_in_dim3A_341 = arith.constant 0 : i32
        %broadcast_in_dim3A_342 = vector.broadcast %broadcast_in_dim3A_341 : i32 to vector<16xi32>
        %broadcast_in_dim3A_343 = arith.constant 0.000000e+00 : f32
        %broadcast_in_dim3A_344 = vector.broadcast %broadcast_in_dim3A_343 : f32 to vector<16xf32>
        %parallel_loop3A = arith.constant 0 : i32
        %parallel_loop3A_345 = arith.constant 32 : i32
        %parallel_loop3A_346 = arith.constant 1 : i32
        %parallel_loop3A_347:8 = scf.for %parallel_loop3A_473 = %parallel_loop3A to %parallel_loop3A_345 step %parallel_loop3A_346 iter_args(%parallel_loop3A_474 = %broadcast_in_dim3A_344, %parallel_loop3A_475 = %broadcast_in_dim3A_344, %parallel_loop3A_476 = %broadcast_in_dim3A_344, %parallel_loop3A_477 = %broadcast_in_dim3A_344, %parallel_loop3A_478 = %broadcast_in_dim3A_344, %parallel_loop3A_479 = %broadcast_in_dim3A_344, %parallel_loop3A_480 = %broadcast_in_dim3A_344, %parallel_loop3A_481 = %broadcast_in_dim3A_344) -> (vector<16xf32>, vector<16xf32>, vector<16xf32>, vector<16xf32>, vector<16xf32>, vector<16xf32>, vector<16xf32>, vector<16xf32>)  : i32 {
          %parallel_loop3A_482 = arith.constant 16 : i32
          %parallel_loop3A_483 = arith.muli %parallel_loop3A_473, %parallel_loop3A_482 : i32
          %parallel_loop3A_484 = arith.index_cast %parallel_loop3A_483 : i32 to index
          %parallel_loop3A_485 = tpu.vector_load %arg12[%parallel_loop3A_484] {strides = array<i32>} : memref<512xf32, #tpu.memory_space<vmem>>, vector<16xf32>,
          %parallel_loop3A_486 = arith.index_cast %parallel_loop3A_483 : i32 to index
          %parallel_loop3A_487 = tpu.vector_load %arg13[%parallel_loop3A_486] {strides = array<i32>} : memref<512xf32, #tpu.memory_space<vmem>>, vector<16xf32>,
          %parallel_loop3A_488 = arith.index_cast %parallel_loop3A_483 : i32 to index
          %parallel_loop3A_489 = tpu.vector_load %arg14[%parallel_loop3A_488] {strides = array<i32>} : memref<512xf32, #tpu.memory_space<vmem>>, vector<16xf32>,
          %parallel_loop3A_490 = vector.broadcast %parallel_loop3A_483 : i32 to vector<16xi32>
          %parallel_loop3A_491 = arith.constant 0 : i32
          %parallel_loop3A_492 = vector.broadcast %parallel_loop3A_491 : i32 to vector<16xi32>
          %parallel_loop3A_493 = arith.addi %parallel_loop3A_490, %parallel_loop3A_492 : vector<16xi32>
          %parallel_loop3A_494 = vector.extract_strided_slice %parallel_loop3A_485 {offsets = [0], sizes = [1], strides = [1]} : vector<16xf32> to vector<1xf32>
          %parallel_loop3A_495 = vector.extract %parallel_loop3A_494[0] : f32 from vector<1xf32>
          %parallel_loop3A_496 = vector.extract_strided_slice %parallel_loop3A_487 {offsets = [0], sizes = [1], strides = [1]} : vector<16xf32> to vector<1xf32>
          %parallel_loop3A_497 = vector.extract %parallel_loop3A_496[0] : f32 from vector<1xf32>
          %parallel_loop3A_498 = vector.extract_strided_slice %parallel_loop3A_489 {offsets = [0], sizes = [1], strides = [1]} : vector<16xf32> to vector<1xf32>
          %parallel_loop3A_499 = vector.extract %parallel_loop3A_498[0] : f32 from vector<1xf32>
          %parallel_loop3A_500 = tpu.vector_load_idx %arg9[%broadcast_in_dim3A_342, %add3A_5, %parallel_loop3A_493] : memref<2x32x512xf32, #tpu.memory_space<vmem>>[vector<16xi32>, vector<16xi32>, vector<16xi32>], vector<16xf32>,
          %parallel_loop3A_501 = tpu.vector_load_idx %arg10[%broadcast_in_dim3A_342, %add3A_5, %parallel_loop3A_493] : memref<2x32x512xf32, #tpu.memory_space<vmem>>[vector<16xi32>, vector<16xi32>, vector<16xi32>], vector<16xf32>,
          %parallel_loop3A_502 = tpu.vector_load_idx %arg11[%broadcast_in_dim3A_342, %add3A_5, %parallel_loop3A_493] : memref<2x32x512xf32, #tpu.memory_space<vmem>>[vector<16xi32>, vector<16xi32>, vector<16xi32>], vector<16xf32>,
          %parallel_loop3A_503 = arith.addf %parallel_loop3A_500, %parallel_loop3A_502 : vector<16xf32>
          %parallel_loop3A_504 = arith.subf %parallel_loop3A_503, %parallel_loop3A_501 : vector<16xf32>
          %parallel_loop3A_505 = arith.mulf %parallel_loop3A_504, %parallel_loop3A_504 : vector<16xf32>
          %parallel_loop3A_506 = arith.addf %parallel_loop3A_474, %parallel_loop3A_505 : vector<16xf32>
          %parallel_loop3A_507 = vector.broadcast %parallel_loop3A_499 : f32 to vector<16xf32>
          %parallel_loop3A_508 = arith.mulf %parallel_loop3A_504, %parallel_loop3A_507 : vector<16xf32>
          %parallel_loop3A_509 = arith.addf %parallel_loop3A_475, %parallel_loop3A_508 : vector<16xf32>
          %parallel_loop3A_510 = vector.broadcast %parallel_loop3A_495 : f32 to vector<16xf32>
          %parallel_loop3A_511 = arith.mulf %parallel_loop3A_500, %parallel_loop3A_510 : vector<16xf32>
          %parallel_loop3A_512 = arith.addf %parallel_loop3A_476, %parallel_loop3A_511 : vector<16xf32>
          %parallel_loop3A_513 = vector.broadcast %parallel_loop3A_497 : f32 to vector<16xf32>
          %parallel_loop3A_514 = arith.mulf %parallel_loop3A_501, %parallel_loop3A_513 : vector<16xf32>
          %parallel_loop3A_515 = arith.addf %parallel_loop3A_477, %parallel_loop3A_514 : vector<16xf32>
          %parallel_loop3A_516 = tpu.vector_load_idx %arg9[%broadcast_in_dim3A_342, %add3A_8, %parallel_loop3A_493] : memref<2x32x512xf32, #tpu.memory_space<vmem>>[vector<16xi32>, vector<16xi32>, vector<16xi32>], vector<16xf32>,
          %parallel_loop3A_517 = tpu.vector_load_idx %arg10[%broadcast_in_dim3A_342, %add3A_8, %parallel_loop3A_493] : memref<2x32x512xf32, #tpu.memory_space<vmem>>[vector<16xi32>, vector<16xi32>, vector<16xi32>], vector<16xf32>,
          %parallel_loop3A_518 = tpu.vector_load_idx %arg11[%broadcast_in_dim3A_342, %add3A_8, %parallel_loop3A_493] : memref<2x32x512xf32, #tpu.memory_space<vmem>>[vector<16xi32>, vector<16xi32>, vector<16xi32>], vector<16xf32>,
          %parallel_loop3A_519 = arith.addf %parallel_loop3A_516, %parallel_loop3A_518 : vector<16xf32>
          %parallel_loop3A_520 = arith.subf %parallel_loop3A_519, %parallel_loop3A_517 : vector<16xf32>
          %parallel_loop3A_521 = arith.mulf %parallel_loop3A_520, %parallel_loop3A_520 : vector<16xf32>
          %parallel_loop3A_522 = arith.addf %parallel_loop3A_478, %parallel_loop3A_521 : vector<16xf32>
          %parallel_loop3A_523 = vector.broadcast %parallel_loop3A_499 : f32 to vector<16xf32>
          %parallel_loop3A_524 = arith.mulf %parallel_loop3A_520, %parallel_loop3A_523 : vector<16xf32>
          %parallel_loop3A_525 = arith.addf %parallel_loop3A_479, %parallel_loop3A_524 : vector<16xf32>
          %parallel_loop3A_526 = vector.broadcast %parallel_loop3A_495 : f32 to vector<16xf32>
          %parallel_loop3A_527 = arith.mulf %parallel_loop3A_516, %parallel_loop3A_526 : vector<16xf32>
          %parallel_loop3A_528 = arith.addf %parallel_loop3A_480, %parallel_loop3A_527 : vector<16xf32>
          %parallel_loop3A_529 = vector.broadcast %parallel_loop3A_497 : f32 to vector<16xf32>
          %parallel_loop3A_530 = arith.mulf %parallel_loop3A_517, %parallel_loop3A_529 : vector<16xf32>
          %parallel_loop3A_531 = arith.addf %parallel_loop3A_481, %parallel_loop3A_530 : vector<16xf32>
          %parallel_loop3A_532 = arith.constant 1 : i32
          %parallel_loop3A_533 = vector.broadcast %parallel_loop3A_532 : i32 to vector<16xi32>
          %parallel_loop3A_534 = arith.addi %parallel_loop3A_490, %parallel_loop3A_533 : vector<16xi32>
          %parallel_loop3A_535 = vector.extract_strided_slice %parallel_loop3A_485 {offsets = [1], sizes = [1], strides = [1]} : vector<16xf32> to vector<1xf32>
          %parallel_loop3A_536 = vector.extract %parallel_loop3A_535[0] : f32 from vector<1xf32>
          %parallel_loop3A_537 = vector.extract_strided_slice %parallel_loop3A_487 {offsets = [1], sizes = [1], strides = [1]} : vector<16xf32> to vector<1xf32>
          %parallel_loop3A_538 = vector.extract %parallel_loop3A_537[0] : f32 from vector<1xf32>
          %parallel_loop3A_539 = vector.extract_strided_slice %parallel_loop3A_489 {offsets = [1], sizes = [1], strides = [1]} : vector<16xf32> to vector<1xf32>
          %parallel_loop3A_540 = vector.extract %parallel_loop3A_539[0] : f32 from vector<1xf32>
          %parallel_loop3A_541 = tpu.vector_load_idx %arg9[%broadcast_in_dim3A_342, %add3A_5, %parallel_loop3A_534] : memref<2x32x512xf32, #tpu.memory_space<vmem>>[vector<16xi32>, vector<16xi32>, vector<16xi32>], vector<16xf32>,
          %parallel_loop3A_542 = tpu.vector_load_idx %arg10[%broadcast_in_dim3A_342, %add3A_5, %parallel_loop3A_534] : memref<2x32x512xf32, #tpu.memory_space<vmem>>[vector<16xi32>, vector<16xi32>, vector<16xi32>], vector<16xf32>,
          %parallel_loop3A_543 = tpu.vector_load_idx %arg11[%broadcast_in_dim3A_342, %add3A_5, %parallel_loop3A_534] : memref<2x32x512xf32, #tpu.memory_space<vmem>>[vector<16xi32>, vector<16xi32>, vector<16xi32>], vector<16xf32>,
          %parallel_loop3A_544 = arith.addf %parallel_loop3A_541, %parallel_loop3A_543 : vector<16xf32>
          %parallel_loop3A_545 = arith.subf %parallel_loop3A_544, %parallel_loop3A_542 : vector<16xf32>
          %parallel_loop3A_546 = arith.mulf %parallel_loop3A_545, %parallel_loop3A_545 : vector<16xf32>
          %parallel_loop3A_547 = arith.addf %parallel_loop3A_506, %parallel_loop3A_546 : vector<16xf32>
          %parallel_loop3A_548 = vector.broadcast %parallel_loop3A_540 : f32 to vector<16xf32>
          %parallel_loop3A_549 = arith.mulf %parallel_loop3A_545, %parallel_loop3A_548 : vector<16xf32>
          %parallel_loop3A_550 = arith.addf %parallel_loop3A_509, %parallel_loop3A_549 : vector<16xf32>
          %parallel_loop3A_551 = vector.broadcast %parallel_loop3A_536 : f32 to vector<16xf32>
          %parallel_loop3A_552 = arith.mulf %parallel_loop3A_541, %parallel_loop3A_551 : vector<16xf32>
          %parallel_loop3A_553 = arith.addf %parallel_loop3A_512, %parallel_loop3A_552 : vector<16xf32>
          %parallel_loop3A_554 = vector.broadcast %parallel_loop3A_538 : f32 to vector<16xf32>
          %parallel_loop3A_555 = arith.mulf %parallel_loop3A_542, %parallel_loop3A_554 : vector<16xf32>
          %parallel_loop3A_556 = arith.addf %parallel_loop3A_515, %parallel_loop3A_555 : vector<16xf32>
          %parallel_loop3A_557 = tpu.vector_load_idx %arg9[%broadcast_in_dim3A_342, %add3A_8, %parallel_loop3A_534] : memref<2x32x512xf32, #tpu.memory_space<vmem>>[vector<16xi32>, vector<16xi32>, vector<16xi32>], vector<16xf32>,
          %parallel_loop3A_558 = tpu.vector_load_idx %arg10[%broadcast_in_dim3A_342, %add3A_8, %parallel_loop3A_534] : memref<2x32x512xf32, #tpu.memory_space<vmem>>[vector<16xi32>, vector<16xi32>, vector<16xi32>], vector<16xf32>,
          %parallel_loop3A_559 = tpu.vector_load_idx %arg11[%broadcast_in_dim3A_342, %add3A_8, %parallel_loop3A_534] : memref<2x32x512xf32, #tpu.memory_space<vmem>>[vector<16xi32>, vector<16xi32>, vector<16xi32>], vector<16xf32>,
          %parallel_loop3A_560 = arith.addf %parallel_loop3A_557, %parallel_loop3A_559 : vector<16xf32>
          %parallel_loop3A_561 = arith.subf %parallel_loop3A_560, %parallel_loop3A_558 : vector<16xf32>
          %parallel_loop3A_562 = arith.mulf %parallel_loop3A_561, %parallel_loop3A_561 : vector<16xf32>
          %parallel_loop3A_563 = arith.addf %parallel_loop3A_522, %parallel_loop3A_562 : vector<16xf32>
          %parallel_loop3A_564 = vector.broadcast %parallel_loop3A_540 : f32 to vector<16xf32>
          %parallel_loop3A_565 = arith.mulf %parallel_loop3A_561, %parallel_loop3A_564 : vector<16xf32>
          %parallel_loop3A_566 = arith.addf %parallel_loop3A_525, %parallel_loop3A_565 : vector<16xf32>
          %parallel_loop3A_567 = vector.broadcast %parallel_loop3A_536 : f32 to vector<16xf32>
          %parallel_loop3A_568 = arith.mulf %parallel_loop3A_557, %parallel_loop3A_567 : vector<16xf32>
          %parallel_loop3A_569 = arith.addf %parallel_loop3A_528, %parallel_loop3A_568 : vector<16xf32>
          %parallel_loop3A_570 = vector.broadcast %parallel_loop3A_538 : f32 to vector<16xf32>
          %parallel_loop3A_571 = arith.mulf %parallel_loop3A_558, %parallel_loop3A_570 : vector<16xf32>
          %parallel_loop3A_572 = arith.addf %parallel_loop3A_531, %parallel_loop3A_571 : vector<16xf32>
          %parallel_loop3A_573 = arith.constant 2 : i32
          %parallel_loop3A_574 = vector.broadcast %parallel_loop3A_573 : i32 to vector<16xi32>
          %parallel_loop3A_575 = arith.addi %parallel_loop3A_490, %parallel_loop3A_574 : vector<16xi32>
          %parallel_loop3A_576 = vector.extract_strided_slice %parallel_loop3A_485 {offsets = [2], sizes = [1], strides = [1]} : vector<16xf32> to vector<1xf32>
          %parallel_loop3A_577 = vector.extract %parallel_loop3A_576[0] : f32 from vector<1xf32>
          %parallel_loop3A_578 = vector.extract_strided_slice %parallel_loop3A_487 {offsets = [2], sizes = [1], strides = [1]} : vector<16xf32> to vector<1xf32>
          %parallel_loop3A_579 = vector.extract %parallel_loop3A_578[0] : f32 from vector<1xf32>
          %parallel_loop3A_580 = vector.extract_strided_slice %parallel_loop3A_489 {offsets = [2], sizes = [1], strides = [1]} : vector<16xf32> to vector<1xf32>
          %parallel_loop3A_581 = vector.extract %parallel_loop3A_580[0] : f32 from vector<1xf32>
          %parallel_loop3A_582 = tpu.vector_load_idx %arg9[%broadcast_in_dim3A_342, %add3A_5, %parallel_loop3A_575] : memref<2x32x512xf32, #tpu.memory_space<vmem>>[vector<16xi32>, vector<16xi32>, vector<16xi32>], vector<16xf32>,
          %parallel_loop3A_583 = tpu.vector_load_idx %arg10[%broadcast_in_dim3A_342, %add3A_5, %parallel_loop3A_575] : memref<2x32x512xf32, #tpu.memory_space<vmem>>[vector<16xi32>, vector<16xi32>, vector<16xi32>], vector<16xf32>,
          %parallel_loop3A_584 = tpu.vector_load_idx %arg11[%broadcast_in_dim3A_342, %add3A_5, %parallel_loop3A_575] : memref<2x32x512xf32, #tpu.memory_space<vmem>>[vector<16xi32>, vector<16xi32>, vector<16xi32>], vector<16xf32>,
          %parallel_loop3A_585 = arith.addf %parallel_loop3A_582, %parallel_loop3A_584 : vector<16xf32>
          %parallel_loop3A_586 = arith.subf %parallel_loop3A_585, %parallel_loop3A_583 : vector<16xf32>
          %parallel_loop3A_587 = arith.mulf %parallel_loop3A_586, %parallel_loop3A_586 : vector<16xf32>
          %parallel_loop3A_588 = arith.addf %parallel_loop3A_547, %parallel_loop3A_587 : vector<16xf32>
          %parallel_loop3A_589 = vector.broadcast %parallel_loop3A_581 : f32 to vector<16xf32>
          %parallel_loop3A_590 = arith.mulf %parallel_loop3A_586, %parallel_loop3A_589 : vector<16xf32>
          %parallel_loop3A_591 = arith.addf %parallel_loop3A_550, %parallel_loop3A_590 : vector<16xf32>
          %parallel_loop3A_592 = vector.broadcast %parallel_loop3A_577 : f32 to vector<16xf32>
          %parallel_loop3A_593 = arith.mulf %parallel_loop3A_582, %parallel_loop3A_592 : vector<16xf32>
          %parallel_loop3A_594 = arith.addf %parallel_loop3A_553, %parallel_loop3A_593 : vector<16xf32>
          %parallel_loop3A_595 = vector.broadcast %parallel_loop3A_579 : f32 to vector<16xf32>
          %parallel_loop3A_596 = arith.mulf %parallel_loop3A_583, %parallel_loop3A_595 : vector<16xf32>
          %parallel_loop3A_597 = arith.addf %parallel_loop3A_556, %parallel_loop3A_596 : vector<16xf32>
          %parallel_loop3A_598 = tpu.vector_load_idx %arg9[%broadcast_in_dim3A_342, %add3A_8, %parallel_loop3A_575] : memref<2x32x512xf32, #tpu.memory_space<vmem>>[vector<16xi32>, vector<16xi32>, vector<16xi32>], vector<16xf32>,
          %parallel_loop3A_599 = tpu.vector_load_idx %arg10[%broadcast_in_dim3A_342, %add3A_8, %parallel_loop3A_575] : memref<2x32x512xf32, #tpu.memory_space<vmem>>[vector<16xi32>, vector<16xi32>, vector<16xi32>], vector<16xf32>,
          %parallel_loop3A_600 = tpu.vector_load_idx %arg11[%broadcast_in_dim3A_342, %add3A_8, %parallel_loop3A_575] : memref<2x32x512xf32, #tpu.memory_space<vmem>>[vector<16xi32>, vector<16xi32>, vector<16xi32>], vector<16xf32>,
          %parallel_loop3A_601 = arith.addf %parallel_loop3A_598, %parallel_loop3A_600 : vector<16xf32>
          %parallel_loop3A_602 = arith.subf %parallel_loop3A_601, %parallel_loop3A_599 : vector<16xf32>
          %parallel_loop3A_603 = arith.mulf %parallel_loop3A_602, %parallel_loop3A_602 : vector<16xf32>
          %parallel_loop3A_604 = arith.addf %parallel_loop3A_563, %parallel_loop3A_603 : vector<16xf32>
          %parallel_loop3A_605 = vector.broadcast %parallel_loop3A_581 : f32 to vector<16xf32>
          %parallel_loop3A_606 = arith.mulf %parallel_loop3A_602, %parallel_loop3A_605 : vector<16xf32>
          %parallel_loop3A_607 = arith.addf %parallel_loop3A_566, %parallel_loop3A_606 : vector<16xf32>
          %parallel_loop3A_608 = vector.broadcast %parallel_loop3A_577 : f32 to vector<16xf32>
          %parallel_loop3A_609 = arith.mulf %parallel_loop3A_598, %parallel_loop3A_608 : vector<16xf32>
          %parallel_loop3A_610 = arith.addf %parallel_loop3A_569, %parallel_loop3A_609 : vector<16xf32>
          %parallel_loop3A_611 = vector.broadcast %parallel_loop3A_579 : f32 to vector<16xf32>
          %parallel_loop3A_612 = arith.mulf %parallel_loop3A_599, %parallel_loop3A_611 : vector<16xf32>
          %parallel_loop3A_613 = arith.addf %parallel_loop3A_572, %parallel_loop3A_612 : vector<16xf32>
          %parallel_loop3A_614 = arith.constant 3 : i32
          %parallel_loop3A_615 = vector.broadcast %parallel_loop3A_614 : i32 to vector<16xi32>
          %parallel_loop3A_616 = arith.addi %parallel_loop3A_490, %parallel_loop3A_615 : vector<16xi32>
          %parallel_loop3A_617 = vector.extract_strided_slice %parallel_loop3A_485 {offsets = [3], sizes = [1], strides = [1]} : vector<16xf32> to vector<1xf32>
          %parallel_loop3A_618 = vector.extract %parallel_loop3A_617[0] : f32 from vector<1xf32>
          %parallel_loop3A_619 = vector.extract_strided_slice %parallel_loop3A_487 {offsets = [3], sizes = [1], strides = [1]} : vector<16xf32> to vector<1xf32>
          %parallel_loop3A_620 = vector.extract %parallel_loop3A_619[0] : f32 from vector<1xf32>
          %parallel_loop3A_621 = vector.extract_strided_slice %parallel_loop3A_489 {offsets = [3], sizes = [1], strides = [1]} : vector<16xf32> to vector<1xf32>
          %parallel_loop3A_622 = vector.extract %parallel_loop3A_621[0] : f32 from vector<1xf32>
          %parallel_loop3A_623 = tpu.vector_load_idx %arg9[%broadcast_in_dim3A_342, %add3A_5, %parallel_loop3A_616] : memref<2x32x512xf32, #tpu.memory_space<vmem>>[vector<16xi32>, vector<16xi32>, vector<16xi32>], vector<16xf32>,
          %parallel_loop3A_624 = tpu.vector_load_idx %arg10[%broadcast_in_dim3A_342, %add3A_5, %parallel_loop3A_616] : memref<2x32x512xf32, #tpu.memory_space<vmem>>[vector<16xi32>, vector<16xi32>, vector<16xi32>], vector<16xf32>,
          %parallel_loop3A_625 = tpu.vector_load_idx %arg11[%broadcast_in_dim3A_342, %add3A_5, %parallel_loop3A_616] : memref<2x32x512xf32, #tpu.memory_space<vmem>>[vector<16xi32>, vector<16xi32>, vector<16xi32>], vector<16xf32>,
          %parallel_loop3A_626 = arith.addf %parallel_loop3A_623, %parallel_loop3A_625 : vector<16xf32>
          %parallel_loop3A_627 = arith.subf %parallel_loop3A_626, %parallel_loop3A_624 : vector<16xf32>
          %parallel_loop3A_628 = arith.mulf %parallel_loop3A_627, %parallel_loop3A_627 : vector<16xf32>
          %parallel_loop3A_629 = arith.addf %parallel_loop3A_588, %parallel_loop3A_628 : vector<16xf32>
          %parallel_loop3A_630 = vector.broadcast %parallel_loop3A_622 : f32 to vector<16xf32>
          %parallel_loop3A_631 = arith.mulf %parallel_loop3A_627, %parallel_loop3A_630 : vector<16xf32>
          %parallel_loop3A_632 = arith.addf %parallel_loop3A_591, %parallel_loop3A_631 : vector<16xf32>
          %parallel_loop3A_633 = vector.broadcast %parallel_loop3A_618 : f32 to vector<16xf32>
          %parallel_loop3A_634 = arith.mulf %parallel_loop3A_623, %parallel_loop3A_633 : vector<16xf32>
          %parallel_loop3A_635 = arith.addf %parallel_loop3A_594, %parallel_loop3A_634 : vector<16xf32>
          %parallel_loop3A_636 = vector.broadcast %parallel_loop3A_620 : f32 to vector<16xf32>
          %parallel_loop3A_637 = arith.mulf %parallel_loop3A_624, %parallel_loop3A_636 : vector<16xf32>
          %parallel_loop3A_638 = arith.addf %parallel_loop3A_597, %parallel_loop3A_637 : vector<16xf32>
          %parallel_loop3A_639 = tpu.vector_load_idx %arg9[%broadcast_in_dim3A_342, %add3A_8, %parallel_loop3A_616] : memref<2x32x512xf32, #tpu.memory_space<vmem>>[vector<16xi32>, vector<16xi32>, vector<16xi32>], vector<16xf32>,
          %parallel_loop3A_640 = tpu.vector_load_idx %arg10[%broadcast_in_dim3A_342, %add3A_8, %parallel_loop3A_616] : memref<2x32x512xf32, #tpu.memory_space<vmem>>[vector<16xi32>, vector<16xi32>, vector<16xi32>], vector<16xf32>,
          %parallel_loop3A_641 = tpu.vector_load_idx %arg11[%broadcast_in_dim3A_342, %add3A_8, %parallel_loop3A_616] : memref<2x32x512xf32, #tpu.memory_space<vmem>>[vector<16xi32>, vector<16xi32>, vector<16xi32>], vector<16xf32>,
          %parallel_loop3A_642 = arith.addf %parallel_loop3A_639, %parallel_loop3A_641 : vector<16xf32>
          %parallel_loop3A_643 = arith.subf %parallel_loop3A_642, %parallel_loop3A_640 : vector<16xf32>
          %parallel_loop3A_644 = arith.mulf %parallel_loop3A_643, %parallel_loop3A_643 : vector<16xf32>
          %parallel_loop3A_645 = arith.addf %parallel_loop3A_604, %parallel_loop3A_644 : vector<16xf32>
          %parallel_loop3A_646 = vector.broadcast %parallel_loop3A_622 : f32 to vector<16xf32>
          %parallel_loop3A_647 = arith.mulf %parallel_loop3A_643, %parallel_loop3A_646 : vector<16xf32>
          %parallel_loop3A_648 = arith.addf %parallel_loop3A_607, %parallel_loop3A_647 : vector<16xf32>
          %parallel_loop3A_649 = vector.broadcast %parallel_loop3A_618 : f32 to vector<16xf32>
          %parallel_loop3A_650 = arith.mulf %parallel_loop3A_639, %parallel_loop3A_649 : vector<16xf32>
          %parallel_loop3A_651 = arith.addf %parallel_loop3A_610, %parallel_loop3A_650 : vector<16xf32>
          %parallel_loop3A_652 = vector.broadcast %parallel_loop3A_620 : f32 to vector<16xf32>
          %parallel_loop3A_653 = arith.mulf %parallel_loop3A_640, %parallel_loop3A_652 : vector<16xf32>
          %parallel_loop3A_654 = arith.addf %parallel_loop3A_613, %parallel_loop3A_653 : vector<16xf32>
          %parallel_loop3A_655 = arith.constant 4 : i32
          %parallel_loop3A_656 = vector.broadcast %parallel_loop3A_655 : i32 to vector<16xi32>
          %parallel_loop3A_657 = arith.addi %parallel_loop3A_490, %parallel_loop3A_656 : vector<16xi32>
          %parallel_loop3A_658 = vector.extract_strided_slice %parallel_loop3A_485 {offsets = [4], sizes = [1], strides = [1]} : vector<16xf32> to vector<1xf32>
          %parallel_loop3A_659 = vector.extract %parallel_loop3A_658[0] : f32 from vector<1xf32>
          %parallel_loop3A_660 = vector.extract_strided_slice %parallel_loop3A_487 {offsets = [4], sizes = [1], strides = [1]} : vector<16xf32> to vector<1xf32>
          %parallel_loop3A_661 = vector.extract %parallel_loop3A_660[0] : f32 from vector<1xf32>
          %parallel_loop3A_662 = vector.extract_strided_slice %parallel_loop3A_489 {offsets = [4], sizes = [1], strides = [1]} : vector<16xf32> to vector<1xf32>
          %parallel_loop3A_663 = vector.extract %parallel_loop3A_662[0] : f32 from vector<1xf32>
          %parallel_loop3A_664 = tpu.vector_load_idx %arg9[%broadcast_in_dim3A_342, %add3A_5, %parallel_loop3A_657] : memref<2x32x512xf32, #tpu.memory_space<vmem>>[vector<16xi32>, vector<16xi32>, vector<16xi32>], vector<16xf32>,
          %parallel_loop3A_665 = tpu.vector_load_idx %arg10[%broadcast_in_dim3A_342, %add3A_5, %parallel_loop3A_657] : memref<2x32x512xf32, #tpu.memory_space<vmem>>[vector<16xi32>, vector<16xi32>, vector<16xi32>], vector<16xf32>,
          %parallel_loop3A_666 = tpu.vector_load_idx %arg11[%broadcast_in_dim3A_342, %add3A_5, %parallel_loop3A_657] : memref<2x32x512xf32, #tpu.memory_space<vmem>>[vector<16xi32>, vector<16xi32>, vector<16xi32>], vector<16xf32>,
          %parallel_loop3A_667 = arith.addf %parallel_loop3A_664, %parallel_loop3A_666 : vector<16xf32>
          %parallel_loop3A_668 = arith.subf %parallel_loop3A_667, %parallel_loop3A_665 : vector<16xf32>
          %parallel_loop3A_669 = arith.mulf %parallel_loop3A_668, %parallel_loop3A_668 : vector<16xf32>
          %parallel_loop3A_670 = arith.addf %parallel_loop3A_629, %parallel_loop3A_669 : vector<16xf32>
          %parallel_loop3A_671 = vector.broadcast %parallel_loop3A_663 : f32 to vector<16xf32>
          %parallel_loop3A_672 = arith.mulf %parallel_loop3A_668, %parallel_loop3A_671 : vector<16xf32>
          %parallel_loop3A_673 = arith.addf %parallel_loop3A_632, %parallel_loop3A_672 : vector<16xf32>
          %parallel_loop3A_674 = vector.broadcast %parallel_loop3A_659 : f32 to vector<16xf32>
          %parallel_loop3A_675 = arith.mulf %parallel_loop3A_664, %parallel_loop3A_674 : vector<16xf32>
          %parallel_loop3A_676 = arith.addf %parallel_loop3A_635, %parallel_loop3A_675 : vector<16xf32>
          %parallel_loop3A_677 = vector.broadcast %parallel_loop3A_661 : f32 to vector<16xf32>
          %parallel_loop3A_678 = arith.mulf %parallel_loop3A_665, %parallel_loop3A_677 : vector<16xf32>
          %parallel_loop3A_679 = arith.addf %parallel_loop3A_638, %parallel_loop3A_678 : vector<16xf32>
          %parallel_loop3A_680 = tpu.vector_load_idx %arg9[%broadcast_in_dim3A_342, %add3A_8, %parallel_loop3A_657] : memref<2x32x512xf32, #tpu.memory_space<vmem>>[vector<16xi32>, vector<16xi32>, vector<16xi32>], vector<16xf32>,
          %parallel_loop3A_681 = tpu.vector_load_idx %arg10[%broadcast_in_dim3A_342, %add3A_8, %parallel_loop3A_657] : memref<2x32x512xf32, #tpu.memory_space<vmem>>[vector<16xi32>, vector<16xi32>, vector<16xi32>], vector<16xf32>,
          %parallel_loop3A_682 = tpu.vector_load_idx %arg11[%broadcast_in_dim3A_342, %add3A_8, %parallel_loop3A_657] : memref<2x32x512xf32, #tpu.memory_space<vmem>>[vector<16xi32>, vector<16xi32>, vector<16xi32>], vector<16xf32>,
          %parallel_loop3A_683 = arith.addf %parallel_loop3A_680, %parallel_loop3A_682 : vector<16xf32>
          %parallel_loop3A_684 = arith.subf %parallel_loop3A_683, %parallel_loop3A_681 : vector<16xf32>
          %parallel_loop3A_685 = arith.mulf %parallel_loop3A_684, %parallel_loop3A_684 : vector<16xf32>
          %parallel_loop3A_686 = arith.addf %parallel_loop3A_645, %parallel_loop3A_685 : vector<16xf32>
          %parallel_loop3A_687 = vector.broadcast %parallel_loop3A_663 : f32 to vector<16xf32>
          %parallel_loop3A_688 = arith.mulf %parallel_loop3A_684, %parallel_loop3A_687 : vector<16xf32>
          %parallel_loop3A_689 = arith.addf %parallel_loop3A_648, %parallel_loop3A_688 : vector<16xf32>
          %parallel_loop3A_690 = vector.broadcast %parallel_loop3A_659 : f32 to vector<16xf32>
          %parallel_loop3A_691 = arith.mulf %parallel_loop3A_680, %parallel_loop3A_690 : vector<16xf32>
          %parallel_loop3A_692 = arith.addf %parallel_loop3A_651, %parallel_loop3A_691 : vector<16xf32>
          %parallel_loop3A_693 = vector.broadcast %parallel_loop3A_661 : f32 to vector<16xf32>
          %parallel_loop3A_694 = arith.mulf %parallel_loop3A_681, %parallel_loop3A_693 : vector<16xf32>
          %parallel_loop3A_695 = arith.addf %parallel_loop3A_654, %parallel_loop3A_694 : vector<16xf32>
          %parallel_loop3A_696 = arith.constant 5 : i32
          %parallel_loop3A_697 = vector.broadcast %parallel_loop3A_696 : i32 to vector<16xi32>
          %parallel_loop3A_698 = arith.addi %parallel_loop3A_490, %parallel_loop3A_697 : vector<16xi32>
          %parallel_loop3A_699 = vector.extract_strided_slice %parallel_loop3A_485 {offsets = [5], sizes = [1], strides = [1]} : vector<16xf32> to vector<1xf32>
          %parallel_loop3A_700 = vector.extract %parallel_loop3A_699[0] : f32 from vector<1xf32>
          %parallel_loop3A_701 = vector.extract_strided_slice %parallel_loop3A_487 {offsets = [5], sizes = [1], strides = [1]} : vector<16xf32> to vector<1xf32>
          %parallel_loop3A_702 = vector.extract %parallel_loop3A_701[0] : f32 from vector<1xf32>
          %parallel_loop3A_703 = vector.extract_strided_slice %parallel_loop3A_489 {offsets = [5], sizes = [1], strides = [1]} : vector<16xf32> to vector<1xf32>
          %parallel_loop3A_704 = vector.extract %parallel_loop3A_703[0] : f32 from vector<1xf32>
          %parallel_loop3A_705 = tpu.vector_load_idx %arg9[%broadcast_in_dim3A_342, %add3A_5, %parallel_loop3A_698] : memref<2x32x512xf32, #tpu.memory_space<vmem>>[vector<16xi32>, vector<16xi32>, vector<16xi32>], vector<16xf32>,
          %parallel_loop3A_706 = tpu.vector_load_idx %arg10[%broadcast_in_dim3A_342, %add3A_5, %parallel_loop3A_698] : memref<2x32x512xf32, #tpu.memory_space<vmem>>[vector<16xi32>, vector<16xi32>, vector<16xi32>], vector<16xf32>,
          %parallel_loop3A_707 = tpu.vector_load_idx %arg11[%broadcast_in_dim3A_342, %add3A_5, %parallel_loop3A_698] : memref<2x32x512xf32, #tpu.memory_space<vmem>>[vector<16xi32>, vector<16xi32>, vector<16xi32>], vector<16xf32>,
          %parallel_loop3A_708 = arith.addf %parallel_loop3A_705, %parallel_loop3A_707 : vector<16xf32>
          %parallel_loop3A_709 = arith.subf %parallel_loop3A_708, %parallel_loop3A_706 : vector<16xf32>
          %parallel_loop3A_710 = arith.mulf %parallel_loop3A_709, %parallel_loop3A_709 : vector<16xf32>
          %parallel_loop3A_711 = arith.addf %parallel_loop3A_670, %parallel_loop3A_710 : vector<16xf32>
          %parallel_loop3A_712 = vector.broadcast %parallel_loop3A_704 : f32 to vector<16xf32>
          %parallel_loop3A_713 = arith.mulf %parallel_loop3A_709, %parallel_loop3A_712 : vector<16xf32>
          %parallel_loop3A_714 = arith.addf %parallel_loop3A_673, %parallel_loop3A_713 : vector<16xf32>
          %parallel_loop3A_715 = vector.broadcast %parallel_loop3A_700 : f32 to vector<16xf32>
          %parallel_loop3A_716 = arith.mulf %parallel_loop3A_705, %parallel_loop3A_715 : vector<16xf32>
          %parallel_loop3A_717 = arith.addf %parallel_loop3A_676, %parallel_loop3A_716 : vector<16xf32>
          %parallel_loop3A_718 = vector.broadcast %parallel_loop3A_702 : f32 to vector<16xf32>
          %parallel_loop3A_719 = arith.mulf %parallel_loop3A_706, %parallel_loop3A_718 : vector<16xf32>
          %parallel_loop3A_720 = arith.addf %parallel_loop3A_679, %parallel_loop3A_719 : vector<16xf32>
          %parallel_loop3A_721 = tpu.vector_load_idx %arg9[%broadcast_in_dim3A_342, %add3A_8, %parallel_loop3A_698] : memref<2x32x512xf32, #tpu.memory_space<vmem>>[vector<16xi32>, vector<16xi32>, vector<16xi32>], vector<16xf32>,
          %parallel_loop3A_722 = tpu.vector_load_idx %arg10[%broadcast_in_dim3A_342, %add3A_8, %parallel_loop3A_698] : memref<2x32x512xf32, #tpu.memory_space<vmem>>[vector<16xi32>, vector<16xi32>, vector<16xi32>], vector<16xf32>,
          %parallel_loop3A_723 = tpu.vector_load_idx %arg11[%broadcast_in_dim3A_342, %add3A_8, %parallel_loop3A_698] : memref<2x32x512xf32, #tpu.memory_space<vmem>>[vector<16xi32>, vector<16xi32>, vector<16xi32>], vector<16xf32>,
          %parallel_loop3A_724 = arith.addf %parallel_loop3A_721, %parallel_loop3A_723 : vector<16xf32>
          %parallel_loop3A_725 = arith.subf %parallel_loop3A_724, %parallel_loop3A_722 : vector<16xf32>
          %parallel_loop3A_726 = arith.mulf %parallel_loop3A_725, %parallel_loop3A_725 : vector<16xf32>
          %parallel_loop3A_727 = arith.addf %parallel_loop3A_686, %parallel_loop3A_726 : vector<16xf32>
          %parallel_loop3A_728 = vector.broadcast %parallel_loop3A_704 : f32 to vector<16xf32>
          %parallel_loop3A_729 = arith.mulf %parallel_loop3A_725, %parallel_loop3A_728 : vector<16xf32>
          %parallel_loop3A_730 = arith.addf %parallel_loop3A_689, %parallel_loop3A_729 : vector<16xf32>
          %parallel_loop3A_731 = vector.broadcast %parallel_loop3A_700 : f32 to vector<16xf32>
          %parallel_loop3A_732 = arith.mulf %parallel_loop3A_721, %parallel_loop3A_731 : vector<16xf32>
          %parallel_loop3A_733 = arith.addf %parallel_loop3A_692, %parallel_loop3A_732 : vector<16xf32>
          %parallel_loop3A_734 = vector.broadcast %parallel_loop3A_702 : f32 to vector<16xf32>
          %parallel_loop3A_735 = arith.mulf %parallel_loop3A_722, %parallel_loop3A_734 : vector<16xf32>
          %parallel_loop3A_736 = arith.addf %parallel_loop3A_695, %parallel_loop3A_735 : vector<16xf32>
          %parallel_loop3A_737 = arith.constant 6 : i32
          %parallel_loop3A_738 = vector.broadcast %parallel_loop3A_737 : i32 to vector<16xi32>
          %parallel_loop3A_739 = arith.addi %parallel_loop3A_490, %parallel_loop3A_738 : vector<16xi32>
          %parallel_loop3A_740 = vector.extract_strided_slice %parallel_loop3A_485 {offsets = [6], sizes = [1], strides = [1]} : vector<16xf32> to vector<1xf32>
          %parallel_loop3A_741 = vector.extract %parallel_loop3A_740[0] : f32 from vector<1xf32>
          %parallel_loop3A_742 = vector.extract_strided_slice %parallel_loop3A_487 {offsets = [6], sizes = [1], strides = [1]} : vector<16xf32> to vector<1xf32>
          %parallel_loop3A_743 = vector.extract %parallel_loop3A_742[0] : f32 from vector<1xf32>
          %parallel_loop3A_744 = vector.extract_strided_slice %parallel_loop3A_489 {offsets = [6], sizes = [1], strides = [1]} : vector<16xf32> to vector<1xf32>
          %parallel_loop3A_745 = vector.extract %parallel_loop3A_744[0] : f32 from vector<1xf32>
          %parallel_loop3A_746 = tpu.vector_load_idx %arg9[%broadcast_in_dim3A_342, %add3A_5, %parallel_loop3A_739] : memref<2x32x512xf32, #tpu.memory_space<vmem>>[vector<16xi32>, vector<16xi32>, vector<16xi32>], vector<16xf32>,
          %parallel_loop3A_747 = tpu.vector_load_idx %arg10[%broadcast_in_dim3A_342, %add3A_5, %parallel_loop3A_739] : memref<2x32x512xf32, #tpu.memory_space<vmem>>[vector<16xi32>, vector<16xi32>, vector<16xi32>], vector<16xf32>,
          %parallel_loop3A_748 = tpu.vector_load_idx %arg11[%broadcast_in_dim3A_342, %add3A_5, %parallel_loop3A_739] : memref<2x32x512xf32, #tpu.memory_space<vmem>>[vector<16xi32>, vector<16xi32>, vector<16xi32>], vector<16xf32>,
          %parallel_loop3A_749 = arith.addf %parallel_loop3A_746, %parallel_loop3A_748 : vector<16xf32>
          %parallel_loop3A_750 = arith.subf %parallel_loop3A_749, %parallel_loop3A_747 : vector<16xf32>
          %parallel_loop3A_751 = arith.mulf %parallel_loop3A_750, %parallel_loop3A_750 : vector<16xf32>
          %parallel_loop3A_752 = arith.addf %parallel_loop3A_711, %parallel_loop3A_751 : vector<16xf32>
          %parallel_loop3A_753 = vector.broadcast %parallel_loop3A_745 : f32 to vector<16xf32>
          %parallel_loop3A_754 = arith.mulf %parallel_loop3A_750, %parallel_loop3A_753 : vector<16xf32>
          %parallel_loop3A_755 = arith.addf %parallel_loop3A_714, %parallel_loop3A_754 : vector<16xf32>
          %parallel_loop3A_756 = vector.broadcast %parallel_loop3A_741 : f32 to vector<16xf32>
          %parallel_loop3A_757 = arith.mulf %parallel_loop3A_746, %parallel_loop3A_756 : vector<16xf32>
          %parallel_loop3A_758 = arith.addf %parallel_loop3A_717, %parallel_loop3A_757 : vector<16xf32>
          %parallel_loop3A_759 = vector.broadcast %parallel_loop3A_743 : f32 to vector<16xf32>
          %parallel_loop3A_760 = arith.mulf %parallel_loop3A_747, %parallel_loop3A_759 : vector<16xf32>
          %parallel_loop3A_761 = arith.addf %parallel_loop3A_720, %parallel_loop3A_760 : vector<16xf32>
          %parallel_loop3A_762 = tpu.vector_load_idx %arg9[%broadcast_in_dim3A_342, %add3A_8, %parallel_loop3A_739] : memref<2x32x512xf32, #tpu.memory_space<vmem>>[vector<16xi32>, vector<16xi32>, vector<16xi32>], vector<16xf32>,
          %parallel_loop3A_763 = tpu.vector_load_idx %arg10[%broadcast_in_dim3A_342, %add3A_8, %parallel_loop3A_739] : memref<2x32x512xf32, #tpu.memory_space<vmem>>[vector<16xi32>, vector<16xi32>, vector<16xi32>], vector<16xf32>,
          %parallel_loop3A_764 = tpu.vector_load_idx %arg11[%broadcast_in_dim3A_342, %add3A_8, %parallel_loop3A_739] : memref<2x32x512xf32, #tpu.memory_space<vmem>>[vector<16xi32>, vector<16xi32>, vector<16xi32>], vector<16xf32>,
          %parallel_loop3A_765 = arith.addf %parallel_loop3A_762, %parallel_loop3A_764 : vector<16xf32>
          %parallel_loop3A_766 = arith.subf %parallel_loop3A_765, %parallel_loop3A_763 : vector<16xf32>
          %parallel_loop3A_767 = arith.mulf %parallel_loop3A_766, %parallel_loop3A_766 : vector<16xf32>
          %parallel_loop3A_768 = arith.addf %parallel_loop3A_727, %parallel_loop3A_767 : vector<16xf32>
          %parallel_loop3A_769 = vector.broadcast %parallel_loop3A_745 : f32 to vector<16xf32>
          %parallel_loop3A_770 = arith.mulf %parallel_loop3A_766, %parallel_loop3A_769 : vector<16xf32>
          %parallel_loop3A_771 = arith.addf %parallel_loop3A_730, %parallel_loop3A_770 : vector<16xf32>
          %parallel_loop3A_772 = vector.broadcast %parallel_loop3A_741 : f32 to vector<16xf32>
          %parallel_loop3A_773 = arith.mulf %parallel_loop3A_762, %parallel_loop3A_772 : vector<16xf32>
          %parallel_loop3A_774 = arith.addf %parallel_loop3A_733, %parallel_loop3A_773 : vector<16xf32>
          %parallel_loop3A_775 = vector.broadcast %parallel_loop3A_743 : f32 to vector<16xf32>
          %parallel_loop3A_776 = arith.mulf %parallel_loop3A_763, %parallel_loop3A_775 : vector<16xf32>
          %parallel_loop3A_777 = arith.addf %parallel_loop3A_736, %parallel_loop3A_776 : vector<16xf32>
          %parallel_loop3A_778 = arith.constant 7 : i32
          %parallel_loop3A_779 = vector.broadcast %parallel_loop3A_778 : i32 to vector<16xi32>
          %parallel_loop3A_780 = arith.addi %parallel_loop3A_490, %parallel_loop3A_779 : vector<16xi32>
          %parallel_loop3A_781 = vector.extract_strided_slice %parallel_loop3A_485 {offsets = [7], sizes = [1], strides = [1]} : vector<16xf32> to vector<1xf32>
          %parallel_loop3A_782 = vector.extract %parallel_loop3A_781[0] : f32 from vector<1xf32>
          %parallel_loop3A_783 = vector.extract_strided_slice %parallel_loop3A_487 {offsets = [7], sizes = [1], strides = [1]} : vector<16xf32> to vector<1xf32>
          %parallel_loop3A_784 = vector.extract %parallel_loop3A_783[0] : f32 from vector<1xf32>
          %parallel_loop3A_785 = vector.extract_strided_slice %parallel_loop3A_489 {offsets = [7], sizes = [1], strides = [1]} : vector<16xf32> to vector<1xf32>
          %parallel_loop3A_786 = vector.extract %parallel_loop3A_785[0] : f32 from vector<1xf32>
          %parallel_loop3A_787 = tpu.vector_load_idx %arg9[%broadcast_in_dim3A_342, %add3A_5, %parallel_loop3A_780] : memref<2x32x512xf32, #tpu.memory_space<vmem>>[vector<16xi32>, vector<16xi32>, vector<16xi32>], vector<16xf32>,
          %parallel_loop3A_788 = tpu.vector_load_idx %arg10[%broadcast_in_dim3A_342, %add3A_5, %parallel_loop3A_780] : memref<2x32x512xf32, #tpu.memory_space<vmem>>[vector<16xi32>, vector<16xi32>, vector<16xi32>], vector<16xf32>,
          %parallel_loop3A_789 = tpu.vector_load_idx %arg11[%broadcast_in_dim3A_342, %add3A_5, %parallel_loop3A_780] : memref<2x32x512xf32, #tpu.memory_space<vmem>>[vector<16xi32>, vector<16xi32>, vector<16xi32>], vector<16xf32>,
          %parallel_loop3A_790 = arith.addf %parallel_loop3A_787, %parallel_loop3A_789 : vector<16xf32>
          %parallel_loop3A_791 = arith.subf %parallel_loop3A_790, %parallel_loop3A_788 : vector<16xf32>
          %parallel_loop3A_792 = arith.mulf %parallel_loop3A_791, %parallel_loop3A_791 : vector<16xf32>
          %parallel_loop3A_793 = arith.addf %parallel_loop3A_752, %parallel_loop3A_792 : vector<16xf32>
          %parallel_loop3A_794 = vector.broadcast %parallel_loop3A_786 : f32 to vector<16xf32>
          %parallel_loop3A_795 = arith.mulf %parallel_loop3A_791, %parallel_loop3A_794 : vector<16xf32>
          %parallel_loop3A_796 = arith.addf %parallel_loop3A_755, %parallel_loop3A_795 : vector<16xf32>
          %parallel_loop3A_797 = vector.broadcast %parallel_loop3A_782 : f32 to vector<16xf32>
          %parallel_loop3A_798 = arith.mulf %parallel_loop3A_787, %parallel_loop3A_797 : vector<16xf32>
          %parallel_loop3A_799 = arith.addf %parallel_loop3A_758, %parallel_loop3A_798 : vector<16xf32>
          %parallel_loop3A_800 = vector.broadcast %parallel_loop3A_784 : f32 to vector<16xf32>
          %parallel_loop3A_801 = arith.mulf %parallel_loop3A_788, %parallel_loop3A_800 : vector<16xf32>
          %parallel_loop3A_802 = arith.addf %parallel_loop3A_761, %parallel_loop3A_801 : vector<16xf32>
          %parallel_loop3A_803 = tpu.vector_load_idx %arg9[%broadcast_in_dim3A_342, %add3A_8, %parallel_loop3A_780] : memref<2x32x512xf32, #tpu.memory_space<vmem>>[vector<16xi32>, vector<16xi32>, vector<16xi32>], vector<16xf32>,
          %parallel_loop3A_804 = tpu.vector_load_idx %arg10[%broadcast_in_dim3A_342, %add3A_8, %parallel_loop3A_780] : memref<2x32x512xf32, #tpu.memory_space<vmem>>[vector<16xi32>, vector<16xi32>, vector<16xi32>], vector<16xf32>,
          %parallel_loop3A_805 = tpu.vector_load_idx %arg11[%broadcast_in_dim3A_342, %add3A_8, %parallel_loop3A_780] : memref<2x32x512xf32, #tpu.memory_space<vmem>>[vector<16xi32>, vector<16xi32>, vector<16xi32>], vector<16xf32>,
          %parallel_loop3A_806 = arith.addf %parallel_loop3A_803, %parallel_loop3A_805 : vector<16xf32>
          %parallel_loop3A_807 = arith.subf %parallel_loop3A_806, %parallel_loop3A_804 : vector<16xf32>
          %parallel_loop3A_808 = arith.mulf %parallel_loop3A_807, %parallel_loop3A_807 : vector<16xf32>
          %parallel_loop3A_809 = arith.addf %parallel_loop3A_768, %parallel_loop3A_808 : vector<16xf32>
          %parallel_loop3A_810 = vector.broadcast %parallel_loop3A_786 : f32 to vector<16xf32>
          %parallel_loop3A_811 = arith.mulf %parallel_loop3A_807, %parallel_loop3A_810 : vector<16xf32>
          %parallel_loop3A_812 = arith.addf %parallel_loop3A_771, %parallel_loop3A_811 : vector<16xf32>
          %parallel_loop3A_813 = vector.broadcast %parallel_loop3A_782 : f32 to vector<16xf32>
          %parallel_loop3A_814 = arith.mulf %parallel_loop3A_803, %parallel_loop3A_813 : vector<16xf32>
          %parallel_loop3A_815 = arith.addf %parallel_loop3A_774, %parallel_loop3A_814 : vector<16xf32>
          %parallel_loop3A_816 = vector.broadcast %parallel_loop3A_784 : f32 to vector<16xf32>
          %parallel_loop3A_817 = arith.mulf %parallel_loop3A_804, %parallel_loop3A_816 : vector<16xf32>
          %parallel_loop3A_818 = arith.addf %parallel_loop3A_777, %parallel_loop3A_817 : vector<16xf32>
          %parallel_loop3A_819 = arith.constant 8 : i32
          %parallel_loop3A_820 = vector.broadcast %parallel_loop3A_819 : i32 to vector<16xi32>
          %parallel_loop3A_821 = arith.addi %parallel_loop3A_490, %parallel_loop3A_820 : vector<16xi32>
          %parallel_loop3A_822 = vector.extract_strided_slice %parallel_loop3A_485 {offsets = [8], sizes = [1], strides = [1]} : vector<16xf32> to vector<1xf32>
          %parallel_loop3A_823 = vector.extract %parallel_loop3A_822[0] : f32 from vector<1xf32>
          %parallel_loop3A_824 = vector.extract_strided_slice %parallel_loop3A_487 {offsets = [8], sizes = [1], strides = [1]} : vector<16xf32> to vector<1xf32>
          %parallel_loop3A_825 = vector.extract %parallel_loop3A_824[0] : f32 from vector<1xf32>
          %parallel_loop3A_826 = vector.extract_strided_slice %parallel_loop3A_489 {offsets = [8], sizes = [1], strides = [1]} : vector<16xf32> to vector<1xf32>
          %parallel_loop3A_827 = vector.extract %parallel_loop3A_826[0] : f32 from vector<1xf32>
          %parallel_loop3A_828 = tpu.vector_load_idx %arg9[%broadcast_in_dim3A_342, %add3A_5, %parallel_loop3A_821] : memref<2x32x512xf32, #tpu.memory_space<vmem>>[vector<16xi32>, vector<16xi32>, vector<16xi32>], vector<16xf32>,
          %parallel_loop3A_829 = tpu.vector_load_idx %arg10[%broadcast_in_dim3A_342, %add3A_5, %parallel_loop3A_821] : memref<2x32x512xf32, #tpu.memory_space<vmem>>[vector<16xi32>, vector<16xi32>, vector<16xi32>], vector<16xf32>,
          %parallel_loop3A_830 = tpu.vector_load_idx %arg11[%broadcast_in_dim3A_342, %add3A_5, %parallel_loop3A_821] : memref<2x32x512xf32, #tpu.memory_space<vmem>>[vector<16xi32>, vector<16xi32>, vector<16xi32>], vector<16xf32>,
          %parallel_loop3A_831 = arith.addf %parallel_loop3A_828, %parallel_loop3A_830 : vector<16xf32>
          %parallel_loop3A_832 = arith.subf %parallel_loop3A_831, %parallel_loop3A_829 : vector<16xf32>
          %parallel_loop3A_833 = arith.mulf %parallel_loop3A_832, %parallel_loop3A_832 : vector<16xf32>
          %parallel_loop3A_834 = arith.addf %parallel_loop3A_793, %parallel_loop3A_833 : vector<16xf32>
          %parallel_loop3A_835 = vector.broadcast %parallel_loop3A_827 : f32 to vector<16xf32>
          %parallel_loop3A_836 = arith.mulf %parallel_loop3A_832, %parallel_loop3A_835 : vector<16xf32>
          %parallel_loop3A_837 = arith.addf %parallel_loop3A_796, %parallel_loop3A_836 : vector<16xf32>
          %parallel_loop3A_838 = vector.broadcast %parallel_loop3A_823 : f32 to vector<16xf32>
          %parallel_loop3A_839 = arith.mulf %parallel_loop3A_828, %parallel_loop3A_838 : vector<16xf32>
          %parallel_loop3A_840 = arith.addf %parallel_loop3A_799, %parallel_loop3A_839 : vector<16xf32>
          %parallel_loop3A_841 = vector.broadcast %parallel_loop3A_825 : f32 to vector<16xf32>
          %parallel_loop3A_842 = arith.mulf %parallel_loop3A_829, %parallel_loop3A_841 : vector<16xf32>
          %parallel_loop3A_843 = arith.addf %parallel_loop3A_802, %parallel_loop3A_842 : vector<16xf32>
          %parallel_loop3A_844 = tpu.vector_load_idx %arg9[%broadcast_in_dim3A_342, %add3A_8, %parallel_loop3A_821] : memref<2x32x512xf32, #tpu.memory_space<vmem>>[vector<16xi32>, vector<16xi32>, vector<16xi32>], vector<16xf32>,
          %parallel_loop3A_845 = tpu.vector_load_idx %arg10[%broadcast_in_dim3A_342, %add3A_8, %parallel_loop3A_821] : memref<2x32x512xf32, #tpu.memory_space<vmem>>[vector<16xi32>, vector<16xi32>, vector<16xi32>], vector<16xf32>,
          %parallel_loop3A_846 = tpu.vector_load_idx %arg11[%broadcast_in_dim3A_342, %add3A_8, %parallel_loop3A_821] : memref<2x32x512xf32, #tpu.memory_space<vmem>>[vector<16xi32>, vector<16xi32>, vector<16xi32>], vector<16xf32>,
          %parallel_loop3A_847 = arith.addf %parallel_loop3A_844, %parallel_loop3A_846 : vector<16xf32>
          %parallel_loop3A_848 = arith.subf %parallel_loop3A_847, %parallel_loop3A_845 : vector<16xf32>
          %parallel_loop3A_849 = arith.mulf %parallel_loop3A_848, %parallel_loop3A_848 : vector<16xf32>
          %parallel_loop3A_850 = arith.addf %parallel_loop3A_809, %parallel_loop3A_849 : vector<16xf32>
          %parallel_loop3A_851 = vector.broadcast %parallel_loop3A_827 : f32 to vector<16xf32>
          %parallel_loop3A_852 = arith.mulf %parallel_loop3A_848, %parallel_loop3A_851 : vector<16xf32>
          %parallel_loop3A_853 = arith.addf %parallel_loop3A_812, %parallel_loop3A_852 : vector<16xf32>
          %parallel_loop3A_854 = vector.broadcast %parallel_loop3A_823 : f32 to vector<16xf32>
          %parallel_loop3A_855 = arith.mulf %parallel_loop3A_844, %parallel_loop3A_854 : vector<16xf32>
          %parallel_loop3A_856 = arith.addf %parallel_loop3A_815, %parallel_loop3A_855 : vector<16xf32>
          %parallel_loop3A_857 = vector.broadcast %parallel_loop3A_825 : f32 to vector<16xf32>
          %parallel_loop3A_858 = arith.mulf %parallel_loop3A_845, %parallel_loop3A_857 : vector<16xf32>
          %parallel_loop3A_859 = arith.addf %parallel_loop3A_818, %parallel_loop3A_858 : vector<16xf32>
          %parallel_loop3A_860 = arith.constant 9 : i32
          %parallel_loop3A_861 = vector.broadcast %parallel_loop3A_860 : i32 to vector<16xi32>
          %parallel_loop3A_862 = arith.addi %parallel_loop3A_490, %parallel_loop3A_861 : vector<16xi32>
          %parallel_loop3A_863 = vector.extract_strided_slice %parallel_loop3A_485 {offsets = [9], sizes = [1], strides = [1]} : vector<16xf32> to vector<1xf32>
          %parallel_loop3A_864 = vector.extract %parallel_loop3A_863[0] : f32 from vector<1xf32>
          %parallel_loop3A_865 = vector.extract_strided_slice %parallel_loop3A_487 {offsets = [9], sizes = [1], strides = [1]} : vector<16xf32> to vector<1xf32>
          %parallel_loop3A_866 = vector.extract %parallel_loop3A_865[0] : f32 from vector<1xf32>
          %parallel_loop3A_867 = vector.extract_strided_slice %parallel_loop3A_489 {offsets = [9], sizes = [1], strides = [1]} : vector<16xf32> to vector<1xf32>
          %parallel_loop3A_868 = vector.extract %parallel_loop3A_867[0] : f32 from vector<1xf32>
          %parallel_loop3A_869 = tpu.vector_load_idx %arg9[%broadcast_in_dim3A_342, %add3A_5, %parallel_loop3A_862] : memref<2x32x512xf32, #tpu.memory_space<vmem>>[vector<16xi32>, vector<16xi32>, vector<16xi32>], vector<16xf32>,
          %parallel_loop3A_870 = tpu.vector_load_idx %arg10[%broadcast_in_dim3A_342, %add3A_5, %parallel_loop3A_862] : memref<2x32x512xf32, #tpu.memory_space<vmem>>[vector<16xi32>, vector<16xi32>, vector<16xi32>], vector<16xf32>,
          %parallel_loop3A_871 = tpu.vector_load_idx %arg11[%broadcast_in_dim3A_342, %add3A_5, %parallel_loop3A_862] : memref<2x32x512xf32, #tpu.memory_space<vmem>>[vector<16xi32>, vector<16xi32>, vector<16xi32>], vector<16xf32>,
          %parallel_loop3A_872 = arith.addf %parallel_loop3A_869, %parallel_loop3A_871 : vector<16xf32>
          %parallel_loop3A_873 = arith.subf %parallel_loop3A_872, %parallel_loop3A_870 : vector<16xf32>
          %parallel_loop3A_874 = arith.mulf %parallel_loop3A_873, %parallel_loop3A_873 : vector<16xf32>
          %parallel_loop3A_875 = arith.addf %parallel_loop3A_834, %parallel_loop3A_874 : vector<16xf32>
          %parallel_loop3A_876 = vector.broadcast %parallel_loop3A_868 : f32 to vector<16xf32>
          %parallel_loop3A_877 = arith.mulf %parallel_loop3A_873, %parallel_loop3A_876 : vector<16xf32>
          %parallel_loop3A_878 = arith.addf %parallel_loop3A_837, %parallel_loop3A_877 : vector<16xf32>
          %parallel_loop3A_879 = vector.broadcast %parallel_loop3A_864 : f32 to vector<16xf32>
          %parallel_loop3A_880 = arith.mulf %parallel_loop3A_869, %parallel_loop3A_879 : vector<16xf32>
          %parallel_loop3A_881 = arith.addf %parallel_loop3A_840, %parallel_loop3A_880 : vector<16xf32>
          %parallel_loop3A_882 = vector.broadcast %parallel_loop3A_866 : f32 to vector<16xf32>
          %parallel_loop3A_883 = arith.mulf %parallel_loop3A_870, %parallel_loop3A_882 : vector<16xf32>
          %parallel_loop3A_884 = arith.addf %parallel_loop3A_843, %parallel_loop3A_883 : vector<16xf32>
          %parallel_loop3A_885 = tpu.vector_load_idx %arg9[%broadcast_in_dim3A_342, %add3A_8, %parallel_loop3A_862] : memref<2x32x512xf32, #tpu.memory_space<vmem>>[vector<16xi32>, vector<16xi32>, vector<16xi32>], vector<16xf32>,
          %parallel_loop3A_886 = tpu.vector_load_idx %arg10[%broadcast_in_dim3A_342, %add3A_8, %parallel_loop3A_862] : memref<2x32x512xf32, #tpu.memory_space<vmem>>[vector<16xi32>, vector<16xi32>, vector<16xi32>], vector<16xf32>,
          %parallel_loop3A_887 = tpu.vector_load_idx %arg11[%broadcast_in_dim3A_342, %add3A_8, %parallel_loop3A_862] : memref<2x32x512xf32, #tpu.memory_space<vmem>>[vector<16xi32>, vector<16xi32>, vector<16xi32>], vector<16xf32>,
          %parallel_loop3A_888 = arith.addf %parallel_loop3A_885, %parallel_loop3A_887 : vector<16xf32>
          %parallel_loop3A_889 = arith.subf %parallel_loop3A_888, %parallel_loop3A_886 : vector<16xf32>
          %parallel_loop3A_890 = arith.mulf %parallel_loop3A_889, %parallel_loop3A_889 : vector<16xf32>
          %parallel_loop3A_891 = arith.addf %parallel_loop3A_850, %parallel_loop3A_890 : vector<16xf32>
          %parallel_loop3A_892 = vector.broadcast %parallel_loop3A_868 : f32 to vector<16xf32>
          %parallel_loop3A_893 = arith.mulf %parallel_loop3A_889, %parallel_loop3A_892 : vector<16xf32>
          %parallel_loop3A_894 = arith.addf %parallel_loop3A_853, %parallel_loop3A_893 : vector<16xf32>
          %parallel_loop3A_895 = vector.broadcast %parallel_loop3A_864 : f32 to vector<16xf32>
          %parallel_loop3A_896 = arith.mulf %parallel_loop3A_885, %parallel_loop3A_895 : vector<16xf32>
          %parallel_loop3A_897 = arith.addf %parallel_loop3A_856, %parallel_loop3A_896 : vector<16xf32>
          %parallel_loop3A_898 = vector.broadcast %parallel_loop3A_866 : f32 to vector<16xf32>
          %parallel_loop3A_899 = arith.mulf %parallel_loop3A_886, %parallel_loop3A_898 : vector<16xf32>
          %parallel_loop3A_900 = arith.addf %parallel_loop3A_859, %parallel_loop3A_899 : vector<16xf32>
          %parallel_loop3A_901 = arith.constant 10 : i32
          %parallel_loop3A_902 = vector.broadcast %parallel_loop3A_901 : i32 to vector<16xi32>
          %parallel_loop3A_903 = arith.addi %parallel_loop3A_490, %parallel_loop3A_902 : vector<16xi32>
          %parallel_loop3A_904 = vector.extract_strided_slice %parallel_loop3A_485 {offsets = [10], sizes = [1], strides = [1]} : vector<16xf32> to vector<1xf32>
          %parallel_loop3A_905 = vector.extract %parallel_loop3A_904[0] : f32 from vector<1xf32>
          %parallel_loop3A_906 = vector.extract_strided_slice %parallel_loop3A_487 {offsets = [10], sizes = [1], strides = [1]} : vector<16xf32> to vector<1xf32>
          %parallel_loop3A_907 = vector.extract %parallel_loop3A_906[0] : f32 from vector<1xf32>
          %parallel_loop3A_908 = vector.extract_strided_slice %parallel_loop3A_489 {offsets = [10], sizes = [1], strides = [1]} : vector<16xf32> to vector<1xf32>
          %parallel_loop3A_909 = vector.extract %parallel_loop3A_908[0] : f32 from vector<1xf32>
          %parallel_loop3A_910 = tpu.vector_load_idx %arg9[%broadcast_in_dim3A_342, %add3A_5, %parallel_loop3A_903] : memref<2x32x512xf32, #tpu.memory_space<vmem>>[vector<16xi32>, vector<16xi32>, vector<16xi32>], vector<16xf32>,
          %parallel_loop3A_911 = tpu.vector_load_idx %arg10[%broadcast_in_dim3A_342, %add3A_5, %parallel_loop3A_903] : memref<2x32x512xf32, #tpu.memory_space<vmem>>[vector<16xi32>, vector<16xi32>, vector<16xi32>], vector<16xf32>,
          %parallel_loop3A_912 = tpu.vector_load_idx %arg11[%broadcast_in_dim3A_342, %add3A_5, %parallel_loop3A_903] : memref<2x32x512xf32, #tpu.memory_space<vmem>>[vector<16xi32>, vector<16xi32>, vector<16xi32>], vector<16xf32>,
          %parallel_loop3A_913 = arith.addf %parallel_loop3A_910, %parallel_loop3A_912 : vector<16xf32>
          %parallel_loop3A_914 = arith.subf %parallel_loop3A_913, %parallel_loop3A_911 : vector<16xf32>
          %parallel_loop3A_915 = arith.mulf %parallel_loop3A_914, %parallel_loop3A_914 : vector<16xf32>
          %parallel_loop3A_916 = arith.addf %parallel_loop3A_875, %parallel_loop3A_915 : vector<16xf32>
          %parallel_loop3A_917 = vector.broadcast %parallel_loop3A_909 : f32 to vector<16xf32>
          %parallel_loop3A_918 = arith.mulf %parallel_loop3A_914, %parallel_loop3A_917 : vector<16xf32>
          %parallel_loop3A_919 = arith.addf %parallel_loop3A_878, %parallel_loop3A_918 : vector<16xf32>
          %parallel_loop3A_920 = vector.broadcast %parallel_loop3A_905 : f32 to vector<16xf32>
          %parallel_loop3A_921 = arith.mulf %parallel_loop3A_910, %parallel_loop3A_920 : vector<16xf32>
          %parallel_loop3A_922 = arith.addf %parallel_loop3A_881, %parallel_loop3A_921 : vector<16xf32>
          %parallel_loop3A_923 = vector.broadcast %parallel_loop3A_907 : f32 to vector<16xf32>
          %parallel_loop3A_924 = arith.mulf %parallel_loop3A_911, %parallel_loop3A_923 : vector<16xf32>
          %parallel_loop3A_925 = arith.addf %parallel_loop3A_884, %parallel_loop3A_924 : vector<16xf32>
          %parallel_loop3A_926 = tpu.vector_load_idx %arg9[%broadcast_in_dim3A_342, %add3A_8, %parallel_loop3A_903] : memref<2x32x512xf32, #tpu.memory_space<vmem>>[vector<16xi32>, vector<16xi32>, vector<16xi32>], vector<16xf32>,
          %parallel_loop3A_927 = tpu.vector_load_idx %arg10[%broadcast_in_dim3A_342, %add3A_8, %parallel_loop3A_903] : memref<2x32x512xf32, #tpu.memory_space<vmem>>[vector<16xi32>, vector<16xi32>, vector<16xi32>], vector<16xf32>,
          %parallel_loop3A_928 = tpu.vector_load_idx %arg11[%broadcast_in_dim3A_342, %add3A_8, %parallel_loop3A_903] : memref<2x32x512xf32, #tpu.memory_space<vmem>>[vector<16xi32>, vector<16xi32>, vector<16xi32>], vector<16xf32>,
          %parallel_loop3A_929 = arith.addf %parallel_loop3A_926, %parallel_loop3A_928 : vector<16xf32>
          %parallel_loop3A_930 = arith.subf %parallel_loop3A_929, %parallel_loop3A_927 : vector<16xf32>
          %parallel_loop3A_931 = arith.mulf %parallel_loop3A_930, %parallel_loop3A_930 : vector<16xf32>
          %parallel_loop3A_932 = arith.addf %parallel_loop3A_891, %parallel_loop3A_931 : vector<16xf32>
          %parallel_loop3A_933 = vector.broadcast %parallel_loop3A_909 : f32 to vector<16xf32>
          %parallel_loop3A_934 = arith.mulf %parallel_loop3A_930, %parallel_loop3A_933 : vector<16xf32>
          %parallel_loop3A_935 = arith.addf %parallel_loop3A_894, %parallel_loop3A_934 : vector<16xf32>
          %parallel_loop3A_936 = vector.broadcast %parallel_loop3A_905 : f32 to vector<16xf32>
          %parallel_loop3A_937 = arith.mulf %parallel_loop3A_926, %parallel_loop3A_936 : vector<16xf32>
          %parallel_loop3A_938 = arith.addf %parallel_loop3A_897, %parallel_loop3A_937 : vector<16xf32>
          %parallel_loop3A_939 = vector.broadcast %parallel_loop3A_907 : f32 to vector<16xf32>
          %parallel_loop3A_940 = arith.mulf %parallel_loop3A_927, %parallel_loop3A_939 : vector<16xf32>
          %parallel_loop3A_941 = arith.addf %parallel_loop3A_900, %parallel_loop3A_940 : vector<16xf32>
          %parallel_loop3A_942 = arith.constant 11 : i32
          %parallel_loop3A_943 = vector.broadcast %parallel_loop3A_942 : i32 to vector<16xi32>
          %parallel_loop3A_944 = arith.addi %parallel_loop3A_490, %parallel_loop3A_943 : vector<16xi32>
          %parallel_loop3A_945 = vector.extract_strided_slice %parallel_loop3A_485 {offsets = [11], sizes = [1], strides = [1]} : vector<16xf32> to vector<1xf32>
          %parallel_loop3A_946 = vector.extract %parallel_loop3A_945[0] : f32 from vector<1xf32>
          %parallel_loop3A_947 = vector.extract_strided_slice %parallel_loop3A_487 {offsets = [11], sizes = [1], strides = [1]} : vector<16xf32> to vector<1xf32>
          %parallel_loop3A_948 = vector.extract %parallel_loop3A_947[0] : f32 from vector<1xf32>
          %parallel_loop3A_949 = vector.extract_strided_slice %parallel_loop3A_489 {offsets = [11], sizes = [1], strides = [1]} : vector<16xf32> to vector<1xf32>
          %parallel_loop3A_950 = vector.extract %parallel_loop3A_949[0] : f32 from vector<1xf32>
          %parallel_loop3A_951 = tpu.vector_load_idx %arg9[%broadcast_in_dim3A_342, %add3A_5, %parallel_loop3A_944] : memref<2x32x512xf32, #tpu.memory_space<vmem>>[vector<16xi32>, vector<16xi32>, vector<16xi32>], vector<16xf32>,
          %parallel_loop3A_952 = tpu.vector_load_idx %arg10[%broadcast_in_dim3A_342, %add3A_5, %parallel_loop3A_944] : memref<2x32x512xf32, #tpu.memory_space<vmem>>[vector<16xi32>, vector<16xi32>, vector<16xi32>], vector<16xf32>,
          %parallel_loop3A_953 = tpu.vector_load_idx %arg11[%broadcast_in_dim3A_342, %add3A_5, %parallel_loop3A_944] : memref<2x32x512xf32, #tpu.memory_space<vmem>>[vector<16xi32>, vector<16xi32>, vector<16xi32>], vector<16xf32>,
          %parallel_loop3A_954 = arith.addf %parallel_loop3A_951, %parallel_loop3A_953 : vector<16xf32>
          %parallel_loop3A_955 = arith.subf %parallel_loop3A_954, %parallel_loop3A_952 : vector<16xf32>
          %parallel_loop3A_956 = arith.mulf %parallel_loop3A_955, %parallel_loop3A_955 : vector<16xf32>
          %parallel_loop3A_957 = arith.addf %parallel_loop3A_916, %parallel_loop3A_956 : vector<16xf32>
          %parallel_loop3A_958 = vector.broadcast %parallel_loop3A_950 : f32 to vector<16xf32>
          %parallel_loop3A_959 = arith.mulf %parallel_loop3A_955, %parallel_loop3A_958 : vector<16xf32>
          %parallel_loop3A_960 = arith.addf %parallel_loop3A_919, %parallel_loop3A_959 : vector<16xf32>
          %parallel_loop3A_961 = vector.broadcast %parallel_loop3A_946 : f32 to vector<16xf32>
          %parallel_loop3A_962 = arith.mulf %parallel_loop3A_951, %parallel_loop3A_961 : vector<16xf32>
          %parallel_loop3A_963 = arith.addf %parallel_loop3A_922, %parallel_loop3A_962 : vector<16xf32>
          %parallel_loop3A_964 = vector.broadcast %parallel_loop3A_948 : f32 to vector<16xf32>
          %parallel_loop3A_965 = arith.mulf %parallel_loop3A_952, %parallel_loop3A_964 : vector<16xf32>
          %parallel_loop3A_966 = arith.addf %parallel_loop3A_925, %parallel_loop3A_965 : vector<16xf32>
          %parallel_loop3A_967 = tpu.vector_load_idx %arg9[%broadcast_in_dim3A_342, %add3A_8, %parallel_loop3A_944] : memref<2x32x512xf32, #tpu.memory_space<vmem>>[vector<16xi32>, vector<16xi32>, vector<16xi32>], vector<16xf32>,
          %parallel_loop3A_968 = tpu.vector_load_idx %arg10[%broadcast_in_dim3A_342, %add3A_8, %parallel_loop3A_944] : memref<2x32x512xf32, #tpu.memory_space<vmem>>[vector<16xi32>, vector<16xi32>, vector<16xi32>], vector<16xf32>,
          %parallel_loop3A_969 = tpu.vector_load_idx %arg11[%broadcast_in_dim3A_342, %add3A_8, %parallel_loop3A_944] : memref<2x32x512xf32, #tpu.memory_space<vmem>>[vector<16xi32>, vector<16xi32>, vector<16xi32>], vector<16xf32>,
          %parallel_loop3A_970 = arith.addf %parallel_loop3A_967, %parallel_loop3A_969 : vector<16xf32>
          %parallel_loop3A_971 = arith.subf %parallel_loop3A_970, %parallel_loop3A_968 : vector<16xf32>
          %parallel_loop3A_972 = arith.mulf %parallel_loop3A_971, %parallel_loop3A_971 : vector<16xf32>
          %parallel_loop3A_973 = arith.addf %parallel_loop3A_932, %parallel_loop3A_972 : vector<16xf32>
          %parallel_loop3A_974 = vector.broadcast %parallel_loop3A_950 : f32 to vector<16xf32>
          %parallel_loop3A_975 = arith.mulf %parallel_loop3A_971, %parallel_loop3A_974 : vector<16xf32>
          %parallel_loop3A_976 = arith.addf %parallel_loop3A_935, %parallel_loop3A_975 : vector<16xf32>
          %parallel_loop3A_977 = vector.broadcast %parallel_loop3A_946 : f32 to vector<16xf32>
          %parallel_loop3A_978 = arith.mulf %parallel_loop3A_967, %parallel_loop3A_977 : vector<16xf32>
          %parallel_loop3A_979 = arith.addf %parallel_loop3A_938, %parallel_loop3A_978 : vector<16xf32>
          %parallel_loop3A_980 = vector.broadcast %parallel_loop3A_948 : f32 to vector<16xf32>
          %parallel_loop3A_981 = arith.mulf %parallel_loop3A_968, %parallel_loop3A_980 : vector<16xf32>
          %parallel_loop3A_982 = arith.addf %parallel_loop3A_941, %parallel_loop3A_981 : vector<16xf32>
          %parallel_loop3A_983 = arith.constant 12 : i32
          %parallel_loop3A_984 = vector.broadcast %parallel_loop3A_983 : i32 to vector<16xi32>
          %parallel_loop3A_985 = arith.addi %parallel_loop3A_490, %parallel_loop3A_984 : vector<16xi32>
          %parallel_loop3A_986 = vector.extract_strided_slice %parallel_loop3A_485 {offsets = [12], sizes = [1], strides = [1]} : vector<16xf32> to vector<1xf32>
          %parallel_loop3A_987 = vector.extract %parallel_loop3A_986[0] : f32 from vector<1xf32>
          %parallel_loop3A_988 = vector.extract_strided_slice %parallel_loop3A_487 {offsets = [12], sizes = [1], strides = [1]} : vector<16xf32> to vector<1xf32>
          %parallel_loop3A_989 = vector.extract %parallel_loop3A_988[0] : f32 from vector<1xf32>
          %parallel_loop3A_990 = vector.extract_strided_slice %parallel_loop3A_489 {offsets = [12], sizes = [1], strides = [1]} : vector<16xf32> to vector<1xf32>
          %parallel_loop3A_991 = vector.extract %parallel_loop3A_990[0] : f32 from vector<1xf32>
          %parallel_loop3A_992 = tpu.vector_load_idx %arg9[%broadcast_in_dim3A_342, %add3A_5, %parallel_loop3A_985] : memref<2x32x512xf32, #tpu.memory_space<vmem>>[vector<16xi32>, vector<16xi32>, vector<16xi32>], vector<16xf32>,
          %parallel_loop3A_993 = tpu.vector_load_idx %arg10[%broadcast_in_dim3A_342, %add3A_5, %parallel_loop3A_985] : memref<2x32x512xf32, #tpu.memory_space<vmem>>[vector<16xi32>, vector<16xi32>, vector<16xi32>], vector<16xf32>,
          %parallel_loop3A_994 = tpu.vector_load_idx %arg11[%broadcast_in_dim3A_342, %add3A_5, %parallel_loop3A_985] : memref<2x32x512xf32, #tpu.memory_space<vmem>>[vector<16xi32>, vector<16xi32>, vector<16xi32>], vector<16xf32>,
          %parallel_loop3A_995 = arith.addf %parallel_loop3A_992, %parallel_loop3A_994 : vector<16xf32>
          %parallel_loop3A_996 = arith.subf %parallel_loop3A_995, %parallel_loop3A_993 : vector<16xf32>
          %parallel_loop3A_997 = arith.mulf %parallel_loop3A_996, %parallel_loop3A_996 : vector<16xf32>
          %parallel_loop3A_998 = arith.addf %parallel_loop3A_957, %parallel_loop3A_997 : vector<16xf32>
          %parallel_loop3A_999 = vector.broadcast %parallel_loop3A_991 : f32 to vector<16xf32>
          %parallel_loop3A_1000 = arith.mulf %parallel_loop3A_996, %parallel_loop3A_999 : vector<16xf32>
          %parallel_loop3A_1001 = arith.addf %parallel_loop3A_960, %parallel_loop3A_1000 : vector<16xf32>
          %parallel_loop3A_1002 = vector.broadcast %parallel_loop3A_987 : f32 to vector<16xf32>
          %parallel_loop3A_1003 = arith.mulf %parallel_loop3A_992, %parallel_loop3A_1002 : vector<16xf32>
          %parallel_loop3A_1004 = arith.addf %parallel_loop3A_963, %parallel_loop3A_1003 : vector<16xf32>
          %parallel_loop3A_1005 = vector.broadcast %parallel_loop3A_989 : f32 to vector<16xf32>
          %parallel_loop3A_1006 = arith.mulf %parallel_loop3A_993, %parallel_loop3A_1005 : vector<16xf32>
          %parallel_loop3A_1007 = arith.addf %parallel_loop3A_966, %parallel_loop3A_1006 : vector<16xf32>
          %parallel_loop3A_1008 = tpu.vector_load_idx %arg9[%broadcast_in_dim3A_342, %add3A_8, %parallel_loop3A_985] : memref<2x32x512xf32, #tpu.memory_space<vmem>>[vector<16xi32>, vector<16xi32>, vector<16xi32>], vector<16xf32>,
          %parallel_loop3A_1009 = tpu.vector_load_idx %arg10[%broadcast_in_dim3A_342, %add3A_8, %parallel_loop3A_985] : memref<2x32x512xf32, #tpu.memory_space<vmem>>[vector<16xi32>, vector<16xi32>, vector<16xi32>], vector<16xf32>,
          %parallel_loop3A_1010 = tpu.vector_load_idx %arg11[%broadcast_in_dim3A_342, %add3A_8, %parallel_loop3A_985] : memref<2x32x512xf32, #tpu.memory_space<vmem>>[vector<16xi32>, vector<16xi32>, vector<16xi32>], vector<16xf32>,
          %parallel_loop3A_1011 = arith.addf %parallel_loop3A_1008, %parallel_loop3A_1010 : vector<16xf32>
          %parallel_loop3A_1012 = arith.subf %parallel_loop3A_1011, %parallel_loop3A_1009 : vector<16xf32>
          %parallel_loop3A_1013 = arith.mulf %parallel_loop3A_1012, %parallel_loop3A_1012 : vector<16xf32>
          %parallel_loop3A_1014 = arith.addf %parallel_loop3A_973, %parallel_loop3A_1013 : vector<16xf32>
          %parallel_loop3A_1015 = vector.broadcast %parallel_loop3A_991 : f32 to vector<16xf32>
          %parallel_loop3A_1016 = arith.mulf %parallel_loop3A_1012, %parallel_loop3A_1015 : vector<16xf32>
          %parallel_loop3A_1017 = arith.addf %parallel_loop3A_976, %parallel_loop3A_1016 : vector<16xf32>
          %parallel_loop3A_1018 = vector.broadcast %parallel_loop3A_987 : f32 to vector<16xf32>
          %parallel_loop3A_1019 = arith.mulf %parallel_loop3A_1008, %parallel_loop3A_1018 : vector<16xf32>
          %parallel_loop3A_1020 = arith.addf %parallel_loop3A_979, %parallel_loop3A_1019 : vector<16xf32>
          %parallel_loop3A_1021 = vector.broadcast %parallel_loop3A_989 : f32 to vector<16xf32>
          %parallel_loop3A_1022 = arith.mulf %parallel_loop3A_1009, %parallel_loop3A_1021 : vector<16xf32>
          %parallel_loop3A_1023 = arith.addf %parallel_loop3A_982, %parallel_loop3A_1022 : vector<16xf32>
          %parallel_loop3A_1024 = arith.constant 13 : i32
          %parallel_loop3A_1025 = vector.broadcast %parallel_loop3A_1024 : i32 to vector<16xi32>
          %parallel_loop3A_1026 = arith.addi %parallel_loop3A_490, %parallel_loop3A_1025 : vector<16xi32>
          %parallel_loop3A_1027 = vector.extract_strided_slice %parallel_loop3A_485 {offsets = [13], sizes = [1], strides = [1]} : vector<16xf32> to vector<1xf32>
          %parallel_loop3A_1028 = vector.extract %parallel_loop3A_1027[0] : f32 from vector<1xf32>
          %parallel_loop3A_1029 = vector.extract_strided_slice %parallel_loop3A_487 {offsets = [13], sizes = [1], strides = [1]} : vector<16xf32> to vector<1xf32>
          %parallel_loop3A_1030 = vector.extract %parallel_loop3A_1029[0] : f32 from vector<1xf32>
          %parallel_loop3A_1031 = vector.extract_strided_slice %parallel_loop3A_489 {offsets = [13], sizes = [1], strides = [1]} : vector<16xf32> to vector<1xf32>
          %parallel_loop3A_1032 = vector.extract %parallel_loop3A_1031[0] : f32 from vector<1xf32>
          %parallel_loop3A_1033 = tpu.vector_load_idx %arg9[%broadcast_in_dim3A_342, %add3A_5, %parallel_loop3A_1026] : memref<2x32x512xf32, #tpu.memory_space<vmem>>[vector<16xi32>, vector<16xi32>, vector<16xi32>], vector<16xf32>,
          %parallel_loop3A_1034 = tpu.vector_load_idx %arg10[%broadcast_in_dim3A_342, %add3A_5, %parallel_loop3A_1026] : memref<2x32x512xf32, #tpu.memory_space<vmem>>[vector<16xi32>, vector<16xi32>, vector<16xi32>], vector<16xf32>,
          %parallel_loop3A_1035 = tpu.vector_load_idx %arg11[%broadcast_in_dim3A_342, %add3A_5, %parallel_loop3A_1026] : memref<2x32x512xf32, #tpu.memory_space<vmem>>[vector<16xi32>, vector<16xi32>, vector<16xi32>], vector<16xf32>,
          %parallel_loop3A_1036 = arith.addf %parallel_loop3A_1033, %parallel_loop3A_1035 : vector<16xf32>
          %parallel_loop3A_1037 = arith.subf %parallel_loop3A_1036, %parallel_loop3A_1034 : vector<16xf32>
          %parallel_loop3A_1038 = arith.mulf %parallel_loop3A_1037, %parallel_loop3A_1037 : vector<16xf32>
          %parallel_loop3A_1039 = arith.addf %parallel_loop3A_998, %parallel_loop3A_1038 : vector<16xf32>
          %parallel_loop3A_1040 = vector.broadcast %parallel_loop3A_1032 : f32 to vector<16xf32>
          %parallel_loop3A_1041 = arith.mulf %parallel_loop3A_1037, %parallel_loop3A_1040 : vector<16xf32>
          %parallel_loop3A_1042 = arith.addf %parallel_loop3A_1001, %parallel_loop3A_1041 : vector<16xf32>
          %parallel_loop3A_1043 = vector.broadcast %parallel_loop3A_1028 : f32 to vector<16xf32>
          %parallel_loop3A_1044 = arith.mulf %parallel_loop3A_1033, %parallel_loop3A_1043 : vector<16xf32>
          %parallel_loop3A_1045 = arith.addf %parallel_loop3A_1004, %parallel_loop3A_1044 : vector<16xf32>
          %parallel_loop3A_1046 = vector.broadcast %parallel_loop3A_1030 : f32 to vector<16xf32>
          %parallel_loop3A_1047 = arith.mulf %parallel_loop3A_1034, %parallel_loop3A_1046 : vector<16xf32>
          %parallel_loop3A_1048 = arith.addf %parallel_loop3A_1007, %parallel_loop3A_1047 : vector<16xf32>
          %parallel_loop3A_1049 = tpu.vector_load_idx %arg9[%broadcast_in_dim3A_342, %add3A_8, %parallel_loop3A_1026] : memref<2x32x512xf32, #tpu.memory_space<vmem>>[vector<16xi32>, vector<16xi32>, vector<16xi32>], vector<16xf32>,
          %parallel_loop3A_1050 = tpu.vector_load_idx %arg10[%broadcast_in_dim3A_342, %add3A_8, %parallel_loop3A_1026] : memref<2x32x512xf32, #tpu.memory_space<vmem>>[vector<16xi32>, vector<16xi32>, vector<16xi32>], vector<16xf32>,
          %parallel_loop3A_1051 = tpu.vector_load_idx %arg11[%broadcast_in_dim3A_342, %add3A_8, %parallel_loop3A_1026] : memref<2x32x512xf32, #tpu.memory_space<vmem>>[vector<16xi32>, vector<16xi32>, vector<16xi32>], vector<16xf32>,
          %parallel_loop3A_1052 = arith.addf %parallel_loop3A_1049, %parallel_loop3A_1051 : vector<16xf32>
          %parallel_loop3A_1053 = arith.subf %parallel_loop3A_1052, %parallel_loop3A_1050 : vector<16xf32>
          %parallel_loop3A_1054 = arith.mulf %parallel_loop3A_1053, %parallel_loop3A_1053 : vector<16xf32>
          %parallel_loop3A_1055 = arith.addf %parallel_loop3A_1014, %parallel_loop3A_1054 : vector<16xf32>
          %parallel_loop3A_1056 = vector.broadcast %parallel_loop3A_1032 : f32 to vector<16xf32>
          %parallel_loop3A_1057 = arith.mulf %parallel_loop3A_1053, %parallel_loop3A_1056 : vector<16xf32>
          %parallel_loop3A_1058 = arith.addf %parallel_loop3A_1017, %parallel_loop3A_1057 : vector<16xf32>
          %parallel_loop3A_1059 = vector.broadcast %parallel_loop3A_1028 : f32 to vector<16xf32>
          %parallel_loop3A_1060 = arith.mulf %parallel_loop3A_1049, %parallel_loop3A_1059 : vector<16xf32>
          %parallel_loop3A_1061 = arith.addf %parallel_loop3A_1020, %parallel_loop3A_1060 : vector<16xf32>
          %parallel_loop3A_1062 = vector.broadcast %parallel_loop3A_1030 : f32 to vector<16xf32>
          %parallel_loop3A_1063 = arith.mulf %parallel_loop3A_1050, %parallel_loop3A_1062 : vector<16xf32>
          %parallel_loop3A_1064 = arith.addf %parallel_loop3A_1023, %parallel_loop3A_1063 : vector<16xf32>
          %parallel_loop3A_1065 = arith.constant 14 : i32
          %parallel_loop3A_1066 = vector.broadcast %parallel_loop3A_1065 : i32 to vector<16xi32>
          %parallel_loop3A_1067 = arith.addi %parallel_loop3A_490, %parallel_loop3A_1066 : vector<16xi32>
          %parallel_loop3A_1068 = vector.extract_strided_slice %parallel_loop3A_485 {offsets = [14], sizes = [1], strides = [1]} : vector<16xf32> to vector<1xf32>
          %parallel_loop3A_1069 = vector.extract %parallel_loop3A_1068[0] : f32 from vector<1xf32>
          %parallel_loop3A_1070 = vector.extract_strided_slice %parallel_loop3A_487 {offsets = [14], sizes = [1], strides = [1]} : vector<16xf32> to vector<1xf32>
          %parallel_loop3A_1071 = vector.extract %parallel_loop3A_1070[0] : f32 from vector<1xf32>
          %parallel_loop3A_1072 = vector.extract_strided_slice %parallel_loop3A_489 {offsets = [14], sizes = [1], strides = [1]} : vector<16xf32> to vector<1xf32>
          %parallel_loop3A_1073 = vector.extract %parallel_loop3A_1072[0] : f32 from vector<1xf32>
          %parallel_loop3A_1074 = tpu.vector_load_idx %arg9[%broadcast_in_dim3A_342, %add3A_5, %parallel_loop3A_1067] : memref<2x32x512xf32, #tpu.memory_space<vmem>>[vector<16xi32>, vector<16xi32>, vector<16xi32>], vector<16xf32>,
          %parallel_loop3A_1075 = tpu.vector_load_idx %arg10[%broadcast_in_dim3A_342, %add3A_5, %parallel_loop3A_1067] : memref<2x32x512xf32, #tpu.memory_space<vmem>>[vector<16xi32>, vector<16xi32>, vector<16xi32>], vector<16xf32>,
          %parallel_loop3A_1076 = tpu.vector_load_idx %arg11[%broadcast_in_dim3A_342, %add3A_5, %parallel_loop3A_1067] : memref<2x32x512xf32, #tpu.memory_space<vmem>>[vector<16xi32>, vector<16xi32>, vector<16xi32>], vector<16xf32>,
          %parallel_loop3A_1077 = arith.addf %parallel_loop3A_1074, %parallel_loop3A_1076 : vector<16xf32>
          %parallel_loop3A_1078 = arith.subf %parallel_loop3A_1077, %parallel_loop3A_1075 : vector<16xf32>
          %parallel_loop3A_1079 = arith.mulf %parallel_loop3A_1078, %parallel_loop3A_1078 : vector<16xf32>
          %parallel_loop3A_1080 = arith.addf %parallel_loop3A_1039, %parallel_loop3A_1079 : vector<16xf32>
          %parallel_loop3A_1081 = vector.broadcast %parallel_loop3A_1073 : f32 to vector<16xf32>
          %parallel_loop3A_1082 = arith.mulf %parallel_loop3A_1078, %parallel_loop3A_1081 : vector<16xf32>
          %parallel_loop3A_1083 = arith.addf %parallel_loop3A_1042, %parallel_loop3A_1082 : vector<16xf32>
          %parallel_loop3A_1084 = vector.broadcast %parallel_loop3A_1069 : f32 to vector<16xf32>
          %parallel_loop3A_1085 = arith.mulf %parallel_loop3A_1074, %parallel_loop3A_1084 : vector<16xf32>
          %parallel_loop3A_1086 = arith.addf %parallel_loop3A_1045, %parallel_loop3A_1085 : vector<16xf32>
          %parallel_loop3A_1087 = vector.broadcast %parallel_loop3A_1071 : f32 to vector<16xf32>
          %parallel_loop3A_1088 = arith.mulf %parallel_loop3A_1075, %parallel_loop3A_1087 : vector<16xf32>
          %parallel_loop3A_1089 = arith.addf %parallel_loop3A_1048, %parallel_loop3A_1088 : vector<16xf32>
          %parallel_loop3A_1090 = tpu.vector_load_idx %arg9[%broadcast_in_dim3A_342, %add3A_8, %parallel_loop3A_1067] : memref<2x32x512xf32, #tpu.memory_space<vmem>>[vector<16xi32>, vector<16xi32>, vector<16xi32>], vector<16xf32>,
          %parallel_loop3A_1091 = tpu.vector_load_idx %arg10[%broadcast_in_dim3A_342, %add3A_8, %parallel_loop3A_1067] : memref<2x32x512xf32, #tpu.memory_space<vmem>>[vector<16xi32>, vector<16xi32>, vector<16xi32>], vector<16xf32>,
          %parallel_loop3A_1092 = tpu.vector_load_idx %arg11[%broadcast_in_dim3A_342, %add3A_8, %parallel_loop3A_1067] : memref<2x32x512xf32, #tpu.memory_space<vmem>>[vector<16xi32>, vector<16xi32>, vector<16xi32>], vector<16xf32>,
          %parallel_loop3A_1093 = arith.addf %parallel_loop3A_1090, %parallel_loop3A_1092 : vector<16xf32>
          %parallel_loop3A_1094 = arith.subf %parallel_loop3A_1093, %parallel_loop3A_1091 : vector<16xf32>
          %parallel_loop3A_1095 = arith.mulf %parallel_loop3A_1094, %parallel_loop3A_1094 : vector<16xf32>
          %parallel_loop3A_1096 = arith.addf %parallel_loop3A_1055, %parallel_loop3A_1095 : vector<16xf32>
          %parallel_loop3A_1097 = vector.broadcast %parallel_loop3A_1073 : f32 to vector<16xf32>
          %parallel_loop3A_1098 = arith.mulf %parallel_loop3A_1094, %parallel_loop3A_1097 : vector<16xf32>
          %parallel_loop3A_1099 = arith.addf %parallel_loop3A_1058, %parallel_loop3A_1098 : vector<16xf32>
          %parallel_loop3A_1100 = vector.broadcast %parallel_loop3A_1069 : f32 to vector<16xf32>
          %parallel_loop3A_1101 = arith.mulf %parallel_loop3A_1090, %parallel_loop3A_1100 : vector<16xf32>
          %parallel_loop3A_1102 = arith.addf %parallel_loop3A_1061, %parallel_loop3A_1101 : vector<16xf32>
          %parallel_loop3A_1103 = vector.broadcast %parallel_loop3A_1071 : f32 to vector<16xf32>
          %parallel_loop3A_1104 = arith.mulf %parallel_loop3A_1091, %parallel_loop3A_1103 : vector<16xf32>
          %parallel_loop3A_1105 = arith.addf %parallel_loop3A_1064, %parallel_loop3A_1104 : vector<16xf32>
          %parallel_loop3A_1106 = arith.constant 15 : i32
          %parallel_loop3A_1107 = vector.broadcast %parallel_loop3A_1106 : i32 to vector<16xi32>
          %parallel_loop3A_1108 = arith.addi %parallel_loop3A_490, %parallel_loop3A_1107 : vector<16xi32>
          %parallel_loop3A_1109 = vector.extract_strided_slice %parallel_loop3A_485 {offsets = [15], sizes = [1], strides = [1]} : vector<16xf32> to vector<1xf32>
          %parallel_loop3A_1110 = vector.extract %parallel_loop3A_1109[0] : f32 from vector<1xf32>
          %parallel_loop3A_1111 = vector.extract_strided_slice %parallel_loop3A_487 {offsets = [15], sizes = [1], strides = [1]} : vector<16xf32> to vector<1xf32>
          %parallel_loop3A_1112 = vector.extract %parallel_loop3A_1111[0] : f32 from vector<1xf32>
          %parallel_loop3A_1113 = vector.extract_strided_slice %parallel_loop3A_489 {offsets = [15], sizes = [1], strides = [1]} : vector<16xf32> to vector<1xf32>
          %parallel_loop3A_1114 = vector.extract %parallel_loop3A_1113[0] : f32 from vector<1xf32>
          %parallel_loop3A_1115 = tpu.vector_load_idx %arg9[%broadcast_in_dim3A_342, %add3A_5, %parallel_loop3A_1108] : memref<2x32x512xf32, #tpu.memory_space<vmem>>[vector<16xi32>, vector<16xi32>, vector<16xi32>], vector<16xf32>,
          %parallel_loop3A_1116 = tpu.vector_load_idx %arg10[%broadcast_in_dim3A_342, %add3A_5, %parallel_loop3A_1108] : memref<2x32x512xf32, #tpu.memory_space<vmem>>[vector<16xi32>, vector<16xi32>, vector<16xi32>], vector<16xf32>,
          %parallel_loop3A_1117 = tpu.vector_load_idx %arg11[%broadcast_in_dim3A_342, %add3A_5, %parallel_loop3A_1108] : memref<2x32x512xf32, #tpu.memory_space<vmem>>[vector<16xi32>, vector<16xi32>, vector<16xi32>], vector<16xf32>,
          %parallel_loop3A_1118 = arith.addf %parallel_loop3A_1115, %parallel_loop3A_1117 : vector<16xf32>
          %parallel_loop3A_1119 = arith.subf %parallel_loop3A_1118, %parallel_loop3A_1116 : vector<16xf32>
          %parallel_loop3A_1120 = arith.mulf %parallel_loop3A_1119, %parallel_loop3A_1119 : vector<16xf32>
          %parallel_loop3A_1121 = arith.addf %parallel_loop3A_1080, %parallel_loop3A_1120 : vector<16xf32>
          %parallel_loop3A_1122 = vector.broadcast %parallel_loop3A_1114 : f32 to vector<16xf32>
          %parallel_loop3A_1123 = arith.mulf %parallel_loop3A_1119, %parallel_loop3A_1122 : vector<16xf32>
          %parallel_loop3A_1124 = arith.addf %parallel_loop3A_1083, %parallel_loop3A_1123 : vector<16xf32>
          %parallel_loop3A_1125 = vector.broadcast %parallel_loop3A_1110 : f32 to vector<16xf32>
          %parallel_loop3A_1126 = arith.mulf %parallel_loop3A_1115, %parallel_loop3A_1125 : vector<16xf32>
          %parallel_loop3A_1127 = arith.addf %parallel_loop3A_1086, %parallel_loop3A_1126 : vector<16xf32>
          %parallel_loop3A_1128 = vector.broadcast %parallel_loop3A_1112 : f32 to vector<16xf32>
          %parallel_loop3A_1129 = arith.mulf %parallel_loop3A_1116, %parallel_loop3A_1128 : vector<16xf32>
          %parallel_loop3A_1130 = arith.addf %parallel_loop3A_1089, %parallel_loop3A_1129 : vector<16xf32>
          %parallel_loop3A_1131 = tpu.vector_load_idx %arg9[%broadcast_in_dim3A_342, %add3A_8, %parallel_loop3A_1108] : memref<2x32x512xf32, #tpu.memory_space<vmem>>[vector<16xi32>, vector<16xi32>, vector<16xi32>], vector<16xf32>,
          %parallel_loop3A_1132 = tpu.vector_load_idx %arg10[%broadcast_in_dim3A_342, %add3A_8, %parallel_loop3A_1108] : memref<2x32x512xf32, #tpu.memory_space<vmem>>[vector<16xi32>, vector<16xi32>, vector<16xi32>], vector<16xf32>,
          %parallel_loop3A_1133 = tpu.vector_load_idx %arg11[%broadcast_in_dim3A_342, %add3A_8, %parallel_loop3A_1108] : memref<2x32x512xf32, #tpu.memory_space<vmem>>[vector<16xi32>, vector<16xi32>, vector<16xi32>], vector<16xf32>,
          %parallel_loop3A_1134 = arith.addf %parallel_loop3A_1131, %parallel_loop3A_1133 : vector<16xf32>
          %parallel_loop3A_1135 = arith.subf %parallel_loop3A_1134, %parallel_loop3A_1132 : vector<16xf32>
          %parallel_loop3A_1136 = arith.mulf %parallel_loop3A_1135, %parallel_loop3A_1135 : vector<16xf32>
          %parallel_loop3A_1137 = arith.addf %parallel_loop3A_1096, %parallel_loop3A_1136 : vector<16xf32>
          %parallel_loop3A_1138 = vector.broadcast %parallel_loop3A_1114 : f32 to vector<16xf32>
          %parallel_loop3A_1139 = arith.mulf %parallel_loop3A_1135, %parallel_loop3A_1138 : vector<16xf32>
          %parallel_loop3A_1140 = arith.addf %parallel_loop3A_1099, %parallel_loop3A_1139 : vector<16xf32>
          %parallel_loop3A_1141 = vector.broadcast %parallel_loop3A_1110 : f32 to vector<16xf32>
          %parallel_loop3A_1142 = arith.mulf %parallel_loop3A_1131, %parallel_loop3A_1141 : vector<16xf32>
          %parallel_loop3A_1143 = arith.addf %parallel_loop3A_1102, %parallel_loop3A_1142 : vector<16xf32>
          %parallel_loop3A_1144 = vector.broadcast %parallel_loop3A_1112 : f32 to vector<16xf32>
          %parallel_loop3A_1145 = arith.mulf %parallel_loop3A_1132, %parallel_loop3A_1144 : vector<16xf32>
          %parallel_loop3A_1146 = arith.addf %parallel_loop3A_1105, %parallel_loop3A_1145 : vector<16xf32>
          scf.yield %parallel_loop3A_1121, %parallel_loop3A_1124, %parallel_loop3A_1127, %parallel_loop3A_1130, %parallel_loop3A_1137, %parallel_loop3A_1140, %parallel_loop3A_1143, %parallel_loop3A_1146 : vector<16xf32>, vector<16xf32>, vector<16xf32>, vector<16xf32>, vector<16xf32>, vector<16xf32>, vector<16xf32>, vector<16xf32>
        } {sc.loop_unroll_factor = 2 : i64, sc.parallel_access}
        %sub3A = arith.subf %parallel_loop3A_347#2, %parallel_loop3A_347#3 : vector<16xf32>
        %mul3A_348 = arith.constant 2.000000e+00 : f32
        %mul3A_349 = vector.broadcast %mul3A_348 : f32 to vector<16xf32>
        %mul3A_350 = arith.mulf %mul3A_349, %sub3A : vector<16xf32>
        %mul3A_351 = arith.mulf %mul3A_350, %parallel_loop3A_347#1 : vector<16xf32>
        %add3A_352 = arith.addf %parallel_loop3A_347#0, %mul3A_351 : vector<16xf32>
        %mul3A_353 = arith.mulf %sub3A, %sub3A : vector<16xf32>
        %mul3A_354 = vector.broadcast %add3A_237 : f32 to vector<16xf32>
        %mul3A_355 = arith.mulf %mul3A_353, %mul3A_354 : vector<16xf32>
        %add3A_356 = arith.addf %add3A_352, %mul3A_355 : vector<16xf32>
        %mul3A_357 = arith.constant 32 : i32
        %mul3A_358 = arith.muli %mul3A_245, %mul3A_357 : i32
        %add3A_359 = arith.constant 0 : i32
        %add3A_360 = arith.addi %mul3A_358, %add3A_359 : i32
        %swap3A = arith.index_cast %add3A_360 : i32 to index
        %swap3A_361 = tpu.vector_load %arg15[%swap3A] {strides = array<i32>} : memref<512xf32, #tpu.memory_space<vmem>>, vector<16xf32>,
        tpu.vector_store %arg15[%swap3A], %add3A_356 {strides = array<i32>} : memref<512xf32, #tpu.memory_space<vmem>>, vector<16xf32>,
        %sub3A_362 = arith.subf %parallel_loop3A_347#6, %parallel_loop3A_347#7 : vector<16xf32>
        %mul3A_363 = arith.constant 2.000000e+00 : f32
        %mul3A_364 = vector.broadcast %mul3A_363 : f32 to vector<16xf32>
        %mul3A_365 = arith.mulf %mul3A_364, %sub3A_362 : vector<16xf32>
        %mul3A_366 = arith.mulf %mul3A_365, %parallel_loop3A_347#5 : vector<16xf32>
        %add3A_367 = arith.addf %parallel_loop3A_347#4, %mul3A_366 : vector<16xf32>
        %mul3A_368 = arith.mulf %sub3A_362, %sub3A_362 : vector<16xf32>
        %mul3A_369 = vector.broadcast %add3A_237 : f32 to vector<16xf32>
        %mul3A_370 = arith.mulf %mul3A_368, %mul3A_369 : vector<16xf32>
        %add3A_371 = arith.addf %add3A_367, %mul3A_370 : vector<16xf32>
        %mul3A_372 = arith.constant 32 : i32
        %mul3A_373 = arith.muli %mul3A_245, %mul3A_372 : i32
        %add3A_374 = arith.constant 16 : i32
        %add3A_375 = arith.addi %mul3A_373, %add3A_374 : i32
        %swap3A_376 = arith.index_cast %add3A_375 : i32 to index
        %swap3A_377 = tpu.vector_load %arg15[%swap3A_376] {strides = array<i32>} : memref<512xf32, #tpu.memory_space<vmem>>, vector<16xf32>,
        tpu.vector_store %arg15[%swap3A_376], %add3A_371 {strides = array<i32>} : memref<512xf32, #tpu.memory_space<vmem>>, vector<16xf32>,
        %add3A_378 = arith.constant 1 : i32
        %add3A_379 = arith.addi %scan3A_243, %add3A_378 : i32
        %lt3A = arith.constant 8 : i32
        %lt3A_380 = arith.cmpi slt, %add3A_379, %lt3A : i32
        %convert_element_type3A = arith.extui %lt3A_380 : i1 to i32
        %cond3A = arith.constant 0 : i32
        %cond3A_381 = arith.cmpi ne, %convert_element_type3A, %cond3A : i32
        scf.if %cond3A_381 {
          %add3A_473 = arith.constant 2 : i32
          %add3A_474 = arith.addi %mul3A_245, %add3A_473 : i32
          %mul3A_475 = arith.constant 32 : i32
          %mul3A_476 = arith.muli %add3A_474, %mul3A_475 : i32
          %dma_start3A_477 = arith.constant 0 : i32
          %dma_start3A_478 = arith.constant 0 : i32
          %dma_start3A_479 = arith.constant 0 : i32
          %dma_start3A_480 = tpu.memref_slice %arg9[%dma_start3A_477, %dma_start3A_478, %dma_start3A_479] : memref<2x32x512xf32, #tpu.memory_space<vmem>> -> memref<1x32x512xf32, #tpu.memory_space<vmem>>
          %dma_start3A_481 = tpu.memref_squeeze %dma_start3A_480 : memref<1x32x512xf32, #tpu.memory_space<vmem>> -> memref<32x512xf32, #tpu.memory_space<vmem>>
          %dma_start3A_482 = arith.constant 0 : i32
          %dma_start3A_483 = tpu.memref_slice %arg2[%add3A_14, %mul3A_476, %dma_start3A_482] : memref<256x512x512xf32, #tpu.memory_space<hbm>> -> memref<1x32x512xf32, #tpu.memory_space<hbm>>
          %dma_start3A_484 = tpu.memref_squeeze %dma_start3A_483 : memref<1x32x512xf32, #tpu.memory_space<hbm>> -> memref<32x512xf32, #tpu.memory_space<hbm>>
          %dma_start3A_485 = arith.constant 0 : i32
          %dma_start3A_486 = arith.constant 0 : i32
          %dma_start3A_487 = tpu.memref_slice %arg9[%dma_start3A_477, %dma_start3A_485, %dma_start3A_486] : memref<2x32x512xf32, #tpu.memory_space<vmem>> -> memref<1x32x512xf32, #tpu.memory_space<vmem>>
          %dma_start3A_488 = tpu.memref_squeeze %dma_start3A_487 : memref<1x32x512xf32, #tpu.memory_space<vmem>> -> memref<32x512xf32, #tpu.memory_space<vmem>>
          %dma_start3A_489 = arith.constant 0 : i32
          %dma_start3A_490 = tpu.memref_slice %arg2[%add3A_14, %mul3A_476, %dma_start3A_489] : memref<256x512x512xf32, #tpu.memory_space<hbm>> -> memref<1x32x512xf32, #tpu.memory_space<hbm>>
          %dma_start3A_491 = tpu.memref_squeeze %dma_start3A_490 : memref<1x32x512xf32, #tpu.memory_space<hbm>> -> memref<32x512xf32, #tpu.memory_space<hbm>>
          tpu.enqueue_dma source(%dma_start3A_491 : memref<32x512xf32, #tpu.memory_space<hbm>>) target(%dma_start3A_488 : memref<32x512xf32, #tpu.memory_space<vmem>>) target_semaphore(%arg16 : memref<!tpu.dma_semaphore, #tpu.memory_space<semaphore_mem>>)
          %dma_start3A_492 = arith.constant 0 : i32
          %dma_start3A_493 = arith.constant 0 : i32
          %dma_start3A_494 = arith.constant 0 : i32
          %dma_start3A_495 = tpu.memref_slice %arg10[%dma_start3A_492, %dma_start3A_493, %dma_start3A_494] : memref<2x32x512xf32, #tpu.memory_space<vmem>> -> memref<1x32x512xf32, #tpu.memory_space<vmem>>
          %dma_start3A_496 = tpu.memref_squeeze %dma_start3A_495 : memref<1x32x512xf32, #tpu.memory_space<vmem>> -> memref<32x512xf32, #tpu.memory_space<vmem>>
          %dma_start3A_497 = arith.constant 0 : i32
          %dma_start3A_498 = tpu.memref_slice %arg3[%add3A_14, %mul3A_476, %dma_start3A_497] : memref<256x512x512xf32, #tpu.memory_space<hbm>> -> memref<1x32x512xf32, #tpu.memory_space<hbm>>
          %dma_start3A_499 = tpu.memref_squeeze %dma_start3A_498 : memref<1x32x512xf32, #tpu.memory_space<hbm>> -> memref<32x512xf32, #tpu.memory_space<hbm>>
          %dma_start3A_500 = arith.constant 0 : i32
          %dma_start3A_501 = arith.constant 0 : i32
          %dma_start3A_502 = tpu.memref_slice %arg10[%dma_start3A_492, %dma_start3A_500, %dma_start3A_501] : memref<2x32x512xf32, #tpu.memory_space<vmem>> -> memref<1x32x512xf32, #tpu.memory_space<vmem>>
          %dma_start3A_503 = tpu.memref_squeeze %dma_start3A_502 : memref<1x32x512xf32, #tpu.memory_space<vmem>> -> memref<32x512xf32, #tpu.memory_space<vmem>>
          %dma_start3A_504 = arith.constant 0 : i32
          %dma_start3A_505 = tpu.memref_slice %arg3[%add3A_14, %mul3A_476, %dma_start3A_504] : memref<256x512x512xf32, #tpu.memory_space<hbm>> -> memref<1x32x512xf32, #tpu.memory_space<hbm>>
          %dma_start3A_506 = tpu.memref_squeeze %dma_start3A_505 : memref<1x32x512xf32, #tpu.memory_space<hbm>> -> memref<32x512xf32, #tpu.memory_space<hbm>>
          tpu.enqueue_dma source(%dma_start3A_506 : memref<32x512xf32, #tpu.memory_space<hbm>>) target(%dma_start3A_503 : memref<32x512xf32, #tpu.memory_space<vmem>>) target_semaphore(%arg16 : memref<!tpu.dma_semaphore, #tpu.memory_space<semaphore_mem>>)
          %dma_start3A_507 = arith.constant 0 : i32
          %dma_start3A_508 = arith.constant 0 : i32
          %dma_start3A_509 = arith.constant 0 : i32
          %dma_start3A_510 = tpu.memref_slice %arg11[%dma_start3A_507, %dma_start3A_508, %dma_start3A_509] : memref<2x32x512xf32, #tpu.memory_space<vmem>> -> memref<1x32x512xf32, #tpu.memory_space<vmem>>
          %dma_start3A_511 = tpu.memref_squeeze %dma_start3A_510 : memref<1x32x512xf32, #tpu.memory_space<vmem>> -> memref<32x512xf32, #tpu.memory_space<vmem>>
          %dma_start3A_512 = arith.constant 0 : i32
          %dma_start3A_513 = tpu.memref_slice %arg4[%add3A_14, %mul3A_476, %dma_start3A_512] : memref<256x512x512xf32, #tpu.memory_space<hbm>> -> memref<1x32x512xf32, #tpu.memory_space<hbm>>
          %dma_start3A_514 = tpu.memref_squeeze %dma_start3A_513 : memref<1x32x512xf32, #tpu.memory_space<hbm>> -> memref<32x512xf32, #tpu.memory_space<hbm>>
          %dma_start3A_515 = arith.constant 0 : i32
          %dma_start3A_516 = arith.constant 0 : i32
          %dma_start3A_517 = tpu.memref_slice %arg11[%dma_start3A_507, %dma_start3A_515, %dma_start3A_516] : memref<2x32x512xf32, #tpu.memory_space<vmem>> -> memref<1x32x512xf32, #tpu.memory_space<vmem>>
          %dma_start3A_518 = tpu.memref_squeeze %dma_start3A_517 : memref<1x32x512xf32, #tpu.memory_space<vmem>> -> memref<32x512xf32, #tpu.memory_space<vmem>>
          %dma_start3A_519 = arith.constant 0 : i32
          %dma_start3A_520 = tpu.memref_slice %arg4[%add3A_14, %mul3A_476, %dma_start3A_519] : memref<256x512x512xf32, #tpu.memory_space<hbm>> -> memref<1x32x512xf32, #tpu.memory_space<hbm>>
          %dma_start3A_521 = tpu.memref_squeeze %dma_start3A_520 : memref<1x32x512xf32, #tpu.memory_space<hbm>> -> memref<32x512xf32, #tpu.memory_space<hbm>>
          tpu.enqueue_dma source(%dma_start3A_521 : memref<32x512xf32, #tpu.memory_space<hbm>>) target(%dma_start3A_518 : memref<32x512xf32, #tpu.memory_space<vmem>>) target_semaphore(%arg16 : memref<!tpu.dma_semaphore, #tpu.memory_space<semaphore_mem>>)
        } else {
        }
        %add3A_382 = arith.constant 1 : i32
        %add3A_383 = arith.addi %mul3A_245, %add3A_382 : i32
        %mul3A_384 = arith.constant 32 : i32
        %mul3A_385 = arith.muli %add3A_383, %mul3A_384 : i32
        %dma_wait3A_386 = arith.constant 1 : i32
        %dma_wait3A_387 = arith.constant 0 : i32
        %dma_wait3A_388 = arith.constant 0 : i32
        %dma_wait3A_389 = tpu.memref_slice %arg9[%dma_wait3A_386, %dma_wait3A_387, %dma_wait3A_388] : memref<2x32x512xf32, #tpu.memory_space<vmem>> -> memref<1x32x512xf32, #tpu.memory_space<vmem>>
        %dma_wait3A_390 = tpu.memref_squeeze %dma_wait3A_389 : memref<1x32x512xf32, #tpu.memory_space<vmem>> -> memref<32x512xf32, #tpu.memory_space<vmem>>
        %dma_wait3A_391 = arith.constant 0 : i32
        %dma_wait3A_392 = tpu.memref_slice %arg2[%add3A_14, %mul3A_385, %dma_wait3A_391] : memref<256x512x512xf32, #tpu.memory_space<hbm>> -> memref<1x32x512xf32, #tpu.memory_space<hbm>>
        %dma_wait3A_393 = tpu.memref_squeeze %dma_wait3A_392 : memref<1x32x512xf32, #tpu.memory_space<hbm>> -> memref<32x512xf32, #tpu.memory_space<hbm>>
        %dma_wait3A_394 = arith.constant 0 : i32
        %dma_wait3A_395 = arith.constant 0 : i32
        %dma_wait3A_396 = tpu.memref_slice %arg9[%dma_wait3A_386, %dma_wait3A_394, %dma_wait3A_395] : memref<2x32x512xf32, #tpu.memory_space<vmem>> -> memref<1x32x512xf32, #tpu.memory_space<vmem>>
        %dma_wait3A_397 = tpu.memref_squeeze %dma_wait3A_396 : memref<1x32x512xf32, #tpu.memory_space<vmem>> -> memref<32x512xf32, #tpu.memory_space<vmem>>
        %dma_wait3A_398 = arith.constant 0 : i32
        %dma_wait3A_399 = tpu.memref_slice %arg2[%add3A_14, %mul3A_385, %dma_wait3A_398] : memref<256x512x512xf32, #tpu.memory_space<hbm>> -> memref<1x32x512xf32, #tpu.memory_space<hbm>>
        %dma_wait3A_400 = tpu.memref_squeeze %dma_wait3A_399 : memref<1x32x512xf32, #tpu.memory_space<hbm>> -> memref<32x512xf32, #tpu.memory_space<hbm>>
        tpu.wait_dma2 semaphore(%arg17 : memref<!tpu.dma_semaphore, #tpu.memory_space<semaphore_mem>>) src(%dma_wait3A_400 : memref<32x512xf32, #tpu.memory_space<hbm>>) dst(%dma_wait3A_397 : memref<32x512xf32, #tpu.memory_space<vmem>>)
        %dma_wait3A_401 = arith.constant 1 : i32
        %dma_wait3A_402 = arith.constant 0 : i32
        %dma_wait3A_403 = arith.constant 0 : i32
        %dma_wait3A_404 = tpu.memref_slice %arg10[%dma_wait3A_401, %dma_wait3A_402, %dma_wait3A_403] : memref<2x32x512xf32, #tpu.memory_space<vmem>> -> memref<1x32x512xf32, #tpu.memory_space<vmem>>
        %dma_wait3A_405 = tpu.memref_squeeze %dma_wait3A_404 : memref<1x32x512xf32, #tpu.memory_space<vmem>> -> memref<32x512xf32, #tpu.memory_space<vmem>>
        %dma_wait3A_406 = arith.constant 0 : i32
        %dma_wait3A_407 = tpu.memref_slice %arg3[%add3A_14, %mul3A_385, %dma_wait3A_406] : memref<256x512x512xf32, #tpu.memory_space<hbm>> -> memref<1x32x512xf32, #tpu.memory_space<hbm>>
        %dma_wait3A_408 = tpu.memref_squeeze %dma_wait3A_407 : memref<1x32x512xf32, #tpu.memory_space<hbm>> -> memref<32x512xf32, #tpu.memory_space<hbm>>
        %dma_wait3A_409 = arith.constant 0 : i32
        %dma_wait3A_410 = arith.constant 0 : i32
        %dma_wait3A_411 = tpu.memref_slice %arg10[%dma_wait3A_401, %dma_wait3A_409, %dma_wait3A_410] : memref<2x32x512xf32, #tpu.memory_space<vmem>> -> memref<1x32x512xf32, #tpu.memory_space<vmem>>
        %dma_wait3A_412 = tpu.memref_squeeze %dma_wait3A_411 : memref<1x32x512xf32, #tpu.memory_space<vmem>> -> memref<32x512xf32, #tpu.memory_space<vmem>>
        %dma_wait3A_413 = arith.constant 0 : i32
        %dma_wait3A_414 = tpu.memref_slice %arg3[%add3A_14, %mul3A_385, %dma_wait3A_413] : memref<256x512x512xf32, #tpu.memory_space<hbm>> -> memref<1x32x512xf32, #tpu.memory_space<hbm>>
        %dma_wait3A_415 = tpu.memref_squeeze %dma_wait3A_414 : memref<1x32x512xf32, #tpu.memory_space<hbm>> -> memref<32x512xf32, #tpu.memory_space<hbm>>
        tpu.wait_dma2 semaphore(%arg17 : memref<!tpu.dma_semaphore, #tpu.memory_space<semaphore_mem>>) src(%dma_wait3A_415 : memref<32x512xf32, #tpu.memory_space<hbm>>) dst(%dma_wait3A_412 : memref<32x512xf32, #tpu.memory_space<vmem>>)
        %dma_wait3A_416 = arith.constant 1 : i32
        %dma_wait3A_417 = arith.constant 0 : i32
        %dma_wait3A_418 = arith.constant 0 : i32
        %dma_wait3A_419 = tpu.memref_slice %arg11[%dma_wait3A_416, %dma_wait3A_417, %dma_wait3A_418] : memref<2x32x512xf32, #tpu.memory_space<vmem>> -> memref<1x32x512xf32, #tpu.memory_space<vmem>>
        %dma_wait3A_420 = tpu.memref_squeeze %dma_wait3A_419 : memref<1x32x512xf32, #tpu.memory_space<vmem>> -> memref<32x512xf32, #tpu.memory_space<vmem>>
        %dma_wait3A_421 = arith.constant 0 : i32
        %dma_wait3A_422 = tpu.memref_slice %arg4[%add3A_14, %mul3A_385, %dma_wait3A_421] : memref<256x512x512xf32, #tpu.memory_space<hbm>> -> memref<1x32x512xf32, #tpu.memory_space<hbm>>
        %dma_wait3A_423 = tpu.memref_squeeze %dma_wait3A_422 : memref<1x32x512xf32, #tpu.memory_space<hbm>> -> memref<32x512xf32, #tpu.memory_space<hbm>>
        %dma_wait3A_424 = arith.constant 0 : i32
        %dma_wait3A_425 = arith.constant 0 : i32
        %dma_wait3A_426 = tpu.memref_slice %arg11[%dma_wait3A_416, %dma_wait3A_424, %dma_wait3A_425] : memref<2x32x512xf32, #tpu.memory_space<vmem>> -> memref<1x32x512xf32, #tpu.memory_space<vmem>>
        %dma_wait3A_427 = tpu.memref_squeeze %dma_wait3A_426 : memref<1x32x512xf32, #tpu.memory_space<vmem>> -> memref<32x512xf32, #tpu.memory_space<vmem>>
        %dma_wait3A_428 = arith.constant 0 : i32
        %dma_wait3A_429 = tpu.memref_slice %arg4[%add3A_14, %mul3A_385, %dma_wait3A_428] : memref<256x512x512xf32, #tpu.memory_space<hbm>> -> memref<1x32x512xf32, #tpu.memory_space<hbm>>
        %dma_wait3A_430 = tpu.memref_squeeze %dma_wait3A_429 : memref<1x32x512xf32, #tpu.memory_space<hbm>> -> memref<32x512xf32, #tpu.memory_space<hbm>>
        tpu.wait_dma2 semaphore(%arg17 : memref<!tpu.dma_semaphore, #tpu.memory_space<semaphore_mem>>) src(%dma_wait3A_430 : memref<32x512xf32, #tpu.memory_space<hbm>>) dst(%dma_wait3A_427 : memref<32x512xf32, #tpu.memory_space<vmem>>)
        %add3A_431 = arith.constant 1 : i32
        %add3A_432 = arith.addi %mul3A_245, %add3A_431 : i32
        %broadcast_in_dim3A_433 = arith.constant 1 : i32
        %broadcast_in_dim3A_434 = vector.broadcast %broadcast_in_dim3A_433 : i32 to vector<16xi32>
        %broadcast_in_dim3A_435 = arith.constant 0.000000e+00 : f32
        %broadcast_in_dim3A_436 = vector.broadcast %broadcast_in_dim3A_435 : f32 to vector<16xf32>
        %parallel_loop3A_437 = arith.constant 0 : i32
        %parallel_loop3A_438 = arith.constant 32 : i32
        %parallel_loop3A_439 = arith.constant 1 : i32
        %parallel_loop3A_440:8 = scf.for %parallel_loop3A_473 = %parallel_loop3A_437 to %parallel_loop3A_438 step %parallel_loop3A_439 iter_args(%parallel_loop3A_474 = %broadcast_in_dim3A_436, %parallel_loop3A_475 = %broadcast_in_dim3A_436, %parallel_loop3A_476 = %broadcast_in_dim3A_436, %parallel_loop3A_477 = %broadcast_in_dim3A_436, %parallel_loop3A_478 = %broadcast_in_dim3A_436, %parallel_loop3A_479 = %broadcast_in_dim3A_436, %parallel_loop3A_480 = %broadcast_in_dim3A_436, %parallel_loop3A_481 = %broadcast_in_dim3A_436) -> (vector<16xf32>, vector<16xf32>, vector<16xf32>, vector<16xf32>, vector<16xf32>, vector<16xf32>, vector<16xf32>, vector<16xf32>)  : i32 {
          %parallel_loop3A_482 = arith.constant 16 : i32
          %parallel_loop3A_483 = arith.muli %parallel_loop3A_473, %parallel_loop3A_482 : i32
          %parallel_loop3A_484 = arith.index_cast %parallel_loop3A_483 : i32 to index
          %parallel_loop3A_485 = tpu.vector_load %arg12[%parallel_loop3A_484] {strides = array<i32>} : memref<512xf32, #tpu.memory_space<vmem>>, vector<16xf32>,
          %parallel_loop3A_486 = arith.index_cast %parallel_loop3A_483 : i32 to index
          %parallel_loop3A_487 = tpu.vector_load %arg13[%parallel_loop3A_486] {strides = array<i32>} : memref<512xf32, #tpu.memory_space<vmem>>, vector<16xf32>,
          %parallel_loop3A_488 = arith.index_cast %parallel_loop3A_483 : i32 to index
          %parallel_loop3A_489 = tpu.vector_load %arg14[%parallel_loop3A_488] {strides = array<i32>} : memref<512xf32, #tpu.memory_space<vmem>>, vector<16xf32>,
          %parallel_loop3A_490 = vector.broadcast %parallel_loop3A_483 : i32 to vector<16xi32>
          %parallel_loop3A_491 = arith.constant 0 : i32
          %parallel_loop3A_492 = vector.broadcast %parallel_loop3A_491 : i32 to vector<16xi32>
          %parallel_loop3A_493 = arith.addi %parallel_loop3A_490, %parallel_loop3A_492 : vector<16xi32>
          %parallel_loop3A_494 = vector.extract_strided_slice %parallel_loop3A_485 {offsets = [0], sizes = [1], strides = [1]} : vector<16xf32> to vector<1xf32>
          %parallel_loop3A_495 = vector.extract %parallel_loop3A_494[0] : f32 from vector<1xf32>
          %parallel_loop3A_496 = vector.extract_strided_slice %parallel_loop3A_487 {offsets = [0], sizes = [1], strides = [1]} : vector<16xf32> to vector<1xf32>
          %parallel_loop3A_497 = vector.extract %parallel_loop3A_496[0] : f32 from vector<1xf32>
          %parallel_loop3A_498 = vector.extract_strided_slice %parallel_loop3A_489 {offsets = [0], sizes = [1], strides = [1]} : vector<16xf32> to vector<1xf32>
          %parallel_loop3A_499 = vector.extract %parallel_loop3A_498[0] : f32 from vector<1xf32>
          %parallel_loop3A_500 = tpu.vector_load_idx %arg9[%broadcast_in_dim3A_434, %add3A_5, %parallel_loop3A_493] : memref<2x32x512xf32, #tpu.memory_space<vmem>>[vector<16xi32>, vector<16xi32>, vector<16xi32>], vector<16xf32>,
          %parallel_loop3A_501 = tpu.vector_load_idx %arg10[%broadcast_in_dim3A_434, %add3A_5, %parallel_loop3A_493] : memref<2x32x512xf32, #tpu.memory_space<vmem>>[vector<16xi32>, vector<16xi32>, vector<16xi32>], vector<16xf32>,
          %parallel_loop3A_502 = tpu.vector_load_idx %arg11[%broadcast_in_dim3A_434, %add3A_5, %parallel_loop3A_493] : memref<2x32x512xf32, #tpu.memory_space<vmem>>[vector<16xi32>, vector<16xi32>, vector<16xi32>], vector<16xf32>,
          %parallel_loop3A_503 = arith.addf %parallel_loop3A_500, %parallel_loop3A_502 : vector<16xf32>
          %parallel_loop3A_504 = arith.subf %parallel_loop3A_503, %parallel_loop3A_501 : vector<16xf32>
          %parallel_loop3A_505 = arith.mulf %parallel_loop3A_504, %parallel_loop3A_504 : vector<16xf32>
          %parallel_loop3A_506 = arith.addf %parallel_loop3A_474, %parallel_loop3A_505 : vector<16xf32>
          %parallel_loop3A_507 = vector.broadcast %parallel_loop3A_499 : f32 to vector<16xf32>
          %parallel_loop3A_508 = arith.mulf %parallel_loop3A_504, %parallel_loop3A_507 : vector<16xf32>
          %parallel_loop3A_509 = arith.addf %parallel_loop3A_475, %parallel_loop3A_508 : vector<16xf32>
          %parallel_loop3A_510 = vector.broadcast %parallel_loop3A_495 : f32 to vector<16xf32>
          %parallel_loop3A_511 = arith.mulf %parallel_loop3A_500, %parallel_loop3A_510 : vector<16xf32>
          %parallel_loop3A_512 = arith.addf %parallel_loop3A_476, %parallel_loop3A_511 : vector<16xf32>
          %parallel_loop3A_513 = vector.broadcast %parallel_loop3A_497 : f32 to vector<16xf32>
          %parallel_loop3A_514 = arith.mulf %parallel_loop3A_501, %parallel_loop3A_513 : vector<16xf32>
          %parallel_loop3A_515 = arith.addf %parallel_loop3A_477, %parallel_loop3A_514 : vector<16xf32>
          %parallel_loop3A_516 = tpu.vector_load_idx %arg9[%broadcast_in_dim3A_434, %add3A_8, %parallel_loop3A_493] : memref<2x32x512xf32, #tpu.memory_space<vmem>>[vector<16xi32>, vector<16xi32>, vector<16xi32>], vector<16xf32>,
          %parallel_loop3A_517 = tpu.vector_load_idx %arg10[%broadcast_in_dim3A_434, %add3A_8, %parallel_loop3A_493] : memref<2x32x512xf32, #tpu.memory_space<vmem>>[vector<16xi32>, vector<16xi32>, vector<16xi32>], vector<16xf32>,
          %parallel_loop3A_518 = tpu.vector_load_idx %arg11[%broadcast_in_dim3A_434, %add3A_8, %parallel_loop3A_493] : memref<2x32x512xf32, #tpu.memory_space<vmem>>[vector<16xi32>, vector<16xi32>, vector<16xi32>], vector<16xf32>,
          %parallel_loop3A_519 = arith.addf %parallel_loop3A_516, %parallel_loop3A_518 : vector<16xf32>
          %parallel_loop3A_520 = arith.subf %parallel_loop3A_519, %parallel_loop3A_517 : vector<16xf32>
          %parallel_loop3A_521 = arith.mulf %parallel_loop3A_520, %parallel_loop3A_520 : vector<16xf32>
          %parallel_loop3A_522 = arith.addf %parallel_loop3A_478, %parallel_loop3A_521 : vector<16xf32>
          %parallel_loop3A_523 = vector.broadcast %parallel_loop3A_499 : f32 to vector<16xf32>
          %parallel_loop3A_524 = arith.mulf %parallel_loop3A_520, %parallel_loop3A_523 : vector<16xf32>
          %parallel_loop3A_525 = arith.addf %parallel_loop3A_479, %parallel_loop3A_524 : vector<16xf32>
          %parallel_loop3A_526 = vector.broadcast %parallel_loop3A_495 : f32 to vector<16xf32>
          %parallel_loop3A_527 = arith.mulf %parallel_loop3A_516, %parallel_loop3A_526 : vector<16xf32>
          %parallel_loop3A_528 = arith.addf %parallel_loop3A_480, %parallel_loop3A_527 : vector<16xf32>
          %parallel_loop3A_529 = vector.broadcast %parallel_loop3A_497 : f32 to vector<16xf32>
          %parallel_loop3A_530 = arith.mulf %parallel_loop3A_517, %parallel_loop3A_529 : vector<16xf32>
          %parallel_loop3A_531 = arith.addf %parallel_loop3A_481, %parallel_loop3A_530 : vector<16xf32>
          %parallel_loop3A_532 = arith.constant 1 : i32
          %parallel_loop3A_533 = vector.broadcast %parallel_loop3A_532 : i32 to vector<16xi32>
          %parallel_loop3A_534 = arith.addi %parallel_loop3A_490, %parallel_loop3A_533 : vector<16xi32>
          %parallel_loop3A_535 = vector.extract_strided_slice %parallel_loop3A_485 {offsets = [1], sizes = [1], strides = [1]} : vector<16xf32> to vector<1xf32>
          %parallel_loop3A_536 = vector.extract %parallel_loop3A_535[0] : f32 from vector<1xf32>
          %parallel_loop3A_537 = vector.extract_strided_slice %parallel_loop3A_487 {offsets = [1], sizes = [1], strides = [1]} : vector<16xf32> to vector<1xf32>
          %parallel_loop3A_538 = vector.extract %parallel_loop3A_537[0] : f32 from vector<1xf32>
          %parallel_loop3A_539 = vector.extract_strided_slice %parallel_loop3A_489 {offsets = [1], sizes = [1], strides = [1]} : vector<16xf32> to vector<1xf32>
          %parallel_loop3A_540 = vector.extract %parallel_loop3A_539[0] : f32 from vector<1xf32>
          %parallel_loop3A_541 = tpu.vector_load_idx %arg9[%broadcast_in_dim3A_434, %add3A_5, %parallel_loop3A_534] : memref<2x32x512xf32, #tpu.memory_space<vmem>>[vector<16xi32>, vector<16xi32>, vector<16xi32>], vector<16xf32>,
          %parallel_loop3A_542 = tpu.vector_load_idx %arg10[%broadcast_in_dim3A_434, %add3A_5, %parallel_loop3A_534] : memref<2x32x512xf32, #tpu.memory_space<vmem>>[vector<16xi32>, vector<16xi32>, vector<16xi32>], vector<16xf32>,
          %parallel_loop3A_543 = tpu.vector_load_idx %arg11[%broadcast_in_dim3A_434, %add3A_5, %parallel_loop3A_534] : memref<2x32x512xf32, #tpu.memory_space<vmem>>[vector<16xi32>, vector<16xi32>, vector<16xi32>], vector<16xf32>,
          %parallel_loop3A_544 = arith.addf %parallel_loop3A_541, %parallel_loop3A_543 : vector<16xf32>
          %parallel_loop3A_545 = arith.subf %parallel_loop3A_544, %parallel_loop3A_542 : vector<16xf32>
          %parallel_loop3A_546 = arith.mulf %parallel_loop3A_545, %parallel_loop3A_545 : vector<16xf32>
          %parallel_loop3A_547 = arith.addf %parallel_loop3A_506, %parallel_loop3A_546 : vector<16xf32>
          %parallel_loop3A_548 = vector.broadcast %parallel_loop3A_540 : f32 to vector<16xf32>
          %parallel_loop3A_549 = arith.mulf %parallel_loop3A_545, %parallel_loop3A_548 : vector<16xf32>
          %parallel_loop3A_550 = arith.addf %parallel_loop3A_509, %parallel_loop3A_549 : vector<16xf32>
          %parallel_loop3A_551 = vector.broadcast %parallel_loop3A_536 : f32 to vector<16xf32>
          %parallel_loop3A_552 = arith.mulf %parallel_loop3A_541, %parallel_loop3A_551 : vector<16xf32>
          %parallel_loop3A_553 = arith.addf %parallel_loop3A_512, %parallel_loop3A_552 : vector<16xf32>
          %parallel_loop3A_554 = vector.broadcast %parallel_loop3A_538 : f32 to vector<16xf32>
          %parallel_loop3A_555 = arith.mulf %parallel_loop3A_542, %parallel_loop3A_554 : vector<16xf32>
          %parallel_loop3A_556 = arith.addf %parallel_loop3A_515, %parallel_loop3A_555 : vector<16xf32>
          %parallel_loop3A_557 = tpu.vector_load_idx %arg9[%broadcast_in_dim3A_434, %add3A_8, %parallel_loop3A_534] : memref<2x32x512xf32, #tpu.memory_space<vmem>>[vector<16xi32>, vector<16xi32>, vector<16xi32>], vector<16xf32>,
          %parallel_loop3A_558 = tpu.vector_load_idx %arg10[%broadcast_in_dim3A_434, %add3A_8, %parallel_loop3A_534] : memref<2x32x512xf32, #tpu.memory_space<vmem>>[vector<16xi32>, vector<16xi32>, vector<16xi32>], vector<16xf32>,
          %parallel_loop3A_559 = tpu.vector_load_idx %arg11[%broadcast_in_dim3A_434, %add3A_8, %parallel_loop3A_534] : memref<2x32x512xf32, #tpu.memory_space<vmem>>[vector<16xi32>, vector<16xi32>, vector<16xi32>], vector<16xf32>,
          %parallel_loop3A_560 = arith.addf %parallel_loop3A_557, %parallel_loop3A_559 : vector<16xf32>
          %parallel_loop3A_561 = arith.subf %parallel_loop3A_560, %parallel_loop3A_558 : vector<16xf32>
          %parallel_loop3A_562 = arith.mulf %parallel_loop3A_561, %parallel_loop3A_561 : vector<16xf32>
          %parallel_loop3A_563 = arith.addf %parallel_loop3A_522, %parallel_loop3A_562 : vector<16xf32>
          %parallel_loop3A_564 = vector.broadcast %parallel_loop3A_540 : f32 to vector<16xf32>
          %parallel_loop3A_565 = arith.mulf %parallel_loop3A_561, %parallel_loop3A_564 : vector<16xf32>
          %parallel_loop3A_566 = arith.addf %parallel_loop3A_525, %parallel_loop3A_565 : vector<16xf32>
          %parallel_loop3A_567 = vector.broadcast %parallel_loop3A_536 : f32 to vector<16xf32>
          %parallel_loop3A_568 = arith.mulf %parallel_loop3A_557, %parallel_loop3A_567 : vector<16xf32>
          %parallel_loop3A_569 = arith.addf %parallel_loop3A_528, %parallel_loop3A_568 : vector<16xf32>
          %parallel_loop3A_570 = vector.broadcast %parallel_loop3A_538 : f32 to vector<16xf32>
          %parallel_loop3A_571 = arith.mulf %parallel_loop3A_558, %parallel_loop3A_570 : vector<16xf32>
          %parallel_loop3A_572 = arith.addf %parallel_loop3A_531, %parallel_loop3A_571 : vector<16xf32>
          %parallel_loop3A_573 = arith.constant 2 : i32
          %parallel_loop3A_574 = vector.broadcast %parallel_loop3A_573 : i32 to vector<16xi32>
          %parallel_loop3A_575 = arith.addi %parallel_loop3A_490, %parallel_loop3A_574 : vector<16xi32>
          %parallel_loop3A_576 = vector.extract_strided_slice %parallel_loop3A_485 {offsets = [2], sizes = [1], strides = [1]} : vector<16xf32> to vector<1xf32>
          %parallel_loop3A_577 = vector.extract %parallel_loop3A_576[0] : f32 from vector<1xf32>
          %parallel_loop3A_578 = vector.extract_strided_slice %parallel_loop3A_487 {offsets = [2], sizes = [1], strides = [1]} : vector<16xf32> to vector<1xf32>
          %parallel_loop3A_579 = vector.extract %parallel_loop3A_578[0] : f32 from vector<1xf32>
          %parallel_loop3A_580 = vector.extract_strided_slice %parallel_loop3A_489 {offsets = [2], sizes = [1], strides = [1]} : vector<16xf32> to vector<1xf32>
          %parallel_loop3A_581 = vector.extract %parallel_loop3A_580[0] : f32 from vector<1xf32>
          %parallel_loop3A_582 = tpu.vector_load_idx %arg9[%broadcast_in_dim3A_434, %add3A_5, %parallel_loop3A_575] : memref<2x32x512xf32, #tpu.memory_space<vmem>>[vector<16xi32>, vector<16xi32>, vector<16xi32>], vector<16xf32>,
          %parallel_loop3A_583 = tpu.vector_load_idx %arg10[%broadcast_in_dim3A_434, %add3A_5, %parallel_loop3A_575] : memref<2x32x512xf32, #tpu.memory_space<vmem>>[vector<16xi32>, vector<16xi32>, vector<16xi32>], vector<16xf32>,
          %parallel_loop3A_584 = tpu.vector_load_idx %arg11[%broadcast_in_dim3A_434, %add3A_5, %parallel_loop3A_575] : memref<2x32x512xf32, #tpu.memory_space<vmem>>[vector<16xi32>, vector<16xi32>, vector<16xi32>], vector<16xf32>,
          %parallel_loop3A_585 = arith.addf %parallel_loop3A_582, %parallel_loop3A_584 : vector<16xf32>
          %parallel_loop3A_586 = arith.subf %parallel_loop3A_585, %parallel_loop3A_583 : vector<16xf32>
          %parallel_loop3A_587 = arith.mulf %parallel_loop3A_586, %parallel_loop3A_586 : vector<16xf32>
          %parallel_loop3A_588 = arith.addf %parallel_loop3A_547, %parallel_loop3A_587 : vector<16xf32>
          %parallel_loop3A_589 = vector.broadcast %parallel_loop3A_581 : f32 to vector<16xf32>
          %parallel_loop3A_590 = arith.mulf %parallel_loop3A_586, %parallel_loop3A_589 : vector<16xf32>
          %parallel_loop3A_591 = arith.addf %parallel_loop3A_550, %parallel_loop3A_590 : vector<16xf32>
          %parallel_loop3A_592 = vector.broadcast %parallel_loop3A_577 : f32 to vector<16xf32>
          %parallel_loop3A_593 = arith.mulf %parallel_loop3A_582, %parallel_loop3A_592 : vector<16xf32>
          %parallel_loop3A_594 = arith.addf %parallel_loop3A_553, %parallel_loop3A_593 : vector<16xf32>
          %parallel_loop3A_595 = vector.broadcast %parallel_loop3A_579 : f32 to vector<16xf32>
          %parallel_loop3A_596 = arith.mulf %parallel_loop3A_583, %parallel_loop3A_595 : vector<16xf32>
          %parallel_loop3A_597 = arith.addf %parallel_loop3A_556, %parallel_loop3A_596 : vector<16xf32>
          %parallel_loop3A_598 = tpu.vector_load_idx %arg9[%broadcast_in_dim3A_434, %add3A_8, %parallel_loop3A_575] : memref<2x32x512xf32, #tpu.memory_space<vmem>>[vector<16xi32>, vector<16xi32>, vector<16xi32>], vector<16xf32>,
          %parallel_loop3A_599 = tpu.vector_load_idx %arg10[%broadcast_in_dim3A_434, %add3A_8, %parallel_loop3A_575] : memref<2x32x512xf32, #tpu.memory_space<vmem>>[vector<16xi32>, vector<16xi32>, vector<16xi32>], vector<16xf32>,
          %parallel_loop3A_600 = tpu.vector_load_idx %arg11[%broadcast_in_dim3A_434, %add3A_8, %parallel_loop3A_575] : memref<2x32x512xf32, #tpu.memory_space<vmem>>[vector<16xi32>, vector<16xi32>, vector<16xi32>], vector<16xf32>,
          %parallel_loop3A_601 = arith.addf %parallel_loop3A_598, %parallel_loop3A_600 : vector<16xf32>
          %parallel_loop3A_602 = arith.subf %parallel_loop3A_601, %parallel_loop3A_599 : vector<16xf32>
          %parallel_loop3A_603 = arith.mulf %parallel_loop3A_602, %parallel_loop3A_602 : vector<16xf32>
          %parallel_loop3A_604 = arith.addf %parallel_loop3A_563, %parallel_loop3A_603 : vector<16xf32>
          %parallel_loop3A_605 = vector.broadcast %parallel_loop3A_581 : f32 to vector<16xf32>
          %parallel_loop3A_606 = arith.mulf %parallel_loop3A_602, %parallel_loop3A_605 : vector<16xf32>
          %parallel_loop3A_607 = arith.addf %parallel_loop3A_566, %parallel_loop3A_606 : vector<16xf32>
          %parallel_loop3A_608 = vector.broadcast %parallel_loop3A_577 : f32 to vector<16xf32>
          %parallel_loop3A_609 = arith.mulf %parallel_loop3A_598, %parallel_loop3A_608 : vector<16xf32>
          %parallel_loop3A_610 = arith.addf %parallel_loop3A_569, %parallel_loop3A_609 : vector<16xf32>
          %parallel_loop3A_611 = vector.broadcast %parallel_loop3A_579 : f32 to vector<16xf32>
          %parallel_loop3A_612 = arith.mulf %parallel_loop3A_599, %parallel_loop3A_611 : vector<16xf32>
          %parallel_loop3A_613 = arith.addf %parallel_loop3A_572, %parallel_loop3A_612 : vector<16xf32>
          %parallel_loop3A_614 = arith.constant 3 : i32
          %parallel_loop3A_615 = vector.broadcast %parallel_loop3A_614 : i32 to vector<16xi32>
          %parallel_loop3A_616 = arith.addi %parallel_loop3A_490, %parallel_loop3A_615 : vector<16xi32>
          %parallel_loop3A_617 = vector.extract_strided_slice %parallel_loop3A_485 {offsets = [3], sizes = [1], strides = [1]} : vector<16xf32> to vector<1xf32>
          %parallel_loop3A_618 = vector.extract %parallel_loop3A_617[0] : f32 from vector<1xf32>
          %parallel_loop3A_619 = vector.extract_strided_slice %parallel_loop3A_487 {offsets = [3], sizes = [1], strides = [1]} : vector<16xf32> to vector<1xf32>
          %parallel_loop3A_620 = vector.extract %parallel_loop3A_619[0] : f32 from vector<1xf32>
          %parallel_loop3A_621 = vector.extract_strided_slice %parallel_loop3A_489 {offsets = [3], sizes = [1], strides = [1]} : vector<16xf32> to vector<1xf32>
          %parallel_loop3A_622 = vector.extract %parallel_loop3A_621[0] : f32 from vector<1xf32>
          %parallel_loop3A_623 = tpu.vector_load_idx %arg9[%broadcast_in_dim3A_434, %add3A_5, %parallel_loop3A_616] : memref<2x32x512xf32, #tpu.memory_space<vmem>>[vector<16xi32>, vector<16xi32>, vector<16xi32>], vector<16xf32>,
          %parallel_loop3A_624 = tpu.vector_load_idx %arg10[%broadcast_in_dim3A_434, %add3A_5, %parallel_loop3A_616] : memref<2x32x512xf32, #tpu.memory_space<vmem>>[vector<16xi32>, vector<16xi32>, vector<16xi32>], vector<16xf32>,
          %parallel_loop3A_625 = tpu.vector_load_idx %arg11[%broadcast_in_dim3A_434, %add3A_5, %parallel_loop3A_616] : memref<2x32x512xf32, #tpu.memory_space<vmem>>[vector<16xi32>, vector<16xi32>, vector<16xi32>], vector<16xf32>,
          %parallel_loop3A_626 = arith.addf %parallel_loop3A_623, %parallel_loop3A_625 : vector<16xf32>
          %parallel_loop3A_627 = arith.subf %parallel_loop3A_626, %parallel_loop3A_624 : vector<16xf32>
          %parallel_loop3A_628 = arith.mulf %parallel_loop3A_627, %parallel_loop3A_627 : vector<16xf32>
          %parallel_loop3A_629 = arith.addf %parallel_loop3A_588, %parallel_loop3A_628 : vector<16xf32>
          %parallel_loop3A_630 = vector.broadcast %parallel_loop3A_622 : f32 to vector<16xf32>
          %parallel_loop3A_631 = arith.mulf %parallel_loop3A_627, %parallel_loop3A_630 : vector<16xf32>
          %parallel_loop3A_632 = arith.addf %parallel_loop3A_591, %parallel_loop3A_631 : vector<16xf32>
          %parallel_loop3A_633 = vector.broadcast %parallel_loop3A_618 : f32 to vector<16xf32>
          %parallel_loop3A_634 = arith.mulf %parallel_loop3A_623, %parallel_loop3A_633 : vector<16xf32>
          %parallel_loop3A_635 = arith.addf %parallel_loop3A_594, %parallel_loop3A_634 : vector<16xf32>
          %parallel_loop3A_636 = vector.broadcast %parallel_loop3A_620 : f32 to vector<16xf32>
          %parallel_loop3A_637 = arith.mulf %parallel_loop3A_624, %parallel_loop3A_636 : vector<16xf32>
          %parallel_loop3A_638 = arith.addf %parallel_loop3A_597, %parallel_loop3A_637 : vector<16xf32>
          %parallel_loop3A_639 = tpu.vector_load_idx %arg9[%broadcast_in_dim3A_434, %add3A_8, %parallel_loop3A_616] : memref<2x32x512xf32, #tpu.memory_space<vmem>>[vector<16xi32>, vector<16xi32>, vector<16xi32>], vector<16xf32>,
          %parallel_loop3A_640 = tpu.vector_load_idx %arg10[%broadcast_in_dim3A_434, %add3A_8, %parallel_loop3A_616] : memref<2x32x512xf32, #tpu.memory_space<vmem>>[vector<16xi32>, vector<16xi32>, vector<16xi32>], vector<16xf32>,
          %parallel_loop3A_641 = tpu.vector_load_idx %arg11[%broadcast_in_dim3A_434, %add3A_8, %parallel_loop3A_616] : memref<2x32x512xf32, #tpu.memory_space<vmem>>[vector<16xi32>, vector<16xi32>, vector<16xi32>], vector<16xf32>,
          %parallel_loop3A_642 = arith.addf %parallel_loop3A_639, %parallel_loop3A_641 : vector<16xf32>
          %parallel_loop3A_643 = arith.subf %parallel_loop3A_642, %parallel_loop3A_640 : vector<16xf32>
          %parallel_loop3A_644 = arith.mulf %parallel_loop3A_643, %parallel_loop3A_643 : vector<16xf32>
          %parallel_loop3A_645 = arith.addf %parallel_loop3A_604, %parallel_loop3A_644 : vector<16xf32>
          %parallel_loop3A_646 = vector.broadcast %parallel_loop3A_622 : f32 to vector<16xf32>
          %parallel_loop3A_647 = arith.mulf %parallel_loop3A_643, %parallel_loop3A_646 : vector<16xf32>
          %parallel_loop3A_648 = arith.addf %parallel_loop3A_607, %parallel_loop3A_647 : vector<16xf32>
          %parallel_loop3A_649 = vector.broadcast %parallel_loop3A_618 : f32 to vector<16xf32>
          %parallel_loop3A_650 = arith.mulf %parallel_loop3A_639, %parallel_loop3A_649 : vector<16xf32>
          %parallel_loop3A_651 = arith.addf %parallel_loop3A_610, %parallel_loop3A_650 : vector<16xf32>
          %parallel_loop3A_652 = vector.broadcast %parallel_loop3A_620 : f32 to vector<16xf32>
          %parallel_loop3A_653 = arith.mulf %parallel_loop3A_640, %parallel_loop3A_652 : vector<16xf32>
          %parallel_loop3A_654 = arith.addf %parallel_loop3A_613, %parallel_loop3A_653 : vector<16xf32>
          %parallel_loop3A_655 = arith.constant 4 : i32
          %parallel_loop3A_656 = vector.broadcast %parallel_loop3A_655 : i32 to vector<16xi32>
          %parallel_loop3A_657 = arith.addi %parallel_loop3A_490, %parallel_loop3A_656 : vector<16xi32>
          %parallel_loop3A_658 = vector.extract_strided_slice %parallel_loop3A_485 {offsets = [4], sizes = [1], strides = [1]} : vector<16xf32> to vector<1xf32>
          %parallel_loop3A_659 = vector.extract %parallel_loop3A_658[0] : f32 from vector<1xf32>
          %parallel_loop3A_660 = vector.extract_strided_slice %parallel_loop3A_487 {offsets = [4], sizes = [1], strides = [1]} : vector<16xf32> to vector<1xf32>
          %parallel_loop3A_661 = vector.extract %parallel_loop3A_660[0] : f32 from vector<1xf32>
          %parallel_loop3A_662 = vector.extract_strided_slice %parallel_loop3A_489 {offsets = [4], sizes = [1], strides = [1]} : vector<16xf32> to vector<1xf32>
          %parallel_loop3A_663 = vector.extract %parallel_loop3A_662[0] : f32 from vector<1xf32>
          %parallel_loop3A_664 = tpu.vector_load_idx %arg9[%broadcast_in_dim3A_434, %add3A_5, %parallel_loop3A_657] : memref<2x32x512xf32, #tpu.memory_space<vmem>>[vector<16xi32>, vector<16xi32>, vector<16xi32>], vector<16xf32>,
          %parallel_loop3A_665 = tpu.vector_load_idx %arg10[%broadcast_in_dim3A_434, %add3A_5, %parallel_loop3A_657] : memref<2x32x512xf32, #tpu.memory_space<vmem>>[vector<16xi32>, vector<16xi32>, vector<16xi32>], vector<16xf32>,
          %parallel_loop3A_666 = tpu.vector_load_idx %arg11[%broadcast_in_dim3A_434, %add3A_5, %parallel_loop3A_657] : memref<2x32x512xf32, #tpu.memory_space<vmem>>[vector<16xi32>, vector<16xi32>, vector<16xi32>], vector<16xf32>,
          %parallel_loop3A_667 = arith.addf %parallel_loop3A_664, %parallel_loop3A_666 : vector<16xf32>
          %parallel_loop3A_668 = arith.subf %parallel_loop3A_667, %parallel_loop3A_665 : vector<16xf32>
          %parallel_loop3A_669 = arith.mulf %parallel_loop3A_668, %parallel_loop3A_668 : vector<16xf32>
          %parallel_loop3A_670 = arith.addf %parallel_loop3A_629, %parallel_loop3A_669 : vector<16xf32>
          %parallel_loop3A_671 = vector.broadcast %parallel_loop3A_663 : f32 to vector<16xf32>
          %parallel_loop3A_672 = arith.mulf %parallel_loop3A_668, %parallel_loop3A_671 : vector<16xf32>
          %parallel_loop3A_673 = arith.addf %parallel_loop3A_632, %parallel_loop3A_672 : vector<16xf32>
          %parallel_loop3A_674 = vector.broadcast %parallel_loop3A_659 : f32 to vector<16xf32>
          %parallel_loop3A_675 = arith.mulf %parallel_loop3A_664, %parallel_loop3A_674 : vector<16xf32>
          %parallel_loop3A_676 = arith.addf %parallel_loop3A_635, %parallel_loop3A_675 : vector<16xf32>
          %parallel_loop3A_677 = vector.broadcast %parallel_loop3A_661 : f32 to vector<16xf32>
          %parallel_loop3A_678 = arith.mulf %parallel_loop3A_665, %parallel_loop3A_677 : vector<16xf32>
          %parallel_loop3A_679 = arith.addf %parallel_loop3A_638, %parallel_loop3A_678 : vector<16xf32>
          %parallel_loop3A_680 = tpu.vector_load_idx %arg9[%broadcast_in_dim3A_434, %add3A_8, %parallel_loop3A_657] : memref<2x32x512xf32, #tpu.memory_space<vmem>>[vector<16xi32>, vector<16xi32>, vector<16xi32>], vector<16xf32>,
          %parallel_loop3A_681 = tpu.vector_load_idx %arg10[%broadcast_in_dim3A_434, %add3A_8, %parallel_loop3A_657] : memref<2x32x512xf32, #tpu.memory_space<vmem>>[vector<16xi32>, vector<16xi32>, vector<16xi32>], vector<16xf32>,
          %parallel_loop3A_682 = tpu.vector_load_idx %arg11[%broadcast_in_dim3A_434, %add3A_8, %parallel_loop3A_657] : memref<2x32x512xf32, #tpu.memory_space<vmem>>[vector<16xi32>, vector<16xi32>, vector<16xi32>], vector<16xf32>,
          %parallel_loop3A_683 = arith.addf %parallel_loop3A_680, %parallel_loop3A_682 : vector<16xf32>
          %parallel_loop3A_684 = arith.subf %parallel_loop3A_683, %parallel_loop3A_681 : vector<16xf32>
          %parallel_loop3A_685 = arith.mulf %parallel_loop3A_684, %parallel_loop3A_684 : vector<16xf32>
          %parallel_loop3A_686 = arith.addf %parallel_loop3A_645, %parallel_loop3A_685 : vector<16xf32>
          %parallel_loop3A_687 = vector.broadcast %parallel_loop3A_663 : f32 to vector<16xf32>
          %parallel_loop3A_688 = arith.mulf %parallel_loop3A_684, %parallel_loop3A_687 : vector<16xf32>
          %parallel_loop3A_689 = arith.addf %parallel_loop3A_648, %parallel_loop3A_688 : vector<16xf32>
          %parallel_loop3A_690 = vector.broadcast %parallel_loop3A_659 : f32 to vector<16xf32>
          %parallel_loop3A_691 = arith.mulf %parallel_loop3A_680, %parallel_loop3A_690 : vector<16xf32>
          %parallel_loop3A_692 = arith.addf %parallel_loop3A_651, %parallel_loop3A_691 : vector<16xf32>
          %parallel_loop3A_693 = vector.broadcast %parallel_loop3A_661 : f32 to vector<16xf32>
          %parallel_loop3A_694 = arith.mulf %parallel_loop3A_681, %parallel_loop3A_693 : vector<16xf32>
          %parallel_loop3A_695 = arith.addf %parallel_loop3A_654, %parallel_loop3A_694 : vector<16xf32>
          %parallel_loop3A_696 = arith.constant 5 : i32
          %parallel_loop3A_697 = vector.broadcast %parallel_loop3A_696 : i32 to vector<16xi32>
          %parallel_loop3A_698 = arith.addi %parallel_loop3A_490, %parallel_loop3A_697 : vector<16xi32>
          %parallel_loop3A_699 = vector.extract_strided_slice %parallel_loop3A_485 {offsets = [5], sizes = [1], strides = [1]} : vector<16xf32> to vector<1xf32>
          %parallel_loop3A_700 = vector.extract %parallel_loop3A_699[0] : f32 from vector<1xf32>
          %parallel_loop3A_701 = vector.extract_strided_slice %parallel_loop3A_487 {offsets = [5], sizes = [1], strides = [1]} : vector<16xf32> to vector<1xf32>
          %parallel_loop3A_702 = vector.extract %parallel_loop3A_701[0] : f32 from vector<1xf32>
          %parallel_loop3A_703 = vector.extract_strided_slice %parallel_loop3A_489 {offsets = [5], sizes = [1], strides = [1]} : vector<16xf32> to vector<1xf32>
          %parallel_loop3A_704 = vector.extract %parallel_loop3A_703[0] : f32 from vector<1xf32>
          %parallel_loop3A_705 = tpu.vector_load_idx %arg9[%broadcast_in_dim3A_434, %add3A_5, %parallel_loop3A_698] : memref<2x32x512xf32, #tpu.memory_space<vmem>>[vector<16xi32>, vector<16xi32>, vector<16xi32>], vector<16xf32>,
          %parallel_loop3A_706 = tpu.vector_load_idx %arg10[%broadcast_in_dim3A_434, %add3A_5, %parallel_loop3A_698] : memref<2x32x512xf32, #tpu.memory_space<vmem>>[vector<16xi32>, vector<16xi32>, vector<16xi32>], vector<16xf32>,
          %parallel_loop3A_707 = tpu.vector_load_idx %arg11[%broadcast_in_dim3A_434, %add3A_5, %parallel_loop3A_698] : memref<2x32x512xf32, #tpu.memory_space<vmem>>[vector<16xi32>, vector<16xi32>, vector<16xi32>], vector<16xf32>,
          %parallel_loop3A_708 = arith.addf %parallel_loop3A_705, %parallel_loop3A_707 : vector<16xf32>
          %parallel_loop3A_709 = arith.subf %parallel_loop3A_708, %parallel_loop3A_706 : vector<16xf32>
          %parallel_loop3A_710 = arith.mulf %parallel_loop3A_709, %parallel_loop3A_709 : vector<16xf32>
          %parallel_loop3A_711 = arith.addf %parallel_loop3A_670, %parallel_loop3A_710 : vector<16xf32>
          %parallel_loop3A_712 = vector.broadcast %parallel_loop3A_704 : f32 to vector<16xf32>
          %parallel_loop3A_713 = arith.mulf %parallel_loop3A_709, %parallel_loop3A_712 : vector<16xf32>
          %parallel_loop3A_714 = arith.addf %parallel_loop3A_673, %parallel_loop3A_713 : vector<16xf32>
          %parallel_loop3A_715 = vector.broadcast %parallel_loop3A_700 : f32 to vector<16xf32>
          %parallel_loop3A_716 = arith.mulf %parallel_loop3A_705, %parallel_loop3A_715 : vector<16xf32>
          %parallel_loop3A_717 = arith.addf %parallel_loop3A_676, %parallel_loop3A_716 : vector<16xf32>
          %parallel_loop3A_718 = vector.broadcast %parallel_loop3A_702 : f32 to vector<16xf32>
          %parallel_loop3A_719 = arith.mulf %parallel_loop3A_706, %parallel_loop3A_718 : vector<16xf32>
          %parallel_loop3A_720 = arith.addf %parallel_loop3A_679, %parallel_loop3A_719 : vector<16xf32>
          %parallel_loop3A_721 = tpu.vector_load_idx %arg9[%broadcast_in_dim3A_434, %add3A_8, %parallel_loop3A_698] : memref<2x32x512xf32, #tpu.memory_space<vmem>>[vector<16xi32>, vector<16xi32>, vector<16xi32>], vector<16xf32>,
          %parallel_loop3A_722 = tpu.vector_load_idx %arg10[%broadcast_in_dim3A_434, %add3A_8, %parallel_loop3A_698] : memref<2x32x512xf32, #tpu.memory_space<vmem>>[vector<16xi32>, vector<16xi32>, vector<16xi32>], vector<16xf32>,
          %parallel_loop3A_723 = tpu.vector_load_idx %arg11[%broadcast_in_dim3A_434, %add3A_8, %parallel_loop3A_698] : memref<2x32x512xf32, #tpu.memory_space<vmem>>[vector<16xi32>, vector<16xi32>, vector<16xi32>], vector<16xf32>,
          %parallel_loop3A_724 = arith.addf %parallel_loop3A_721, %parallel_loop3A_723 : vector<16xf32>
          %parallel_loop3A_725 = arith.subf %parallel_loop3A_724, %parallel_loop3A_722 : vector<16xf32>
          %parallel_loop3A_726 = arith.mulf %parallel_loop3A_725, %parallel_loop3A_725 : vector<16xf32>
          %parallel_loop3A_727 = arith.addf %parallel_loop3A_686, %parallel_loop3A_726 : vector<16xf32>
          %parallel_loop3A_728 = vector.broadcast %parallel_loop3A_704 : f32 to vector<16xf32>
          %parallel_loop3A_729 = arith.mulf %parallel_loop3A_725, %parallel_loop3A_728 : vector<16xf32>
          %parallel_loop3A_730 = arith.addf %parallel_loop3A_689, %parallel_loop3A_729 : vector<16xf32>
          %parallel_loop3A_731 = vector.broadcast %parallel_loop3A_700 : f32 to vector<16xf32>
          %parallel_loop3A_732 = arith.mulf %parallel_loop3A_721, %parallel_loop3A_731 : vector<16xf32>
          %parallel_loop3A_733 = arith.addf %parallel_loop3A_692, %parallel_loop3A_732 : vector<16xf32>
          %parallel_loop3A_734 = vector.broadcast %parallel_loop3A_702 : f32 to vector<16xf32>
          %parallel_loop3A_735 = arith.mulf %parallel_loop3A_722, %parallel_loop3A_734 : vector<16xf32>
          %parallel_loop3A_736 = arith.addf %parallel_loop3A_695, %parallel_loop3A_735 : vector<16xf32>
          %parallel_loop3A_737 = arith.constant 6 : i32
          %parallel_loop3A_738 = vector.broadcast %parallel_loop3A_737 : i32 to vector<16xi32>
          %parallel_loop3A_739 = arith.addi %parallel_loop3A_490, %parallel_loop3A_738 : vector<16xi32>
          %parallel_loop3A_740 = vector.extract_strided_slice %parallel_loop3A_485 {offsets = [6], sizes = [1], strides = [1]} : vector<16xf32> to vector<1xf32>
          %parallel_loop3A_741 = vector.extract %parallel_loop3A_740[0] : f32 from vector<1xf32>
          %parallel_loop3A_742 = vector.extract_strided_slice %parallel_loop3A_487 {offsets = [6], sizes = [1], strides = [1]} : vector<16xf32> to vector<1xf32>
          %parallel_loop3A_743 = vector.extract %parallel_loop3A_742[0] : f32 from vector<1xf32>
          %parallel_loop3A_744 = vector.extract_strided_slice %parallel_loop3A_489 {offsets = [6], sizes = [1], strides = [1]} : vector<16xf32> to vector<1xf32>
          %parallel_loop3A_745 = vector.extract %parallel_loop3A_744[0] : f32 from vector<1xf32>
          %parallel_loop3A_746 = tpu.vector_load_idx %arg9[%broadcast_in_dim3A_434, %add3A_5, %parallel_loop3A_739] : memref<2x32x512xf32, #tpu.memory_space<vmem>>[vector<16xi32>, vector<16xi32>, vector<16xi32>], vector<16xf32>,
          %parallel_loop3A_747 = tpu.vector_load_idx %arg10[%broadcast_in_dim3A_434, %add3A_5, %parallel_loop3A_739] : memref<2x32x512xf32, #tpu.memory_space<vmem>>[vector<16xi32>, vector<16xi32>, vector<16xi32>], vector<16xf32>,
          %parallel_loop3A_748 = tpu.vector_load_idx %arg11[%broadcast_in_dim3A_434, %add3A_5, %parallel_loop3A_739] : memref<2x32x512xf32, #tpu.memory_space<vmem>>[vector<16xi32>, vector<16xi32>, vector<16xi32>], vector<16xf32>,
          %parallel_loop3A_749 = arith.addf %parallel_loop3A_746, %parallel_loop3A_748 : vector<16xf32>
          %parallel_loop3A_750 = arith.subf %parallel_loop3A_749, %parallel_loop3A_747 : vector<16xf32>
          %parallel_loop3A_751 = arith.mulf %parallel_loop3A_750, %parallel_loop3A_750 : vector<16xf32>
          %parallel_loop3A_752 = arith.addf %parallel_loop3A_711, %parallel_loop3A_751 : vector<16xf32>
          %parallel_loop3A_753 = vector.broadcast %parallel_loop3A_745 : f32 to vector<16xf32>
          %parallel_loop3A_754 = arith.mulf %parallel_loop3A_750, %parallel_loop3A_753 : vector<16xf32>
          %parallel_loop3A_755 = arith.addf %parallel_loop3A_714, %parallel_loop3A_754 : vector<16xf32>
          %parallel_loop3A_756 = vector.broadcast %parallel_loop3A_741 : f32 to vector<16xf32>
          %parallel_loop3A_757 = arith.mulf %parallel_loop3A_746, %parallel_loop3A_756 : vector<16xf32>
          %parallel_loop3A_758 = arith.addf %parallel_loop3A_717, %parallel_loop3A_757 : vector<16xf32>
          %parallel_loop3A_759 = vector.broadcast %parallel_loop3A_743 : f32 to vector<16xf32>
          %parallel_loop3A_760 = arith.mulf %parallel_loop3A_747, %parallel_loop3A_759 : vector<16xf32>
          %parallel_loop3A_761 = arith.addf %parallel_loop3A_720, %parallel_loop3A_760 : vector<16xf32>
          %parallel_loop3A_762 = tpu.vector_load_idx %arg9[%broadcast_in_dim3A_434, %add3A_8, %parallel_loop3A_739] : memref<2x32x512xf32, #tpu.memory_space<vmem>>[vector<16xi32>, vector<16xi32>, vector<16xi32>], vector<16xf32>,
          %parallel_loop3A_763 = tpu.vector_load_idx %arg10[%broadcast_in_dim3A_434, %add3A_8, %parallel_loop3A_739] : memref<2x32x512xf32, #tpu.memory_space<vmem>>[vector<16xi32>, vector<16xi32>, vector<16xi32>], vector<16xf32>,
          %parallel_loop3A_764 = tpu.vector_load_idx %arg11[%broadcast_in_dim3A_434, %add3A_8, %parallel_loop3A_739] : memref<2x32x512xf32, #tpu.memory_space<vmem>>[vector<16xi32>, vector<16xi32>, vector<16xi32>], vector<16xf32>,
          %parallel_loop3A_765 = arith.addf %parallel_loop3A_762, %parallel_loop3A_764 : vector<16xf32>
          %parallel_loop3A_766 = arith.subf %parallel_loop3A_765, %parallel_loop3A_763 : vector<16xf32>
          %parallel_loop3A_767 = arith.mulf %parallel_loop3A_766, %parallel_loop3A_766 : vector<16xf32>
          %parallel_loop3A_768 = arith.addf %parallel_loop3A_727, %parallel_loop3A_767 : vector<16xf32>
          %parallel_loop3A_769 = vector.broadcast %parallel_loop3A_745 : f32 to vector<16xf32>
          %parallel_loop3A_770 = arith.mulf %parallel_loop3A_766, %parallel_loop3A_769 : vector<16xf32>
          %parallel_loop3A_771 = arith.addf %parallel_loop3A_730, %parallel_loop3A_770 : vector<16xf32>
          %parallel_loop3A_772 = vector.broadcast %parallel_loop3A_741 : f32 to vector<16xf32>
          %parallel_loop3A_773 = arith.mulf %parallel_loop3A_762, %parallel_loop3A_772 : vector<16xf32>
          %parallel_loop3A_774 = arith.addf %parallel_loop3A_733, %parallel_loop3A_773 : vector<16xf32>
          %parallel_loop3A_775 = vector.broadcast %parallel_loop3A_743 : f32 to vector<16xf32>
          %parallel_loop3A_776 = arith.mulf %parallel_loop3A_763, %parallel_loop3A_775 : vector<16xf32>
          %parallel_loop3A_777 = arith.addf %parallel_loop3A_736, %parallel_loop3A_776 : vector<16xf32>
          %parallel_loop3A_778 = arith.constant 7 : i32
          %parallel_loop3A_779 = vector.broadcast %parallel_loop3A_778 : i32 to vector<16xi32>
          %parallel_loop3A_780 = arith.addi %parallel_loop3A_490, %parallel_loop3A_779 : vector<16xi32>
          %parallel_loop3A_781 = vector.extract_strided_slice %parallel_loop3A_485 {offsets = [7], sizes = [1], strides = [1]} : vector<16xf32> to vector<1xf32>
          %parallel_loop3A_782 = vector.extract %parallel_loop3A_781[0] : f32 from vector<1xf32>
          %parallel_loop3A_783 = vector.extract_strided_slice %parallel_loop3A_487 {offsets = [7], sizes = [1], strides = [1]} : vector<16xf32> to vector<1xf32>
          %parallel_loop3A_784 = vector.extract %parallel_loop3A_783[0] : f32 from vector<1xf32>
          %parallel_loop3A_785 = vector.extract_strided_slice %parallel_loop3A_489 {offsets = [7], sizes = [1], strides = [1]} : vector<16xf32> to vector<1xf32>
          %parallel_loop3A_786 = vector.extract %parallel_loop3A_785[0] : f32 from vector<1xf32>
          %parallel_loop3A_787 = tpu.vector_load_idx %arg9[%broadcast_in_dim3A_434, %add3A_5, %parallel_loop3A_780] : memref<2x32x512xf32, #tpu.memory_space<vmem>>[vector<16xi32>, vector<16xi32>, vector<16xi32>], vector<16xf32>,
          %parallel_loop3A_788 = tpu.vector_load_idx %arg10[%broadcast_in_dim3A_434, %add3A_5, %parallel_loop3A_780] : memref<2x32x512xf32, #tpu.memory_space<vmem>>[vector<16xi32>, vector<16xi32>, vector<16xi32>], vector<16xf32>,
          %parallel_loop3A_789 = tpu.vector_load_idx %arg11[%broadcast_in_dim3A_434, %add3A_5, %parallel_loop3A_780] : memref<2x32x512xf32, #tpu.memory_space<vmem>>[vector<16xi32>, vector<16xi32>, vector<16xi32>], vector<16xf32>,
          %parallel_loop3A_790 = arith.addf %parallel_loop3A_787, %parallel_loop3A_789 : vector<16xf32>
          %parallel_loop3A_791 = arith.subf %parallel_loop3A_790, %parallel_loop3A_788 : vector<16xf32>
          %parallel_loop3A_792 = arith.mulf %parallel_loop3A_791, %parallel_loop3A_791 : vector<16xf32>
          %parallel_loop3A_793 = arith.addf %parallel_loop3A_752, %parallel_loop3A_792 : vector<16xf32>
          %parallel_loop3A_794 = vector.broadcast %parallel_loop3A_786 : f32 to vector<16xf32>
          %parallel_loop3A_795 = arith.mulf %parallel_loop3A_791, %parallel_loop3A_794 : vector<16xf32>
          %parallel_loop3A_796 = arith.addf %parallel_loop3A_755, %parallel_loop3A_795 : vector<16xf32>
          %parallel_loop3A_797 = vector.broadcast %parallel_loop3A_782 : f32 to vector<16xf32>
          %parallel_loop3A_798 = arith.mulf %parallel_loop3A_787, %parallel_loop3A_797 : vector<16xf32>
          %parallel_loop3A_799 = arith.addf %parallel_loop3A_758, %parallel_loop3A_798 : vector<16xf32>
          %parallel_loop3A_800 = vector.broadcast %parallel_loop3A_784 : f32 to vector<16xf32>
          %parallel_loop3A_801 = arith.mulf %parallel_loop3A_788, %parallel_loop3A_800 : vector<16xf32>
          %parallel_loop3A_802 = arith.addf %parallel_loop3A_761, %parallel_loop3A_801 : vector<16xf32>
          %parallel_loop3A_803 = tpu.vector_load_idx %arg9[%broadcast_in_dim3A_434, %add3A_8, %parallel_loop3A_780] : memref<2x32x512xf32, #tpu.memory_space<vmem>>[vector<16xi32>, vector<16xi32>, vector<16xi32>], vector<16xf32>,
          %parallel_loop3A_804 = tpu.vector_load_idx %arg10[%broadcast_in_dim3A_434, %add3A_8, %parallel_loop3A_780] : memref<2x32x512xf32, #tpu.memory_space<vmem>>[vector<16xi32>, vector<16xi32>, vector<16xi32>], vector<16xf32>,
          %parallel_loop3A_805 = tpu.vector_load_idx %arg11[%broadcast_in_dim3A_434, %add3A_8, %parallel_loop3A_780] : memref<2x32x512xf32, #tpu.memory_space<vmem>>[vector<16xi32>, vector<16xi32>, vector<16xi32>], vector<16xf32>,
          %parallel_loop3A_806 = arith.addf %parallel_loop3A_803, %parallel_loop3A_805 : vector<16xf32>
          %parallel_loop3A_807 = arith.subf %parallel_loop3A_806, %parallel_loop3A_804 : vector<16xf32>
          %parallel_loop3A_808 = arith.mulf %parallel_loop3A_807, %parallel_loop3A_807 : vector<16xf32>
          %parallel_loop3A_809 = arith.addf %parallel_loop3A_768, %parallel_loop3A_808 : vector<16xf32>
          %parallel_loop3A_810 = vector.broadcast %parallel_loop3A_786 : f32 to vector<16xf32>
          %parallel_loop3A_811 = arith.mulf %parallel_loop3A_807, %parallel_loop3A_810 : vector<16xf32>
          %parallel_loop3A_812 = arith.addf %parallel_loop3A_771, %parallel_loop3A_811 : vector<16xf32>
          %parallel_loop3A_813 = vector.broadcast %parallel_loop3A_782 : f32 to vector<16xf32>
          %parallel_loop3A_814 = arith.mulf %parallel_loop3A_803, %parallel_loop3A_813 : vector<16xf32>
          %parallel_loop3A_815 = arith.addf %parallel_loop3A_774, %parallel_loop3A_814 : vector<16xf32>
          %parallel_loop3A_816 = vector.broadcast %parallel_loop3A_784 : f32 to vector<16xf32>
          %parallel_loop3A_817 = arith.mulf %parallel_loop3A_804, %parallel_loop3A_816 : vector<16xf32>
          %parallel_loop3A_818 = arith.addf %parallel_loop3A_777, %parallel_loop3A_817 : vector<16xf32>
          %parallel_loop3A_819 = arith.constant 8 : i32
          %parallel_loop3A_820 = vector.broadcast %parallel_loop3A_819 : i32 to vector<16xi32>
          %parallel_loop3A_821 = arith.addi %parallel_loop3A_490, %parallel_loop3A_820 : vector<16xi32>
          %parallel_loop3A_822 = vector.extract_strided_slice %parallel_loop3A_485 {offsets = [8], sizes = [1], strides = [1]} : vector<16xf32> to vector<1xf32>
          %parallel_loop3A_823 = vector.extract %parallel_loop3A_822[0] : f32 from vector<1xf32>
          %parallel_loop3A_824 = vector.extract_strided_slice %parallel_loop3A_487 {offsets = [8], sizes = [1], strides = [1]} : vector<16xf32> to vector<1xf32>
          %parallel_loop3A_825 = vector.extract %parallel_loop3A_824[0] : f32 from vector<1xf32>
          %parallel_loop3A_826 = vector.extract_strided_slice %parallel_loop3A_489 {offsets = [8], sizes = [1], strides = [1]} : vector<16xf32> to vector<1xf32>
          %parallel_loop3A_827 = vector.extract %parallel_loop3A_826[0] : f32 from vector<1xf32>
          %parallel_loop3A_828 = tpu.vector_load_idx %arg9[%broadcast_in_dim3A_434, %add3A_5, %parallel_loop3A_821] : memref<2x32x512xf32, #tpu.memory_space<vmem>>[vector<16xi32>, vector<16xi32>, vector<16xi32>], vector<16xf32>,
          %parallel_loop3A_829 = tpu.vector_load_idx %arg10[%broadcast_in_dim3A_434, %add3A_5, %parallel_loop3A_821] : memref<2x32x512xf32, #tpu.memory_space<vmem>>[vector<16xi32>, vector<16xi32>, vector<16xi32>], vector<16xf32>,
          %parallel_loop3A_830 = tpu.vector_load_idx %arg11[%broadcast_in_dim3A_434, %add3A_5, %parallel_loop3A_821] : memref<2x32x512xf32, #tpu.memory_space<vmem>>[vector<16xi32>, vector<16xi32>, vector<16xi32>], vector<16xf32>,
          %parallel_loop3A_831 = arith.addf %parallel_loop3A_828, %parallel_loop3A_830 : vector<16xf32>
          %parallel_loop3A_832 = arith.subf %parallel_loop3A_831, %parallel_loop3A_829 : vector<16xf32>
          %parallel_loop3A_833 = arith.mulf %parallel_loop3A_832, %parallel_loop3A_832 : vector<16xf32>
          %parallel_loop3A_834 = arith.addf %parallel_loop3A_793, %parallel_loop3A_833 : vector<16xf32>
          %parallel_loop3A_835 = vector.broadcast %parallel_loop3A_827 : f32 to vector<16xf32>
          %parallel_loop3A_836 = arith.mulf %parallel_loop3A_832, %parallel_loop3A_835 : vector<16xf32>
          %parallel_loop3A_837 = arith.addf %parallel_loop3A_796, %parallel_loop3A_836 : vector<16xf32>
          %parallel_loop3A_838 = vector.broadcast %parallel_loop3A_823 : f32 to vector<16xf32>
          %parallel_loop3A_839 = arith.mulf %parallel_loop3A_828, %parallel_loop3A_838 : vector<16xf32>
          %parallel_loop3A_840 = arith.addf %parallel_loop3A_799, %parallel_loop3A_839 : vector<16xf32>
          %parallel_loop3A_841 = vector.broadcast %parallel_loop3A_825 : f32 to vector<16xf32>
          %parallel_loop3A_842 = arith.mulf %parallel_loop3A_829, %parallel_loop3A_841 : vector<16xf32>
          %parallel_loop3A_843 = arith.addf %parallel_loop3A_802, %parallel_loop3A_842 : vector<16xf32>
          %parallel_loop3A_844 = tpu.vector_load_idx %arg9[%broadcast_in_dim3A_434, %add3A_8, %parallel_loop3A_821] : memref<2x32x512xf32, #tpu.memory_space<vmem>>[vector<16xi32>, vector<16xi32>, vector<16xi32>], vector<16xf32>,
          %parallel_loop3A_845 = tpu.vector_load_idx %arg10[%broadcast_in_dim3A_434, %add3A_8, %parallel_loop3A_821] : memref<2x32x512xf32, #tpu.memory_space<vmem>>[vector<16xi32>, vector<16xi32>, vector<16xi32>], vector<16xf32>,
          %parallel_loop3A_846 = tpu.vector_load_idx %arg11[%broadcast_in_dim3A_434, %add3A_8, %parallel_loop3A_821] : memref<2x32x512xf32, #tpu.memory_space<vmem>>[vector<16xi32>, vector<16xi32>, vector<16xi32>], vector<16xf32>,
          %parallel_loop3A_847 = arith.addf %parallel_loop3A_844, %parallel_loop3A_846 : vector<16xf32>
          %parallel_loop3A_848 = arith.subf %parallel_loop3A_847, %parallel_loop3A_845 : vector<16xf32>
          %parallel_loop3A_849 = arith.mulf %parallel_loop3A_848, %parallel_loop3A_848 : vector<16xf32>
          %parallel_loop3A_850 = arith.addf %parallel_loop3A_809, %parallel_loop3A_849 : vector<16xf32>
          %parallel_loop3A_851 = vector.broadcast %parallel_loop3A_827 : f32 to vector<16xf32>
          %parallel_loop3A_852 = arith.mulf %parallel_loop3A_848, %parallel_loop3A_851 : vector<16xf32>
          %parallel_loop3A_853 = arith.addf %parallel_loop3A_812, %parallel_loop3A_852 : vector<16xf32>
          %parallel_loop3A_854 = vector.broadcast %parallel_loop3A_823 : f32 to vector<16xf32>
          %parallel_loop3A_855 = arith.mulf %parallel_loop3A_844, %parallel_loop3A_854 : vector<16xf32>
          %parallel_loop3A_856 = arith.addf %parallel_loop3A_815, %parallel_loop3A_855 : vector<16xf32>
          %parallel_loop3A_857 = vector.broadcast %parallel_loop3A_825 : f32 to vector<16xf32>
          %parallel_loop3A_858 = arith.mulf %parallel_loop3A_845, %parallel_loop3A_857 : vector<16xf32>
          %parallel_loop3A_859 = arith.addf %parallel_loop3A_818, %parallel_loop3A_858 : vector<16xf32>
          %parallel_loop3A_860 = arith.constant 9 : i32
          %parallel_loop3A_861 = vector.broadcast %parallel_loop3A_860 : i32 to vector<16xi32>
          %parallel_loop3A_862 = arith.addi %parallel_loop3A_490, %parallel_loop3A_861 : vector<16xi32>
          %parallel_loop3A_863 = vector.extract_strided_slice %parallel_loop3A_485 {offsets = [9], sizes = [1], strides = [1]} : vector<16xf32> to vector<1xf32>
          %parallel_loop3A_864 = vector.extract %parallel_loop3A_863[0] : f32 from vector<1xf32>
          %parallel_loop3A_865 = vector.extract_strided_slice %parallel_loop3A_487 {offsets = [9], sizes = [1], strides = [1]} : vector<16xf32> to vector<1xf32>
          %parallel_loop3A_866 = vector.extract %parallel_loop3A_865[0] : f32 from vector<1xf32>
          %parallel_loop3A_867 = vector.extract_strided_slice %parallel_loop3A_489 {offsets = [9], sizes = [1], strides = [1]} : vector<16xf32> to vector<1xf32>
          %parallel_loop3A_868 = vector.extract %parallel_loop3A_867[0] : f32 from vector<1xf32>
          %parallel_loop3A_869 = tpu.vector_load_idx %arg9[%broadcast_in_dim3A_434, %add3A_5, %parallel_loop3A_862] : memref<2x32x512xf32, #tpu.memory_space<vmem>>[vector<16xi32>, vector<16xi32>, vector<16xi32>], vector<16xf32>,
          %parallel_loop3A_870 = tpu.vector_load_idx %arg10[%broadcast_in_dim3A_434, %add3A_5, %parallel_loop3A_862] : memref<2x32x512xf32, #tpu.memory_space<vmem>>[vector<16xi32>, vector<16xi32>, vector<16xi32>], vector<16xf32>,
          %parallel_loop3A_871 = tpu.vector_load_idx %arg11[%broadcast_in_dim3A_434, %add3A_5, %parallel_loop3A_862] : memref<2x32x512xf32, #tpu.memory_space<vmem>>[vector<16xi32>, vector<16xi32>, vector<16xi32>], vector<16xf32>,
          %parallel_loop3A_872 = arith.addf %parallel_loop3A_869, %parallel_loop3A_871 : vector<16xf32>
          %parallel_loop3A_873 = arith.subf %parallel_loop3A_872, %parallel_loop3A_870 : vector<16xf32>
          %parallel_loop3A_874 = arith.mulf %parallel_loop3A_873, %parallel_loop3A_873 : vector<16xf32>
          %parallel_loop3A_875 = arith.addf %parallel_loop3A_834, %parallel_loop3A_874 : vector<16xf32>
          %parallel_loop3A_876 = vector.broadcast %parallel_loop3A_868 : f32 to vector<16xf32>
          %parallel_loop3A_877 = arith.mulf %parallel_loop3A_873, %parallel_loop3A_876 : vector<16xf32>
          %parallel_loop3A_878 = arith.addf %parallel_loop3A_837, %parallel_loop3A_877 : vector<16xf32>
          %parallel_loop3A_879 = vector.broadcast %parallel_loop3A_864 : f32 to vector<16xf32>
          %parallel_loop3A_880 = arith.mulf %parallel_loop3A_869, %parallel_loop3A_879 : vector<16xf32>
          %parallel_loop3A_881 = arith.addf %parallel_loop3A_840, %parallel_loop3A_880 : vector<16xf32>
          %parallel_loop3A_882 = vector.broadcast %parallel_loop3A_866 : f32 to vector<16xf32>
          %parallel_loop3A_883 = arith.mulf %parallel_loop3A_870, %parallel_loop3A_882 : vector<16xf32>
          %parallel_loop3A_884 = arith.addf %parallel_loop3A_843, %parallel_loop3A_883 : vector<16xf32>
          %parallel_loop3A_885 = tpu.vector_load_idx %arg9[%broadcast_in_dim3A_434, %add3A_8, %parallel_loop3A_862] : memref<2x32x512xf32, #tpu.memory_space<vmem>>[vector<16xi32>, vector<16xi32>, vector<16xi32>], vector<16xf32>,
          %parallel_loop3A_886 = tpu.vector_load_idx %arg10[%broadcast_in_dim3A_434, %add3A_8, %parallel_loop3A_862] : memref<2x32x512xf32, #tpu.memory_space<vmem>>[vector<16xi32>, vector<16xi32>, vector<16xi32>], vector<16xf32>,
          %parallel_loop3A_887 = tpu.vector_load_idx %arg11[%broadcast_in_dim3A_434, %add3A_8, %parallel_loop3A_862] : memref<2x32x512xf32, #tpu.memory_space<vmem>>[vector<16xi32>, vector<16xi32>, vector<16xi32>], vector<16xf32>,
          %parallel_loop3A_888 = arith.addf %parallel_loop3A_885, %parallel_loop3A_887 : vector<16xf32>
          %parallel_loop3A_889 = arith.subf %parallel_loop3A_888, %parallel_loop3A_886 : vector<16xf32>
          %parallel_loop3A_890 = arith.mulf %parallel_loop3A_889, %parallel_loop3A_889 : vector<16xf32>
          %parallel_loop3A_891 = arith.addf %parallel_loop3A_850, %parallel_loop3A_890 : vector<16xf32>
          %parallel_loop3A_892 = vector.broadcast %parallel_loop3A_868 : f32 to vector<16xf32>
          %parallel_loop3A_893 = arith.mulf %parallel_loop3A_889, %parallel_loop3A_892 : vector<16xf32>
          %parallel_loop3A_894 = arith.addf %parallel_loop3A_853, %parallel_loop3A_893 : vector<16xf32>
          %parallel_loop3A_895 = vector.broadcast %parallel_loop3A_864 : f32 to vector<16xf32>
          %parallel_loop3A_896 = arith.mulf %parallel_loop3A_885, %parallel_loop3A_895 : vector<16xf32>
          %parallel_loop3A_897 = arith.addf %parallel_loop3A_856, %parallel_loop3A_896 : vector<16xf32>
          %parallel_loop3A_898 = vector.broadcast %parallel_loop3A_866 : f32 to vector<16xf32>
          %parallel_loop3A_899 = arith.mulf %parallel_loop3A_886, %parallel_loop3A_898 : vector<16xf32>
          %parallel_loop3A_900 = arith.addf %parallel_loop3A_859, %parallel_loop3A_899 : vector<16xf32>
          %parallel_loop3A_901 = arith.constant 10 : i32
          %parallel_loop3A_902 = vector.broadcast %parallel_loop3A_901 : i32 to vector<16xi32>
          %parallel_loop3A_903 = arith.addi %parallel_loop3A_490, %parallel_loop3A_902 : vector<16xi32>
          %parallel_loop3A_904 = vector.extract_strided_slice %parallel_loop3A_485 {offsets = [10], sizes = [1], strides = [1]} : vector<16xf32> to vector<1xf32>
          %parallel_loop3A_905 = vector.extract %parallel_loop3A_904[0] : f32 from vector<1xf32>
          %parallel_loop3A_906 = vector.extract_strided_slice %parallel_loop3A_487 {offsets = [10], sizes = [1], strides = [1]} : vector<16xf32> to vector<1xf32>
          %parallel_loop3A_907 = vector.extract %parallel_loop3A_906[0] : f32 from vector<1xf32>
          %parallel_loop3A_908 = vector.extract_strided_slice %parallel_loop3A_489 {offsets = [10], sizes = [1], strides = [1]} : vector<16xf32> to vector<1xf32>
          %parallel_loop3A_909 = vector.extract %parallel_loop3A_908[0] : f32 from vector<1xf32>
          %parallel_loop3A_910 = tpu.vector_load_idx %arg9[%broadcast_in_dim3A_434, %add3A_5, %parallel_loop3A_903] : memref<2x32x512xf32, #tpu.memory_space<vmem>>[vector<16xi32>, vector<16xi32>, vector<16xi32>], vector<16xf32>,
          %parallel_loop3A_911 = tpu.vector_load_idx %arg10[%broadcast_in_dim3A_434, %add3A_5, %parallel_loop3A_903] : memref<2x32x512xf32, #tpu.memory_space<vmem>>[vector<16xi32>, vector<16xi32>, vector<16xi32>], vector<16xf32>,
          %parallel_loop3A_912 = tpu.vector_load_idx %arg11[%broadcast_in_dim3A_434, %add3A_5, %parallel_loop3A_903] : memref<2x32x512xf32, #tpu.memory_space<vmem>>[vector<16xi32>, vector<16xi32>, vector<16xi32>], vector<16xf32>,
          %parallel_loop3A_913 = arith.addf %parallel_loop3A_910, %parallel_loop3A_912 : vector<16xf32>
          %parallel_loop3A_914 = arith.subf %parallel_loop3A_913, %parallel_loop3A_911 : vector<16xf32>
          %parallel_loop3A_915 = arith.mulf %parallel_loop3A_914, %parallel_loop3A_914 : vector<16xf32>
          %parallel_loop3A_916 = arith.addf %parallel_loop3A_875, %parallel_loop3A_915 : vector<16xf32>
          %parallel_loop3A_917 = vector.broadcast %parallel_loop3A_909 : f32 to vector<16xf32>
          %parallel_loop3A_918 = arith.mulf %parallel_loop3A_914, %parallel_loop3A_917 : vector<16xf32>
          %parallel_loop3A_919 = arith.addf %parallel_loop3A_878, %parallel_loop3A_918 : vector<16xf32>
          %parallel_loop3A_920 = vector.broadcast %parallel_loop3A_905 : f32 to vector<16xf32>
          %parallel_loop3A_921 = arith.mulf %parallel_loop3A_910, %parallel_loop3A_920 : vector<16xf32>
          %parallel_loop3A_922 = arith.addf %parallel_loop3A_881, %parallel_loop3A_921 : vector<16xf32>
          %parallel_loop3A_923 = vector.broadcast %parallel_loop3A_907 : f32 to vector<16xf32>
          %parallel_loop3A_924 = arith.mulf %parallel_loop3A_911, %parallel_loop3A_923 : vector<16xf32>
          %parallel_loop3A_925 = arith.addf %parallel_loop3A_884, %parallel_loop3A_924 : vector<16xf32>
          %parallel_loop3A_926 = tpu.vector_load_idx %arg9[%broadcast_in_dim3A_434, %add3A_8, %parallel_loop3A_903] : memref<2x32x512xf32, #tpu.memory_space<vmem>>[vector<16xi32>, vector<16xi32>, vector<16xi32>], vector<16xf32>,
          %parallel_loop3A_927 = tpu.vector_load_idx %arg10[%broadcast_in_dim3A_434, %add3A_8, %parallel_loop3A_903] : memref<2x32x512xf32, #tpu.memory_space<vmem>>[vector<16xi32>, vector<16xi32>, vector<16xi32>], vector<16xf32>,
          %parallel_loop3A_928 = tpu.vector_load_idx %arg11[%broadcast_in_dim3A_434, %add3A_8, %parallel_loop3A_903] : memref<2x32x512xf32, #tpu.memory_space<vmem>>[vector<16xi32>, vector<16xi32>, vector<16xi32>], vector<16xf32>,
          %parallel_loop3A_929 = arith.addf %parallel_loop3A_926, %parallel_loop3A_928 : vector<16xf32>
          %parallel_loop3A_930 = arith.subf %parallel_loop3A_929, %parallel_loop3A_927 : vector<16xf32>
          %parallel_loop3A_931 = arith.mulf %parallel_loop3A_930, %parallel_loop3A_930 : vector<16xf32>
          %parallel_loop3A_932 = arith.addf %parallel_loop3A_891, %parallel_loop3A_931 : vector<16xf32>
          %parallel_loop3A_933 = vector.broadcast %parallel_loop3A_909 : f32 to vector<16xf32>
          %parallel_loop3A_934 = arith.mulf %parallel_loop3A_930, %parallel_loop3A_933 : vector<16xf32>
          %parallel_loop3A_935 = arith.addf %parallel_loop3A_894, %parallel_loop3A_934 : vector<16xf32>
          %parallel_loop3A_936 = vector.broadcast %parallel_loop3A_905 : f32 to vector<16xf32>
          %parallel_loop3A_937 = arith.mulf %parallel_loop3A_926, %parallel_loop3A_936 : vector<16xf32>
          %parallel_loop3A_938 = arith.addf %parallel_loop3A_897, %parallel_loop3A_937 : vector<16xf32>
          %parallel_loop3A_939 = vector.broadcast %parallel_loop3A_907 : f32 to vector<16xf32>
          %parallel_loop3A_940 = arith.mulf %parallel_loop3A_927, %parallel_loop3A_939 : vector<16xf32>
          %parallel_loop3A_941 = arith.addf %parallel_loop3A_900, %parallel_loop3A_940 : vector<16xf32>
          %parallel_loop3A_942 = arith.constant 11 : i32
          %parallel_loop3A_943 = vector.broadcast %parallel_loop3A_942 : i32 to vector<16xi32>
          %parallel_loop3A_944 = arith.addi %parallel_loop3A_490, %parallel_loop3A_943 : vector<16xi32>
          %parallel_loop3A_945 = vector.extract_strided_slice %parallel_loop3A_485 {offsets = [11], sizes = [1], strides = [1]} : vector<16xf32> to vector<1xf32>
          %parallel_loop3A_946 = vector.extract %parallel_loop3A_945[0] : f32 from vector<1xf32>
          %parallel_loop3A_947 = vector.extract_strided_slice %parallel_loop3A_487 {offsets = [11], sizes = [1], strides = [1]} : vector<16xf32> to vector<1xf32>
          %parallel_loop3A_948 = vector.extract %parallel_loop3A_947[0] : f32 from vector<1xf32>
          %parallel_loop3A_949 = vector.extract_strided_slice %parallel_loop3A_489 {offsets = [11], sizes = [1], strides = [1]} : vector<16xf32> to vector<1xf32>
          %parallel_loop3A_950 = vector.extract %parallel_loop3A_949[0] : f32 from vector<1xf32>
          %parallel_loop3A_951 = tpu.vector_load_idx %arg9[%broadcast_in_dim3A_434, %add3A_5, %parallel_loop3A_944] : memref<2x32x512xf32, #tpu.memory_space<vmem>>[vector<16xi32>, vector<16xi32>, vector<16xi32>], vector<16xf32>,
          %parallel_loop3A_952 = tpu.vector_load_idx %arg10[%broadcast_in_dim3A_434, %add3A_5, %parallel_loop3A_944] : memref<2x32x512xf32, #tpu.memory_space<vmem>>[vector<16xi32>, vector<16xi32>, vector<16xi32>], vector<16xf32>,
          %parallel_loop3A_953 = tpu.vector_load_idx %arg11[%broadcast_in_dim3A_434, %add3A_5, %parallel_loop3A_944] : memref<2x32x512xf32, #tpu.memory_space<vmem>>[vector<16xi32>, vector<16xi32>, vector<16xi32>], vector<16xf32>,
          %parallel_loop3A_954 = arith.addf %parallel_loop3A_951, %parallel_loop3A_953 : vector<16xf32>
          %parallel_loop3A_955 = arith.subf %parallel_loop3A_954, %parallel_loop3A_952 : vector<16xf32>
          %parallel_loop3A_956 = arith.mulf %parallel_loop3A_955, %parallel_loop3A_955 : vector<16xf32>
          %parallel_loop3A_957 = arith.addf %parallel_loop3A_916, %parallel_loop3A_956 : vector<16xf32>
          %parallel_loop3A_958 = vector.broadcast %parallel_loop3A_950 : f32 to vector<16xf32>
          %parallel_loop3A_959 = arith.mulf %parallel_loop3A_955, %parallel_loop3A_958 : vector<16xf32>
          %parallel_loop3A_960 = arith.addf %parallel_loop3A_919, %parallel_loop3A_959 : vector<16xf32>
          %parallel_loop3A_961 = vector.broadcast %parallel_loop3A_946 : f32 to vector<16xf32>
          %parallel_loop3A_962 = arith.mulf %parallel_loop3A_951, %parallel_loop3A_961 : vector<16xf32>
          %parallel_loop3A_963 = arith.addf %parallel_loop3A_922, %parallel_loop3A_962 : vector<16xf32>
          %parallel_loop3A_964 = vector.broadcast %parallel_loop3A_948 : f32 to vector<16xf32>
          %parallel_loop3A_965 = arith.mulf %parallel_loop3A_952, %parallel_loop3A_964 : vector<16xf32>
          %parallel_loop3A_966 = arith.addf %parallel_loop3A_925, %parallel_loop3A_965 : vector<16xf32>
          %parallel_loop3A_967 = tpu.vector_load_idx %arg9[%broadcast_in_dim3A_434, %add3A_8, %parallel_loop3A_944] : memref<2x32x512xf32, #tpu.memory_space<vmem>>[vector<16xi32>, vector<16xi32>, vector<16xi32>], vector<16xf32>,
          %parallel_loop3A_968 = tpu.vector_load_idx %arg10[%broadcast_in_dim3A_434, %add3A_8, %parallel_loop3A_944] : memref<2x32x512xf32, #tpu.memory_space<vmem>>[vector<16xi32>, vector<16xi32>, vector<16xi32>], vector<16xf32>,
          %parallel_loop3A_969 = tpu.vector_load_idx %arg11[%broadcast_in_dim3A_434, %add3A_8, %parallel_loop3A_944] : memref<2x32x512xf32, #tpu.memory_space<vmem>>[vector<16xi32>, vector<16xi32>, vector<16xi32>], vector<16xf32>,
          %parallel_loop3A_970 = arith.addf %parallel_loop3A_967, %parallel_loop3A_969 : vector<16xf32>
          %parallel_loop3A_971 = arith.subf %parallel_loop3A_970, %parallel_loop3A_968 : vector<16xf32>
          %parallel_loop3A_972 = arith.mulf %parallel_loop3A_971, %parallel_loop3A_971 : vector<16xf32>
          %parallel_loop3A_973 = arith.addf %parallel_loop3A_932, %parallel_loop3A_972 : vector<16xf32>
          %parallel_loop3A_974 = vector.broadcast %parallel_loop3A_950 : f32 to vector<16xf32>
          %parallel_loop3A_975 = arith.mulf %parallel_loop3A_971, %parallel_loop3A_974 : vector<16xf32>
          %parallel_loop3A_976 = arith.addf %parallel_loop3A_935, %parallel_loop3A_975 : vector<16xf32>
          %parallel_loop3A_977 = vector.broadcast %parallel_loop3A_946 : f32 to vector<16xf32>
          %parallel_loop3A_978 = arith.mulf %parallel_loop3A_967, %parallel_loop3A_977 : vector<16xf32>
          %parallel_loop3A_979 = arith.addf %parallel_loop3A_938, %parallel_loop3A_978 : vector<16xf32>
          %parallel_loop3A_980 = vector.broadcast %parallel_loop3A_948 : f32 to vector<16xf32>
          %parallel_loop3A_981 = arith.mulf %parallel_loop3A_968, %parallel_loop3A_980 : vector<16xf32>
          %parallel_loop3A_982 = arith.addf %parallel_loop3A_941, %parallel_loop3A_981 : vector<16xf32>
          %parallel_loop3A_983 = arith.constant 12 : i32
          %parallel_loop3A_984 = vector.broadcast %parallel_loop3A_983 : i32 to vector<16xi32>
          %parallel_loop3A_985 = arith.addi %parallel_loop3A_490, %parallel_loop3A_984 : vector<16xi32>
          %parallel_loop3A_986 = vector.extract_strided_slice %parallel_loop3A_485 {offsets = [12], sizes = [1], strides = [1]} : vector<16xf32> to vector<1xf32>
          %parallel_loop3A_987 = vector.extract %parallel_loop3A_986[0] : f32 from vector<1xf32>
          %parallel_loop3A_988 = vector.extract_strided_slice %parallel_loop3A_487 {offsets = [12], sizes = [1], strides = [1]} : vector<16xf32> to vector<1xf32>
          %parallel_loop3A_989 = vector.extract %parallel_loop3A_988[0] : f32 from vector<1xf32>
          %parallel_loop3A_990 = vector.extract_strided_slice %parallel_loop3A_489 {offsets = [12], sizes = [1], strides = [1]} : vector<16xf32> to vector<1xf32>
          %parallel_loop3A_991 = vector.extract %parallel_loop3A_990[0] : f32 from vector<1xf32>
          %parallel_loop3A_992 = tpu.vector_load_idx %arg9[%broadcast_in_dim3A_434, %add3A_5, %parallel_loop3A_985] : memref<2x32x512xf32, #tpu.memory_space<vmem>>[vector<16xi32>, vector<16xi32>, vector<16xi32>], vector<16xf32>,
          %parallel_loop3A_993 = tpu.vector_load_idx %arg10[%broadcast_in_dim3A_434, %add3A_5, %parallel_loop3A_985] : memref<2x32x512xf32, #tpu.memory_space<vmem>>[vector<16xi32>, vector<16xi32>, vector<16xi32>], vector<16xf32>,
          %parallel_loop3A_994 = tpu.vector_load_idx %arg11[%broadcast_in_dim3A_434, %add3A_5, %parallel_loop3A_985] : memref<2x32x512xf32, #tpu.memory_space<vmem>>[vector<16xi32>, vector<16xi32>, vector<16xi32>], vector<16xf32>,
          %parallel_loop3A_995 = arith.addf %parallel_loop3A_992, %parallel_loop3A_994 : vector<16xf32>
          %parallel_loop3A_996 = arith.subf %parallel_loop3A_995, %parallel_loop3A_993 : vector<16xf32>
          %parallel_loop3A_997 = arith.mulf %parallel_loop3A_996, %parallel_loop3A_996 : vector<16xf32>
          %parallel_loop3A_998 = arith.addf %parallel_loop3A_957, %parallel_loop3A_997 : vector<16xf32>
          %parallel_loop3A_999 = vector.broadcast %parallel_loop3A_991 : f32 to vector<16xf32>
          %parallel_loop3A_1000 = arith.mulf %parallel_loop3A_996, %parallel_loop3A_999 : vector<16xf32>
          %parallel_loop3A_1001 = arith.addf %parallel_loop3A_960, %parallel_loop3A_1000 : vector<16xf32>
          %parallel_loop3A_1002 = vector.broadcast %parallel_loop3A_987 : f32 to vector<16xf32>
          %parallel_loop3A_1003 = arith.mulf %parallel_loop3A_992, %parallel_loop3A_1002 : vector<16xf32>
          %parallel_loop3A_1004 = arith.addf %parallel_loop3A_963, %parallel_loop3A_1003 : vector<16xf32>
          %parallel_loop3A_1005 = vector.broadcast %parallel_loop3A_989 : f32 to vector<16xf32>
          %parallel_loop3A_1006 = arith.mulf %parallel_loop3A_993, %parallel_loop3A_1005 : vector<16xf32>
          %parallel_loop3A_1007 = arith.addf %parallel_loop3A_966, %parallel_loop3A_1006 : vector<16xf32>
          %parallel_loop3A_1008 = tpu.vector_load_idx %arg9[%broadcast_in_dim3A_434, %add3A_8, %parallel_loop3A_985] : memref<2x32x512xf32, #tpu.memory_space<vmem>>[vector<16xi32>, vector<16xi32>, vector<16xi32>], vector<16xf32>,
          %parallel_loop3A_1009 = tpu.vector_load_idx %arg10[%broadcast_in_dim3A_434, %add3A_8, %parallel_loop3A_985] : memref<2x32x512xf32, #tpu.memory_space<vmem>>[vector<16xi32>, vector<16xi32>, vector<16xi32>], vector<16xf32>,
          %parallel_loop3A_1010 = tpu.vector_load_idx %arg11[%broadcast_in_dim3A_434, %add3A_8, %parallel_loop3A_985] : memref<2x32x512xf32, #tpu.memory_space<vmem>>[vector<16xi32>, vector<16xi32>, vector<16xi32>], vector<16xf32>,
          %parallel_loop3A_1011 = arith.addf %parallel_loop3A_1008, %parallel_loop3A_1010 : vector<16xf32>
          %parallel_loop3A_1012 = arith.subf %parallel_loop3A_1011, %parallel_loop3A_1009 : vector<16xf32>
          %parallel_loop3A_1013 = arith.mulf %parallel_loop3A_1012, %parallel_loop3A_1012 : vector<16xf32>
          %parallel_loop3A_1014 = arith.addf %parallel_loop3A_973, %parallel_loop3A_1013 : vector<16xf32>
          %parallel_loop3A_1015 = vector.broadcast %parallel_loop3A_991 : f32 to vector<16xf32>
          %parallel_loop3A_1016 = arith.mulf %parallel_loop3A_1012, %parallel_loop3A_1015 : vector<16xf32>
          %parallel_loop3A_1017 = arith.addf %parallel_loop3A_976, %parallel_loop3A_1016 : vector<16xf32>
          %parallel_loop3A_1018 = vector.broadcast %parallel_loop3A_987 : f32 to vector<16xf32>
          %parallel_loop3A_1019 = arith.mulf %parallel_loop3A_1008, %parallel_loop3A_1018 : vector<16xf32>
          %parallel_loop3A_1020 = arith.addf %parallel_loop3A_979, %parallel_loop3A_1019 : vector<16xf32>
          %parallel_loop3A_1021 = vector.broadcast %parallel_loop3A_989 : f32 to vector<16xf32>
          %parallel_loop3A_1022 = arith.mulf %parallel_loop3A_1009, %parallel_loop3A_1021 : vector<16xf32>
          %parallel_loop3A_1023 = arith.addf %parallel_loop3A_982, %parallel_loop3A_1022 : vector<16xf32>
          %parallel_loop3A_1024 = arith.constant 13 : i32
          %parallel_loop3A_1025 = vector.broadcast %parallel_loop3A_1024 : i32 to vector<16xi32>
          %parallel_loop3A_1026 = arith.addi %parallel_loop3A_490, %parallel_loop3A_1025 : vector<16xi32>
          %parallel_loop3A_1027 = vector.extract_strided_slice %parallel_loop3A_485 {offsets = [13], sizes = [1], strides = [1]} : vector<16xf32> to vector<1xf32>
          %parallel_loop3A_1028 = vector.extract %parallel_loop3A_1027[0] : f32 from vector<1xf32>
          %parallel_loop3A_1029 = vector.extract_strided_slice %parallel_loop3A_487 {offsets = [13], sizes = [1], strides = [1]} : vector<16xf32> to vector<1xf32>
          %parallel_loop3A_1030 = vector.extract %parallel_loop3A_1029[0] : f32 from vector<1xf32>
          %parallel_loop3A_1031 = vector.extract_strided_slice %parallel_loop3A_489 {offsets = [13], sizes = [1], strides = [1]} : vector<16xf32> to vector<1xf32>
          %parallel_loop3A_1032 = vector.extract %parallel_loop3A_1031[0] : f32 from vector<1xf32>
          %parallel_loop3A_1033 = tpu.vector_load_idx %arg9[%broadcast_in_dim3A_434, %add3A_5, %parallel_loop3A_1026] : memref<2x32x512xf32, #tpu.memory_space<vmem>>[vector<16xi32>, vector<16xi32>, vector<16xi32>], vector<16xf32>,
          %parallel_loop3A_1034 = tpu.vector_load_idx %arg10[%broadcast_in_dim3A_434, %add3A_5, %parallel_loop3A_1026] : memref<2x32x512xf32, #tpu.memory_space<vmem>>[vector<16xi32>, vector<16xi32>, vector<16xi32>], vector<16xf32>,
          %parallel_loop3A_1035 = tpu.vector_load_idx %arg11[%broadcast_in_dim3A_434, %add3A_5, %parallel_loop3A_1026] : memref<2x32x512xf32, #tpu.memory_space<vmem>>[vector<16xi32>, vector<16xi32>, vector<16xi32>], vector<16xf32>,
          %parallel_loop3A_1036 = arith.addf %parallel_loop3A_1033, %parallel_loop3A_1035 : vector<16xf32>
          %parallel_loop3A_1037 = arith.subf %parallel_loop3A_1036, %parallel_loop3A_1034 : vector<16xf32>
          %parallel_loop3A_1038 = arith.mulf %parallel_loop3A_1037, %parallel_loop3A_1037 : vector<16xf32>
          %parallel_loop3A_1039 = arith.addf %parallel_loop3A_998, %parallel_loop3A_1038 : vector<16xf32>
          %parallel_loop3A_1040 = vector.broadcast %parallel_loop3A_1032 : f32 to vector<16xf32>
          %parallel_loop3A_1041 = arith.mulf %parallel_loop3A_1037, %parallel_loop3A_1040 : vector<16xf32>
          %parallel_loop3A_1042 = arith.addf %parallel_loop3A_1001, %parallel_loop3A_1041 : vector<16xf32>
          %parallel_loop3A_1043 = vector.broadcast %parallel_loop3A_1028 : f32 to vector<16xf32>
          %parallel_loop3A_1044 = arith.mulf %parallel_loop3A_1033, %parallel_loop3A_1043 : vector<16xf32>
          %parallel_loop3A_1045 = arith.addf %parallel_loop3A_1004, %parallel_loop3A_1044 : vector<16xf32>
          %parallel_loop3A_1046 = vector.broadcast %parallel_loop3A_1030 : f32 to vector<16xf32>
          %parallel_loop3A_1047 = arith.mulf %parallel_loop3A_1034, %parallel_loop3A_1046 : vector<16xf32>
          %parallel_loop3A_1048 = arith.addf %parallel_loop3A_1007, %parallel_loop3A_1047 : vector<16xf32>
          %parallel_loop3A_1049 = tpu.vector_load_idx %arg9[%broadcast_in_dim3A_434, %add3A_8, %parallel_loop3A_1026] : memref<2x32x512xf32, #tpu.memory_space<vmem>>[vector<16xi32>, vector<16xi32>, vector<16xi32>], vector<16xf32>,
          %parallel_loop3A_1050 = tpu.vector_load_idx %arg10[%broadcast_in_dim3A_434, %add3A_8, %parallel_loop3A_1026] : memref<2x32x512xf32, #tpu.memory_space<vmem>>[vector<16xi32>, vector<16xi32>, vector<16xi32>], vector<16xf32>,
          %parallel_loop3A_1051 = tpu.vector_load_idx %arg11[%broadcast_in_dim3A_434, %add3A_8, %parallel_loop3A_1026] : memref<2x32x512xf32, #tpu.memory_space<vmem>>[vector<16xi32>, vector<16xi32>, vector<16xi32>], vector<16xf32>,
          %parallel_loop3A_1052 = arith.addf %parallel_loop3A_1049, %parallel_loop3A_1051 : vector<16xf32>
          %parallel_loop3A_1053 = arith.subf %parallel_loop3A_1052, %parallel_loop3A_1050 : vector<16xf32>
          %parallel_loop3A_1054 = arith.mulf %parallel_loop3A_1053, %parallel_loop3A_1053 : vector<16xf32>
          %parallel_loop3A_1055 = arith.addf %parallel_loop3A_1014, %parallel_loop3A_1054 : vector<16xf32>
          %parallel_loop3A_1056 = vector.broadcast %parallel_loop3A_1032 : f32 to vector<16xf32>
          %parallel_loop3A_1057 = arith.mulf %parallel_loop3A_1053, %parallel_loop3A_1056 : vector<16xf32>
          %parallel_loop3A_1058 = arith.addf %parallel_loop3A_1017, %parallel_loop3A_1057 : vector<16xf32>
          %parallel_loop3A_1059 = vector.broadcast %parallel_loop3A_1028 : f32 to vector<16xf32>
          %parallel_loop3A_1060 = arith.mulf %parallel_loop3A_1049, %parallel_loop3A_1059 : vector<16xf32>
          %parallel_loop3A_1061 = arith.addf %parallel_loop3A_1020, %parallel_loop3A_1060 : vector<16xf32>
          %parallel_loop3A_1062 = vector.broadcast %parallel_loop3A_1030 : f32 to vector<16xf32>
          %parallel_loop3A_1063 = arith.mulf %parallel_loop3A_1050, %parallel_loop3A_1062 : vector<16xf32>
          %parallel_loop3A_1064 = arith.addf %parallel_loop3A_1023, %parallel_loop3A_1063 : vector<16xf32>
          %parallel_loop3A_1065 = arith.constant 14 : i32
          %parallel_loop3A_1066 = vector.broadcast %parallel_loop3A_1065 : i32 to vector<16xi32>
          %parallel_loop3A_1067 = arith.addi %parallel_loop3A_490, %parallel_loop3A_1066 : vector<16xi32>
          %parallel_loop3A_1068 = vector.extract_strided_slice %parallel_loop3A_485 {offsets = [14], sizes = [1], strides = [1]} : vector<16xf32> to vector<1xf32>
          %parallel_loop3A_1069 = vector.extract %parallel_loop3A_1068[0] : f32 from vector<1xf32>
          %parallel_loop3A_1070 = vector.extract_strided_slice %parallel_loop3A_487 {offsets = [14], sizes = [1], strides = [1]} : vector<16xf32> to vector<1xf32>
          %parallel_loop3A_1071 = vector.extract %parallel_loop3A_1070[0] : f32 from vector<1xf32>
          %parallel_loop3A_1072 = vector.extract_strided_slice %parallel_loop3A_489 {offsets = [14], sizes = [1], strides = [1]} : vector<16xf32> to vector<1xf32>
          %parallel_loop3A_1073 = vector.extract %parallel_loop3A_1072[0] : f32 from vector<1xf32>
          %parallel_loop3A_1074 = tpu.vector_load_idx %arg9[%broadcast_in_dim3A_434, %add3A_5, %parallel_loop3A_1067] : memref<2x32x512xf32, #tpu.memory_space<vmem>>[vector<16xi32>, vector<16xi32>, vector<16xi32>], vector<16xf32>,
          %parallel_loop3A_1075 = tpu.vector_load_idx %arg10[%broadcast_in_dim3A_434, %add3A_5, %parallel_loop3A_1067] : memref<2x32x512xf32, #tpu.memory_space<vmem>>[vector<16xi32>, vector<16xi32>, vector<16xi32>], vector<16xf32>,
          %parallel_loop3A_1076 = tpu.vector_load_idx %arg11[%broadcast_in_dim3A_434, %add3A_5, %parallel_loop3A_1067] : memref<2x32x512xf32, #tpu.memory_space<vmem>>[vector<16xi32>, vector<16xi32>, vector<16xi32>], vector<16xf32>,
          %parallel_loop3A_1077 = arith.addf %parallel_loop3A_1074, %parallel_loop3A_1076 : vector<16xf32>
          %parallel_loop3A_1078 = arith.subf %parallel_loop3A_1077, %parallel_loop3A_1075 : vector<16xf32>
          %parallel_loop3A_1079 = arith.mulf %parallel_loop3A_1078, %parallel_loop3A_1078 : vector<16xf32>
          %parallel_loop3A_1080 = arith.addf %parallel_loop3A_1039, %parallel_loop3A_1079 : vector<16xf32>
          %parallel_loop3A_1081 = vector.broadcast %parallel_loop3A_1073 : f32 to vector<16xf32>
          %parallel_loop3A_1082 = arith.mulf %parallel_loop3A_1078, %parallel_loop3A_1081 : vector<16xf32>
          %parallel_loop3A_1083 = arith.addf %parallel_loop3A_1042, %parallel_loop3A_1082 : vector<16xf32>
          %parallel_loop3A_1084 = vector.broadcast %parallel_loop3A_1069 : f32 to vector<16xf32>
          %parallel_loop3A_1085 = arith.mulf %parallel_loop3A_1074, %parallel_loop3A_1084 : vector<16xf32>
          %parallel_loop3A_1086 = arith.addf %parallel_loop3A_1045, %parallel_loop3A_1085 : vector<16xf32>
          %parallel_loop3A_1087 = vector.broadcast %parallel_loop3A_1071 : f32 to vector<16xf32>
          %parallel_loop3A_1088 = arith.mulf %parallel_loop3A_1075, %parallel_loop3A_1087 : vector<16xf32>
          %parallel_loop3A_1089 = arith.addf %parallel_loop3A_1048, %parallel_loop3A_1088 : vector<16xf32>
          %parallel_loop3A_1090 = tpu.vector_load_idx %arg9[%broadcast_in_dim3A_434, %add3A_8, %parallel_loop3A_1067] : memref<2x32x512xf32, #tpu.memory_space<vmem>>[vector<16xi32>, vector<16xi32>, vector<16xi32>], vector<16xf32>,
          %parallel_loop3A_1091 = tpu.vector_load_idx %arg10[%broadcast_in_dim3A_434, %add3A_8, %parallel_loop3A_1067] : memref<2x32x512xf32, #tpu.memory_space<vmem>>[vector<16xi32>, vector<16xi32>, vector<16xi32>], vector<16xf32>,
          %parallel_loop3A_1092 = tpu.vector_load_idx %arg11[%broadcast_in_dim3A_434, %add3A_8, %parallel_loop3A_1067] : memref<2x32x512xf32, #tpu.memory_space<vmem>>[vector<16xi32>, vector<16xi32>, vector<16xi32>], vector<16xf32>,
          %parallel_loop3A_1093 = arith.addf %parallel_loop3A_1090, %parallel_loop3A_1092 : vector<16xf32>
          %parallel_loop3A_1094 = arith.subf %parallel_loop3A_1093, %parallel_loop3A_1091 : vector<16xf32>
          %parallel_loop3A_1095 = arith.mulf %parallel_loop3A_1094, %parallel_loop3A_1094 : vector<16xf32>
          %parallel_loop3A_1096 = arith.addf %parallel_loop3A_1055, %parallel_loop3A_1095 : vector<16xf32>
          %parallel_loop3A_1097 = vector.broadcast %parallel_loop3A_1073 : f32 to vector<16xf32>
          %parallel_loop3A_1098 = arith.mulf %parallel_loop3A_1094, %parallel_loop3A_1097 : vector<16xf32>
          %parallel_loop3A_1099 = arith.addf %parallel_loop3A_1058, %parallel_loop3A_1098 : vector<16xf32>
          %parallel_loop3A_1100 = vector.broadcast %parallel_loop3A_1069 : f32 to vector<16xf32>
          %parallel_loop3A_1101 = arith.mulf %parallel_loop3A_1090, %parallel_loop3A_1100 : vector<16xf32>
          %parallel_loop3A_1102 = arith.addf %parallel_loop3A_1061, %parallel_loop3A_1101 : vector<16xf32>
          %parallel_loop3A_1103 = vector.broadcast %parallel_loop3A_1071 : f32 to vector<16xf32>
          %parallel_loop3A_1104 = arith.mulf %parallel_loop3A_1091, %parallel_loop3A_1103 : vector<16xf32>
          %parallel_loop3A_1105 = arith.addf %parallel_loop3A_1064, %parallel_loop3A_1104 : vector<16xf32>
          %parallel_loop3A_1106 = arith.constant 15 : i32
          %parallel_loop3A_1107 = vector.broadcast %parallel_loop3A_1106 : i32 to vector<16xi32>
          %parallel_loop3A_1108 = arith.addi %parallel_loop3A_490, %parallel_loop3A_1107 : vector<16xi32>
          %parallel_loop3A_1109 = vector.extract_strided_slice %parallel_loop3A_485 {offsets = [15], sizes = [1], strides = [1]} : vector<16xf32> to vector<1xf32>
          %parallel_loop3A_1110 = vector.extract %parallel_loop3A_1109[0] : f32 from vector<1xf32>
          %parallel_loop3A_1111 = vector.extract_strided_slice %parallel_loop3A_487 {offsets = [15], sizes = [1], strides = [1]} : vector<16xf32> to vector<1xf32>
          %parallel_loop3A_1112 = vector.extract %parallel_loop3A_1111[0] : f32 from vector<1xf32>
          %parallel_loop3A_1113 = vector.extract_strided_slice %parallel_loop3A_489 {offsets = [15], sizes = [1], strides = [1]} : vector<16xf32> to vector<1xf32>
          %parallel_loop3A_1114 = vector.extract %parallel_loop3A_1113[0] : f32 from vector<1xf32>
          %parallel_loop3A_1115 = tpu.vector_load_idx %arg9[%broadcast_in_dim3A_434, %add3A_5, %parallel_loop3A_1108] : memref<2x32x512xf32, #tpu.memory_space<vmem>>[vector<16xi32>, vector<16xi32>, vector<16xi32>], vector<16xf32>,
          %parallel_loop3A_1116 = tpu.vector_load_idx %arg10[%broadcast_in_dim3A_434, %add3A_5, %parallel_loop3A_1108] : memref<2x32x512xf32, #tpu.memory_space<vmem>>[vector<16xi32>, vector<16xi32>, vector<16xi32>], vector<16xf32>,
          %parallel_loop3A_1117 = tpu.vector_load_idx %arg11[%broadcast_in_dim3A_434, %add3A_5, %parallel_loop3A_1108] : memref<2x32x512xf32, #tpu.memory_space<vmem>>[vector<16xi32>, vector<16xi32>, vector<16xi32>], vector<16xf32>,
          %parallel_loop3A_1118 = arith.addf %parallel_loop3A_1115, %parallel_loop3A_1117 : vector<16xf32>
          %parallel_loop3A_1119 = arith.subf %parallel_loop3A_1118, %parallel_loop3A_1116 : vector<16xf32>
          %parallel_loop3A_1120 = arith.mulf %parallel_loop3A_1119, %parallel_loop3A_1119 : vector<16xf32>
          %parallel_loop3A_1121 = arith.addf %parallel_loop3A_1080, %parallel_loop3A_1120 : vector<16xf32>
          %parallel_loop3A_1122 = vector.broadcast %parallel_loop3A_1114 : f32 to vector<16xf32>
          %parallel_loop3A_1123 = arith.mulf %parallel_loop3A_1119, %parallel_loop3A_1122 : vector<16xf32>
          %parallel_loop3A_1124 = arith.addf %parallel_loop3A_1083, %parallel_loop3A_1123 : vector<16xf32>
          %parallel_loop3A_1125 = vector.broadcast %parallel_loop3A_1110 : f32 to vector<16xf32>
          %parallel_loop3A_1126 = arith.mulf %parallel_loop3A_1115, %parallel_loop3A_1125 : vector<16xf32>
          %parallel_loop3A_1127 = arith.addf %parallel_loop3A_1086, %parallel_loop3A_1126 : vector<16xf32>
          %parallel_loop3A_1128 = vector.broadcast %parallel_loop3A_1112 : f32 to vector<16xf32>
          %parallel_loop3A_1129 = arith.mulf %parallel_loop3A_1116, %parallel_loop3A_1128 : vector<16xf32>
          %parallel_loop3A_1130 = arith.addf %parallel_loop3A_1089, %parallel_loop3A_1129 : vector<16xf32>
          %parallel_loop3A_1131 = tpu.vector_load_idx %arg9[%broadcast_in_dim3A_434, %add3A_8, %parallel_loop3A_1108] : memref<2x32x512xf32, #tpu.memory_space<vmem>>[vector<16xi32>, vector<16xi32>, vector<16xi32>], vector<16xf32>,
          %parallel_loop3A_1132 = tpu.vector_load_idx %arg10[%broadcast_in_dim3A_434, %add3A_8, %parallel_loop3A_1108] : memref<2x32x512xf32, #tpu.memory_space<vmem>>[vector<16xi32>, vector<16xi32>, vector<16xi32>], vector<16xf32>,
          %parallel_loop3A_1133 = tpu.vector_load_idx %arg11[%broadcast_in_dim3A_434, %add3A_8, %parallel_loop3A_1108] : memref<2x32x512xf32, #tpu.memory_space<vmem>>[vector<16xi32>, vector<16xi32>, vector<16xi32>], vector<16xf32>,
          %parallel_loop3A_1134 = arith.addf %parallel_loop3A_1131, %parallel_loop3A_1133 : vector<16xf32>
          %parallel_loop3A_1135 = arith.subf %parallel_loop3A_1134, %parallel_loop3A_1132 : vector<16xf32>
          %parallel_loop3A_1136 = arith.mulf %parallel_loop3A_1135, %parallel_loop3A_1135 : vector<16xf32>
          %parallel_loop3A_1137 = arith.addf %parallel_loop3A_1096, %parallel_loop3A_1136 : vector<16xf32>
          %parallel_loop3A_1138 = vector.broadcast %parallel_loop3A_1114 : f32 to vector<16xf32>
          %parallel_loop3A_1139 = arith.mulf %parallel_loop3A_1135, %parallel_loop3A_1138 : vector<16xf32>
          %parallel_loop3A_1140 = arith.addf %parallel_loop3A_1099, %parallel_loop3A_1139 : vector<16xf32>
          %parallel_loop3A_1141 = vector.broadcast %parallel_loop3A_1110 : f32 to vector<16xf32>
          %parallel_loop3A_1142 = arith.mulf %parallel_loop3A_1131, %parallel_loop3A_1141 : vector<16xf32>
          %parallel_loop3A_1143 = arith.addf %parallel_loop3A_1102, %parallel_loop3A_1142 : vector<16xf32>
          %parallel_loop3A_1144 = vector.broadcast %parallel_loop3A_1112 : f32 to vector<16xf32>
          %parallel_loop3A_1145 = arith.mulf %parallel_loop3A_1132, %parallel_loop3A_1144 : vector<16xf32>
          %parallel_loop3A_1146 = arith.addf %parallel_loop3A_1105, %parallel_loop3A_1145 : vector<16xf32>
          scf.yield %parallel_loop3A_1121, %parallel_loop3A_1124, %parallel_loop3A_1127, %parallel_loop3A_1130, %parallel_loop3A_1137, %parallel_loop3A_1140, %parallel_loop3A_1143, %parallel_loop3A_1146 : vector<16xf32>, vector<16xf32>, vector<16xf32>, vector<16xf32>, vector<16xf32>, vector<16xf32>, vector<16xf32>, vector<16xf32>
        } {sc.loop_unroll_factor = 2 : i64, sc.parallel_access}
        %sub3A_441 = arith.subf %parallel_loop3A_440#2, %parallel_loop3A_440#3 : vector<16xf32>
        %mul3A_442 = arith.constant 2.000000e+00 : f32
        %mul3A_443 = vector.broadcast %mul3A_442 : f32 to vector<16xf32>
        %mul3A_444 = arith.mulf %mul3A_443, %sub3A_441 : vector<16xf32>
        %mul3A_445 = arith.mulf %mul3A_444, %parallel_loop3A_440#1 : vector<16xf32>
        %add3A_446 = arith.addf %parallel_loop3A_440#0, %mul3A_445 : vector<16xf32>
        %mul3A_447 = arith.mulf %sub3A_441, %sub3A_441 : vector<16xf32>
        %mul3A_448 = vector.broadcast %add3A_237 : f32 to vector<16xf32>
        %mul3A_449 = arith.mulf %mul3A_447, %mul3A_448 : vector<16xf32>
        %add3A_450 = arith.addf %add3A_446, %mul3A_449 : vector<16xf32>
        %mul3A_451 = arith.constant 32 : i32
        %mul3A_452 = arith.muli %add3A_432, %mul3A_451 : i32
        %add3A_453 = arith.constant 0 : i32
        %add3A_454 = arith.addi %mul3A_452, %add3A_453 : i32
        %swap3A_455 = arith.index_cast %add3A_454 : i32 to index
        %swap3A_456 = tpu.vector_load %arg15[%swap3A_455] {strides = array<i32>} : memref<512xf32, #tpu.memory_space<vmem>>, vector<16xf32>,
        tpu.vector_store %arg15[%swap3A_455], %add3A_450 {strides = array<i32>} : memref<512xf32, #tpu.memory_space<vmem>>, vector<16xf32>,
        %sub3A_457 = arith.subf %parallel_loop3A_440#6, %parallel_loop3A_440#7 : vector<16xf32>
        %mul3A_458 = arith.constant 2.000000e+00 : f32
        %mul3A_459 = vector.broadcast %mul3A_458 : f32 to vector<16xf32>
        %mul3A_460 = arith.mulf %mul3A_459, %sub3A_457 : vector<16xf32>
        %mul3A_461 = arith.mulf %mul3A_460, %parallel_loop3A_440#5 : vector<16xf32>
        %add3A_462 = arith.addf %parallel_loop3A_440#4, %mul3A_461 : vector<16xf32>
        %mul3A_463 = arith.mulf %sub3A_457, %sub3A_457 : vector<16xf32>
        %mul3A_464 = vector.broadcast %add3A_237 : f32 to vector<16xf32>
        %mul3A_465 = arith.mulf %mul3A_463, %mul3A_464 : vector<16xf32>
        %add3A_466 = arith.addf %add3A_462, %mul3A_465 : vector<16xf32>
        %mul3A_467 = arith.constant 32 : i32
        %mul3A_468 = arith.muli %add3A_432, %mul3A_467 : i32
        %add3A_469 = arith.constant 16 : i32
        %add3A_470 = arith.addi %mul3A_468, %add3A_469 : i32
        %swap3A_471 = arith.index_cast %add3A_470 : i32 to index
        %swap3A_472 = tpu.vector_load %arg15[%swap3A_471] {strides = array<i32>} : memref<512xf32, #tpu.memory_space<vmem>>, vector<16xf32>,
        tpu.vector_store %arg15[%swap3A_471], %add3A_466 {strides = array<i32>} : memref<512xf32, #tpu.memory_space<vmem>>, vector<16xf32>,
      }
      %scan3A_242 = arith.constant 8 : i32
      "tpu.region"() ({
        %run_scoped3A = tpu.sem_alloc : memref<!tpu.dma_semaphore, #tpu.memory_space<semaphore_mem>>
        %dma_start3A_243 = arith.constant 0 : i32
        %dma_start3A_244 = tpu.memref_slice %arg8[%add3A_14, %dma_start3A_243] : memref<256x512xf32, #tpu.memory_space<hbm>> -> memref<1x512xf32, #tpu.memory_space<hbm>>
        %dma_start3A_245 = tpu.memref_squeeze %dma_start3A_244 : memref<1x512xf32, #tpu.memory_space<hbm>> -> memref<512xf32, #tpu.memory_space<hbm>>
        %dma_start3A_246 = arith.constant 0 : i32
        %dma_start3A_247 = tpu.memref_slice %arg8[%add3A_14, %dma_start3A_246] : memref<256x512xf32, #tpu.memory_space<hbm>> -> memref<1x512xf32, #tpu.memory_space<hbm>>
        %dma_start3A_248 = tpu.memref_squeeze %dma_start3A_247 : memref<1x512xf32, #tpu.memory_space<hbm>> -> memref<512xf32, #tpu.memory_space<hbm>>
        tpu.enqueue_dma source(%arg15 : memref<512xf32, #tpu.memory_space<vmem>>) target(%dma_start3A_248 : memref<512xf32, #tpu.memory_space<hbm>>) target_semaphore(%run_scoped3A : memref<!tpu.dma_semaphore, #tpu.memory_space<semaphore_mem>>)
        %dma_wait3A = arith.constant 0 : i32
        %dma_wait3A_249 = tpu.memref_slice %arg8[%add3A_14, %dma_wait3A] : memref<256x512xf32, #tpu.memory_space<hbm>> -> memref<1x512xf32, #tpu.memory_space<hbm>>
        %dma_wait3A_250 = tpu.memref_squeeze %dma_wait3A_249 : memref<1x512xf32, #tpu.memory_space<hbm>> -> memref<512xf32, #tpu.memory_space<hbm>>
        %dma_wait3A_251 = arith.constant 0 : i32
        %dma_wait3A_252 = tpu.memref_slice %arg8[%add3A_14, %dma_wait3A_251] : memref<256x512xf32, #tpu.memory_space<hbm>> -> memref<1x512xf32, #tpu.memory_space<hbm>>
        %dma_wait3A_253 = tpu.memref_squeeze %dma_wait3A_252 : memref<1x512xf32, #tpu.memory_space<hbm>> -> memref<512xf32, #tpu.memory_space<hbm>>
        tpu.wait_dma2 semaphore(%run_scoped3A : memref<!tpu.dma_semaphore, #tpu.memory_space<semaphore_mem>>) src(%arg15 : memref<512xf32, #tpu.memory_space<vmem>>) dst(%dma_wait3A_253 : memref<512xf32, #tpu.memory_space<hbm>>)
        tpu.yield
      }) : () -> ()
    }
    %scan3A_12 = arith.constant 8 : i32
    return
  }
}

module attributes {stable_mosaic.version = 14 : i64} {
  func.func @body(%arg0: memref<256x512xf32, #tpu.memory_space<vmem>>, %arg1: memref<256x512xf32, #tpu.memory_space<vmem>>) attributes {dimension_semantics = [], scalar_prefetch = 0 : i64, scratch_operands = 0 : i64, tpu.core_type = #tpu.core_type<tc>} {
    %get3A = arith.constant 0 : index
    %get3A_0 = arith.constant 0 : index
    %get3A_1 = vector.load %arg0[%get3A, %get3A_0] : memref<256x512xf32, #tpu.memory_space<vmem>>, vector<256x512xf32>
    %sqrt3A = math.sqrt %get3A_1 : vector<256x512xf32>
    %neg3A = arith.constant 0.000000e+00 : f32
    %neg3A_2 = vector.broadcast %neg3A : f32 to vector<256x512xf32>
    %neg3A_3 = arith.subf %neg3A_2, %sqrt3A : vector<256x512xf32>
    %swap3A = arith.constant 0 : index
    %swap3A_4 = arith.constant 0 : index
    %swap3A_5 = vector.load %arg1[%swap3A, %swap3A_4] : memref<256x512xf32, #tpu.memory_space<vmem>>, vector<256x512xf32>
    tpu.vector_store %arg1[%swap3A, %swap3A_4], %neg3A_3 {strides = array<i32>} : memref<256x512xf32, #tpu.memory_space<vmem>>, vector<256x512xf32>,
    return
  }
}

</mosaic_0001>

<sc_bundles>
// kernel: kernel.4.cloned.1.call-start
scs
__scs_entry_jumppad:
0x0: {  	(pc) =	sbr.rel $0x88, $3  }
0x1: {  	(tag) =	ssettag $0x0;
	lr =	simm.s32 $0x1  }
0x2: {  	[smem:$0x3F9A] =	sst lr;
	_ =	strace $0xD0000000  }
0x3: {  	_ = 	snop  }
0x4: {  	_ = 	snop  }
0x5: {  	_ = 	snop  }
0x6: {  	_ = 	snop  }
0x7: {  	_ = 	snop  }
__scs_overlays_trampoline_lowered:
0x8: {  	[smem:$0x3FA9] =	sst s0  }
0x9: {  	[smem:$0x3FAA] =	sst s1  }
0xa: {  	[smem:$0x3FAB] =	sst s2  }
0xb: {  	[smem:$0x3FAC] =	sst s3  }
0xc: {  	[smem:$0x3FAD] =	sst s4  }
0xd: {  	[smem:$0x3FAE] =	sst s5  }
0xe: {  	[smem:$0x3FAF] =	sst s6  }
0xf: {  	[smem:$0x3FB0] =	sst s7  }
0x10: {  	[smem:$0x3FB1] =	sst s8  }
0x11: {  	[smem:$0x3FB2] =	sst s9;
	s0 =	simm.s32 @!p0 $0x0  }
0x12: {  	s1 =	sld [smem:$0x3F98];
	s0 =	simm.s32 @p0 $0x1  }
0x13: {  	[smem:$0x3FB3] =	sst s0;
	s0 =	simm.s32 @!p1 $0x0  }
0x14: {  	s2 =	sld [smem:$0x3F97];
	s0 =	simm.s32 @p1 $0x1  }
0x15: {  	[smem:$0x3FB4] =	sst s0;
	s0 =	simm.s32 @!p2 $0x0  }
0x16: {  	s3 =	sld [smem:$0x3FDB];
	s0 =	simm.s32 @p2 $0x1  }
0x17: {  	s4 =	simm.s32 $0x1BF5;
	[smem:$0x3FB6] =	sst s0  }
0x18: {  	s0 =	sld [smem:$0x3F99];
	_ =	swait.ge [sflag:s4], $0x0  }
0x19: {  	s7 =	sld [smem:$0x3F9A]  }
0x1a: {  	s8 =	sadd.s32 $0xFFFFE003, lr  }
0x1b: {  	s9 =	sadd.s32 $0xFFFFFEF7, lr;
	s5 =	simm.s32 $0xFFFFFFFF;
	p2 =	slt.u32 s8, $0xFFFFF086  }
0x1c: {  	p1 =	slt.u32 s9, $0xF7A;
	s5 =	simm.s32 @!p2 $0x0  }
0x1d: {  	s5 =	simm.s32 @p1 $0x1;
	p0 =	seq.s32 s7, s2  }
0x1e: {  	s7 =	smul.u32 @!p0 $0xF7A, s2;
	p2 =	seq.s32 @!p0 s5, $0x0  }
0x1f: {  	s9 =	smul.u32 $0xF7A, s1;
	s8 =	simm.s32 @!p0 $0x1BF5;
	p2 =	por !p2, p0  }
0x20: {  	[sflag:s8] =	ssyncset.s32 @!p0 $0xFFFFF086;
	s6 =	sadd.s32 @!p0 s3, s7;
	s7 =	simm.s32 @!p0 $0x108  }
0x21: {  	s3 =	sadd.s32 s3, s9;
	s6 =	sadd.s32 @!p0 $0x88, s6;
	s7 =	simm.s32 @p2 $0x1082  }
0x22: {  	[simem:s7], [sflag:s8] =	dma.local @!p0 [hbm:s6], $0xF7A  }
0x23: {  	s9 =	sor.u32 $0xD0000000, s2;
	s6 =	simm.s32 $0x108;
	_ =	swait.ge @!p0 [sflag:s8], $0x0  }
0x24: {  	s3 =	sadd.s32 $0x88, s3;
	s6 =	simm.s32 @!p1 $0x1082;
	[sflag:s4] =	ssyncset.s32 $0xFFFFF086  }
0x25: {  	[simem:s6], [sflag:s4] =	dma.local [hbm:s3], $0xF7A  }
0x26: {  	[smem:$0x3F9A] =	sst s1;
	(tag) =	ssettag s2;
	_ =	strace s9  }
0x27: {  	s1 =	sld [smem:$0x3FAA]  }
0x28: {  	s2 =	sld [smem:$0x3FAB]  }
0x29: {  	s4 =	sld [smem:$0x3FAD]  }
0x2a: {  	p0 =	seq.s32 s5, $0x0;
	s5 =	sld [smem:$0x3FAE]  }
0x2b: {  	s6 =	sld [smem:$0x3FAF]  }
0x2c: {  	s7 =	sld [smem:$0x3FB0]  }
0x2d: {  	s3 =	simm.s32 $0x108;
	s8 =	sld [smem:$0x3FB1]  }
0x2e: {  	s3 =	simm.s32 @!p0 $0x1082;
	s9 =	sld [smem:$0x3FB2]  }
0x2f: {  	lr =	sadd.s32 s0, s3;
	s0 =	sld [smem:$0x3FA9]  }
0x30: {  	s3 =	sld [smem:$0x3FAC]  }
0x31: {  	[smem:$0x3FB5] =	sst s10  }
0x32: {  	s10 =	sld [smem:$0x3FB3];
	_ =	sdelay $0x3  }
0x33: {  	p0 =	seq.s32 s10, $0x1;
	s10 =	sld [smem:$0x3FB5];
	_ =	sdelay $0x3  }
0x34: {  	[smem:$0x3FB5] =	sst s10  }
0x35: {  	s10 =	sld [smem:$0x3FB4];
	_ =	sdelay $0x3  }
0x36: {  	p1 =	seq.s32 s10, $0x1;
	s10 =	sld [smem:$0x3FB5];
	_ =	sdelay $0x3  }
0x37: {  	[smem:$0x3FB5] =	sst s10  }
0x38: {  	s10 =	sld [smem:$0x3FB6]  }
0x39: {  	_ = 	snop;
	(pc) =	sbr.ind lr, $3  }
0x3a: {  	_ = 	snop  }
0x3b: {  	_ = 	snop  }
0x3c: {  	p2 =	seq.s32 s10, $0x1;
	s10 =	sld [smem:$0x3FB5]  }
0x3d: {  	_ =	shalt  }
0x3e: {  	_ =	shalt  }
0x3f: {  	_ =	shalt  }
0x40: {  	_ =	shalt  }
0x41: {  	_ =	shalt  }
0x42: {  	_ =	shalt  }
0x43: {  	_ =	shalt  }
0x44: {  	_ =	shalt  }
0x45: {  	_ =	shalt  }
0x46: {  	_ =	shalt  }
0x47: {  	_ =	shalt  }
0x48: {  	_ =	shalt  }
0x49: {  	_ =	shalt  }
0x4a: {  	_ =	shalt  }
0x4b: {  	_ =	shalt  }
0x4c: {  	_ =	shalt  }
0x4d: {  	_ =	shalt  }
0x4e: {  	_ =	shalt  }
0x4f: {  	_ =	shalt  }
0x50: {  	_ =	shalt  }
0x51: {  	_ =	shalt  }
0x52: {  	_ =	shalt  }
0x53: {  	_ =	shalt  }
0x54: {  	_ =	shalt  }
0x55: {  	_ =	shalt  }
0x56: {  	_ =	shalt  }
0x57: {  	_ =	shalt  }
0x58: {  	_ =	shalt  }
0x59: {  	_ =	shalt  }
0x5a: {  	_ =	shalt  }
0x5b: {  	_ =	shalt  }
0x5c: {  	_ =	shalt  }
0x5d: {  	_ =	shalt  }
0x5e: {  	_ =	shalt  }
0x5f: {  	_ =	shalt  }
0x60: {  	_ =	shalt  }
0x61: {  	_ =	shalt  }
0x62: {  	_ =	shalt  }
0x63: {  	_ =	shalt  }
0x64: {  	_ =	shalt  }
0x65: {  	_ =	shalt  }
0x66: {  	_ =	shalt  }
0x67: {  	_ =	shalt  }
0x68: {  	_ =	shalt  }
0x69: {  	_ =	shalt  }
0x6a: {  	_ =	shalt  }
0x6b: {  	_ =	shalt  }
0x6c: {  	_ =	shalt  }
0x6d: {  	_ =	shalt  }
0x6e: {  	_ =	shalt  }
0x6f: {  	_ =	shalt  }
0x70: {  	_ =	shalt  }
0x71: {  	_ =	shalt  }
0x72: {  	_ =	shalt  }
0x73: {  	_ =	shalt  }
0x74: {  	_ =	shalt  }
0x75: {  	_ =	shalt  }
0x76: {  	_ =	shalt  }
0x77: {  	_ =	shalt  }
0x78: {  	_ =	shalt  }
0x79: {  	_ =	shalt  }
0x7a: {  	_ =	shalt  }
0x7b: {  	_ =	shalt  }
0x7c: {  	_ =	shalt  }
0x7d: {  	_ =	shalt  }
0x7e: {  	_ =	shalt  }
0x7f: {  	_ =	shalt  }
0x80: {  	_ =	shalt  }
0x81: {  	_ =	shalt  }
0x82: {  	_ =	shalt  }
0x83: {  	_ =	shalt  }
0x84: {  	_ =	shalt  }
0x85: {  	_ =	shalt  }
0x86: {  	_ =	shalt  }
0x87: {  	_ =	shalt  }
.Lfunc_end0:
.L_simem_size_0:
called_computation_lowered:
.L_overlay_start_0:
0x88: {  	s2 =	sld [smem:$0x3FD9]  }
0x89: {  	s3 =	sld [smem:$0x3FFE];
	_ =	sdelay $0x1  }
0x8a: {  	s1 =	srdreg.scid  }
0x8b: {  	s0 =	sand.u32 $0x1, s1  }
0x8c: {  	s17 =	sshll.u32 s0, $0xA;
	s2 =	sadd.s32 s3, s2  }
0x8d: {  	s2 =	sadd.s32 s2, s17  }
0x8e: {  	[smem:$0x3FC1] =	sst s2  }
0x8f: {  	_ = 	snop  }
0x90: {  	s2 =	sld [smem:$0x3FC9]  }
0x91: {  	s18 =	sld [smem:$0x3FC8]  }
0x92: {  	s4 =	sld [smem:$0x3FC7]  }
0x93: {  	s5 =	sld [smem:$0x3FC5]  }
0x94: {  	s6 =	sld [smem:$0x3FC4]  }
0x95: {  	s7 =	sld [smem:$0x3FC3];
	(tm) =	ssettm $0x1  }
0x96: {  	s8 =	sld [smem:$0x3FFB];
	_ =	sdelay $0x3  }
0x97: {  	_ =	strace s8  }
0x98: {  	s8 =	sld [smem:$0x3FFC];
	_ =	sdelay $0x3  }
0x99: {  	_ =	strace s8  }
0x9a: {  	s8 =	sld [smem:$0x3FFD];
	_ =	sdelay $0x3  }
0x9b: {  	_ =	strace s8  }
0x9c: {  	_ =	strace $0x8FFFFFFF  }
0x9d: {  	s19 =	sld [smem:$0x3FDB];
	_ =	sdelay $0x1  }
0x9e: {  	s9 =	simm.s32 $_scs_section_size  }
0x9f: {  	s10 =	simm.s32 $_size__tile_overlayer_lowered;
	s11 =	simm.s32 $_tile_overlayer_lowered  }
0xa0: {  	s22 =	simm.s32 $0x1BFF;
	s21 =	sshll.u32 s11, $0x1;
	s8 =	sadd.s32 s9, s19  }
0xa1: {  	s12 =	simm.s32 $0x0;
	s20 =	sshll.u32 s10, $0x1;
	s10 =	sadd.s32 s21, s8  }
0xa2: {  	[timem:s12], [sflag:s22] =	dma.local [hbm:s10], s20  }
0xa3: {  	_ =	swait.ge [sflag:s22], s20  }
0xa4: {  	s9 =	ssub.s32 $0x0, s20;
	[sflag:s22] =	ssyncset.done $0x0  }
0xa5: {  	[sflag:s22] =	ssyncadd.s32 s9;
	_ =	sdelay $0x1  }
0xa6: {  	s23 =	simm.s32 $0x1B8B  }
0xa7: {  	_ =	swait.ge [sflag:s23], $0x1  }
0xa8: {  	[sflag:s23] =	ssyncset.done $0x0  }
0xa9: {  	s25 =	simm.s32 $0x1B8E;
	s24 =	sld [smem:$0x3FFE];
	[sflag:s23] =	ssyncadd.s32 $0xFFFFFFFF  }
0xaa: {  	s26 =	simm.s32 $execute0_lowered;
	[smem:$0x3FD2] =	sst s25  }
0xab: {  	s10 =	sshll.u32 s26, $0x1;
	_ =	strace $0x80000046;
	[dreg:$0x1] =	wrdreg $0xFFFFFFFF  }
0xac: {  	s28 =	simm.s32 $_size_execute0_lowered;
	s8 =	sadd.s32 s8, s10;
	[dreg:$0x0] =	wrdreg $0x0  }
0xad: {  	s10 =	sshll.u32 s28, $0x1;
	[dreg:$0x2] =	wrdreg s8  }
0xae: {  	[dreg:$0x3] =	wrdreg s10  }
0xaf: {  	[dreg:$0x4] =	wrdreg $0xC0  }
0xb0: {  	_ =	task [dreg:s12], $0x5FFFF  }
0xb1: {  	[dreg:$0x1] =	wrdreg $0xFFFFFFFF  }
0xb2: {  	[dreg:$0x0] =	wrdreg $0x60  }
0xb3: {  	[dreg:$0x2] =	wrdreg s2  }
0xb4: {  	[dreg:$0x3] =	wrdreg s18  }
0xb5: {  	[dreg:$0x4] =	wrdreg s4  }
0xb6: {  	[dreg:$0x5] =	wrdreg s5  }
0xb7: {  	[dreg:$0x6] =	wrdreg s7  }
0xb8: {  	[dreg:$0x7] =	wrdreg s6  }
0xb9: {  	[dreg:$0x8] =	wrdreg s24  }
0xba: {  	[dreg:$0x9] =	wrdreg $0x9  }
0xbb: {  	_ =	task.clear_ibuf [dreg:s12], $0xAFFFF;
	_ =	strace $0x90000046  }
0xbc: {  	s29 =	simm.s32 $0x9;
	_ =	strace $0x80000048  }
0xbd: {  	_ =	swait.ge [sflag:s29], $0x1  }
0xbe: {  	[sflag:s29] =	ssyncadd.s32 $0xFFFFFFFF  }
0xbf: {  	_ =	strace $0x90000048  }
0xc0: {  	_ =	sfence  }
0xc1: {  	s30 =	sld [smem:$0x0];
	_ =	sdelay $0x2  }
0xc2: {  	s31 =	sshll.u32 s1, $0xD;
	s1 =	sshrl.u32 s1, $0x2  }
0xc3: {  	s3 =	sand.u32 $0x4000, s31;
	s1 =	sadd.s32 s1, s30  }
0xc4: {  	s0 =	sor.u32 s3, s0;
	s1 =	sshll.u32 s1, $0x11  }
0xc5: {  	s0 =	sor.u32 s1, s0  }
0xc6: {  	s0 =	sadd.s32 $0x8F2B, s0  }
0xc7: {  	[sflag:s0] =	ssyncadd.remote.s32 $0x1  }
0xc8: {  	_ =	sfence.sel $0xFFFF  }
0xc9: {  	[dreg:$0x0] =	wrdreg $0xFFFFFFFF;
	(pc) =	sbr.abs _section_cstart, $3  }
0xca: {  	[dreg:$0x1] =	wrdreg $0xFFFFFFFF  }
0xcb: {  	_ =	task.clear_ibuf [dreg:s12], $0x2FFFF;
	_ =	strace $0x9FFFFFFF  }
0xcc: {  	(tm) =	ssettm $0x7FFFFFFF  }
0xcd: {  	_ =	shalt  }
tec
execute0_lowered:
.L_overlay_start_1:
0x0: {  	(tag) =	ssettag $0x1  }
0x1: {  	v0 =	vlaneseq.u32  }
0x2: {  	s0 =	rddreg [dreg:$0x0];
	v49 =	vmul.u32 $0x200, v0  }
0x3: {  	s1 =	rddreg [dreg:$0x1]  }
0x4: {  	s2 =	rddreg [dreg:$0x2];
	s7 =	simm.s32 $0x0;
	v0 =	vor.u32 $0x2000, v49  }
0x5: {  	[smem:$0x7FF] =	sst s7;
	v51 =	vor.u32 $0x2005, v49;
	[tilespmem:$0x1FE30] =	vst v0  }
0x6: {  	s3 =	rddreg [dreg:$0x6];
	v53 =	vor.u32 $0xA, v49;
	_ =	strace $0x80000047;
	[tilespmem:$0x1FE40] =	vst v51  }
0x7: {  	v56 =	vor.u32 $0x200A, v49;
	[tilespmem:$0x1FE50] =	vst v53  }
0x8: {  	v58 =	vor.u32 $0x200B, v49;
	[tilespmem:$0x1FE60] =	vst v56  }
0x9: {  	v59 =	vor.u32 $0xC, v49;
	[tilespmem:$0x1FE70] =	vst v58  }
0xa: {  	v62 =	vor.u32 $0x200C, v49;
	[tilespmem:$0x1FE80] =	vst v59  }
0xb: {  	v54 =	vor.u32 $0x3, v49;
	[tilespmem:$0x1FE90] =	vst v62  }
0xc: {  	v38 =	vor.u32 $0x2003, v49;
	[tilespmem:$0x1FEA0] =	vst v54  }
0xd: {  	v55 =	vor.u32 $0x4, v49;
	[tilespmem:$0x1FEB0] =	vst v38  }
0xe: {  	v57 =	vor.u32 $0x2004, v49;
	[tilespmem:$0x1FEC0] =	vst v55  }
0xf: {  	v50 =	vor.u32 $0x5, v49;
	[tilespmem:$0x1FED0] =	vst v57  }
0x10: {  	v60 =	vor.u32 $0x6, v49;
	[tilespmem:$0x1FEE0] =	vst v50  }
0x11: {  	v10 =	vor.u32 $0x2006, v49;
	[tilespmem:$0x1FEF0] =	vst v60  }
0x12: {  	v61 =	vor.u32 $0x7, v49;
	[tilespmem:$0x1FF00] =	vst v10  }
0x13: {  	v14 =	vor.u32 $0x2007, v49;
	[tilespmem:$0x1FF10] =	vst v61  }
0x14: {  	v13 =	vor.u32 $0x8, v49;
	[tilespmem:$0x1FF20] =	vst v14  }
0x15: {  	v16 =	vor.u32 $0x2008, v49;
	[tilespmem:$0x1FF30] =	vst v13  }
0x16: {  	v63 =	vor.u32 $0x9, v49;
	[tilespmem:$0x1FF40] =	vst v16  }
0x17: {  	v15 =	vor.u32 $0x2009, v49;
	[tilespmem:$0x1FF50] =	vst v63  }
0x18: {  	v48 =	vor.u32 $0xB, v49;
	[tilespmem:$0x1FF60] =	vst v15  }
0x19: {  	s4 =	srdreg.scid;
	[tilespmem:$0x1FF70] =	vst v48  }
0x1a: {  	s6 =	stileid.u32;
	s12 =	simm.s32 $0x18000;
	s13 =	simm.s32 $0x3;
	v11 =	vor.u32 $0x2002, v49;
	[tilespmem:$0x1FFB0] =	vst v49  }
0x1b: {  	s14 =	simm.s32 $0x18200;
	s15 =	simm.s32 $0x18400;
	s16 =	simm.s32 $0x8000;
	v17 =	vor.u32 $0x1, v49;
	[tilespmem:$0x1FFC0] =	vst v11  }
0x1c: {  	s17 =	simm.s32 $0x10000;
	s18 =	simm.s32 $0x4000;
	s4 =	sand.u32 $0x1, s4;
	v6 =	vor.u32 $0x2001, v49;
	[tilespmem:$0x1FFD0] =	vst v17  }
0x1d: {  	s19 =	simm.s32 $0xC000;
	s20 =	simm.s32 $0x14000;
	s5 =	ssub.s32 $0x2, s4;
	v52 =	vor.u32 $0x2, v49;
	[tilespmem:$0x1FFE0] =	vst v6  }
0x1e: {  	s21 =	simm.s32 $0x1;
	s22 =	simm.s32 $0x2;
	s30 =	sshrl.u32 s5, $0x1;
	v53 =	vor.u32 $0xD, v49;
	[tilespmem:$0x1FFF0] =	vst v52  }
0x1f: {  	s23 =	simm.s32 $0x18600;
	s9 =	sadd.s32 $0x400, s3;
	s3 =	ssub.s32 s5, s30;
	v58 =	vor.u32 $0x200D, v49;
	[tilespmem:$0x1FF80] =	vst v53  }
0x20: {  	s31 =	sshll.u32 s6, $0x4;
	s4 =	sshll.u32 s4, $0x3;
	s3 =	smax.u32 s3, $0x1;
	v56 =	vor.u32 $0xE, v49;
	[tilespmem:$0x1FF90] =	vst v58  }
0x21: {  	s10 =	sor.u32 s4, s31;
	s4 =	simm.s32 $0x0;
	[dreg:$0x8] =	wrdreg s3;
	[tilespmem:$0x1FFA0] =	vst v56  }
.LBB2_1:
0x22: {  	[dreg:$0x9] =	wrdreg s4;
	s25 =	simm.s32 $0x0  }
.LBB2_2:
0x23: {  	s4 =	sadd.s32 s10, s25  }
0x24: {  	s3 =	rddreg [dreg:$0x3];
	s26 =	sshll.u32 s4, $0x6  }
0x25: {  	s5 =	sadd.s32 s3, s26;
	s3 =	simm.s32 $0x0  }
0x26: {  	[tilespmem:s12], [sflag:$0x3] =	stream.linear.gather [hbm4b:s5+s3], $0x200, $0x38;
	[tilespmem:$0x18800] =	vst v63  }
0x27: {  	_ =	swait.ge [sflag:s13], $0x200  }
0x28: {  	[sflag:s13] =	ssyncset.done $0x0  }
0x29: {  	[sflag:s13] =	ssyncadd.s32 $0xFFFFFE00  }
0x2a: {  	s11 =	rddreg [dreg:$0x4]  }
0x2b: {  	s5 =	sadd.s32 s11, s26  }
0x2c: {  	[tilespmem:s14], [sflag:$0x3] =	stream.linear.gather [hbm4b:s5+s3], $0x200, $0x38;
	[tilespmem:$0x18800] =	vst v63  }
0x2d: {  	_ =	swait.ge [sflag:s13], $0x200  }
0x2e: {  	[sflag:s13] =	ssyncset.done $0x0  }
0x2f: {  	[sflag:s13] =	ssyncadd.s32 $0xFFFFFE00  }
0x30: {  	s24 =	rddreg [dreg:$0x5]  }
0x31: {  	s5 =	sadd.s32 s24, s26  }
0x32: {  	[tilespmem:s15], [sflag:$0x3] =	stream.linear.gather [hbm4b:s5+s3], $0x200, $0x38;
	[tilespmem:$0x18800] =	vst v63  }
0x33: {  	_ =	swait.ge [sflag:s13], $0x200  }
0x34: {  	s30 =	sshll.u32 s4, $0xF;
	[sflag:s13] =	ssyncset.done $0x0  }
0x35: {  	s6 =	sadd.s32 s0, s30;
	[sflag:s13] =	ssyncadd.s32 $0xFFFFFE00  }
0x36: {  	[tilespmem:s3], [sflag:$0x1] =	stream.linear.gather [hbm4b:s6+s3], $0x4000, $0x38;
	[tilespmem:$0x18800] =	vst v63  }
0x37: {  	s31 =	sadd.s32 s1, s30  }
0x38: {  	[tilespmem:s16], [sflag:$0x1] =	stream.linear.gather [hbm4b:s31+s3], $0x4000, $0x38;
	[tilespmem:$0x18800] =	vst v63  }
0x39: {  	s5 =	sadd.s32 s2, s30  }
0x3a: {  	[tilespmem:s17], [sflag:$0x1] =	stream.linear.gather [hbm4b:s5+s3], $0x4000, $0x38;
	[tilespmem:$0x18800] =	vst v63  }
0x3b: {  	v0 =	vld [tilespmem:$0x18400]  }
0x3c: {  	v1 =	vld [tilespmem:$0x18410];
	_ =	sdelay $0x1  }
0x3d: {  	v2 =	vld [tilespmem:$0x18420];
	_ =	sdelay $0x1  }
0x3e: {  	v3 =	vld [tilespmem:$0x18430]  }
0x3f: {  	v0 =	vmul.f32 v0, v0;
	v1 =	vmul.f32 v1, v1  }
0x40: {  	v4 =	vld [tilespmem:$0x18440]  }
0x41: {  	v22 =	vmul.f32 v2, v2;
	v0 =	vadd.f32 v1, v0  }
0x42: {  	v23 =	vld [tilespmem:$0x18450]  }
0x43: {  	v24 =	vmul.f32 v3, v3;
	v0 =	vadd.f32 v22, v0  }
0x44: {  	v25 =	vld [tilespmem:$0x18460]  }
0x45: {  	v26 =	vmul.f32 v4, v4;
	v0 =	vadd.f32 v24, v0  }
0x46: {  	v27 =	vld [tilespmem:$0x18470]  }
0x47: {  	v28 =	vmul.f32 v23, v23;
	v0 =	vadd.f32 v26, v0  }
0x48: {  	v29 =	vld [tilespmem:$0x18480]  }
0x49: {  	v30 =	vmul.f32 v25, v25;
	v0 =	vadd.f32 v28, v0  }
0x4a: {  	v31 =	vld [tilespmem:$0x18490]  }
0x4b: {  	v32 =	vmul.f32 v27, v27;
	v0 =	vadd.f32 v30, v0  }
0x4c: {  	v33 =	vld [tilespmem:$0x184A0]  }
0x4d: {  	v34 =	vmul.f32 v29, v29;
	v0 =	vadd.f32 v32, v0  }
0x4e: {  	v35 =	vld [tilespmem:$0x184B0]  }
0x4f: {  	v36 =	vmul.f32 v31, v31;
	v0 =	vadd.f32 v34, v0  }
0x50: {  	v37 =	vld [tilespmem:$0x184C0]  }
0x51: {  	v39 =	vmul.f32 v33, v33;
	v0 =	vadd.f32 v36, v0  }
0x52: {  	v40 =	vld [tilespmem:$0x184D0]  }
0x53: {  	v41 =	vmul.f32 v35, v35;
	v0 =	vadd.f32 v39, v0  }
0x54: {  	v42 =	vld [tilespmem:$0x184E0]  }
0x55: {  	v43 =	vmul.f32 v37, v37;
	v0 =	vadd.f32 v41, v0  }
0x56: {  	v44 =	vld [tilespmem:$0x184F0]  }
0x57: {  	v45 =	vmul.f32 v40, v40;
	v0 =	vadd.f32 v43, v0  }
0x58: {  	v46 =	vld [tilespmem:$0x18500]  }
0x59: {  	v47 =	vmul.f32 v42, v42;
	v0 =	vadd.f32 v45, v0  }
0x5a: {  	v51 =	vld [tilespmem:$0x18510]  }
0x5b: {  	v59 =	vmul.f32 v44, v44;
	v0 =	vadd.f32 v47, v0  }
0x5c: {  	v62 =	vld [tilespmem:$0x18520]  }
0x5d: {  	v20 =	vmul.f32 v46, v46;
	v0 =	vadd.f32 v59, v0  }
0x5e: {  	v21 =	vld [tilespmem:$0x18530]  }
0x5f: {  	v22 =	vmul.f32 v51, v51;
	v0 =	vadd.f32 v20, v0  }
0x60: {  	v23 =	vld [tilespmem:$0x18540]  }
0x61: {  	v24 =	vmul.f32 v62, v62;
	v0 =	vadd.f32 v22, v0  }
0x62: {  	v25 =	vld [tilespmem:$0x18550]  }
0x63: {  	v26 =	vmul.f32 v21, v21;
	v0 =	vadd.f32 v24, v0  }
0x64: {  	v27 =	vld [tilespmem:$0x18560]  }
0x65: {  	v28 =	vmul.f32 v23, v23;
	v0 =	vadd.f32 v26, v0  }
0x66: {  	v29 =	vld [tilespmem:$0x18570]  }
0x67: {  	v30 =	vmul.f32 v25, v25;
	v0 =	vadd.f32 v28, v0  }
0x68: {  	v31 =	vld [tilespmem:$0x18580]  }
0x69: {  	v32 =	vmul.f32 v27, v27;
	v0 =	vadd.f32 v30, v0  }
0x6a: {  	v33 =	vld [tilespmem:$0x18590]  }
0x6b: {  	v34 =	vmul.f32 v29, v29;
	v0 =	vadd.f32 v32, v0  }
0x6c: {  	v35 =	vld [tilespmem:$0x185A0]  }
0x6d: {  	v36 =	vmul.f32 v31, v31;
	v0 =	vadd.f32 v34, v0  }
0x6e: {  	v37 =	vld [tilespmem:$0x185B0]  }
0x6f: {  	v39 =	vmul.f32 v33, v33;
	v0 =	vadd.f32 v36, v0  }
0x70: {  	v40 =	vld [tilespmem:$0x185C0]  }
0x71: {  	v41 =	vmul.f32 v35, v35;
	v0 =	vadd.f32 v39, v0  }
0x72: {  	v42 =	vld [tilespmem:$0x185D0]  }
0x73: {  	v43 =	vmul.f32 v37, v37;
	v0 =	vadd.f32 v41, v0  }
0x74: {  	v44 =	vld [tilespmem:$0x185E0]  }
0x75: {  	v45 =	vmul.f32 v40, v40;
	v0 =	vadd.f32 v43, v0  }
0x76: {  	v46 =	vld [tilespmem:$0x185F0]  }
0x77: {  	v47 =	vmul.f32 v42, v42;
	v0 =	vadd.f32 v45, v0;
	_ =	sdelay $0x1  }
0x78: {  	v51 =	vmul.f32 v44, v44;
	v0 =	vadd.f32 v47, v0;
	_ =	sdelay $0x1  }
0x79: {  	v59 =	vmul.f32 v46, v46;
	v0 =	vadd.f32 v51, v0;
	_ =	sdelay $0x1  }
0x7a: {  	v0 =	vadd.f32 v59, v0;
	_ =	sdelay $0x1  }
0x7b: {  	(v2sf) =	vpush v0, $0x0  }
0x7c: {  	(v2sf) =	vpush v0, $0x1;
	_ =	sdelay $0x1  }
0x7d: {  	(v2sf) =	vpush v0, $0x2;
	_ =	sdelay $0x1  }
0x7e: {  	(v2sf) =	vpush v0, $0x3;
	_ =	sdelay $0x1  }
0x7f: {  	(v2sf) =	vpush v0, $0x4;
	_ =	sdelay $0x1  }
0x80: {  	(v2sf) =	vpush v0, $0x5;
	_ =	sdelay $0x1  }
0x81: {  	(v2sf) =	vpush v0, $0x6;
	_ =	sdelay $0x1  }
0x82: {  	(v2sf) =	vpush v0, $0x7;
	_ =	sdelay $0x1  }
0x83: {  	s6 =	spop (v2sf);
	(v2sf) =	vpush v0, $0x8  }
0x84: {  	s8 =	spop (v2sf)  }
0x85: {  	(v2sf) =	vpush v0, $0x9;
	s5 =	sadd.f32 s8, s6  }
0x86: {  	s11 =	spop (v2sf)  }
0x87: {  	(v2sf) =	vpush v0, $0xA;
	s5 =	sadd.f32 s5, s11  }
0x88: {  	s24 =	spop (v2sf)  }
0x89: {  	(v2sf) =	vpush v0, $0xB;
	s5 =	sadd.f32 s5, s24  }
0x8a: {  	s30 =	spop (v2sf)  }
0x8b: {  	(v2sf) =	vpush v0, $0xC;
	s5 =	sadd.f32 s5, s30  }
0x8c: {  	s31 =	spop (v2sf)  }
0x8d: {  	(v2sf) =	vpush v0, $0xD;
	s5 =	sadd.f32 s5, s31  }
0x8e: {  	s8 =	spop (v2sf)  }
0x8f: {  	(v2sf) =	vpush v0, $0xE;
	s5 =	sadd.f32 s5, s8  }
0x90: {  	s11 =	spop (v2sf)  }
0x91: {  	(v2sf) =	vpush v0, $0xF;
	s5 =	sadd.f32 s5, s11  }
0x92: {  	s24 =	spop (v2sf)  }
0x93: {  	s5 =	sadd.f32 s5, s24  }
0x94: {  	s30 =	spop (v2sf)  }
0x95: {  	s5 =	sadd.f32 s5, s30  }
0x96: {  	s31 =	spop (v2sf)  }
0x97: {  	s5 =	sadd.f32 s5, s31  }
0x98: {  	s8 =	spop (v2sf)  }
0x99: {  	s5 =	sadd.f32 s5, s8  }
0x9a: {  	s11 =	spop (v2sf)  }
0x9b: {  	s5 =	sadd.f32 s5, s11  }
0x9c: {  	s24 =	spop (v2sf)  }
0x9d: {  	s5 =	sadd.f32 s5, s24  }
0x9e: {  	s30 =	spop (v2sf)  }
0x9f: {  	s5 =	sadd.f32 s5, s30  }
0xa0: {  	s31 =	spop (v2sf)  }
0xa1: {  	s5 =	sadd.f32 s5, s31;
	_ =	sdelay $0x1  }
0xa2: {  	s28 =	sshll.u32 s4, $0x12;
	v62 =	vmov s5  }
0xa3: {  	s29 =	sor.u32 $0x8000, s28;
	[tilespmem:$0x1FE20] =	vst v62  }
.LBB2_3:
0xa4: {  	s30 =	sshll.u32 s3, $0x6  }
0xa5: {  	s31 =	sor.u32 $0x20, s30  }
0xa6: {  	s4 =	sshll.u32 s31, $0x9  }
0xa7: {  	s4 =	sadd.s32 s28, s4  }
0xa8: {  	s4 =	sshrl.u32 s4, $0x3  }
0xa9: {  	s5 =	sadd.s32 s0, s4  }
0xaa: {  	[tilespmem:s18], [sflag:$0x2] =	stream.linear.gather [hbm4b:s5+s7], $0x4000, $0x38;
	[tilespmem:$0x18800] =	vst v63  }
0xab: {  	s24 =	sadd.s32 s1, s4  }
0xac: {  	[tilespmem:s19], [sflag:$0x2] =	stream.linear.gather [hbm4b:s24+s7], $0x4000, $0x38;
	[tilespmem:$0x18800] =	vst v63  }
0xad: {  	s4 =	sadd.s32 s2, s4  }
0xae: {  	[tilespmem:s20], [sflag:$0x2] =	stream.linear.gather [hbm4b:s4+s7], $0x4000, $0x38;
	[tilespmem:$0x18800] =	vst v63  }
0xaf: {  	_ =	swait.ge [sflag:s21], $0x4000  }
0xb0: {  	[sflag:s21] =	ssyncset.done $0x0  }
0xb1: {  	[sflag:s21] =	ssyncadd.s32 $0xFFFFC000  }
0xb2: {  	_ =	swait.ge [sflag:s21], $0x4000  }
0xb3: {  	[sflag:s21] =	ssyncset.done $0x0  }
0xb4: {  	s8 =	simm.s32 $0x10;
	v59 =	vor.u32 $0xF, v49;
	[sflag:s21] =	ssyncadd.s32 $0xFFFFC000  }
0xb5: {  	v1 =	vor.u32 s8, v59;
	_ =	swait.ge [sflag:s21], $0x4000  }
0xb6: {  	v0 =	vor.u32 $0x200F, v49;
	[tilespmem:$0x1F830] =	vst v1  }
0xb7: {  	v3 =	vor.u32 s8, v0;
	[sflag:s21] =	ssyncset.done $0x0;
	[tilespmem:$0x1FAC0] =	vst v0  }
0xb8: {  	s4 =	simm.s32 $0x18010;
	[tilespmem:$0x1FDD0] =	vst v3;
	[sflag:s21] =	ssyncadd.s32 $0xFFFFC000  }
0xb9: {  	s11 =	simm.s32 $0x18410;
	v28 =	vld [tilespmem:s4+$0x0]  }
0xba: {  	v37 =	vor.u32 s8, v56;
	v6 =	vld [tilespmem:s11+$0xFFFFFFF0]  }
0xbb: {  	v51 =	vor.u32 $0x200E, v49;
	v0 =	vld.idx.msk [tilespmem:v1+s7+$0x0], $0xffff  }
0xbc: {  	v11 =	vor.u32 s8, v51;
	v1 =	vld.idx.msk [tilespmem:v1+s17+$0x0], $0xffff  }
0xbd: {  	v2 =	vld.idx.msk [tilespmem:v3+s7+$0x0], $0xffff  }
0xbe: {  	v18 =	vor.u32 s8, v53;
	v3 =	vld.idx.msk [tilespmem:v3+s17+$0x0], $0xffff;
	[tilespmem:$0x1F810] =	vst v37  }
0xbf: {  	v4 =	vld.idx.msk [tilespmem:v37+s7+$0x0], $0xffff  }
0xc0: {  	v5 =	vld.idx.msk [tilespmem:v37+s17+$0x0], $0xffff;
	[tilespmem:$0x1FDB0] =	vst v11  }
0xc1: {  	v16 =	vor.u32 s8, v58;
	v7 =	vld.idx.msk [tilespmem:v11+s7+$0x0], $0xffff  }
0xc2: {  	v8 =	vld.idx.msk [tilespmem:v11+s17+$0x0], $0xffff;
	[tilespmem:$0x1F800] =	vst v18  }
0xc3: {  	v20 =	vor.u32 s8, v15;
	v9 =	vld.idx.msk [tilespmem:v18+s7+$0x0], $0xffff  }
0xc4: {  	v19 =	vor.u32 s8, v63;
	v11 =	vld.idx.msk [tilespmem:v18+s17+$0x0], $0xffff;
	[tilespmem:$0x1FD40] =	vst v20  }
0xc5: {  	[tilespmem:$0x1FDA0] =	vst v16  }
0xc6: {  	v22 =	vor.u32 s8, v61;
	v12 =	vld.idx.msk [tilespmem:v16+s7+$0x0], $0xffff  }
0xc7: {  	v18 =	vmov v13;
	v13 =	vld.idx.msk [tilespmem:v16+s17+$0x0], $0xffff;
	[tilespmem:$0x1F780] =	vst v22  }
0xc8: {  	[tilespmem:$0x1F7C0] =	vst v19  }
0xc9: {  	v16 =	vld.idx.msk [tilespmem:v19+s7+$0x0], $0xffff  }
0xca: {  	v31 =	vmov v17;
	v25 =	vor.u32 s8, v14;
	v17 =	vld.idx.msk [tilespmem:v19+s17+$0x0], $0xffff  }
0xcb: {  	v19 =	vld.idx.msk [tilespmem:v20+s7+$0x0], $0xffff  }
0xcc: {  	v14 =	vor.u32 s8, v60;
	v29 =	vor.u32 s8, v10;
	v20 =	vld.idx.msk [tilespmem:v20+s17+$0x0], $0xffff  }
0xcd: {  	v21 =	vld.idx.msk [tilespmem:v22+s7+$0x0], $0xffff;
	[tilespmem:$0x1FCF0] =	vst v29  }
0xce: {  	v22 =	vld.idx.msk [tilespmem:v22+s17+$0x0], $0xffff;
	[tilespmem:$0x1FD10] =	vst v25  }
0xcf: {  	v23 =	vld.idx.msk [tilespmem:v25+s7+$0x0], $0xffff  }
0xd0: {  	v47 =	vor.u32 s8, v55;
	v24 =	vld.idx.msk [tilespmem:v25+s17+$0x0], $0xffff  }
0xd1: {  	v25 =	vld.idx.msk [tilespmem:v14+s7+$0x0], $0xffff  }
0xd2: {  	v41 =	vor.u32 s8, v57;
	v26 =	vld.idx.msk [tilespmem:v14+s17+$0x0], $0xffff  }
0xd3: {  	v27 =	vld.idx.msk [tilespmem:v29+s7+$0x0], $0xffff  }
0xd4: {  	v10 =	vor.u32 s8, v54;
	v29 =	vld.idx.msk [tilespmem:v29+s17+$0x0], $0xffff  }
0xd5: {  	s6 =	simm.s32 $0x0;
	v33 =	vbroadcast v28, $0xF;
	v30 =	vld.idx.msk [tilespmem:v47+s7+$0x0], $0xffff  }
0xd6: {  	v31 =	vor.u32 s6, v31;
	v32 =	vld.idx.msk [tilespmem:v47+s17+$0x0], $0xffff;
	[tilespmem:$0x1FCC0] =	vst v41  }
0xd7: {  	v62 =	vor.u32 s8, v38;
	v38 =	vmul.f32 v0, v33;
	v36 =	vld.idx.msk [tilespmem:v41+s7+$0x0], $0xffff  }
0xd8: {  	v34 =	vbroadcast v28, $0xE;
	v33 =	vmul.f32 v2, v33;
	v40 =	vld.idx.msk [tilespmem:v41+s17+$0x0], $0xffff  }
0xd9: {  	v35 =	vor.u32 s6, v49;
	v0 =	vadd.f32 v1, v0;
	v43 =	vld.idx.msk [tilespmem:v10+s7+$0x0], $0xffff;
	[tilespmem:$0x1F8C0] =	vst v38  }
0xda: {  	[tilespmem:$0x1F740] =	vst v33;
	v38 =	vmul.f32 v4, v34  }
0xdb: {  	v34 =	vmul.f32 v7, v34;
	v33 =	vld.idx.msk [tilespmem:v31+s7+$0x0], $0xffff;
	[tilespmem:$0x1F860] =	vst v0  }
0xdc: {  	v37 =	vbroadcast v28, $0xD;
	v0 =	vadd.f32 v3, v2;
	[tilespmem:$0x1F880] =	vst v38  }
0xdd: {  	[tilespmem:$0x1FE10] =	vst v34  }
0xde: {  	v1 =	vld.idx.msk [tilespmem:v35+s7+$0x0], $0xffff;
	[tilespmem:$0x1FE00] =	vst v0;
	v0 =	vmul.f32 v9, v37;
	_ =	sdelay $0x1  }
0xdf: {  	[tilespmem:$0x1F850] =	vst v0;
	v0 =	vadd.f32 v5, v4  }
0xe0: {  	v2 =	vmul.f32 v12, v37  }
0xe1: {  	[tilespmem:$0x1F840] =	vst v0  }
0xe2: {  	v0 =	vld.idx.msk [tilespmem:v35+s17+$0x0], $0xffff;
	[tilespmem:$0x1FDF0] =	vst v2;
	v2 =	vadd.f32 v8, v7;
	_ =	sdelay $0x1  }
0xe3: {  	[tilespmem:$0x1FDE0] =	vst v2;
	v2 =	vadd.f32 v11, v9  }
0xe4: {  	v39 =	vbroadcast v28, $0x9;
	v3 =	vadd.f32 v13, v12  }
0xe5: {  	[tilespmem:$0x1F820] =	vst v2  }
0xe6: {  	v2 =	vld.idx.msk [tilespmem:v31+s17+$0x0], $0xffff;
	[tilespmem:$0x1FDC0] =	vst v3;
	v3 =	vmul.f32 v16, v39;
	_ =	sdelay $0x1  }
0xe7: {  	[tilespmem:$0x1F7F0] =	vst v3;
	v3 =	vmul.f32 v19, v39;
	_ =	sdelay $0x1  }
0xe8: {  	v41 =	vbroadcast v28, $0x7;
	v5 =	vadd.f32 v17, v16;
	[tilespmem:$0x1FD90] =	vst v3  }
0xe9: {  	v3 =	vld.idx.msk [tilespmem:v35+s16+$0x0], $0xffff  }
0xea: {  	v4 =	vld.idx.msk [tilespmem:v10+s17+$0x0], $0xffff;
	[tilespmem:$0x1F7E0] =	vst v5;
	v5 =	vmul.f32 v21, v41;
	_ =	sdelay $0x1  }
0xeb: {  	[tilespmem:$0x1F7D0] =	vst v5;
	v5 =	vadd.f32 v20, v19;
	_ =	sdelay $0x1  }
0xec: {  	[tilespmem:$0x1FD80] =	vst v5;
	v5 =	vmul.f32 v23, v41;
	_ =	sdelay $0x1  }
0xed: {  	[tilespmem:$0x1FD70] =	vst v5;
	v5 =	vadd.f32 v22, v21;
	_ =	sdelay $0x1  }
0xee: {  	v42 =	vbroadcast v28, $0x6;
	[tilespmem:$0x1F7A0] =	vst v5;
	v5 =	vadd.f32 v24, v23;
	_ =	sdelay $0x1  }
0xef: {  	v8 =	vmul.f32 v25, v42;
	[tilespmem:$0x1FD50] =	vst v5  }
0xf0: {  	v5 =	vld.idx.msk [tilespmem:v31+s16+$0x0], $0xffff;
	[tilespmem:$0x1FC80] =	vst v62  }
0xf1: {  	v7 =	vld.idx.msk [tilespmem:v62+s7+$0x0], $0xffff;
	[tilespmem:$0x1F7B0] =	vst v8;
	v8 =	vadd.f32 v26, v25  }
0xf2: {  	v9 =	vmul.f32 v27, v42  }
0xf3: {  	[tilespmem:$0x1F790] =	vst v8  }
0xf4: {  	v46 =	vor.u32 s6, v52;
	v44 =	vbroadcast v28, $0x4;
	v8 =	vld.idx.msk [tilespmem:v62+s17+$0x0], $0xffff;
	[tilespmem:$0x1FD60] =	vst v9;
	v9 =	vadd.f32 v29, v27  }
0xf5: {  	v0 =	vadd.f32 v0, v1  }
0xf6: {  	[tilespmem:$0x1FD30] =	vst v9;
	v9 =	vmul.f32 v30, v44  }
0xf7: {  	v38 =	vsub.f32 v0, v3;
	v0 =	vmul.f32 v36, v44  }
0xf8: {  	[tilespmem:$0x1F770] =	vst v9  }
0xf9: {  	v45 =	vbroadcast v28, $0x3;
	v9 =	vld.idx.msk [tilespmem:v46+s7+$0x0], $0xffff;
	[tilespmem:$0x1FD20] =	vst v0;
	v0 =	vadd.f32 v40, v36;
	_ =	sdelay $0x1  }
0xfa: {  	v40 =	vmul.f32 v7, v45;
	[tilespmem:$0x1FCE0] =	vst v0  }
0xfb: {  	v19 =	vadd.f32 v4, v43;
	v4 =	vld.idx.msk [tilespmem:v46+s17+$0x0], $0xffff  }
0xfc: {  	s24 =	simm.s32 $0x18210;
	v11 =	vld [tilespmem:s4+$0xFFFFFFF0];
	[tilespmem:$0x1FD00] =	vst v40  }
0xfd: {  	v42 =	vbroadcast v6, $0x0;
	v0 =	vmul.f32 v38, v38;
	v12 =	vld [tilespmem:s24+$0xFFFFFFF0]  }
0xfe: {  	v16 =	vmul.f32 v43, v45;
	v44 =	vbroadcast v6, $0x1;
	v45 =	vimm.f32 $0.0e+00  }
0xff: {  	v39 =	vor.u32 s6, v54;
	v41 =	vadd.f32 v0, v45;
	[tilespmem:$0x1F8A0] =	vst v42;
	v0 =	vadd.f32 v8, v7  }
0x100: {  	v2 =	vadd.f32 v2, v33;
	[tilespmem:$0x1F8F0] =	vst v44  }
0x101: {  	[tilespmem:$0x1FCD0] =	vst v0  }
0x102: {  	v2 =	vsub.f32 v2, v5;
	v8 =	vld.idx.msk [tilespmem:v46+s16+$0x0], $0xffff;
	[tilespmem:$0x1F750] =	vst v51;
	v46 =	vor.u32 s6, v51;
	v51 =	vbroadcast v12, $0x0  }
0x103: {  	v13 =	vmul.f32 v38, v42;
	v0 =	vor.u32 s6, v56  }
0x104: {  	v43 =	vmul.f32 v2, v2;
	v56 =	vbroadcast v11, $0x0;
	v20 =	vld.idx.msk [tilespmem:v39+s7+$0x0], $0xffff;
	[tilespmem:$0x1F870] =	vst v51  }
0x105: {  	v2 =	vmul.f32 v2, v44;
	v13 =	vadd.f32 v13, v45;
	v35 =	vbroadcast v12, $0x1;
	v54 =	vld.idx.msk [tilespmem:v39+s17+$0x0], $0xffff  }
0x106: {  	v21 =	vbroadcast v11, $0x1;
	v1 =	vmul.f32 v1, v56;
	v17 =	vld.idx.msk [tilespmem:v39+s16+$0x0], $0xffff;
	v39 =	vmov v46  }
0x107: {  	v55 =	vor.u32 s6, v55;
	v36 =	vadd.f32 v2, v13;
	v7 =	vadd.f32 v43, v41;
	[tilespmem:$0x1F900] =	vst v35  }
0x108: {  	v41 =	vbroadcast v6, $0x2;
	v2 =	vmul.f32 v33, v21;
	v1 =	vadd.f32 v1, v45;
	v37 =	vld.idx.msk [tilespmem:v0+s7+$0x0], $0xffff  }
0x109: {  	v4 =	vadd.f32 v4, v9;
	v3 =	vmul.f32 v3, v51;
	v38 =	vld.idx.msk [tilespmem:v0+s17+$0x0], $0xffff;
	[tilespmem:$0x1FB40] =	vst v46  }
0x10a: {  	v40 =	vor.u32 s6, v50;
	v27 =	vld.idx.msk [tilespmem:v46+s7+$0x0], $0xffff;
	[tilespmem:$0x1F910] =	vst v41;
	v1 =	vadd.f32 v2, v1;
	v2 =	vbroadcast v12, $0x2  }
0x10b: {  	v5 =	vmul.f32 v5, v35;
	v4 =	vsub.f32 v4, v8;
	v3 =	vadd.f32 v3, v45;
	v42 =	vld.idx.msk [tilespmem:v39+s17+$0x0], $0xffff  }
0x10c: {  	v51 =	vld [tilespmem:$0x1FE80];
	[tilespmem:$0x1F930] =	vst v2  }
0x10d: {  	v3 =	vadd.f32 v5, v3;
	v5 =	vmul.f32 v4, v4;
	v31 =	vld.idx.msk [tilespmem:v55+s7+$0x0], $0xffff  }
0x10e: {  	v8 =	vmul.f32 v8, v2;
	v43 =	vld.idx.msk [tilespmem:v55+s17+$0x0], $0xffff  }
0x10f: {  	v44 =	vbroadcast v11, $0xE;
	v33 =	vadd.f32 v5, v7;
	v23 =	vld.idx.msk [tilespmem:v55+s16+$0x0], $0xffff  }
0x110: {  	v2 =	vor.u32 s6, v53;
	v3 =	vadd.f32 v8, v3;
	v8 =	vld.idx.msk [tilespmem:v40+s7+$0x0], $0xffff;
	v7 =	vadd.f32 v42, v27  }
0x111: {  	v53 =	vbroadcast v11, $0x3;
	v25 =	vld.idx.msk [tilespmem:v40+s17+$0x0], $0xffff  }
0x112: {  	v55 =	vld [tilespmem:$0x1FE90];
	v24 =	vmul.f32 v27, v44;
	[tilespmem:$0x1FBC0] =	vst v7  }
0x113: {  	v13 =	vbroadcast v11, $0x2;
	v46 =	vor.u32 s6, v58;
	v22 =	vadd.f32 v54, v20;
	v26 =	vld.idx.msk [tilespmem:v40+s16+$0x0], $0xffff;
	[tilespmem:$0x1F920] =	vst v53  }
0x114: {  	v62 =	vadd.f32 v32, v30;
	v4 =	vmul.f32 v4, v41;
	v41 =	vbroadcast v12, $0x3;
	[tilespmem:$0x1FC20] =	vst v24  }
0x115: {  	v22 =	vsub.f32 v22, v17;
	v7 =	vor.u32 s6, v51;
	v40 =	vbroadcast v6, $0x3;
	v27 =	vld.idx.msk [tilespmem:v2+s7+$0x0], $0xffff  }
0x116: {  	v20 =	vmul.f32 v20, v53;
	v17 =	vmul.f32 v17, v41;
	v29 =	vld.idx.msk [tilespmem:v2+s17+$0x0], $0xffff;
	[tilespmem:$0x1FB10] =	vst v46  }
0x117: {  	v54 =	vadd.f32 v43, v31;
	v58 =	vor.u32 s6, v55;
	v43 =	vbroadcast v6, $0x4;
	[tilespmem:$0x1F950] =	vst v40  }
0x118: {  	v42 =	vmul.f32 v22, v22;
	v53 =	vadd.f32 v17, v3;
	v3 =	vmov v58;
	v30 =	vld.idx.msk [tilespmem:v46+s7+$0x0], $0xffff;
	[tilespmem:$0x1F960] =	vst v41  }
0x119: {  	v4 =	vadd.f32 v4, v36;
	v22 =	vmul.f32 v22, v40;
	v34 =	vld.idx.msk [tilespmem:v46+s17+$0x0], $0xffff;
	[tilespmem:$0x1F970] =	vst v43  }
0x11a: {  	v9 =	vmul.f32 v9, v13;
	v55 =	vbroadcast v12, $0x4;
	v32 =	vadd.f32 v42, v33;
	v33 =	vld.idx.msk [tilespmem:v7+s7+$0x0], $0xffff  }
0x11b: {  	v35 =	vor.u32 s6, v60;
	v24 =	vsub.f32 v54, v23;
	v4 =	vadd.f32 v22, v4;
	v22 =	vld.idx.msk [tilespmem:v7+s17+$0x0], $0xffff;
	[tilespmem:$0x1FAB0] =	vst v58  }
0x11c: {  	v9 =	vadd.f32 v9, v1;
	v5 =	vmul.f32 v37, v44;
	v17 =	vbroadcast v11, $0x4;
	v36 =	vld.idx.msk [tilespmem:v58+s7+$0x0], $0xffff;
	[tilespmem:$0x1F980] =	vst v55  }
0x11d: {  	v1 =	vadd.f32 v38, v37;
	v54 =	vbroadcast v11, $0xD;
	v44 =	vmul.f32 v24, v24;
	v58 =	vld.idx.msk [tilespmem:v3+s17+$0x0], $0xffff  }
0x11e: {  	v9 =	vadd.f32 v20, v9;
	v23 =	vmul.f32 v23, v55;
	v60 =	vmul.f32 v31, v17  }
0x11f: {  	v46 =	vmul.f32 v24, v43;
	v32 =	vadd.f32 v44, v32;
	v44 =	vadd.f32 v34, v30  }
0x120: {  	v31 =	vor.u32 s6, v61;
	v9 =	vadd.f32 v60, v9;
	v60 =	vld [tilespmem:$0x1FE70];
	v20 =	vmul.f32 v30, v54  }
0x121: {  	v37 =	vadd.f32 v46, v4;
	v4 =	vmul.f32 v27, v54;
	v55 =	vbroadcast v6, $0x5;
	v41 =	vld.idx.msk [tilespmem:v35+s7+$0x0], $0xffff;
	[tilespmem:$0x1FB90] =	vst v44  }
0x122: {  	v3 =	vadd.f32 v29, v27;
	v27 =	vld.idx.msk [tilespmem:v35+s17+$0x0], $0xffff;
	[tilespmem:$0x1FC00] =	vst v20;
	v58 =	vadd.f32 v58, v36  }
0x123: {  	v23 =	vadd.f32 v23, v53;
	v53 =	vbroadcast v11, $0xC;
	v29 =	vadd.f32 v22, v33;
	v22 =	vld.idx.msk [tilespmem:v35+s16+$0x0], $0xffff;
	[tilespmem:$0x1F990] =	vst v55  }
0x124: {  	v42 =	vbroadcast v11, $0x5;
	[tilespmem:$0x1FB50] =	vst v58  }
0x125: {  	v24 =	vor.u32 s6, v48;
	v46 =	vadd.f32 v25, v8;
	v20 =	vmul.f32 v33, v53;
	v33 =	vld.idx.msk [tilespmem:v31+s16+$0x0], $0xffff  }
0x126: {  	v43 =	vbroadcast v12, $0x5;
	v35 =	vld.idx.msk [tilespmem:v31+s7+$0x0], $0xffff  }
0x127: {  	v54 =	vsub.f32 v46, v26;
	v25 =	vmul.f32 v36, v53;
	v31 =	vld.idx.msk [tilespmem:v31+s17+$0x0], $0xffff;
	[tilespmem:$0x1F9B0] =	vst v42  }
0x128: {  	v44 =	vmov v48;
	v48 =	vor.u32 s6, v60;
	[tilespmem:$0x1F9C0] =	vst v43  }
0x129: {  	v30 =	vmul.f32 v54, v55;
	v55 =	vbroadcast v6, $0x6;
	[tilespmem:$0x1FBB0] =	vst v25  }
0x12a: {  	v40 =	vor.u32 s6, v18;
	v58 =	vbroadcast v11, $0x6;
	v53 =	vld.idx.msk [tilespmem:v24+s7+$0x0], $0xffff  }
0x12b: {  	v61 =	vmul.f32 v54, v54;
	v60 =	vbroadcast v12, $0x6;
	v54 =	vld.idx.msk [tilespmem:v24+s17+$0x0], $0xffff;
	[tilespmem:$0x1F9D0] =	vst v55;
	v27 =	vadd.f32 v27, v41  }
0x12c: {  	v8 =	vmul.f32 v8, v42;
	v26 =	vmul.f32 v26, v43;
	v30 =	vadd.f32 v30, v37;
	[tilespmem:$0x1F9E0] =	vst v58  }
0x12d: {  	v36 =	vor.u32 s6, v63;
	v63 =	vmul.f32 v41, v58;
	v37 =	vld.idx.msk [tilespmem:v48+s7+$0x0], $0xffff;
	[tilespmem:$0x1F9F0] =	vst v60;
	v27 =	vsub.f32 v27, v22  }
0x12e: {  	v8 =	vadd.f32 v8, v9;
	v9 =	vld.idx.msk [tilespmem:v48+s17+$0x0], $0xffff;
	v22 =	vmul.f32 v22, v60;
	v60 =	vbroadcast v6, $0x7  }
0x12f: {  	v46 =	vadd.f32 v61, v32;
	v41 =	vld.idx.msk [tilespmem:v40+s7+$0x0], $0xffff;
	v61 =	vmul.f32 v27, v27;
	v27 =	vmul.f32 v27, v55  }
0x130: {  	v23 =	vadd.f32 v26, v23;
	v26 =	vld.idx.msk [tilespmem:v40+s16+$0x0], $0xffff;
	v31 =	vadd.f32 v31, v35  }
0x131: {  	v25 =	vadd.f32 v61, v46;
	v46 =	vld.idx.msk [tilespmem:v40+s17+$0x0], $0xffff;
	v27 =	vadd.f32 v27, v30;
	v30 =	vbroadcast v11, $0xB;
	[tilespmem:$0x1FA00] =	vst v60  }
0x132: {  	v58 =	vsub.f32 v31, v33;
	v31 =	vld.idx.msk [tilespmem:v36+s7+$0x0], $0xffff  }
0x133: {  	v34 =	vadd.f32 v54, v53;
	v9 =	vadd.f32 v9, v37;
	v32 =	vmul.f32 v53, v30;
	v53 =	vld [tilespmem:$0x1FE50]  }
0x134: {  	v61 =	vld.idx.msk [tilespmem:v36+s17+$0x0], $0xffff  }
0x135: {  	v8 =	vadd.f32 v63, v8;
	v63 =	vbroadcast v11, $0x7;
	[tilespmem:$0x1FAF0] =	vst v9  }
0x136: {  	v23 =	vadd.f32 v22, v23;
	v36 =	vld.idx.msk [tilespmem:v36+s16+$0x0], $0xffff  }
0x137: {  	v54 =	vmul.f32 v35, v63;
	v22 =	vmul.f32 v58, v60;
	v42 =	vadd.f32 v46, v41  }
0x138: {  	v30 =	vmul.f32 v37, v30;
	v9 =	vmul.f32 v58, v58;
	v40 =	vor.u32 s6, v53  }
0x139: {  	[tilespmem:$0x1FA10] =	vst v63;
	v46 =	vbroadcast v12, $0x7;
	v60 =	vadd.f32 v61, v31;
	v58 =	vsub.f32 v42, v26  }
0x13a: {  	v8 =	vadd.f32 v54, v8;
	[tilespmem:$0x1FB80] =	vst v30;
	v63 =	vbroadcast v12, $0x8;
	v61 =	vbroadcast v6, $0x8  }
0x13b: {  	v9 =	vadd.f32 v9, v25;
	[tilespmem:$0x1FA30] =	vst v46;
	v42 =	vmul.f32 v58, v58;
	v54 =	vsub.f32 v60, v36  }
0x13c: {  	v25 =	vadd.f32 v22, v27;
	v55 =	vmul.f32 v33, v46;
	[tilespmem:$0x1FA50] =	vst v61;
	v33 =	vmul.f32 v58, v61  }
0x13d: {  	v9 =	vadd.f32 v42, v9;
	v61 =	vmul.f32 v54, v54;
	v37 =	vld.idx.msk [tilespmem:v40+s7+$0x0], $0xffff;
	[tilespmem:$0x1FA60] =	vst v63  }
0x13e: {  	v46 =	vld.idx.msk [tilespmem:v40+s17+$0x0], $0xffff  }
0x13f: {  	v22 =	vbroadcast v11, $0x8;
	v25 =	vadd.f32 v33, v25;
	v33 =	vadd.f32 v61, v9;
	v9 =	vld [tilespmem:$0x1FE60]  }
0x140: {  	v26 =	vmul.f32 v26, v63;
	v23 =	vadd.f32 v55, v23;
	v55 =	vld.idx.msk [tilespmem:v40+s16+$0x0], $0xffff  }
0x141: {  	v58 =	vmul.f32 v41, v22  }
0x142: {  	v23 =	vadd.f32 v26, v23;
	v26 =	vbroadcast v11, $0x9  }
0x143: {  	v60 =	vbroadcast v6, $0x9;
	v8 =	vadd.f32 v58, v8;
	v27 =	vadd.f32 v46, v37  }
0x144: {  	v31 =	vmul.f32 v31, v26;
	v42 =	vor.u32 s6, v9;
	v9 =	vbroadcast v12, $0x9  }
0x145: {  	[tilespmem:$0x1FA70] =	vst v60;
	v27 =	vsub.f32 v27, v55  }
0x146: {  	v24 =	vld.idx.msk [tilespmem:v24+s16+$0x0], $0xffff;
	v31 =	vadd.f32 v31, v8;
	v8 =	vbroadcast v6, $0xA;
	v36 =	vmul.f32 v36, v9  }
0x147: {  	[tilespmem:$0x1FAA0] =	vst v9;
	v9 =	vbroadcast v12, $0xA;
	v63 =	vmul.f32 v27, v27  }
0x148: {  	[tilespmem:$0x1FAD0] =	vst v8;
	v27 =	vmul.f32 v27, v8;
	v8 =	vbroadcast v6, $0xB  }
0x149: {  	v7 =	vld.idx.msk [tilespmem:v7+s16+$0x0], $0xffff;
	[tilespmem:$0x1FB00] =	vst v9  }
0x14a: {  	[tilespmem:$0x1FB20] =	vst v8  }
0x14b: {  	v34 =	vsub.f32 v34, v24;
	v23 =	vadd.f32 v36, v23;
	v36 =	vld.idx.msk [tilespmem:v42+s7+$0x0], $0xffff  }
0x14c: {  	v41 =	vor.u32 s6, v15;
	v30 =	vmul.f32 v54, v60;
	v54 =	vld.idx.msk [tilespmem:v42+s17+$0x0], $0xffff  }
0x14d: {  	v46 =	vmul.f32 v55, v9;
	v55 =	vmul.f32 v34, v34  }
0x14e: {  	v34 =	vmul.f32 v34, v8;
	v8 =	vbroadcast v12, $0xB;
	_ =	sdelay $0x1  }
0x14f: {  	v2 =	vld.idx.msk [tilespmem:v2+s16+$0x0], $0xffff;
	[tilespmem:$0x1FB60] =	vst v8  }
0x150: {  	v24 =	vmul.f32 v24, v8;
	v60 =	vld.idx.msk [tilespmem:v41+s7+$0x0], $0xffff;
	[tilespmem:$0x1F760] =	vst v59;
	v8 =	vadd.f32 v54, v36  }
0x151: {  	v33 =	vadd.f32 v63, v33;
	v63 =	vld.idx.msk [tilespmem:v41+s17+$0x0], $0xffff  }
0x152: {  	v0 =	vld.idx.msk [tilespmem:v0+s16+$0x0], $0xffff;
	[tilespmem:$0x1FA90] =	vst v8;
	v8 =	vbroadcast v12, $0xC;
	_ =	sdelay $0x1  }
0x153: {  	v29 =	vsub.f32 v29, v7;
	[tilespmem:$0x1FBA0] =	vst v8;
	v7 =	vmul.f32 v7, v8;
	v8 =	vld [tilespmem:$0x1FFD0]  }
0x154: {  	v58 =	vor.u32 s8, v49;
	v25 =	vadd.f32 v30, v25;
	v30 =	vbroadcast v11, $0xA  }
0x155: {  	v9 =	vbroadcast v6, $0xC  }
0x156: {  	v23 =	vadd.f32 v46, v23;
	v46 =	vmul.f32 v36, v30  }
0x157: {  	v61 =	vor.u32 s6, v59;
	v33 =	vadd.f32 v55, v33;
	[tilespmem:$0x1FB70] =	vst v9  }
0x158: {  	v43 =	vmul.f32 v29, v29;
	[tilespmem:$0x1FB30] =	vst v46;
	v54 =	vor.u32 s8, v8;
	v8 =	vadd.f32 v63, v60  }
0x159: {  	v37 =	vmul.f32 v37, v30;
	v30 =	vld.idx.msk [tilespmem:v58+s16+$0x0], $0xffff  }
0x15a: {  	v49 =	vadd.f32 v43, v33;
	v3 =	vsub.f32 v3, v2;
	v33 =	vld.idx.msk [tilespmem:v58+s7+$0x0], $0xffff;
	[tilespmem:$0x1FA40] =	vst v8;
	v8 =	vbroadcast v6, $0xD  }
0x15b: {  	v29 =	vmul.f32 v29, v9;
	v9 =	vmul.f32 v60, v26  }
0x15c: {  	v59 =	vmul.f32 v3, v3;
	v60 =	vmul.f32 v3, v8;
	v3 =	vld [tilespmem:$0x1FF40]  }
0x15d: {  	v35 =	vld.idx.msk [tilespmem:v61+s7+$0x0], $0xffff;
	[tilespmem:$0x1FAE0] =	vst v9  }
0x15e: {  	v15 =	vadd.f32 v37, v31;
	v25 =	vadd.f32 v27, v25;
	[tilespmem:$0x1FBD0] =	vst v8  }
0x15f: {  	v55 =	vld.idx.msk [tilespmem:v61+s17+$0x0], $0xffff  }
0x160: {  	v27 =	vadd.f32 v32, v15;
	v25 =	vadd.f32 v34, v25;
	v8 =	vbroadcast v12, $0xD;
	v58 =	vld.idx.msk [tilespmem:v58+s17+$0x0], $0xffff  }
0x161: {  	v1 =	vsub.f32 v1, v0;
	v61 =	vld.idx.msk [tilespmem:v61+s16+$0x0], $0xffff;
	v39 =	vor.u32 s6, v3;
	v3 =	vbroadcast v6, $0xE  }
0x162: {  	v20 =	vadd.f32 v20, v27;
	v23 =	vadd.f32 v24, v23;
	[tilespmem:$0x1FBE0] =	vst v8;
	v63 =	vmul.f32 v2, v8;
	v2 =	vld [tilespmem:$0x1FFC0]  }
0x163: {  	v25 =	vadd.f32 v29, v25;
	v15 =	vmul.f32 v1, v1;
	v27 =	vld.idx.msk [tilespmem:v54+s16+$0x0], $0xffff;
	[tilespmem:$0x1FBF0] =	vst v3  }
0x164: {  	v7 =	vadd.f32 v7, v23;
	v1 =	vmul.f32 v1, v3;
	v3 =	vbroadcast v12, $0xE;
	v29 =	vld.idx.msk [tilespmem:v54+s7+$0x0], $0xffff  }
0x165: {  	v4 =	vadd.f32 v4, v20;
	v8 =	vbroadcast v6, $0xF;
	v32 =	vld.idx.msk [tilespmem:v54+s17+$0x0], $0xffff  }
0x166: {  	v38 =	vor.u32 s6, v57;
	v25 =	vadd.f32 v60, v25;
	v20 =	vadd.f32 v63, v7;
	v7 =	vld [tilespmem:s11+$0x0];
	[tilespmem:$0x1FC10] =	vst v3  }
0x167: {  	v0 =	vmul.f32 v0, v3;
	v3 =	vbroadcast v11, $0xF;
	v40 =	vld.idx.msk [tilespmem:v39+s7+$0x0], $0xffff;
	[tilespmem:$0x1FC30] =	vst v8  }
0x168: {  	v25 =	vadd.f32 v1, v25;
	v1 =	vbroadcast v12, $0xF;
	v6 =	vld.idx.msk [tilespmem:v39+s17+$0x0], $0xffff  }
0x169: {  	[tilespmem:$0x1FC40] =	vst v3  }
0x16a: {  	v4 =	vadd.f32 v5, v4;
	v26 =	vadd.f32 v55, v35;
	v37 =	vor.u32 s6, v2;
	v5 =	vld [tilespmem:s24+$0x0];
	[tilespmem:$0x1FC50] =	vst v1  }
0x16b: {  	v24 =	vadd.f32 v59, v49;
	v49 =	vld.idx.msk [tilespmem:v38+s7+$0x0], $0xffff  }
0x16c: {  	v26 =	vsub.f32 v26, v61;
	v54 =	vld.idx.msk [tilespmem:v38+s17+$0x0], $0xffff  }
0x16d: {  	v11 =	vadd.f32 v58, v33;
	v31 =	vmul.f32 v61, v1;
	v1 =	vadd.f32 v6, v40  }
0x16e: {  	v52 =	vor.u32 s8, v52;
	v24 =	vadd.f32 v15, v24;
	v43 =	vmul.f32 v26, v26  }
0x16f: {  	v0 =	vadd.f32 v0, v20;
	v11 =	vsub.f32 v11, v30;
	v57 =	vld.idx.msk [tilespmem:v37+s7+$0x0], $0xffff;
	[tilespmem:$0x1FA20] =	vst v1;
	v1 =	vbroadcast v7, $0x0  }
0x170: {  	v55 =	vmul.f32 v35, v3;
	v23 =	vadd.f32 v43, v24;
	v3 =	vmul.f32 v40, v22  }
0x171: {  	v43 =	vld [tilespmem:$0x1FFE0];
	v58 =	vmul.f32 v11, v11;
	[tilespmem:$0x1FC60] =	vst v1;
	v11 =	vmul.f32 v11, v1;
	v1 =	vadd.f32 v54, v49  }
0x172: {  	v46 =	vmul.f32 v26, v8;
	v8 =	vbroadcast v28, $0x0;
	v6 =	vld.idx.msk [tilespmem:v37+s17+$0x0], $0xffff;
	[tilespmem:$0x1FA80] =	vst v3  }
0x173: {  	v59 =	vadd.f32 v31, v0;
	v3 =	vbroadcast v5, $0x0;
	[tilespmem:$0x1F940] =	vst v1  }
0x174: {  	v0 =	vadd.f32 v32, v29;
	v9 =	vmul.f32 v49, v17;
	v60 =	vld.idx.msk [tilespmem:v52+s7+$0x0], $0xffff;
	[tilespmem:$0x1FC70] =	vst v8  }
0x175: {  	v12 =	vadd.f32 v46, v25;
	[tilespmem:$0x1FC90] =	vst v3  }
0x176: {  	v61 =	vsub.f32 v0, v27;
	[tilespmem:$0x1F9A0] =	vst v9;
	v30 =	vmul.f32 v30, v3;
	v3 =	vbroadcast v7, $0x1  }
0x177: {  	v36 =	vmul.f32 v33, v8;
	v4 =	vadd.f32 v55, v4;
	v25 =	vor.u32 s6, v43;
	v63 =	vld.idx.msk [tilespmem:v52+s17+$0x0], $0xffff  }
0x178: {  	v17 =	vmul.f32 v61, v3;
	v32 =	vadd.f32 v6, v57;
	v6 =	vld.idx.msk [tilespmem:v52+s16+$0x0], $0xffff;
	[tilespmem:$0x1FCA0] =	vst v3;
	v3 =	vbroadcast v28, $0x1;
	_ =	sdelay $0x1  }
0x179: {  	v33 =	vbroadcast v28, $0x2;
	v4 =	vadd.f32 v36, v4;
	v0 =	vld [tilespmem:$0x1F770];
	v49 =	vmul.f32 v29, v3  }
0x17a: {  	v10 =	vld.idx.msk [tilespmem:v10+s16+$0x0], $0xffff;
	[tilespmem:$0x1FCB0] =	vst v3  }
0x17b: {  	v55 =	vor.u32 s8, v50;
	v26 =	vmul.f32 v60, v33;
	v50 =	vld.idx.msk [tilespmem:v25+s7+$0x0], $0xffff;
	v4 =	vadd.f32 v49, v4  }
0x17c: {  	v35 =	vld.idx.msk [tilespmem:v25+s17+$0x0], $0xffff  }
0x17d: {  	v26 =	vadd.f32 v26, v4;
	_ =	sdelay $0x1  }
0x17e: {  	v23 =	vadd.f32 v58, v23;
	v58 =	vbroadcast v5, $0x1;
	v16 =	vadd.f32 v16, v26  }
0x17f: {  	v40 =	vmul.f32 v61, v61;
	v46 =	vadd.f32 v30, v59  }
0x180: {  	v59 =	vmul.f32 v27, v58;
	v27 =	vadd.f32 v35, v50;
	v35 =	vadd.f32 v0, v16;
	v0 =	vld [tilespmem:$0x1F780]  }
0x181: {  	v52 =	vadd.f32 v40, v23;
	v54 =	vadd.f32 v63, v60;
	v60 =	vbroadcast v5, $0x2;
	v40 =	vld.idx.msk [tilespmem:v55+s7+$0x0], $0xffff  }
0x182: {  	v34 =	vmul.f32 v57, v13;
	v13 =	vadd.f32 v59, v46;
	v46 =	vld.idx.msk [tilespmem:v55+s17+$0x0], $0xffff  }
0x183: {  	v24 =	vld.idx.msk [tilespmem:v55+s16+$0x0], $0xffff;
	v55 =	vbroadcast v5, $0x3;
	v23 =	vsub.f32 v54, v6;
	v6 =	vmul.f32 v6, v60;
	_ =	sdelay $0x1  }
0x184: {  	v15 =	vld.idx.msk [tilespmem:v47+s16+$0x0], $0xffff;
	v19 =	vsub.f32 v19, v10;
	v10 =	vmul.f32 v10, v55;
	v13 =	vadd.f32 v6, v13  }
0x185: {  	v11 =	vadd.f32 v11, v12;
	v63 =	vbroadcast v7, $0x2  }
0x186: {  	v57 =	vbroadcast v7, $0x3;
	v10 =	vadd.f32 v10, v13;
	v13 =	vld.idx.msk [tilespmem:v14+s16+$0x0], $0xffff  }
0x187: {  	v11 =	vadd.f32 v17, v11;
	v36 =	vmul.f32 v23, v23;
	v23 =	vmul.f32 v23, v63;
	v16 =	vld.idx.msk [tilespmem:v0+s16+$0x0], $0xffff  }
0x188: {  	v54 =	vbroadcast v7, $0x4;
	v47 =	vmul.f32 v19, v19;
	v0 =	vld [tilespmem:$0x1F790]  }
0x189: {  	v19 =	vmul.f32 v19, v57;
	v49 =	vsub.f32 v62, v15;
	v11 =	vadd.f32 v23, v11;
	_ =	sdelay $0x1  }
0x18a: {  	v59 =	vmul.f32 v49, v54;
	v11 =	vadd.f32 v19, v11;
	_ =	sdelay $0x1  }
0x18b: {  	v62 =	vbroadcast v28, $0x5;
	v11 =	vadd.f32 v59, v11;
	v59 =	vsub.f32 v0, v13;
	v0 =	vld [tilespmem:$0x1F7A0];
	_ =	sdelay $0x1  }
0x18c: {  	v29 =	vmul.f32 v50, v21;
	v50 =	vadd.f32 v46, v40;
	v17 =	vmul.f32 v40, v62  }
0x18d: {  	v22 =	vadd.f32 v36, v52;
	v52 =	vmul.f32 v49, v49;
	v49 =	vbroadcast v7, $0x6  }
0x18e: {  	v21 =	vsub.f32 v50, v24;
	v50 =	vadd.f32 v17, v35  }
0x18f: {  	v35 =	vmul.f32 v59, v59;
	v19 =	vmul.f32 v59, v49;
	v59 =	vsub.f32 v0, v16;
	v0 =	vld [tilespmem:$0x1F7B0];
	_ =	sdelay $0x4  }
0x190: {  	v23 =	vor.u32 s8, v18;
	v14 =	vadd.f32 v0, v50;
	v0 =	vld [tilespmem:$0x1F7C0];
	_ =	sdelay $0x1  }
0x191: {  	v22 =	vadd.f32 v47, v22;
	_ =	sdelay $0x1  }
0x192: {  	v26 =	vadd.f32 v52, v22;
	v52 =	vbroadcast v7, $0x5  }
0x193: {  	v46 =	vbroadcast v5, $0x4;
	v61 =	vld.idx.msk [tilespmem:v23+s17+$0x0], $0xffff  }
0x194: {  	v36 =	vmul.f32 v21, v21;
	v40 =	vmul.f32 v21, v52;
	v21 =	vld.idx.msk [tilespmem:v23+s7+$0x0], $0xffff  }
0x195: {  	v30 =	vmul.f32 v15, v46;
	v17 =	vld.idx.msk [tilespmem:v23+s16+$0x0], $0xffff  }
0x196: {  	v47 =	vbroadcast v5, $0x5;
	v6 =	vld.idx.msk [tilespmem:v0+s16+$0x0], $0xffff  }
0x197: {  	v10 =	vadd.f32 v30, v10;
	v0 =	vld [tilespmem:$0x1F7D0]  }
0x198: {  	v30 =	vmul.f32 v24, v47;
	v18 =	vadd.f32 v36, v26;
	v36 =	vor.u32 s8, v53  }
0x199: {  	v61 =	vadd.f32 v61, v21  }
0x19a: {  	v1 =	vor.u32 s8, v44;
	v10 =	vadd.f32 v30, v10  }
0x19b: {  	v44 =	vld [tilespmem:$0x1FE30];
	v53 =	vbroadcast v7, $0x7;
	v11 =	vadd.f32 v40, v11;
	v30 =	vsub.f32 v61, v17  }
0x19c: {  	v18 =	vadd.f32 v35, v18;
	v26 =	vmul.f32 v59, v59;
	v14 =	vadd.f32 v0, v14;
	v0 =	vld [tilespmem:$0x1F7E0]  }
0x19d: {  	v61 =	vld.idx.msk [tilespmem:v36+s17+$0x0], $0xffff;
	v11 =	vadd.f32 v19, v11;
	v15 =	vmul.f32 v59, v53  }
0x19e: {  	v19 =	vld.idx.msk [tilespmem:v36+s7+$0x0], $0xffff;
	v18 =	vadd.f32 v26, v18;
	v26 =	vmul.f32 v30, v30  }
0x19f: {  	v11 =	vadd.f32 v15, v11;
	v15 =	vld.idx.msk [tilespmem:v36+s16+$0x0], $0xffff;
	v36 =	vbroadcast v7, $0x8  }
0x1a0: {  	v40 =	vbroadcast v5, $0x6;
	v18 =	vadd.f32 v26, v18  }
0x1a1: {  	v30 =	vmul.f32 v30, v36;
	v26 =	vbroadcast v7, $0x9;
	v0 =	vsub.f32 v0, v6  }
0x1a2: {  	v31 =	vmov v2;
	v20 =	vor.u32 s6, v44;
	v13 =	vmul.f32 v13, v40  }
0x1a3: {  	v9 =	vld.idx.msk [tilespmem:v1+s7+$0x0], $0xffff;
	v11 =	vadd.f32 v30, v11;
	v2 =	vmul.f32 v0, v0;
	v0 =	vmul.f32 v0, v26  }
0x1a4: {  	v12 =	vld.idx.msk [tilespmem:v1+s17+$0x0], $0xffff;
	v23 =	vbroadcast v28, $0x8;
	v10 =	vadd.f32 v13, v10;
	v13 =	vor.u32 s8, v51  }
0x1a5: {  	v8 =	vadd.f32 v0, v11;
	v0 =	vld [tilespmem:$0x1F7F0]  }
0x1a6: {  	v4 =	vmul.f32 v21, v23  }
0x1a7: {  	v1 =	vld.idx.msk [tilespmem:v1+s16+$0x0], $0xffff;
	v50 =	vbroadcast v5, $0x7  }
0x1a8: {  	v3 =	vld.idx.msk [tilespmem:v20+s7+$0x0], $0xffff;
	v4 =	vadd.f32 v4, v14  }
0x1a9: {  	v12 =	vadd.f32 v12, v9;
	v59 =	vmul.f32 v16, v50;
	v16 =	vadd.f32 v61, v19;
	v11 =	vld.idx.msk [tilespmem:v13+s7+$0x0], $0xffff  }
0x1aa: {  	v24 =	vbroadcast v5, $0x9;
	v35 =	vbroadcast v5, $0x8;
	v4 =	vadd.f32 v0, v4;
	v0 =	vld.idx.msk [tilespmem:v13+s17+$0x0], $0xffff  }
0x1ab: {  	v61 =	vld.idx.msk [tilespmem:v20+s17+$0x0], $0xffff;
	v30 =	vbroadcast v7, $0xA;
	v10 =	vadd.f32 v59, v10;
	v59 =	vsub.f32 v16, v15  }
0x1ac: {  	v12 =	vsub.f32 v12, v1;
	v22 =	vbroadcast v28, $0xA;
	v17 =	vmul.f32 v17, v35  }
0x1ad: {  	v51 =	vmul.f32 v59, v59;
	v14 =	vmul.f32 v59, v30;
	v2 =	vadd.f32 v2, v18  }
0x1ae: {  	v10 =	vadd.f32 v17, v10;
	v59 =	vmul.f32 v19, v22;
	v6 =	vmul.f32 v6, v24  }
0x1af: {  	v2 =	vadd.f32 v51, v2;
	v21 =	vadd.f32 v0, v11;
	v0 =	vmul.f32 v12, v12  }
0x1b0: {  	v19 =	vadd.f32 v61, v3;
	v10 =	vadd.f32 v6, v10;
	v6 =	vmul.f32 v3, v56;
	v3 =	vld [tilespmem:$0x1F800]  }
0x1b1: {  	v2 =	vadd.f32 v0, v2;
	v0 =	vld [tilespmem:$0x1F810];
	_ =	sdelay $0x3  }
0x1b2: {  	v16 =	vbroadcast v28, $0xB;
	_ =	sdelay $0x1  }
0x1b3: {  	v9 =	vmul.f32 v9, v16;
	v13 =	vld.idx.msk [tilespmem:v13+s16+$0x0], $0xffff;
	v4 =	vadd.f32 v59, v4  }
0x1b4: {  	v8 =	vadd.f32 v14, v8;
	v14 =	vld.idx.msk [tilespmem:v3+s16+$0x0], $0xffff  }
0x1b5: {  	v4 =	vadd.f32 v9, v4;
	v9 =	vld.idx.msk [tilespmem:v0+s16+$0x0], $0xffff  }
0x1b6: {  	v0 =	vld [tilespmem:$0x1F820];
	_ =	sdelay $0x4  }
0x1b7: {  	v17 =	vsub.f32 v21, v13;
	v21 =	vsub.f32 v0, v14;
	v0 =	vld [tilespmem:$0x1F830];
	_ =	sdelay $0x2  }
0x1b8: {  	v18 =	vbroadcast v5, $0xA;
	_ =	sdelay $0x1  }
0x1b9: {  	v61 =	vmul.f32 v15, v18;
	v15 =	vbroadcast v5, $0xB  }
0x1ba: {  	v56 =	vbroadcast v7, $0xB  }
0x1bb: {  	v1 =	vmul.f32 v1, v15  }
0x1bc: {  	v10 =	vadd.f32 v61, v10;
	v59 =	vmul.f32 v12, v56;
	v12 =	vbroadcast v7, $0xC;
	v3 =	vld.idx.msk [tilespmem:v0+s16+$0x0], $0xffff  }
0x1bd: {  	v51 =	vbroadcast v5, $0xC;
	v0 =	vld [tilespmem:$0x1F840]  }
0x1be: {  	v1 =	vadd.f32 v1, v10;
	v8 =	vadd.f32 v59, v8;
	v10 =	vmul.f32 v17, v12;
	_ =	sdelay $0x1  }
0x1bf: {  	v8 =	vadd.f32 v10, v8;
	v10 =	vmul.f32 v13, v51  }
0x1c0: {  	v28 =	vbroadcast v28, $0xC  }
0x1c1: {  	v1 =	vadd.f32 v10, v1;
	v10 =	vsub.f32 v0, v9;
	v0 =	vld [tilespmem:$0x1F850]  }
0x1c2: {  	v11 =	vmul.f32 v11, v28;
	_ =	sdelay $0x1  }
0x1c3: {  	v4 =	vadd.f32 v11, v4  }
0x1c4: {  	v61 =	vmul.f32 v17, v17  }
0x1c5: {  	v4 =	vadd.f32 v0, v4;
	v0 =	vld [tilespmem:$0x1F860]  }
0x1c6: {  	v2 =	vadd.f32 v61, v2;
	v13 =	vbroadcast v7, $0xD;
	v11 =	vmul.f32 v21, v21;
	_ =	sdelay $0x1  }
0x1c7: {  	v17 =	vmul.f32 v21, v13;
	v2 =	vadd.f32 v11, v2;
	v11 =	vbroadcast v7, $0xE  }
0x1c8: {  	v59 =	vbroadcast v5, $0xD  }
0x1c9: {  	v8 =	vadd.f32 v17, v8;
	v21 =	vmul.f32 v10, v11;
	v17 =	vsub.f32 v0, v3;
	v0 =	vld [tilespmem:$0x1FEB0]  }
0x1ca: {  	v20 =	vld.idx.msk [tilespmem:v20+s16+$0x0], $0xffff;
	v61 =	vmul.f32 v10, v10;
	v10 =	vbroadcast v5, $0xE  }
0x1cb: {  	v8 =	vadd.f32 v21, v8;
	v21 =	vbroadcast v7, $0xF;
	v7 =	vbroadcast v5, $0xF;
	v5 =	vld [tilespmem:$0x1F870]  }
0x1cc: {  	v14 =	vmul.f32 v14, v59  }
0x1cd: {  	v2 =	vadd.f32 v61, v2;
	v61 =	vmul.f32 v17, v17  }
0x1ce: {  	v25 =	vld.idx.msk [tilespmem:v25+s16+$0x0], $0xffff;
	v1 =	vadd.f32 v14, v1;
	v9 =	vmul.f32 v9, v10;
	v0 =	vor.u32 s6, v0  }
0x1cf: {  	v14 =	vsub.f32 v19, v20;
	v2 =	vadd.f32 v61, v2  }
0x1d0: {  	v1 =	vadd.f32 v9, v1;
	v20 =	vmul.f32 v20, v5;
	v5 =	vld [tilespmem:$0x1F880];
	v9 =	vmul.f32 v17, v21  }
0x1d1: {  	v61 =	vld [tilespmem:$0x1F8A0];
	[tilespmem:$0x1F890] =	vst v2  }
0x1d2: {  	v8 =	vadd.f32 v9, v8;
	v2 =	vmul.f32 v3, v7;
	v3 =	vld.idx.msk [tilespmem:v37+s16+$0x0], $0xffff  }
0x1d3: {  	v17 =	vsub.f32 v27, v25;
	v27 =	vld.idx.msk [tilespmem:v0+s7+$0x0], $0xffff  }
0x1d4: {  	[tilespmem:$0x1F8B0] =	vst v8;
	v8 =	vld [tilespmem:$0x1F8C0];
	_ =	sdelay $0x1  }
0x1d5: {  	v37 =	vmul.f32 v14, v14;
	v14 =	vmul.f32 v14, v61;
	v61 =	vld [tilespmem:$0x1F900]  }
0x1d6: {  	v4 =	vadd.f32 v5, v4;
	v1 =	vadd.f32 v2, v1;
	v2 =	vld [tilespmem:$0x1F8F0]  }
0x1d7: {  	v6 =	vadd.f32 v6, v45  }
0x1d8: {  	v5 =	vld [tilespmem:$0x1FE40];
	v4 =	vadd.f32 v8, v4  }
0x1d9: {  	v6 =	vadd.f32 v29, v6;
	v29 =	vld [tilespmem:$0x1F930]  }
0x1da: {  	v25 =	vmul.f32 v25, v61;
	v61 =	vld [tilespmem:$0x1F920];
	[tilespmem:$0x1F8D0] =	vst v4  }
0x1db: {  	v9 =	vadd.f32 v14, v45;
	v2 =	vmul.f32 v17, v2;
	v4 =	vld.idx.msk [tilespmem:v0+s17+$0x0], $0xffff  }
0x1dc: {  	v6 =	vadd.f32 v34, v6;
	v34 =	vld [tilespmem:$0x1F940]  }
0x1dd: {  	v19 =	vor.u32 s6, v5;
	v2 =	vadd.f32 v2, v9;
	v9 =	vld [tilespmem:$0x1F910]  }
0x1de: {  	v14 =	vadd.f32 v20, v45;
	[tilespmem:$0x1F8E0] =	vst v1;
	v1 =	vadd.f32 v37, v45;
	v45 =	vld [tilespmem:$0x1FF00]  }
0x1df: {  	v0 =	vld.idx.msk [tilespmem:v0+s16+$0x0], $0xffff  }
0x1e0: {  	v4 =	vadd.f32 v4, v27;
	v27 =	vmul.f32 v27, v61;
	v61 =	vld [tilespmem:$0x1F960]  }
0x1e1: {  	v8 =	vmul.f32 v17, v17;
	v17 =	vld.idx.msk [tilespmem:v38+s16+$0x0], $0xffff  }
0x1e2: {  	v20 =	vsub.f32 v32, v3;
	v37 =	vld.idx.msk [tilespmem:v19+s17+$0x0], $0xffff  }
0x1e3: {  	v38 =	vld [tilespmem:$0x1F950];
	v32 =	vor.u32 s6, v45  }
0x1e4: {  	v1 =	vadd.f32 v8, v1;
	v8 =	vld.idx.msk [tilespmem:v19+s7+$0x0], $0xffff;
	v9 =	vmul.f32 v20, v9  }
0x1e5: {  	v20 =	vmul.f32 v20, v20;
	v4 =	vsub.f32 v4, v0;
	v0 =	vmul.f32 v0, v61;
	v61 =	vld [tilespmem:$0x1F970]  }
0x1e6: {  	v45 =	vld [tilespmem:$0x1FF20]  }
0x1e7: {  	v3 =	vmul.f32 v3, v29;
	v14 =	vadd.f32 v25, v14;
	v19 =	vld.idx.msk [tilespmem:v19+s16+$0x0], $0xffff;
	v1 =	vadd.f32 v20, v1  }
0x1e8: {  	v2 =	vadd.f32 v9, v2;
	v20 =	vsub.f32 v34, v17;
	v29 =	vmul.f32 v4, v38;
	v9 =	vld.idx.msk [tilespmem:v32+s7+$0x0], $0xffff  }
0x1e9: {  	v3 =	vadd.f32 v3, v14;
	v4 =	vmul.f32 v4, v4;
	v34 =	vld.idx.msk [tilespmem:v32+s17+$0x0], $0xffff  }
0x1ea: {  	v2 =	vadd.f32 v29, v2;
	v29 =	vmul.f32 v20, v20;
	v20 =	vmul.f32 v20, v61;
	v61 =	vld [tilespmem:$0x1F980]  }
0x1eb: {  	v14 =	vadd.f32 v37, v8;
	v38 =	vld [tilespmem:$0x1F990];
	v25 =	vor.u32 s6, v45;
	v1 =	vadd.f32 v4, v1  }
0x1ec: {  	v32 =	vld.idx.msk [tilespmem:v32+s16+$0x0], $0xffff  }
0x1ed: {  	v14 =	vsub.f32 v14, v19;
	v1 =	vadd.f32 v29, v1;
	v29 =	vld [tilespmem:$0x1F9F0]  }
0x1ee: {  	v0 =	vadd.f32 v0, v3;
	v3 =	vadd.f32 v34, v9;
	v34 =	vld [tilespmem:$0x1F9B0]  }
0x1ef: {  	v17 =	vmul.f32 v17, v61;
	v61 =	vld [tilespmem:$0x1F9A0]  }
0x1f0: {  	v37 =	vmul.f32 v14, v14;
	v4 =	vld.idx.msk [tilespmem:v25+s7+$0x0], $0xffff  }
0x1f1: {  	v6 =	vadd.f32 v27, v6;
	v27 =	vld.idx.msk [tilespmem:v25+s17+$0x0], $0xffff  }
0x1f2: {  	v14 =	vmul.f32 v14, v38;
	v1 =	vadd.f32 v37, v1;
	v37 =	vld [tilespmem:$0x1F9C0];
	v2 =	vadd.f32 v20, v2  }
0x1f3: {  	v20 =	vld.idx.msk [tilespmem:v25+s16+$0x0], $0xffff  }
0x1f4: {  	v2 =	vadd.f32 v14, v2;
	v14 =	vld.idx.msk [tilespmem:v39+s16+$0x0], $0xffff;
	v8 =	vmul.f32 v8, v34;
	v6 =	vadd.f32 v61, v6  }
0x1f5: {  	v39 =	vld [tilespmem:$0x1F9E0]  }
0x1f6: {  	v6 =	vadd.f32 v8, v6;
	v8 =	vld [tilespmem:$0x1F9D0]  }
0x1f7: {  	v25 =	vmul.f32 v32, v29;
	v29 =	vld [tilespmem:$0x1FAF0]  }
0x1f8: {  	v3 =	vsub.f32 v3, v32;
	v32 =	vld [tilespmem:$0x1FB00]  }
0x1f9: {  	v38 =	vadd.f32 v27, v4;
	v34 =	vld [tilespmem:$0x1FA20]  }
0x1fa: {  	v27 =	vld [tilespmem:$0x1FAE0];
	v0 =	vadd.f32 v17, v0;
	v17 =	vmul.f32 v19, v37;
	v9 =	vmul.f32 v9, v39  }
0x1fb: {  	v37 =	vld [tilespmem:$0x1FA30];
	v8 =	vmul.f32 v3, v8;
	v3 =	vmul.f32 v3, v3  }
0x1fc: {  	v19 =	vsub.f32 v38, v20;
	v38 =	vld [tilespmem:$0x1FA60]  }
0x1fd: {  	v1 =	vadd.f32 v3, v1;
	v3 =	vadd.f32 v9, v6;
	v6 =	vld [tilespmem:$0x1FA00]  }
0x1fe: {  	v39 =	vld [tilespmem:$0x1FA70]  }
0x1ff: {  	v61 =	vld.idx.msk [tilespmem:v41+s16+$0x0], $0xffff  }
0x200: {  	v0 =	vadd.f32 v17, v0;
	v9 =	vld [tilespmem:$0x1FA10]  }
0x201: {  	v41 =	vld [tilespmem:$0x1FA80];
	v2 =	vadd.f32 v8, v2;
	v8 =	vmul.f32 v19, v19  }
0x202: {  	v0 =	vadd.f32 v25, v0;
	v25 =	vld [tilespmem:$0x1FAD0];
	v6 =	vmul.f32 v19, v6  }
0x203: {  	v1 =	vadd.f32 v8, v1;
	v8 =	vld [tilespmem:$0x1FA50]  }
0x204: {  	v2 =	vadd.f32 v6, v2;
	v6 =	vld [tilespmem:$0x1FA40]  }
0x205: {  	v4 =	vmul.f32 v4, v9;
	v9 =	vld.idx.msk [tilespmem:v42+s16+$0x0], $0xffff  }
0x206: {  	v19 =	vsub.f32 v34, v14;
	v42 =	vld [tilespmem:$0x1FA90]  }
0x207: {  	v34 =	vld [tilespmem:$0x1FB10]  }
0x208: {  	v14 =	vmul.f32 v14, v38;
	v38 =	vld [tilespmem:$0x1FB20];
	v8 =	vmul.f32 v19, v8  }
0x209: {  	v3 =	vadd.f32 v4, v3;
	v4 =	vld.idx.msk [tilespmem:v48+s16+$0x0], $0xffff;
	v6 =	vsub.f32 v6, v61  }
0x20a: {  	v20 =	vmul.f32 v20, v37;
	v19 =	vmul.f32 v19, v19;
	v48 =	vld [tilespmem:$0x1FAA0];
	v2 =	vadd.f32 v8, v2  }
0x20b: {  	v3 =	vadd.f32 v41, v3;
	v41 =	vld [tilespmem:$0x1FB40];
	v8 =	vmul.f32 v6, v6;
	v6 =	vmul.f32 v6, v39  }
0x20c: {  	v1 =	vadd.f32 v19, v1;
	v19 =	vsub.f32 v42, v9;
	v42 =	vld [tilespmem:$0x1FB50]  }
0x20d: {  	v0 =	vadd.f32 v20, v0;
	v2 =	vadd.f32 v6, v2;
	v6 =	vld [tilespmem:$0x1FAC0]  }
0x20e: {  	v1 =	vadd.f32 v8, v1;
	v8 =	vld [tilespmem:$0x1FAB0]  }
0x20f: {  	v0 =	vadd.f32 v14, v0;
	v14 =	vld.idx.msk [tilespmem:v34+s16+$0x0], $0xffff  }
0x210: {  	v17 =	vmul.f32 v61, v48;
	v34 =	vld [tilespmem:$0x1FB80]  }
0x211: {  	v61 =	vmul.f32 v19, v19;
	v20 =	vsub.f32 v29, v4;
	v39 =	vld [tilespmem:$0x1FB30]  }
0x212: {  	v45 =	vmovc v44;
	v0 =	vadd.f32 v17, v0;
	v17 =	vor.u32 s8, v44;
	v44 =	vld [tilespmem:$0x1FB60];
	v6 =	vor.u32 s6, v6  }
0x213: {  	v37 =	vmul.f32 v20, v20;
	v20 =	vmul.f32 v20, v38;
	v38 =	vld [tilespmem:$0x1FBB0]  }
0x214: {  	v19 =	vmul.f32 v19, v25;
	v25 =	vld.idx.msk [tilespmem:v41+s16+$0x0], $0xffff  }
0x215: {  	v9 =	vmul.f32 v9, v32;
	v1 =	vadd.f32 v61, v1;
	v61 =	vld [tilespmem:$0x1FB70]  }
0x216: {  	v2 =	vadd.f32 v19, v2;
	v8 =	vld.idx.msk [tilespmem:v8+s16+$0x0], $0xffff  }
0x217: {  	v0 =	vadd.f32 v9, v0;
	v4 =	vmul.f32 v4, v44;
	v9 =	vld.idx.msk [tilespmem:v6+s7+$0x0], $0xffff  }
0x218: {  	v2 =	vadd.f32 v20, v2;
	v20 =	vld.idx.msk [tilespmem:v6+s17+$0x0], $0xffff  }
0x219: {  	v3 =	vadd.f32 v27, v3;
	v0 =	vadd.f32 v4, v0;
	v4 =	vld.idx.msk [tilespmem:v6+s16+$0x0], $0xffff  }
0x21a: {  	v6 =	vld [tilespmem:$0x1FB90]  }
0x21b: {  	v3 =	vadd.f32 v39, v3;
	v39 =	vld [tilespmem:$0x1FBC0]  }
0x21c: {  	v27 =	vsub.f32 v42, v8;
	v42 =	vld [tilespmem:$0x1FBD0]  }
0x21d: {  	v1 =	vadd.f32 v37, v1;
	v37 =	vld [tilespmem:$0x1FBA0]  }
0x21e: {  	v48 =	vmul.f32 v27, v27;
	v27 =	vmul.f32 v27, v61;
	v61 =	vld [tilespmem:$0x1FBF0]  }
0x21f: {  	v6 =	vsub.f32 v6, v14  }
0x220: {  	v29 =	vor.u32 s8, v43;
	v19 =	vor.u32 s8, v31;
	v32 =	vld.idx.msk [tilespmem:v17+s16+$0x0], $0xffff;
	v3 =	vadd.f32 v34, v3  }
0x221: {  	v44 =	vld [tilespmem:$0x1FBE0];
	v41 =	vsub.f32 v39, v25;
	v2 =	vadd.f32 v27, v2;
	v43 =	vmul.f32 v6, v42  }
0x222: {  	v3 =	vadd.f32 v38, v3;
	v38 =	vld [tilespmem:$0x1FC00]  }
0x223: {  	v8 =	vmul.f32 v8, v37;
	v27 =	vld.idx.msk [tilespmem:v17+s7+$0x0], $0xffff;
	v2 =	vadd.f32 v43, v2;
	v34 =	vmul.f32 v41, v61  }
0x224: {  	v17 =	vld.idx.msk [tilespmem:v17+s17+$0x0], $0xffff  }
0x225: {  	v0 =	vadd.f32 v8, v0;
	v2 =	vadd.f32 v34, v2;
	v34 =	vor.u32 s8, v5;
	v5 =	vld [tilespmem:$0x1FC70]  }
0x226: {  	v8 =	vadd.f32 v20, v9;
	v20 =	vld.idx.msk [tilespmem:v19+s7+$0x0], $0xffff;
	v1 =	vadd.f32 v48, v1;
	v6 =	vmul.f32 v6, v6  }
0x227: {  	v14 =	vmul.f32 v14, v44;
	v44 =	vld [tilespmem:$0x1FC30]  }
0x228: {  	v1 =	vadd.f32 v6, v1;
	v6 =	vld.idx.msk [tilespmem:v19+s17+$0x0], $0xffff  }
0x229: {  	v3 =	vadd.f32 v38, v3;
	v38 =	vld.idx.msk [tilespmem:v29+s7+$0x0], $0xffff;
	v48 =	vmul.f32 v41, v41  }
0x22a: {  	v8 =	vsub.f32 v8, v4;
	v17 =	vadd.f32 v17, v27;
	v27 =	vmul.f32 v27, v5;
	v5 =	vld [tilespmem:$0x1FC90]  }
0x22b: {  	v41 =	vld.idx.msk [tilespmem:v29+s17+$0x0], $0xffff  }
0x22c: {  	v43 =	vmul.f32 v8, v8;
	v1 =	vadd.f32 v48, v1;
	v48 =	vld.idx.msk [tilespmem:v29+s16+$0x0], $0xffff  }
0x22d: {  	v8 =	vmul.f32 v8, v44;
	v6 =	vadd.f32 v6, v20;
	v20 =	vmul.f32 v20, v33;
	v33 =	vld [tilespmem:$0x1FC60]  }
0x22e: {  	v39 =	vld [tilespmem:$0x1FC10]  }
0x22f: {  	v0 =	vadd.f32 v14, v0;
	v2 =	vadd.f32 v8, v2;
	v37 =	vmul.f32 v32, v5;
	v5 =	vld [tilespmem:$0x1FCA0]  }
0x230: {  	v8 =	vsub.f32 v17, v32;
	v14 =	vadd.f32 v41, v38  }
0x231: {  	v31 =	vld [tilespmem:$0x1FC50];
	v1 =	vadd.f32 v43, v1  }
0x232: {  	v14 =	vsub.f32 v14, v48;
	v17 =	vmul.f32 v8, v33;
	v8 =	vmul.f32 v8, v8;
	_ =	sdelay $0x1  }
0x233: {  	v25 =	vmul.f32 v25, v39;
	v1 =	vadd.f32 v8, v1;
	v8 =	vmul.f32 v14, v5;
	v5 =	vld [tilespmem:$0x1FCB0];
	_ =	sdelay $0x1  }
0x234: {  	v4 =	vmul.f32 v4, v31;
	v0 =	vadd.f32 v25, v0;
	_ =	sdelay $0x1  }
0x235: {  	v0 =	vadd.f32 v4, v0;
	v4 =	vld [tilespmem:$0x1FC80]  }
0x236: {  	v38 =	vmul.f32 v38, v5;
	v5 =	vld [tilespmem:$0x1FCC0];
	_ =	sdelay $0x3  }
0x237: {  	v42 =	vld [tilespmem:$0x1FC20]  }
0x238: {  	v61 =	vld [tilespmem:$0x1FC40];
	_ =	sdelay $0x1  }
0x239: {  	v4 =	vld.idx.msk [tilespmem:v4+s16+$0x0], $0xffff  }
0x23a: {  	v39 =	vld.idx.msk [tilespmem:v5+s16+$0x0], $0xffff  }
0x23b: {  	v5 =	vld [tilespmem:$0x1FCD0]  }
0x23c: {  	v3 =	vadd.f32 v42, v3;
	v9 =	vmul.f32 v9, v61;
	_ =	sdelay $0x1  }
0x23d: {  	v3 =	vadd.f32 v9, v3;
	v9 =	vld.idx.msk [tilespmem:v19+s16+$0x0], $0xffff;
	_ =	sdelay $0x1  }
0x23e: {  	v41 =	vsub.f32 v5, v4;
	v5 =	vld [tilespmem:$0x1FCE0]  }
0x23f: {  	v25 =	vmul.f32 v48, v58;
	v0 =	vadd.f32 v37, v0;
	_ =	sdelay $0x1  }
0x240: {  	v6 =	vsub.f32 v6, v9;
	v9 =	vmul.f32 v9, v60;
	v0 =	vadd.f32 v25, v0;
	_ =	sdelay $0x1  }
0x241: {  	v0 =	vadd.f32 v9, v0;
	v9 =	vsub.f32 v5, v39;
	v5 =	vld [tilespmem:$0x1FF40];
	_ =	sdelay $0x4  }
0x242: {  	v48 =	vor.u32 s8, v5;
	v5 =	vld [tilespmem:$0x1FCF0];
	_ =	sdelay $0x7  }
0x243: {  	v3 =	vadd.f32 v27, v3;
	v4 =	vmul.f32 v4, v55;
	v55 =	vld.idx.msk [tilespmem:v5+s16+$0x0], $0xffff  }
0x244: {  	v5 =	vld [tilespmem:$0x1FD00]  }
0x245: {  	v3 =	vadd.f32 v38, v3  }
0x246: {  	v14 =	vmul.f32 v14, v14  }
0x247: {  	v3 =	vadd.f32 v20, v3  }
0x248: {  	v42 =	vmul.f32 v6, v63;
	v6 =	vmul.f32 v6, v6;
	v1 =	vadd.f32 v14, v1  }
0x249: {  	v3 =	vadd.f32 v5, v3;
	v5 =	vld [tilespmem:$0x1FE60]  }
0x24a: {  	v1 =	vadd.f32 v6, v1;
	v44 =	vmul.f32 v41, v41;
	_ =	sdelay $0x1  }
0x24b: {  	v1 =	vadd.f32 v44, v1;
	v58 =	vmul.f32 v9, v54;
	v9 =	vmul.f32 v9, v9;
	_ =	sdelay $0x1  }
0x24c: {  	v1 =	vadd.f32 v9, v1;
	v9 =	vor.u32 s8, v5;
	v5 =	vld [tilespmem:$0x1FD10];
	_ =	sdelay $0x7  }
0x24d: {  	v61 =	vld.idx.msk [tilespmem:v5+s16+$0x0], $0xffff  }
0x24e: {  	v5 =	vld [tilespmem:$0x1FD20];
	_ =	sdelay $0x3  }
0x24f: {  	v43 =	vld.idx.msk [tilespmem:v34+s17+$0x0], $0xffff;
	v2 =	vadd.f32 v17, v2  }
0x250: {  	v3 =	vadd.f32 v5, v3;
	v5 =	vld [tilespmem:$0x1FD30]  }
0x251: {  	v2 =	vadd.f32 v8, v2;
	v8 =	vld.idx.msk [tilespmem:v34+s7+$0x0], $0xffff;
	_ =	sdelay $0x1  }
0x252: {  	v6 =	vld.idx.msk [tilespmem:v34+s16+$0x0], $0xffff;
	_ =	sdelay $0x1  }
0x253: {  	v60 =	vmul.f32 v39, v46;
	v34 =	vsub.f32 v5, v55;
	v5 =	vld [tilespmem:$0x1FE70]  }
0x254: {  	v14 =	vmul.f32 v41, v57;
	v57 =	vadd.f32 v43, v8;
	v0 =	vadd.f32 v4, v0;
	_ =	sdelay $0x1  }
0x255: {  	v4 =	vsub.f32 v57, v6;
	v0 =	vadd.f32 v60, v0;
	v6 =	vmul.f32 v6, v47;
	_ =	sdelay $0x1  }
0x256: {  	v0 =	vadd.f32 v6, v0;
	v6 =	vor.u32 s8, v5;
	v5 =	vld [tilespmem:$0x1FD40];
	_ =	sdelay $0x7  }
0x257: {  	v38 =	vld.idx.msk [tilespmem:v5+s16+$0x0], $0xffff  }
0x258: {  	v5 =	vld [tilespmem:$0x1FD50];
	_ =	sdelay $0x4  }
0x259: {  	v39 =	vsub.f32 v5, v61;
	v5 =	vld [tilespmem:$0x1FD60]  }
0x25a: {  	v8 =	vmul.f32 v8, v62;
	_ =	sdelay $0x1  }
0x25b: {  	v3 =	vadd.f32 v8, v3;
	_ =	sdelay $0x1  }
0x25c: {  	v3 =	vadd.f32 v5, v3;
	v5 =	vld [tilespmem:$0x1FE90];
	_ =	sdelay $0x4  }
0x25d: {  	v43 =	vor.u32 s8, v5;
	v5 =	vld [tilespmem:$0x1FD70];
	_ =	sdelay $0x3  }
0x25e: {  	v2 =	vadd.f32 v42, v2  }
0x25f: {  	v3 =	vadd.f32 v5, v3;
	v5 =	vld [tilespmem:$0x1FD80]  }
0x260: {  	v2 =	vadd.f32 v14, v2;
	v63 =	vld.idx.msk [tilespmem:v48+s7+$0x0], $0xffff  }
0x261: {  	v32 =	vmul.f32 v4, v52;
	v4 =	vmul.f32 v4, v4  }
0x262: {  	v2 =	vadd.f32 v58, v2;
	v33 =	vld.idx.msk [tilespmem:v48+s17+$0x0], $0xffff  }
0x263: {  	v1 =	vadd.f32 v4, v1;
	v4 =	vld.idx.msk [tilespmem:v48+s16+$0x0], $0xffff  }
0x264: {  	v2 =	vadd.f32 v32, v2;
	v8 =	vmul.f32 v34, v49;
	v48 =	vsub.f32 v5, v38;
	v5 =	vld [tilespmem:$0x1FD90]  }
0x265: {  	v20 =	vmul.f32 v63, v23;
	v41 =	vld.idx.msk [tilespmem:v9+s7+$0x0], $0xffff  }
0x266: {  	v2 =	vadd.f32 v8, v2;
	v8 =	vld.idx.msk [tilespmem:v9+s17+$0x0], $0xffff  }
0x267: {  	v25 =	vadd.f32 v33, v63;
	v3 =	vadd.f32 v20, v3  }
0x268: {  	v9 =	vld.idx.msk [tilespmem:v9+s16+$0x0], $0xffff  }
0x269: {  	v44 =	vsub.f32 v25, v4;
	v42 =	vmul.f32 v39, v53;
	v3 =	vadd.f32 v5, v3;
	v5 =	vld [tilespmem:$0x1FDA0];
	_ =	sdelay $0x1  }
0x26a: {  	v49 =	vmul.f32 v44, v36;
	v8 =	vadd.f32 v8, v41;
	v2 =	vadd.f32 v42, v2;
	_ =	sdelay $0x1  }
0x26b: {  	v8 =	vsub.f32 v8, v9;
	v2 =	vadd.f32 v49, v2;
	v26 =	vmul.f32 v48, v26  }
0x26c: {  	v14 =	vmul.f32 v55, v40  }
0x26d: {  	v55 =	vmul.f32 v8, v8;
	v8 =	vmul.f32 v8, v30;
	v2 =	vadd.f32 v26, v2;
	_ =	sdelay $0x1  }
0x26e: {  	v2 =	vadd.f32 v8, v2;
	v8 =	vld.idx.msk [tilespmem:v5+s16+$0x0], $0xffff  }
0x26f: {  	v0 =	vadd.f32 v14, v0;
	v19 =	vmul.f32 v61, v50;
	v5 =	vld [tilespmem:$0x1FDB0];
	_ =	sdelay $0x1  }
0x270: {  	v4 =	vmul.f32 v4, v35;
	v0 =	vadd.f32 v19, v0;
	_ =	sdelay $0x1  }
0x271: {  	v0 =	vadd.f32 v4, v0;
	v46 =	vld.idx.msk [tilespmem:v6+s7+$0x0], $0xffff;
	v24 =	vmul.f32 v38, v24  }
0x272: {  	v47 =	vld.idx.msk [tilespmem:v6+s17+$0x0], $0xffff  }
0x273: {  	v9 =	vmul.f32 v9, v18;
	v0 =	vadd.f32 v24, v0  }
0x274: {  	v6 =	vld.idx.msk [tilespmem:v6+s16+$0x0], $0xffff  }
0x275: {  	v0 =	vadd.f32 v9, v0;
	v9 =	vld.idx.msk [tilespmem:v5+s16+$0x0], $0xffff  }
0x276: {  	v5 =	vld [tilespmem:$0x1FDC0]  }
0x277: {  	v54 =	vadd.f32 v47, v46;
	_ =	sdelay $0x1  }
0x278: {  	v14 =	vsub.f32 v54, v6;
	v6 =	vmul.f32 v6, v15  }
0x279: {  	v37 =	vmul.f32 v34, v34  }
0x27a: {  	v0 =	vadd.f32 v6, v0;
	v6 =	vsub.f32 v5, v8;
	v5 =	vld [tilespmem:$0x1FDD0]  }
0x27b: {  	v1 =	vadd.f32 v37, v1;
	v29 =	vmul.f32 v39, v39;
	v50 =	vld.idx.msk [tilespmem:v43+s7+$0x0], $0xffff  }
0x27c: {  	v53 =	vld.idx.msk [tilespmem:v43+s17+$0x0], $0xffff  }
0x27d: {  	v23 =	vmul.f32 v44, v44;
	v1 =	vadd.f32 v29, v1  }
0x27e: {  	v4 =	vld.idx.msk [tilespmem:v43+s16+$0x0], $0xffff  }
0x27f: {  	v1 =	vadd.f32 v23, v1;
	v52 =	vmul.f32 v48, v48;
	_ =	sdelay $0x1  }
0x280: {  	v57 =	vadd.f32 v53, v50;
	v1 =	vadd.f32 v52, v1  }
0x281: {  	v58 =	vmul.f32 v14, v56;
	v62 =	vld.idx.msk [tilespmem:v5+s16+$0x0], $0xffff  }
0x282: {  	v14 =	vmul.f32 v14, v14;
	v18 =	vsub.f32 v57, v4;
	v1 =	vadd.f32 v55, v1;
	v5 =	vld [tilespmem:$0x1FDE0];
	_ =	sdelay $0x1  }
0x283: {  	v60 =	vmul.f32 v18, v18;
	v1 =	vadd.f32 v14, v1;
	_ =	sdelay $0x1  }
0x284: {  	v4 =	vmul.f32 v4, v51;
	v1 =	vadd.f32 v60, v1  }
0x285: {  	v13 =	vmul.f32 v6, v13;
	v6 =	vmul.f32 v6, v6;
	v63 =	vsub.f32 v5, v9  }
0x286: {  	v17 =	vmul.f32 v41, v22;
	v16 =	vmul.f32 v46, v16;
	v0 =	vadd.f32 v4, v0  }
0x287: {  	v8 =	vmul.f32 v8, v59;
	v1 =	vadd.f32 v6, v1;
	v4 =	vmul.f32 v63, v63  }
0x288: {  	v12 =	vmul.f32 v18, v12;
	v3 =	vadd.f32 v17, v3;
	v2 =	vadd.f32 v58, v2;
	v5 =	vld [tilespmem:$0x1FDF0]  }
0x289: {  	v6 =	vmul.f32 v63, v11;
	v11 =	vadd.f32 v8, v0;
	v0 =	vadd.f32 v4, v1;
	v1 =	vld [tilespmem:$0x1FE00]  }
0x28a: {  	v61 =	vmul.f32 v50, v28;
	v3 =	vadd.f32 v16, v3  }
0x28b: {  	v2 =	vadd.f32 v12, v2;
	v4 =	vld [tilespmem:$0x1FE10]  }
0x28c: {  	v3 =	vadd.f32 v61, v3  }
0x28d: {  	v2 =	vadd.f32 v13, v2  }
0x28e: {  	v3 =	vadd.f32 v5, v3;
	v1 =	vsub.f32 v1, v62  }
0x28f: {  	v9 =	vmul.f32 v9, v10;
	v2 =	vadd.f32 v6, v2  }
0x290: {  	v6 =	vadd.f32 v4, v3;
	v4 =	vmul.f32 v1, v21;
	v1 =	vmul.f32 v1, v1  }
0x291: {  	s5 =	simm.s32 $0x18030;
	s4 =	simm.s32 $0x0;
	v8 =	vmul.f32 v62, v7;
	v5 =	vadd.f32 v9, v11  }
.LBB2_4:
0x292: {  	v0 =	vadd.f32 v1, v0;
	_ =	sdelay $0x1  }
0x293: {  	[tilespmem:$0x1F1E0] =	vst v0;
	v0 =	vadd.f32 v4, v2  }
0x294: {  	v15 =	vld [tilespmem:$0x1F760]  }
0x295: {  	[tilespmem:$0x1F1F0] =	vst v0;
	v0 =	vld [tilespmem:$0x1F740];
	_ =	sdelay $0x1  }
0x296: {  	v20 =	vld [tilespmem:$0x1F750]  }
0x297: {  	s8 =	sadd.s32 $0x20, s8  }
0x298: {  	v7 =	vor.u32 s8, v15  }
0x299: {  	v46 =	vld [tilespmem:$0x1FFA0];
	v0 =	vadd.f32 v0, v6  }
0x29a: {  	v16 =	vld [tilespmem:$0x1FAC0]  }
0x29b: {  	[tilespmem:$0x1F200] =	vst v0;
	v0 =	vadd.f32 v8, v5;
	v8 =	vor.u32 s8, v20  }
0x29c: {  	v50 =	vld [tilespmem:$0x1FF90]  }
0x29d: {  	v9 =	vld.idx.msk [tilespmem:v7+s16+$0x0], $0xffff  }
0x29e: {  	v6 =	vor.u32 s8, v46;
	v12 =	vld.idx.msk [tilespmem:v7+s7+$0x0], $0xffff  }
0x29f: {  	v11 =	vor.u32 s8, v16;
	v7 =	vld.idx.msk [tilespmem:v7+s17+$0x0], $0xffff  }
0x2a0: {  	v10 =	vld.idx.msk [tilespmem:v8+s16+$0x0], $0xffff;
	_ =	sdelay $0x1  }
0x2a1: {  	v29 =	vld [tilespmem:$0x1FF80]  }
0x2a2: {  	[tilespmem:$0x1E540] =	vst v9;
	v9 =	vld.idx.msk [tilespmem:v6+s16+$0x0], $0xffff  }
0x2a3: {  	[tilespmem:$0x1DC50] =	vst v7;
	v7 =	vld.idx.msk [tilespmem:v11+s7+$0x0], $0xffff  }
0x2a4: {  	[tilespmem:$0x1E5C0] =	vst v10;
	v10 =	vor.u32 s8, v50;
	_ =	sdelay $0x1  }
0x2a5: {  	v61 =	vld.idx.msk [tilespmem:v6+s7+$0x0], $0xffff  }
0x2a6: {  	v6 =	vld.idx.msk [tilespmem:v6+s17+$0x0], $0xffff;
	[tilespmem:$0x1E560] =	vst v9  }
0x2a7: {  	v9 =	vor.u32 s8, v29;
	[tilespmem:$0x1DC00] =	vst v7;
	v7 =	vld.idx.msk [tilespmem:v11+s17+$0x0], $0xffff  }
0x2a8: {  	[tilespmem:$0x1E4A0] =	vst v11;
	v11 =	vld.idx.msk [tilespmem:v10+s16+$0x0], $0xffff;
	_ =	sdelay $0x1  }
0x2a9: {  	v53 =	vld [tilespmem:$0x1FE80]  }
0x2aa: {  	[tilespmem:$0x1DC90] =	vst v6;
	v6 =	vld.idx.msk [tilespmem:v8+s7+$0x0], $0xffff  }
0x2ab: {  	[tilespmem:$0x1DC70] =	vst v7;
	v7 =	vld.idx.msk [tilespmem:v9+s16+$0x0], $0xffff  }
0x2ac: {  	[tilespmem:$0x1E610] =	vst v11;
	v11 =	vld [tilespmem:$0x1FE90]  }
0x2ad: {  	v62 =	vld.idx.msk [tilespmem:v9+s7+$0x0], $0xffff  }
0x2ae: {  	v9 =	vld.idx.msk [tilespmem:v9+s17+$0x0], $0xffff  }
0x2af: {  	[tilespmem:$0x1DC20] =	vst v6  }
0x2b0: {  	v6 =	vld.idx.msk [tilespmem:v8+s17+$0x0], $0xffff;
	[tilespmem:$0x1E5A0] =	vst v7;
	v7 =	vor.u32 s8, v53  }
0x2b1: {  	v11 =	vor.u32 s8, v11;
	_ =	sdelay $0x1  }
0x2b2: {  	[tilespmem:$0x1DCD0] =	vst v9;
	v9 =	vld.idx.msk [tilespmem:v10+s7+$0x0], $0xffff  }
0x2b3: {  	v60 =	vld [tilespmem:$0x1FF70]  }
0x2b4: {  	[tilespmem:$0x1DCB0] =	vst v6;
	v6 =	vld.idx.msk [tilespmem:v7+s16+$0x0], $0xffff  }
0x2b5: {  	v8 =	vld.idx.msk [tilespmem:v11+s16+$0x0], $0xffff;
	_ =	sdelay $0x1  }
0x2b6: {  	[tilespmem:$0x1DC40] =	vst v9;
	v9 =	vld.idx.msk [tilespmem:v10+s17+$0x0], $0xffff  }
0x2b7: {  	v63 =	vld.idx.msk [tilespmem:v7+s7+$0x0], $0xffff  }
0x2b8: {  	v7 =	vld.idx.msk [tilespmem:v7+s17+$0x0], $0xffff;
	[tilespmem:$0x1E5F0] =	vst v6  }
0x2b9: {  	v6 =	vor.u32 s8, v60;
	[tilespmem:$0x1E670] =	vst v8;
	v8 =	vld [tilespmem:$0x1FE70];
	_ =	sdelay $0x2  }
0x2ba: {  	v57 =	vld [tilespmem:$0x1FE50]  }
0x2bb: {  	[tilespmem:$0x1DD10] =	vst v7;
	v7 =	vld.idx.msk [tilespmem:v11+s7+$0x0], $0xffff  }
0x2bc: {  	[tilespmem:$0x1DCF0] =	vst v9;
	v9 =	vld.idx.msk [tilespmem:v6+s16+$0x0], $0xffff;
	v8 =	vor.u32 s8, v8;
	_ =	sdelay $0x1  }
0x2bd: {  	v23 =	vld [tilespmem:$0x1FE60]  }
0x2be: {  	v17 =	vld.idx.msk [tilespmem:v6+s7+$0x0], $0xffff  }
0x2bf: {  	[tilespmem:$0x1DC80] =	vst v7;
	v7 =	vld.idx.msk [tilespmem:v11+s17+$0x0], $0xffff  }
0x2c0: {  	[tilespmem:$0x1E650] =	vst v9;
	v9 =	vor.u32 s8, v57;
	v10 =	vld.idx.msk [tilespmem:v8+s16+$0x0], $0xffff  }
0x2c1: {  	v6 =	vld.idx.msk [tilespmem:v6+s17+$0x0], $0xffff;
	_ =	sdelay $0x2  }
0x2c2: {  	v36 =	vld [tilespmem:$0x1FF50];
	[tilespmem:$0x1DD30] =	vst v7  }
0x2c3: {  	v7 =	vld.idx.msk [tilespmem:v9+s16+$0x0], $0xffff;
	[tilespmem:$0x1E6B0] =	vst v10;
	v10 =	vor.u32 s8, v23  }
0x2c4: {  	[tilespmem:$0x1DD50] =	vst v6;
	v6 =	vld.idx.msk [tilespmem:v8+s7+$0x0], $0xffff;
	_ =	sdelay $0x1  }
0x2c5: {  	v55 =	vld [tilespmem:$0x1FF60]  }
0x2c6: {  	v18 =	vld.idx.msk [tilespmem:v9+s7+$0x0], $0xffff  }
0x2c7: {  	[tilespmem:$0x1E690] =	vst v7;
	v11 =	vld.idx.msk [tilespmem:v10+s16+$0x0], $0xffff  }
0x2c8: {  	v7 =	vor.u32 s8, v36;
	[tilespmem:$0x1DCC0] =	vst v6;
	v6 =	vld.idx.msk [tilespmem:v8+s17+$0x0], $0xffff  }
0x2c9: {  	v9 =	vld.idx.msk [tilespmem:v9+s17+$0x0], $0xffff;
	_ =	sdelay $0x2  }
0x2ca: {  	v48 =	vld [tilespmem:$0x1FF30];
	[tilespmem:$0x1E700] =	vst v11;
	v11 =	vor.u32 s8, v55  }
0x2cb: {  	[tilespmem:$0x1DD70] =	vst v6;
	v6 =	vld.idx.msk [tilespmem:v7+s16+$0x0], $0xffff  }
0x2cc: {  	[tilespmem:$0x1DD90] =	vst v9;
	v9 =	vld.idx.msk [tilespmem:v10+s7+$0x0], $0xffff;
	_ =	sdelay $0x1  }
0x2cd: {  	v52 =	vld [tilespmem:$0x1FF40]  }
0x2ce: {  	v8 =	vld.idx.msk [tilespmem:v11+s16+$0x0], $0xffff  }
0x2cf: {  	v19 =	vld.idx.msk [tilespmem:v7+s7+$0x0], $0xffff;
	[tilespmem:$0x1E6E0] =	vst v6  }
0x2d0: {  	v6 =	vor.u32 s8, v48;
	[tilespmem:$0x1DD00] =	vst v9;
	v9 =	vld.idx.msk [tilespmem:v10+s17+$0x0], $0xffff  }
0x2d1: {  	v7 =	vld.idx.msk [tilespmem:v7+s17+$0x0], $0xffff;
	_ =	sdelay $0x1  }
0x2d2: {  	[tilespmem:$0x1E750] =	vst v8;
	v8 =	vor.u32 s8, v52  }
0x2d3: {  	v27 =	vld [tilespmem:$0x1FF10]  }
0x2d4: {  	[tilespmem:$0x1DDB0] =	vst v9;
	v9 =	vld.idx.msk [tilespmem:v6+s16+$0x0], $0xffff  }
0x2d5: {  	[tilespmem:$0x1DDD0] =	vst v7;
	v7 =	vld.idx.msk [tilespmem:v11+s7+$0x0], $0xffff  }
0x2d6: {  	v54 =	vld [tilespmem:$0x1FF20]  }
0x2d7: {  	v10 =	vld.idx.msk [tilespmem:v8+s16+$0x0], $0xffff;
	_ =	sdelay $0x1  }
0x2d8: {  	v21 =	vld.idx.msk [tilespmem:v6+s7+$0x0], $0xffff;
	[tilespmem:$0x1E730] =	vst v9  }
0x2d9: {  	v9 =	vor.u32 s8, v27;
	[tilespmem:$0x1DD40] =	vst v7;
	v7 =	vld.idx.msk [tilespmem:v11+s17+$0x0], $0xffff  }
0x2da: {  	v6 =	vld.idx.msk [tilespmem:v6+s17+$0x0], $0xffff  }
0x2db: {  	[tilespmem:$0x1E7B0] =	vst v10;
	v10 =	vor.u32 s8, v54  }
0x2dc: {  	v47 =	vld [tilespmem:$0x1FEF0]  }
0x2dd: {  	v49 =	vld [tilespmem:$0x1FF00];
	[tilespmem:$0x1F210] =	vst v0  }
0x2de: {  	[tilespmem:$0x1DDF0] =	vst v7;
	v7 =	vld.idx.msk [tilespmem:v9+s16+$0x0], $0xffff  }
0x2df: {  	[tilespmem:$0x1DE10] =	vst v6;
	v6 =	vld.idx.msk [tilespmem:v8+s7+$0x0], $0xffff  }
0x2e0: {  	[tilespmem:$0x1DBF0] =	vst v12;
	v11 =	vld.idx.msk [tilespmem:v10+s16+$0x0], $0xffff  }
0x2e1: {  	[tilespmem:$0x1DC10] =	vst v61  }
0x2e2: {  	[tilespmem:$0x1DC30] =	vst v62  }
0x2e3: {  	v3 =	vld [tilespmem:s5+$0x0];
	[tilespmem:$0x1E790] =	vst v7  }
0x2e4: {  	v7 =	vor.u32 s8, v47;
	[tilespmem:$0x1DD80] =	vst v6;
	v6 =	vld.idx.msk [tilespmem:v8+s17+$0x0], $0xffff  }
0x2e5: {  	v43 =	vld [tilespmem:$0x1FEE0];
	[tilespmem:$0x1E7F0] =	vst v11;
	v11 =	vor.u32 s8, v49  }
0x2e6: {  	v26 =	vld [tilespmem:$0x1FE40];
	[tilespmem:$0x1DC60] =	vst v63  }
0x2e7: {  	[tilespmem:$0x1DCA0] =	vst v17;
	v22 =	vld.idx.msk [tilespmem:v9+s7+$0x0], $0xffff  }
0x2e8: {  	[tilespmem:$0x1DCE0] =	vst v18;
	v9 =	vld.idx.msk [tilespmem:v9+s17+$0x0], $0xffff  }
0x2e9: {  	[tilespmem:$0x1DE40] =	vst v6;
	v6 =	vld.idx.msk [tilespmem:v7+s16+$0x0], $0xffff  }
0x2ea: {  	[tilespmem:$0x1DD20] =	vst v19;
	v8 =	vld.idx.msk [tilespmem:v11+s16+$0x0], $0xffff  }
0x2eb: {  	s24 =	sadd.s32 $0x20, s24;
	v1 =	vld [tilespmem:s5+$0xFFFFFFF0];
	[tilespmem:$0x1DD60] =	vst v21  }
0x2ec: {  	v4 =	vld [tilespmem:s24+$0x0];
	[tilespmem:$0x1DDA0] =	vst v22  }
0x2ed: {  	s11 =	sadd.s32 $0x20, s11;
	v2 =	vld [tilespmem:s24+$0xFFFFFFF0];
	[tilespmem:$0x1DE60] =	vst v9  }
0x2ee: {  	v5 =	vld [tilespmem:s11+$0x0];
	[tilespmem:$0x1E7D0] =	vst v6  }
0x2ef: {  	v0 =	vld [tilespmem:s11+$0xFFFFFFF0];
	[tilespmem:$0x1E830] =	vst v8  }
0x2f0: {  	v9 =	vld.idx.msk [tilespmem:v10+s7+$0x0], $0xffff;
	_ =	sdelay $0x2  }
0x2f1: {  	v24 =	vld.idx.msk [tilespmem:v7+s7+$0x0], $0xffff  }
0x2f2: {  	v7 =	vld.idx.msk [tilespmem:v7+s17+$0x0], $0xffff  }
0x2f3: {  	v6 =	vor.u32 s8, v43;
	[tilespmem:$0x1DDC0] =	vst v9;
	v9 =	vld.idx.msk [tilespmem:v10+s17+$0x0], $0xffff;
	_ =	sdelay $0x2  }
0x2f4: {  	v8 =	vor.u32 s8, v26;
	v37 =	vld [tilespmem:$0x1FEC0]  }
0x2f5: {  	[tilespmem:$0x1DEC0] =	vst v7;
	v7 =	vld.idx.msk [tilespmem:v11+s7+$0x0], $0xffff  }
0x2f6: {  	[tilespmem:$0x1DE90] =	vst v9;
	v9 =	vld.idx.msk [tilespmem:v6+s16+$0x0], $0xffff  }
0x2f7: {  	v39 =	vld [tilespmem:$0x1FED0]  }
0x2f8: {  	v25 =	vld.idx.msk [tilespmem:v6+s7+$0x0], $0xffff  }
0x2f9: {  	v10 =	vld.idx.msk [tilespmem:v8+s16+$0x0], $0xffff  }
0x2fa: {  	[tilespmem:$0x1DE00] =	vst v7;
	v6 =	vld.idx.msk [tilespmem:v6+s17+$0x0], $0xffff  }
0x2fb: {  	v7 =	vld.idx.msk [tilespmem:v11+s17+$0x0], $0xffff;
	[tilespmem:$0x1DE30] =	vst v9;
	v9 =	vor.u32 s8, v37;
	_ =	sdelay $0x1  }
0x2fc: {  	[tilespmem:$0x1DDE0] =	vst v24  }
0x2fd: {  	v24 =	vld [tilespmem:$0x1FEA0];
	[tilespmem:$0x1E870] =	vst v10  }
0x2fe: {  	v10 =	vor.u32 s8, v39;
	[tilespmem:$0x1DF30] =	vst v6;
	v6 =	vld.idx.msk [tilespmem:v8+s7+$0x0], $0xffff  }
0x2ff: {  	[tilespmem:$0x1DF00] =	vst v7;
	v7 =	vld.idx.msk [tilespmem:v9+s16+$0x0], $0xffff;
	_ =	sdelay $0x2  }
0x300: {  	v42 =	vld [tilespmem:$0x1FEB0]  }
0x301: {  	v11 =	vld.idx.msk [tilespmem:v10+s16+$0x0], $0xffff;
	[tilespmem:$0x1DE50] =	vst v6  }
0x302: {  	v6 =	vld.idx.msk [tilespmem:v8+s17+$0x0], $0xffff;
	[tilespmem:$0x1DE80] =	vst v7;
	v7 =	vor.u32 s8, v24;
	_ =	sdelay $0x3  }
0x303: {  	[tilespmem:$0x1DEB0] =	vst v11  }
0x304: {  	v11 =	vor.u32 s8, v42;
	[tilespmem:$0x1DF80] =	vst v6;
	v6 =	vld.idx.msk [tilespmem:v7+s16+$0x0], $0xffff;
	_ =	sdelay $0x4  }
0x305: {  	[tilespmem:$0x1DEE0] =	vst v6;
	v6 =	vld.idx.msk [tilespmem:v11+s16+$0x0], $0xffff;
	_ =	sdelay $0x4  }
0x306: {  	[tilespmem:$0x1DF20] =	vst v6;
	v6 =	vld.idx.msk [tilespmem:v9+s7+$0x0], $0xffff;
	_ =	sdelay $0x4  }
0x307: {  	[tilespmem:$0x1DE70] =	vst v6;
	v6 =	vld.idx.msk [tilespmem:v9+s17+$0x0], $0xffff;
	_ =	sdelay $0x3  }
0x308: {  	v30 =	vld [tilespmem:$0x1FFF0]  }
0x309: {  	[tilespmem:$0x1DFB0] =	vst v6;
	v6 =	vld.idx.msk [tilespmem:v10+s7+$0x0], $0xffff;
	_ =	sdelay $0x3  }
0x30a: {  	v31 =	vld [tilespmem:$0x1FFC0]  }
0x30b: {  	v8 =	vor.u32 s8, v30;
	[tilespmem:$0x1DEA0] =	vst v6;
	v6 =	vld.idx.msk [tilespmem:v10+s17+$0x0], $0xffff;
	_ =	sdelay $0x4  }
0x30c: {  	v28 =	vor.u32 s8, v31;
	[tilespmem:$0x1E000] =	vst v6;
	v6 =	vld.idx.msk [tilespmem:v8+s16+$0x0], $0xffff;
	_ =	sdelay $0x4  }
0x30d: {  	[tilespmem:$0x1DF60] =	vst v6;
	v6 =	vld.idx.msk [tilespmem:v28+s16+$0x0], $0xffff;
	_ =	sdelay $0x4  }
0x30e: {  	[tilespmem:$0x1DFA0] =	vst v6;
	v6 =	vld.idx.msk [tilespmem:v7+s7+$0x0], $0xffff;
	_ =	sdelay $0x4  }
0x30f: {  	[tilespmem:$0x1DED0] =	vst v6;
	v6 =	vld.idx.msk [tilespmem:v7+s17+$0x0], $0xffff;
	_ =	sdelay $0x4  }
0x310: {  	[tilespmem:$0x1E030] =	vst v6;
	v6 =	vld.idx.msk [tilespmem:v11+s7+$0x0], $0xffff;
	_ =	sdelay $0x1  }
0x311: {  	v21 =	vld [tilespmem:$0x1FFD0];
	_ =	sdelay $0x2  }
0x312: {  	[tilespmem:$0x1DF10] =	vst v6;
	v6 =	vld.idx.msk [tilespmem:v11+s17+$0x0], $0xffff;
	_ =	sdelay $0x1  }
0x313: {  	v63 =	vld [tilespmem:$0x1FFE0];
	v9 =	vor.u32 s8, v21;
	_ =	sdelay $0x2  }
0x314: {  	[tilespmem:$0x1E080] =	vst v6;
	v6 =	vbroadcast v5, $0xF;
	_ =	sdelay $0x1  }
0x315: {  	v10 =	vor.u32 s8, v63;
	[tilespmem:$0x1F190] =	vst v6;
	v6 =	vld.idx.msk [tilespmem:v9+s16+$0x0], $0xffff;
	_ =	sdelay $0x4  }
0x316: {  	[tilespmem:$0x1DFE0] =	vst v6;
	v6 =	vld.idx.msk [tilespmem:v10+s16+$0x0], $0xffff;
	_ =	sdelay $0x4  }
0x317: {  	[tilespmem:$0x1E020] =	vst v6;
	v6 =	vbroadcast v5, $0xE;
	_ =	sdelay $0x1  }
0x318: {  	[tilespmem:$0x1F150] =	vst v6;
	v6 =	vld.idx.msk [tilespmem:v8+s7+$0x0], $0xffff;
	_ =	sdelay $0x4  }
0x319: {  	[tilespmem:$0x1DF40] =	vst v6;
	v6 =	vbroadcast v5, $0xD;
	_ =	sdelay $0x1  }
0x31a: {  	[tilespmem:$0x1F110] =	vst v6;
	v6 =	vld.idx.msk [tilespmem:v8+s17+$0x0], $0xffff;
	_ =	sdelay $0x4  }
0x31b: {  	[tilespmem:$0x1E0B0] =	vst v6;
	v6 =	vld.idx.msk [tilespmem:v28+s7+$0x0], $0xffff;
	_ =	sdelay $0x3  }
0x31c: {  	v19 =	vld [tilespmem:$0x1FFB0]  }
0x31d: {  	[tilespmem:$0x1DF90] =	vst v6;
	v6 =	vbroadcast v5, $0xC;
	_ =	sdelay $0x1  }
0x31e: {  	[tilespmem:$0x1F0D0] =	vst v6;
	v6 =	vld.idx.msk [tilespmem:v28+s17+$0x0], $0xffff;
	_ =	sdelay $0x1  }
0x31f: {  	v11 =	vor.u32 s8, v19;
	_ =	sdelay $0x2  }
0x320: {  	[tilespmem:$0x1E100] =	vst v6;
	v6 =	vbroadcast v5, $0xB;
	_ =	sdelay $0x1  }
0x321: {  	v13 =	vor.u32 s8, v45;
	[tilespmem:$0x1F090] =	vst v6;
	v6 =	vld.idx.msk [tilespmem:v11+s16+$0x0], $0xffff;
	_ =	sdelay $0x4  }
0x322: {  	[tilespmem:$0x1E060] =	vst v6;
	v6 =	vld.idx.msk [tilespmem:v13+s16+$0x0], $0xffff;
	_ =	sdelay $0x4  }
0x323: {  	[tilespmem:$0x1E0A0] =	vst v6;
	v6 =	vbroadcast v5, $0xA;
	_ =	sdelay $0x1  }
0x324: {  	[tilespmem:$0x1F050] =	vst v6;
	v6 =	vld.idx.msk [tilespmem:v9+s7+$0x0], $0xffff;
	_ =	sdelay $0x4  }
0x325: {  	[tilespmem:$0x1DFC0] =	vst v6;
	v6 =	vbroadcast v5, $0x9;
	_ =	sdelay $0x1  }
0x326: {  	[tilespmem:$0x1F010] =	vst v6;
	v6 =	vld.idx.msk [tilespmem:v9+s17+$0x0], $0xffff;
	_ =	sdelay $0x4  }
0x327: {  	[tilespmem:$0x1E130] =	vst v6;
	v6 =	vld.idx.msk [tilespmem:v10+s7+$0x0], $0xffff;
	_ =	sdelay $0x4  }
0x328: {  	[tilespmem:$0x1E010] =	vst v6;
	v6 =	vbroadcast v5, $0x8;
	_ =	sdelay $0x1  }
0x329: {  	[tilespmem:$0x1EFD0] =	vst v6;
	v6 =	vld.idx.msk [tilespmem:v10+s17+$0x0], $0xffff;
	_ =	sdelay $0x4  }
0x32a: {  	[tilespmem:$0x1E180] =	vst v6;
	v6 =	vbroadcast v5, $0x7;
	_ =	sdelay $0x1  }
0x32b: {  	[tilespmem:$0x1EF90] =	vst v6;
	v6 =	vld.idx.msk [tilespmem:v11+s7+$0x0], $0xffff;
	_ =	sdelay $0x4  }
0x32c: {  	[tilespmem:$0x1E040] =	vst v6;
	v6 =	vld.idx.msk [tilespmem:v11+s17+$0x0], $0xffff;
	_ =	sdelay $0x4  }
0x32d: {  	[tilespmem:$0x1E1B0] =	vst v6;
	v6 =	vbroadcast v5, $0x6;
	_ =	sdelay $0x1  }
0x32e: {  	[tilespmem:$0x1EF50] =	vst v6;
	v6 =	vld.idx.msk [tilespmem:v13+s7+$0x0], $0xffff;
	_ =	sdelay $0x4  }
0x32f: {  	[tilespmem:$0x1E090] =	vst v6;
	v6 =	vbroadcast v5, $0x5  }
0x330: {  	s6 =	sadd.s32 $0xFFFFFFF0, s8  }
0x331: {  	v9 =	vor.u32 s6, v15;
	[tilespmem:$0x1EF10] =	vst v6;
	v6 =	vld.idx.msk [tilespmem:v13+s17+$0x0], $0xffff;
	_ =	sdelay $0x4  }
0x332: {  	[tilespmem:$0x1E200] =	vst v6;
	v6 =	vld.idx.msk [tilespmem:v9+s16+$0x0], $0xffff;
	_ =	sdelay $0x1  }
0x333: {  	v10 =	vor.u32 s6, v16;
	_ =	sdelay $0x2  }
0x334: {  	[tilespmem:$0x1E0E0] =	vst v6;
	v6 =	vbroadcast v5, $0x4;
	_ =	sdelay $0x1  }
0x335: {  	[tilespmem:$0x1EED0] =	vst v6;
	v6 =	vld.idx.msk [tilespmem:v10+s16+$0x0], $0xffff;
	_ =	sdelay $0x1  }
0x336: {  	v12 =	vor.u32 s6, v46;
	_ =	sdelay $0x2  }
0x337: {  	[tilespmem:$0x1E120] =	vst v6;
	v6 =	vbroadcast v5, $0x3;
	_ =	sdelay $0x1  }
0x338: {  	[tilespmem:$0x1EEA0] =	vst v6;
	v6 =	vld.idx.msk [tilespmem:v12+s16+$0x0], $0xffff;
	_ =	sdelay $0x1  }
0x339: {  	v11 =	vor.u32 s6, v20;
	_ =	sdelay $0x2  }
0x33a: {  	[tilespmem:$0x1E160] =	vst v6;
	v6 =	vbroadcast v4, $0x3;
	_ =	sdelay $0x1  }
0x33b: {  	[tilespmem:$0x1DEF0] =	vst v6;
	v6 =	vld.idx.msk [tilespmem:v11+s16+$0x0], $0xffff;
	_ =	sdelay $0x4  }
0x33c: {  	[tilespmem:$0x1E1A0] =	vst v6;
	v6 =	vbroadcast v5, $0x2;
	_ =	sdelay $0x1  }
0x33d: {  	[tilespmem:$0x1EE70] =	vst v6;
	v6 =	vbroadcast v3, $0x2;
	_ =	sdelay $0x1  }
0x33e: {  	[tilespmem:$0x1DF50] =	vst v6;
	v6 =	vld.idx.msk [tilespmem:v9+s7+$0x0], $0xffff;
	_ =	sdelay $0x4  }
0x33f: {  	[tilespmem:$0x1E0C0] =	vst v6;
	v6 =	vbroadcast v5, $0x1;
	_ =	sdelay $0x1  }
0x340: {  	v59 =	vbroadcast v3, $0xF;
	[tilespmem:$0x1EE40] =	vst v6;
	v6 =	vbroadcast v4, $0x2  }
0x341: {  	v40 =	vbroadcast v3, $0xE;
	v45 =	vbroadcast v3, $0xB  }
0x342: {  	v32 =	vbroadcast v3, $0xA;
	v33 =	vbroadcast v3, $0x9;
	[tilespmem:$0x1DF70] =	vst v6;
	v6 =	vld.idx.msk [tilespmem:v9+s17+$0x0], $0xffff  }
0x343: {  	v38 =	vbroadcast v3, $0x8;
	v51 =	vbroadcast v3, $0x7  }
0x344: {  	v44 =	vbroadcast v3, $0x6;
	v56 =	vbroadcast v3, $0x5  }
0x345: {  	v61 =	vbroadcast v3, $0x3;
	v62 =	vbroadcast v3, $0x4  }
0x346: {  	v22 =	vbroadcast v3, $0xC;
	v8 =	vbroadcast v3, $0xD  }
0x347: {  	[tilespmem:$0x1E230] =	vst v6;
	v6 =	vbroadcast v3, $0x1;
	v3 =	vbroadcast v3, $0x0;
	_ =	sdelay $0x1  }
0x348: {  	[tilespmem:$0x1E050] =	vst v3;
	v3 =	vbroadcast v0, $0xF;
	_ =	sdelay $0x1  }
0x349: {  	[tilespmem:$0x1EDE0] =	vst v3;
	v3 =	vld.idx.msk [tilespmem:v10+s17+$0x0], $0xffff;
	_ =	sdelay $0x1  }
0x34a: {  	v29 =	vor.u32 s6, v29;
	_ =	sdelay $0x2  }
0x34b: {  	[tilespmem:$0x1E280] =	vst v3;
	v3 =	vbroadcast v4, $0x0;
	_ =	sdelay $0x1  }
0x34c: {  	[tilespmem:$0x1E070] =	vst v3;
	v3 =	vld.idx.msk [tilespmem:v29+s16+$0x0], $0xffff;
	_ =	sdelay $0x3  }
0x34d: {  	v50 =	vor.u32 s6, v50  }
0x34e: {  	[tilespmem:$0x1E1E0] =	vst v3;
	v3 =	vbroadcast v1, $0xF;
	_ =	sdelay $0x1  }
0x34f: {  	[tilespmem:$0x1E0D0] =	vst v3;
	v3 =	vbroadcast v2, $0xF;
	_ =	sdelay $0x1  }
0x350: {  	[tilespmem:$0x1E0F0] =	vst v3;
	v3 =	vld.idx.msk [tilespmem:v50+s16+$0x0], $0xffff;
	_ =	sdelay $0x4  }
0x351: {  	[tilespmem:$0x1E220] =	vst v3;
	v3 =	vbroadcast v0, $0xE;
	_ =	sdelay $0x1  }
0x352: {  	[tilespmem:$0x1EDB0] =	vst v3;
	v3 =	vbroadcast v1, $0xE;
	_ =	sdelay $0x1  }
0x353: {  	[tilespmem:$0x1E150] =	vst v3;
	v3 =	vld [tilespmem:$0x1FE90];
	_ =	sdelay $0x2  }
0x354: {  	[tilespmem:$0x1DFD0] =	vst v6;
	v6 =	vbroadcast v4, $0x1;
	_ =	sdelay $0x1  }
0x355: {  	[tilespmem:$0x1DFF0] =	vst v6;
	v6 =	vld.idx.msk [tilespmem:v10+s7+$0x0], $0xffff;
	v10 =	vor.u32 s6, v3;
	v3 =	vbroadcast v0, $0xD;
	_ =	sdelay $0x1  }
0x356: {  	[tilespmem:$0x1ED80] =	vst v3;
	v3 =	vld.idx.msk [tilespmem:v12+s7+$0x0], $0xffff;
	_ =	sdelay $0x4  }
0x357: {  	[tilespmem:$0x1E140] =	vst v3;
	v3 =	vbroadcast v2, $0xE;
	_ =	sdelay $0x1  }
0x358: {  	[tilespmem:$0x1E170] =	vst v3;
	v3 =	vbroadcast v1, $0xD;
	_ =	sdelay $0x1  }
0x359: {  	[tilespmem:$0x1E1C0] =	vst v3;
	v3 =	vbroadcast v2, $0xD;
	_ =	sdelay $0x1  }
0x35a: {  	[tilespmem:$0x1E1F0] =	vst v3;
	v3 =	vld.idx.msk [tilespmem:v12+s17+$0x0], $0xffff;
	_ =	sdelay $0x4  }
0x35b: {  	[tilespmem:$0x1E2B0] =	vst v3;
	v3 =	vbroadcast v0, $0xC;
	_ =	sdelay $0x1  }
0x35c: {  	[tilespmem:$0x1ED50] =	vst v3;
	v3 =	vbroadcast v1, $0xC;
	_ =	sdelay $0x1  }
0x35d: {  	[tilespmem:$0x1E240] =	vst v3;
	v3 =	vld.idx.msk [tilespmem:v11+s7+$0x0], $0xffff;
	_ =	sdelay $0x4  }
0x35e: {  	[tilespmem:$0x1E190] =	vst v3;
	v3 =	vbroadcast v0, $0xB;
	_ =	sdelay $0x1  }
0x35f: {  	[tilespmem:$0x1ED20] =	vst v3;
	v3 =	vld [tilespmem:$0x1FE70];
	_ =	sdelay $0x4  }
0x360: {  	v9 =	vor.u32 s6, v53;
	v53 =	vor.u32 s6, v3;
	v3 =	vbroadcast v2, $0xC  }
0x361: {  	v12 =	vor.u32 s6, v60  }
0x362: {  	[tilespmem:$0x1E270] =	vst v3;
	v3 =	vld.idx.msk [tilespmem:v11+s17+$0x0], $0xffff;
	v11 =	vbroadcast v1, $0x7;
	_ =	sdelay $0x1  }
0x363: {  	[tilespmem:$0x1E500] =	vst v11;
	v11 =	vbroadcast v2, $0x7;
	_ =	sdelay $0x1  }
0x364: {  	[tilespmem:$0x1E520] =	vst v11;
	v11 =	vld.idx.msk [tilespmem:v12+s16+$0x0], $0xffff;
	_ =	sdelay $0x4  }
0x365: {  	[tilespmem:$0x1E2E0] =	vst v11;
	v11 =	vbroadcast v0, $0x6;
	_ =	sdelay $0x1  }
0x366: {  	[tilespmem:$0x1EC30] =	vst v11;
	v11 =	vbroadcast v1, $0x6;
	_ =	sdelay $0x1  }
0x367: {  	[tilespmem:$0x1E5E0] =	vst v11;
	v11 =	vld.idx.msk [tilespmem:v53+s16+$0x0], $0xffff;
	_ =	sdelay $0x3  }
0x368: {  	[tilespmem:$0x1E300] =	vst v3;
	v3 =	vbroadcast v1, $0xB  }
0x369: {  	[tilespmem:$0x1E310] =	vst v11;
	v11 =	vbroadcast v0, $0x5  }
0x36a: {  	[tilespmem:$0x1E2C0] =	vst v3;
	v3 =	vbroadcast v2, $0xB  }
0x36b: {  	[tilespmem:$0x1EC20] =	vst v11;
	v11 =	vbroadcast v2, $0x6  }
0x36c: {  	[tilespmem:$0x1E2F0] =	vst v3;
	v3 =	vld.idx.msk [tilespmem:v9+s16+$0x0], $0xffff  }
0x36d: {  	[tilespmem:$0x1E640] =	vst v11;
	v11 =	vld.idx.msk [tilespmem:v9+s7+$0x0], $0xffff  }
0x36e: {  	v9 =	vld.idx.msk [tilespmem:v9+s17+$0x0], $0xffff;
	_ =	sdelay $0x4  }
0x36f: {  	[tilespmem:$0x1E340] =	vst v9;
	v9 =	vbroadcast v0, $0x4;
	_ =	sdelay $0x1  }
0x370: {  	[tilespmem:$0x1EC10] =	vst v9;
	v9 =	vbroadcast v1, $0x4;
	_ =	sdelay $0x1  }
0x371: {  	[tilespmem:$0x1E850] =	vst v9;
	v9 =	vld.idx.msk [tilespmem:v10+s7+$0x0], $0xffff;
	_ =	sdelay $0x4  }
0x372: {  	[tilespmem:$0x1E290] =	vst v9;
	v9 =	vbroadcast v0, $0x3  }
0x373: {  	v14 =	vbroadcast v4, $0xE  }
0x374: {  	v35 =	vbroadcast v4, $0x9;
	[tilespmem:$0x1EC00] =	vst v9;
	v9 =	vbroadcast v2, $0x4  }
0x375: {  	v34 =	vbroadcast v4, $0x8;
	v41 =	vbroadcast v4, $0x7  }
0x376: {  	v58 =	vbroadcast v4, $0x4;
	v46 =	vbroadcast v4, $0x6;
	[tilespmem:$0x1E8A0] =	vst v9;
	v9 =	vld.idx.msk [tilespmem:v10+s17+$0x0], $0xffff  }
0x377: {  	v17 =	vbroadcast v4, $0xD;
	v18 =	vbroadcast v4, $0xC  }
0x378: {  	[tilespmem:$0x1DE20] =	vst v25;
	v25 =	vbroadcast v4, $0xB;
	v7 =	vbroadcast v4, $0xF  }
0x379: {  	v28 =	vbroadcast v4, $0xA;
	v20 =	vbroadcast v4, $0x5;
	v4 =	vld.idx.msk [tilespmem:v29+s17+$0x0], $0xffff  }
0x37a: {  	v57 =	vor.u32 s6, v57  }
0x37b: {  	[tilespmem:$0x1E390] =	vst v9;
	v9 =	vbroadcast v1, $0x3;
	_ =	sdelay $0x1  }
0x37c: {  	[tilespmem:$0x1E920] =	vst v9;
	v9 =	vbroadcast v2, $0x3  }
0x37d: {  	[tilespmem:$0x1E320] =	vst v4;
	v4 =	vbroadcast v0, $0x8  }
0x37e: {  	[tilespmem:$0x1E960] =	vst v9;
	v9 =	vld.idx.msk [tilespmem:v57+s16+$0x0], $0xffff  }
0x37f: {  	[tilespmem:$0x1EC90] =	vst v4;
	v4 =	vbroadcast v1, $0x8  }
0x380: {  	[tilespmem:$0x1E260] =	vst v3;
	v3 =	vbroadcast v0, $0xA  }
0x381: {  	[tilespmem:$0x1E490] =	vst v4  }
0x382: {  	v60 =	vor.u32 s6, v23;
	[tilespmem:$0x1ECF0] =	vst v3;
	v3 =	vbroadcast v1, $0xA  }
0x383: {  	v4 =	vld.idx.msk [tilespmem:v50+s7+$0x0], $0xffff;
	[tilespmem:$0x1E360] =	vst v9;
	v9 =	vbroadcast v0, $0x2  }
0x384: {  	[tilespmem:$0x1E330] =	vst v3;
	v3 =	vld.idx.msk [tilespmem:v10+s16+$0x0], $0xffff  }
0x385: {  	[tilespmem:$0x1EBF0] =	vst v9;
	v9 =	vbroadcast v1, $0x2;
	_ =	sdelay $0x1  }
0x386: {  	[tilespmem:$0x1E9D0] =	vst v9;
	v9 =	vld.idx.msk [tilespmem:v60+s16+$0x0], $0xffff  }
0x387: {  	[tilespmem:$0x1E210] =	vst v4;
	v4 =	vbroadcast v0, $0x7  }
0x388: {  	[tilespmem:$0x1E2A0] =	vst v3;
	v3 =	vbroadcast v0, $0x9  }
0x389: {  	[tilespmem:$0x1EC60] =	vst v4  }
0x38a: {  	[tilespmem:$0x1ECC0] =	vst v3;
	v3 =	vbroadcast v2, $0xA  }
0x38b: {  	[tilespmem:$0x1E3F0] =	vst v9;
	v9 =	vbroadcast v0, $0x1  }
0x38c: {  	[tilespmem:$0x1E370] =	vst v3;
	v3 =	vld.idx.msk [tilespmem:v29+s7+$0x0], $0xffff  }
0x38d: {  	[tilespmem:$0x1EBE0] =	vst v9;
	v9 =	vbroadcast v2, $0x2  }
0x38e: {  	[tilespmem:$0x1E250] =	vst v11  }
0x38f: {  	[tilespmem:$0x1EA00] =	vst v9;
	v9 =	vor.u32 s6, v24  }
0x390: {  	v11 =	vbroadcast v1, $0x5;
	[tilespmem:$0x1E810] =	vst v9;
	v9 =	vld.idx.msk [tilespmem:v12+s7+$0x0], $0xffff  }
0x391: {  	[tilespmem:$0x1E1D0] =	vst v3;
	v3 =	vbroadcast v1, $0x9  }
0x392: {  	[tilespmem:$0x1E720] =	vst v11;
	v0 =	vbroadcast v0, $0x0  }
0x393: {  	[tilespmem:$0x1E420] =	vst v3  }
0x394: {  	[tilespmem:$0x1EBA0] =	vst v0;
	v0 =	vbroadcast v1, $0x0  }
0x395: {  	v4 =	vbroadcast v2, $0x8;
	[tilespmem:$0x1E2D0] =	vst v9;
	v9 =	vbroadcast v1, $0x1  }
0x396: {  	v11 =	vbroadcast v2, $0x5;
	v3 =	vbroadcast v2, $0x9;
	[tilespmem:$0x1EB10] =	vst v0  }
0x397: {  	v0 =	vbroadcast v2, $0x0;
	[tilespmem:$0x1EA70] =	vst v9;
	v9 =	vbroadcast v2, $0x1;
	v2 =	vld [tilespmem:$0x1DBF0];
	_ =	sdelay $0x4  }
0x398: {  	[tilespmem:$0x1EAA0] =	vst v9;
	v9 =	vor.u32 s6, v42;
	v1 =	vmul.f32 v2, v59  }
0x399: {  	[tilespmem:$0x1E890] =	vst v9;
	v9 =	vld.idx.msk [tilespmem:v12+s17+$0x0], $0xffff  }
0x39a: {  	[tilespmem:$0x1F1C0] =	vst v1;
	v1 =	vld [tilespmem:$0x1E540];
	_ =	sdelay $0x1  }
0x39b: {  	v10 =	vld [tilespmem:$0x1DC00];
	_ =	sdelay $0x1  }
0x39c: {  	[tilespmem:$0x1E380] =	vst v9;
	v9 =	vld [tilespmem:$0x1DC10]  }
0x39d: {  	v1 =	vmul.f32 v1, v7;
	_ =	sdelay $0x1  }
0x39e: {  	[tilespmem:$0x1F1D0] =	vst v1;
	v1 =	vmul.f32 v10, v59;
	_ =	sdelay $0x1  }
0x39f: {  	[tilespmem:$0x1F740] =	vst v1;
	v1 =	vmul.f32 v9, v40;
	_ =	sdelay $0x1  }
0x3a0: {  	[tilespmem:$0x1F1A0] =	vst v1;
	v1 =	vld [tilespmem:$0x1E560]  }
0x3a1: {  	[tilespmem:$0x1F720] =	vst v7  }
0x3a2: {  	[tilespmem:$0x1EB40] =	vst v0;
	v0 =	vor.u32 s6, v31;
	v7 =	vld [tilespmem:$0x1DC20]  }
0x3a3: {  	v36 =	vor.u32 s6, v36;
	[tilespmem:$0x1E950] =	vst v0;
	v0 =	vld.idx.msk [tilespmem:v53+s17+$0x0], $0xffff;
	_ =	sdelay $0x1  }
0x3a4: {  	v1 =	vmul.f32 v1, v14  }
0x3a5: {  	[tilespmem:$0x1E460] =	vst v3  }
0x3a6: {  	[tilespmem:$0x1F1B0] =	vst v1;
	v1 =	vmul.f32 v7, v40  }
0x3a7: {  	[tilespmem:$0x1E3C0] =	vst v0;
	v0 =	vld.idx.msk [tilespmem:v36+s16+$0x0], $0xffff  }
0x3a8: {  	v3 =	vor.u32 s6, v55;
	[tilespmem:$0x1F700] =	vst v1;
	v1 =	vld [tilespmem:$0x1E5C0];
	_ =	sdelay $0x3  }
0x3a9: {  	[tilespmem:$0x1E450] =	vst v0;
	v0 =	vor.u32 s6, v63  }
0x3aa: {  	[tilespmem:$0x1E3A0] =	vst v0;
	v0 =	vld.idx.msk [tilespmem:v3+s16+$0x0], $0xffff;
	v1 =	vmul.f32 v1, v14  }
0x3ab: {  	v59 =	vld [tilespmem:$0x1DC30]  }
0x3ac: {  	[tilespmem:$0x1F710] =	vst v1;
	v1 =	vld [tilespmem:$0x1FE30];
	_ =	sdelay $0x3  }
0x3ad: {  	[tilespmem:$0x1E480] =	vst v0;
	v0 =	vor.u32 s6, v19  }
0x3ae: {  	[tilespmem:$0x1E400] =	vst v0;
	v0 =	vor.u32 s6, v1;
	v1 =	vmul.f32 v59, v8;
	_ =	sdelay $0x1  }
0x3af: {  	[tilespmem:$0x1F160] =	vst v1;
	v1 =	vld [tilespmem:$0x1E5A0];
	_ =	sdelay $0x1  }
0x3b0: {  	[tilespmem:$0x1E780] =	vst v11;
	v11 =	vld [tilespmem:$0x1DC40];
	_ =	sdelay $0x2  }
0x3b1: {  	v1 =	vmul.f32 v1, v17;
	_ =	sdelay $0x1  }
0x3b2: {  	[tilespmem:$0x1F170] =	vst v1;
	v1 =	vmul.f32 v11, v8;
	_ =	sdelay $0x1  }
0x3b3: {  	[tilespmem:$0x1F6D0] =	vst v1;
	v1 =	vld [tilespmem:$0x1E610];
	_ =	sdelay $0x4  }
0x3b4: {  	[tilespmem:$0x1E470] =	vst v0;
	v0 =	vld.idx.msk [tilespmem:v57+s17+$0x0], $0xffff;
	v1 =	vmul.f32 v1, v17  }
0x3b5: {  	v8 =	vld [tilespmem:$0x1DC60]  }
0x3b6: {  	[tilespmem:$0x1F6E0] =	vst v1;
	v1 =	vld [tilespmem:$0x1DC50];
	_ =	sdelay $0x4  }
0x3b7: {  	[tilespmem:$0x1E3B0] =	vst v0;
	v0 =	vadd.f32 v1, v2;
	v1 =	vmul.f32 v8, v22;
	_ =	sdelay $0x1  }
0x3b8: {  	[tilespmem:$0x1F120] =	vst v1;
	v1 =	vld [tilespmem:$0x1E5F0];
	_ =	sdelay $0x4  }
0x3b9: {  	v2 =	vld [tilespmem:$0x1DC80];
	v1 =	vmul.f32 v1, v18  }
0x3ba: {  	[tilespmem:$0x1E550] =	vst v0;
	v0 =	vld.idx.msk [tilespmem:v60+s17+$0x0], $0xffff  }
0x3bb: {  	[tilespmem:$0x1F130] =	vst v1;
	v1 =	vld [tilespmem:$0x1DC70];
	_ =	sdelay $0x4  }
0x3bc: {  	[tilespmem:$0x1E3E0] =	vst v0;
	v0 =	vadd.f32 v1, v10;
	v1 =	vmul.f32 v2, v22  }
0x3bd: {  	v5 =	vbroadcast v5, $0x0  }
0x3be: {  	[tilespmem:$0x1F6A0] =	vst v1;
	v1 =	vld [tilespmem:$0x1E670]  }
0x3bf: {  	[tilespmem:$0x1EE10] =	vst v5;
	v5 =	vor.u32 s6, v48;
	_ =	sdelay $0x3  }
0x3c0: {  	v1 =	vmul.f32 v1, v18  }
0x3c1: {  	[tilespmem:$0x1E580] =	vst v0;
	v0 =	vld.idx.msk [tilespmem:v5+s16+$0x0], $0xffff  }
0x3c2: {  	[tilespmem:$0x1F6B0] =	vst v1;
	v1 =	vld [tilespmem:$0x1DC90];
	_ =	sdelay $0x4  }
0x3c3: {  	[tilespmem:$0x1E4C0] =	vst v0;
	v0 =	vadd.f32 v1, v9;
	v9 =	vld [tilespmem:$0x1DCA0];
	_ =	sdelay $0x4  }
0x3c4: {  	v1 =	vmul.f32 v9, v45;
	_ =	sdelay $0x1  }
0x3c5: {  	[tilespmem:$0x1F0E0] =	vst v1;
	v1 =	vld [tilespmem:$0x1E650]  }
0x3c6: {  	[tilespmem:$0x1E4D0] =	vst v4;
	v4 =	vor.u32 s6, v52;
	_ =	sdelay $0x3  }
0x3c7: {  	v1 =	vmul.f32 v1, v25  }
0x3c8: {  	[tilespmem:$0x1E570] =	vst v0;
	v0 =	vld.idx.msk [tilespmem:v4+s16+$0x0], $0xffff  }
0x3c9: {  	[tilespmem:$0x1F0F0] =	vst v1;
	v1 =	vld [tilespmem:$0x1DCB0];
	_ =	sdelay $0x4  }
0x3ca: {  	[tilespmem:$0x1E4F0] =	vst v0;
	v0 =	vadd.f32 v1, v7;
	v7 =	vld [tilespmem:$0x1DCC0];
	_ =	sdelay $0x4  }
0x3cb: {  	v1 =	vmul.f32 v7, v45;
	_ =	sdelay $0x1  }
0x3cc: {  	[tilespmem:$0x1F670] =	vst v1;
	v1 =	vld [tilespmem:$0x1E6B0];
	_ =	sdelay $0x4  }
0x3cd: {  	v1 =	vmul.f32 v1, v25  }
0x3ce: {  	v63 =	vld [tilespmem:$0x1DCE0]  }
0x3cf: {  	[tilespmem:$0x1F680] =	vst v1;
	v1 =	vld [tilespmem:$0x1DCD0];
	_ =	sdelay $0x4  }
0x3d0: {  	[tilespmem:$0x1E5D0] =	vst v0;
	v0 =	vadd.f32 v1, v59;
	v1 =	vmul.f32 v63, v32;
	_ =	sdelay $0x1  }
0x3d1: {  	[tilespmem:$0x1F0A0] =	vst v1;
	v1 =	vld [tilespmem:$0x1E690];
	_ =	sdelay $0x4  }
0x3d2: {  	v1 =	vmul.f32 v1, v28  }
0x3d3: {  	[tilespmem:$0x1E5B0] =	vst v0;
	v0 =	vld.idx.msk [tilespmem:v36+s17+$0x0], $0xffff  }
0x3d4: {  	[tilespmem:$0x1F0B0] =	vst v1;
	v1 =	vld [tilespmem:$0x1DCF0];
	_ =	sdelay $0x4  }
0x3d5: {  	[tilespmem:$0x1E3D0] =	vst v0;
	v0 =	vadd.f32 v1, v11;
	v11 =	vld [tilespmem:$0x1DD00];
	_ =	sdelay $0x4  }
0x3d6: {  	v1 =	vmul.f32 v11, v32;
	_ =	sdelay $0x1  }
0x3d7: {  	[tilespmem:$0x1F640] =	vst v1;
	v1 =	vld [tilespmem:$0x1E700];
	_ =	sdelay $0x4  }
0x3d8: {  	v1 =	vmul.f32 v1, v28;
	_ =	sdelay $0x1  }
0x3d9: {  	[tilespmem:$0x1F650] =	vst v1;
	v1 =	vld [tilespmem:$0x1DD10];
	_ =	sdelay $0x4  }
0x3da: {  	[tilespmem:$0x1E620] =	vst v0;
	v0 =	vadd.f32 v1, v8  }
0x3db: {  	v19 =	vld.idx.msk [tilespmem:v3+s7+$0x0], $0xffff  }
0x3dc: {  	[tilespmem:$0x1E600] =	vst v0;
	v0 =	vld.idx.msk [tilespmem:v3+s17+$0x0], $0xffff  }
0x3dd: {  	v3 =	vld [tilespmem:$0x1DD20];
	_ =	sdelay $0x4  }
0x3de: {  	v1 =	vmul.f32 v3, v33;
	_ =	sdelay $0x1  }
0x3df: {  	[tilespmem:$0x1F060] =	vst v1;
	v1 =	vld [tilespmem:$0x1E6E0];
	_ =	sdelay $0x4  }
0x3e0: {  	v1 =	vmul.f32 v1, v35;
	_ =	sdelay $0x1  }
0x3e1: {  	[tilespmem:$0x1F070] =	vst v1;
	v1 =	vld [tilespmem:$0x1DD30];
	_ =	sdelay $0x4  }
0x3e2: {  	[tilespmem:$0x1E430] =	vst v0;
	v0 =	vadd.f32 v1, v2;
	v2 =	vld [tilespmem:$0x1DD40];
	_ =	sdelay $0x2  }
0x3e3: {  	[tilespmem:$0x1E110] =	vst v6;
	v6 =	vld.idx.msk [tilespmem:v50+s17+$0x0], $0xffff;
	_ =	sdelay $0x1  }
0x3e4: {  	v1 =	vmul.f32 v2, v33;
	_ =	sdelay $0x1  }
0x3e5: {  	[tilespmem:$0x1F610] =	vst v1;
	v1 =	vld [tilespmem:$0x1E750]  }
0x3e6: {  	[tilespmem:$0x1E350] =	vst v6;
	v6 =	vor.u32 s6, v27;
	_ =	sdelay $0x3  }
0x3e7: {  	v8 =	vld [tilespmem:$0x1DD60];
	v1 =	vmul.f32 v1, v35  }
0x3e8: {  	[tilespmem:$0x1E680] =	vst v0;
	v0 =	vld.idx.msk [tilespmem:v6+s16+$0x0], $0xffff  }
0x3e9: {  	[tilespmem:$0x1F620] =	vst v1;
	v1 =	vld [tilespmem:$0x1DD50];
	_ =	sdelay $0x4  }
0x3ea: {  	[tilespmem:$0x1E530] =	vst v0;
	v0 =	vadd.f32 v1, v9;
	v1 =	vmul.f32 v8, v38;
	_ =	sdelay $0x1  }
0x3eb: {  	[tilespmem:$0x1F020] =	vst v1;
	v1 =	vld [tilespmem:$0x1E730];
	_ =	sdelay $0x4  }
0x3ec: {  	v1 =	vmul.f32 v1, v34;
	_ =	sdelay $0x1  }
0x3ed: {  	[tilespmem:$0x1F030] =	vst v1;
	v1 =	vld [tilespmem:$0x1DD70];
	_ =	sdelay $0x4  }
0x3ee: {  	[tilespmem:$0x1E660] =	vst v0;
	v0 =	vadd.f32 v1, v7  }
0x3ef: {  	v18 =	vld.idx.msk [tilespmem:v5+s7+$0x0], $0xffff  }
0x3f0: {  	[tilespmem:$0x1E6C0] =	vst v0;
	v0 =	vld.idx.msk [tilespmem:v5+s17+$0x0], $0xffff  }
0x3f1: {  	v5 =	vld [tilespmem:$0x1DD80];
	_ =	sdelay $0x4  }
0x3f2: {  	v1 =	vmul.f32 v5, v38;
	_ =	sdelay $0x1  }
0x3f3: {  	[tilespmem:$0x1F5E0] =	vst v1;
	v1 =	vld [tilespmem:$0x1E7B0];
	_ =	sdelay $0x4  }
0x3f4: {  	v1 =	vmul.f32 v1, v34  }
0x3f5: {  	v7 =	vld [tilespmem:$0x1DDA0]  }
0x3f6: {  	[tilespmem:$0x1F5F0] =	vst v1;
	v1 =	vld [tilespmem:$0x1DD90];
	_ =	sdelay $0x4  }
0x3f7: {  	[tilespmem:$0x1E410] =	vst v0;
	v0 =	vadd.f32 v1, v63;
	v1 =	vmul.f32 v7, v51;
	_ =	sdelay $0x1  }
0x3f8: {  	[tilespmem:$0x1EFE0] =	vst v1;
	v1 =	vld [tilespmem:$0x1E790];
	_ =	sdelay $0x4  }
0x3f9: {  	v1 =	vmul.f32 v1, v41;
	_ =	sdelay $0x1  }
0x3fa: {  	[tilespmem:$0x1EFF0] =	vst v1;
	v1 =	vld [tilespmem:$0x1DDB0];
	_ =	sdelay $0x4  }
0x3fb: {  	[tilespmem:$0x1E6A0] =	vst v0;
	v0 =	vadd.f32 v1, v11  }
0x3fc: {  	v27 =	vld.idx.msk [tilespmem:v4+s7+$0x0], $0xffff  }
0x3fd: {  	[tilespmem:$0x1E710] =	vst v0;
	v0 =	vld.idx.msk [tilespmem:v4+s17+$0x0], $0xffff  }
0x3fe: {  	v4 =	vld [tilespmem:$0x1DDC0];
	_ =	sdelay $0x4  }
0x3ff: {  	v1 =	vmul.f32 v4, v51;
	_ =	sdelay $0x1  }
0x400: {  	[tilespmem:$0x1F5B0] =	vst v1;
	v1 =	vld [tilespmem:$0x1E7F0];
	_ =	sdelay $0x4  }
0x401: {  	v1 =	vmul.f32 v1, v41;
	_ =	sdelay $0x1  }
0x402: {  	[tilespmem:$0x1F5C0] =	vst v1;
	v1 =	vld [tilespmem:$0x1DDD0];
	_ =	sdelay $0x4  }
0x403: {  	[tilespmem:$0x1E440] =	vst v0;
	v0 =	vadd.f32 v1, v3;
	v3 =	vld [tilespmem:$0x1DDE0];
	_ =	sdelay $0x4  }
0x404: {  	v1 =	vmul.f32 v3, v44;
	_ =	sdelay $0x1  }
0x405: {  	[tilespmem:$0x1EFA0] =	vst v1;
	v1 =	vld [tilespmem:$0x1E7D0];
	_ =	sdelay $0x4  }
0x406: {  	v1 =	vmul.f32 v1, v46;
	_ =	sdelay $0x1  }
0x407: {  	[tilespmem:$0x1EFB0] =	vst v1;
	v1 =	vld [tilespmem:$0x1DDF0];
	_ =	sdelay $0x4  }
0x408: {  	[tilespmem:$0x1E6F0] =	vst v0;
	v0 =	vadd.f32 v1, v2;
	v2 =	vld [tilespmem:$0x1DE00];
	_ =	sdelay $0x4  }
0x409: {  	v1 =	vmul.f32 v2, v44;
	_ =	sdelay $0x1  }
0x40a: {  	[tilespmem:$0x1F580] =	vst v1;
	v1 =	vld [tilespmem:$0x1E830];
	_ =	sdelay $0x3  }
0x40b: {  	v63 =	vld.idx.msk [tilespmem:v6+s7+$0x0], $0xffff  }
0x40c: {  	v11 =	vld.idx.msk [tilespmem:v6+s17+$0x0], $0xffff;
	v1 =	vmul.f32 v1, v46  }
0x40d: {  	v6 =	vld [tilespmem:$0x1DE20]  }
0x40e: {  	[tilespmem:$0x1F590] =	vst v1;
	v1 =	vld [tilespmem:$0x1DE10];
	_ =	sdelay $0x1  }
0x40f: {  	v48 =	vor.u32 s6, v54;
	v54 =	vld [tilespmem:$0x1DE30];
	_ =	sdelay $0x2  }
0x410: {  	[tilespmem:$0x1E760] =	vst v0;
	v0 =	vadd.f32 v1, v8;
	v1 =	vmul.f32 v6, v56;
	_ =	sdelay $0x1  }
0x411: {  	[tilespmem:$0x1EF60] =	vst v1;
	v1 =	vmul.f32 v54, v20;
	_ =	sdelay $0x1  }
0x412: {  	[tilespmem:$0x1EF70] =	vst v1;
	v1 =	vld [tilespmem:$0x1DE40];
	_ =	sdelay $0x4  }
0x413: {  	[tilespmem:$0x1E740] =	vst v0;
	v0 =	vadd.f32 v1, v5;
	v5 =	vld [tilespmem:$0x1DE50];
	_ =	sdelay $0x4  }
0x414: {  	v1 =	vmul.f32 v5, v56;
	_ =	sdelay $0x1  }
0x415: {  	[tilespmem:$0x1F550] =	vst v1;
	v1 =	vld [tilespmem:$0x1E870];
	_ =	sdelay $0x4  }
0x416: {  	v1 =	vmul.f32 v1, v20  }
0x417: {  	v8 =	vld [tilespmem:$0x1DE70]  }
0x418: {  	[tilespmem:$0x1F560] =	vst v1;
	v1 =	vld [tilespmem:$0x1DE60];
	_ =	sdelay $0x1  }
0x419: {  	v52 =	vld [tilespmem:$0x1DE80];
	_ =	sdelay $0x2  }
0x41a: {  	[tilespmem:$0x1E7C0] =	vst v0;
	v0 =	vadd.f32 v1, v7;
	v1 =	vmul.f32 v8, v62;
	_ =	sdelay $0x1  }
0x41b: {  	[tilespmem:$0x1EF20] =	vst v1;
	v1 =	vmul.f32 v52, v58;
	_ =	sdelay $0x1  }
0x41c: {  	[tilespmem:$0x1EF30] =	vst v1;
	v1 =	vld [tilespmem:$0x1DE90];
	_ =	sdelay $0x4  }
0x41d: {  	[tilespmem:$0x1E7A0] =	vst v0;
	v0 =	vadd.f32 v1, v4;
	v4 =	vld [tilespmem:$0x1DEA0]  }
0x41e: {  	v16 =	vld.idx.msk [tilespmem:v60+s7+$0x0], $0xffff  }
0x41f: {  	v60 =	vld [tilespmem:$0x1DEB0];
	_ =	sdelay $0x2  }
0x420: {  	v1 =	vmul.f32 v4, v62;
	_ =	sdelay $0x1  }
0x421: {  	[tilespmem:$0x1F520] =	vst v1;
	v1 =	vmul.f32 v60, v58;
	_ =	sdelay $0x1  }
0x422: {  	[tilespmem:$0x1F530] =	vst v1;
	v1 =	vld [tilespmem:$0x1DEC0];
	_ =	sdelay $0x4  }
0x423: {  	[tilespmem:$0x1E800] =	vst v0;
	v0 =	vadd.f32 v1, v3;
	v3 =	vld [tilespmem:$0x1DED0]  }
0x424: {  	v50 =	vld [tilespmem:$0x1DEE0]  }
0x425: {  	v9 =	vld [tilespmem:$0x1DEF0];
	_ =	sdelay $0x2  }
0x426: {  	v1 =	vmul.f32 v3, v61;
	_ =	sdelay $0x1  }
0x427: {  	[tilespmem:$0x1EEE0] =	vst v1;
	v1 =	vmul.f32 v50, v9;
	_ =	sdelay $0x1  }
0x428: {  	[tilespmem:$0x1EEF0] =	vst v1;
	v1 =	vld [tilespmem:$0x1DF00];
	_ =	sdelay $0x4  }
0x429: {  	[tilespmem:$0x1E7E0] =	vst v0;
	v0 =	vadd.f32 v1, v2;
	v2 =	vld [tilespmem:$0x1DF10]  }
0x42a: {  	v47 =	vor.u32 s6, v47  }
0x42b: {  	v29 =	vor.u32 s6, v49;
	v49 =	vld [tilespmem:$0x1DF20];
	_ =	sdelay $0x1  }
0x42c: {  	v23 =	vld.idx.msk [tilespmem:v53+s7+$0x0], $0xffff  }
0x42d: {  	v53 =	vor.u32 s6, v21;
	v21 =	vld [tilespmem:$0x1DF70];
	v1 =	vmul.f32 v2, v61  }
0x42e: {  	v14 =	vld.idx.msk [tilespmem:v47+s7+$0x0], $0xffff  }
0x42f: {  	v20 =	vld [tilespmem:$0x1DF50];
	[tilespmem:$0x1F4F0] =	vst v1;
	v1 =	vmul.f32 v49, v9  }
0x430: {  	v9 =	vld [tilespmem:$0x1DF40]  }
0x431: {  	[tilespmem:$0x1F500] =	vst v1;
	v1 =	vld [tilespmem:$0x1DF30]  }
0x432: {  	v51 =	vld.idx.msk [tilespmem:v47+s17+$0x0], $0xffff  }
0x433: {  	[tilespmem:$0x1E4E0] =	vst v47;
	v47 =	vld [tilespmem:$0x1DF60];
	_ =	sdelay $0x2  }
0x434: {  	[tilespmem:$0x1E840] =	vst v0;
	v0 =	vadd.f32 v1, v6;
	v1 =	vmul.f32 v9, v20;
	_ =	sdelay $0x1  }
0x435: {  	[tilespmem:$0x1EEB0] =	vst v1;
	v1 =	vmul.f32 v47, v21;
	_ =	sdelay $0x1  }
0x436: {  	[tilespmem:$0x1EEC0] =	vst v1;
	v1 =	vld [tilespmem:$0x1DF80];
	_ =	sdelay $0x3  }
0x437: {  	v55 =	vld.idx.msk [tilespmem:v48+s17+$0x0], $0xffff  }
0x438: {  	[tilespmem:$0x1E820] =	vst v0;
	v0 =	vadd.f32 v1, v5;
	v5 =	vld [tilespmem:$0x1DF90]  }
0x439: {  	v41 =	vld.idx.msk [tilespmem:v48+s7+$0x0], $0xffff  }
0x43a: {  	[tilespmem:$0x1E4B0] =	vst v48;
	v48 =	vld [tilespmem:$0x1DFA0];
	_ =	sdelay $0x2  }
0x43b: {  	v1 =	vmul.f32 v5, v20;
	_ =	sdelay $0x1  }
0x43c: {  	[tilespmem:$0x1F4C0] =	vst v1;
	v1 =	vmul.f32 v48, v21;
	_ =	sdelay $0x1  }
0x43d: {  	[tilespmem:$0x1F4D0] =	vst v1;
	v1 =	vld [tilespmem:$0x1DFB0];
	_ =	sdelay $0x3  }
0x43e: {  	v22 =	vld [tilespmem:$0x1DFD0]  }
0x43f: {  	[tilespmem:$0x1E880] =	vst v0;
	v0 =	vadd.f32 v1, v8;
	v8 =	vld [tilespmem:$0x1DFC0]  }
0x440: {  	v45 =	vld [tilespmem:$0x1DFE0]  }
0x441: {  	v25 =	vld [tilespmem:$0x1DFF0];
	_ =	sdelay $0x2  }
0x442: {  	v1 =	vmul.f32 v8, v22;
	_ =	sdelay $0x1  }
0x443: {  	[tilespmem:$0x1EE80] =	vst v1;
	v1 =	vmul.f32 v45, v25;
	_ =	sdelay $0x1  }
0x444: {  	[tilespmem:$0x1EE90] =	vst v1;
	v1 =	vld [tilespmem:$0x1E000];
	_ =	sdelay $0x4  }
0x445: {  	[tilespmem:$0x1E860] =	vst v0;
	v0 =	vadd.f32 v1, v4;
	v4 =	vld [tilespmem:$0x1E010];
	_ =	sdelay $0x1  }
0x446: {  	v44 =	vld [tilespmem:$0x1E020];
	_ =	sdelay $0x2  }
0x447: {  	v1 =	vmul.f32 v4, v22;
	_ =	sdelay $0x1  }
0x448: {  	v31 =	vld [tilespmem:$0x1E050];
	[tilespmem:$0x1F490] =	vst v1;
	v1 =	vmul.f32 v44, v25  }
0x449: {  	v28 =	vld [tilespmem:$0x1E040]  }
0x44a: {  	[tilespmem:$0x1F4A0] =	vst v1;
	v1 =	vld [tilespmem:$0x1E030]  }
0x44b: {  	v42 =	vld [tilespmem:$0x1E060]  }
0x44c: {  	v32 =	vld [tilespmem:$0x1E070];
	_ =	sdelay $0x2  }
0x44d: {  	[tilespmem:$0x1E8C0] =	vst v0;
	v0 =	vadd.f32 v1, v3;
	v1 =	vmul.f32 v28, v31;
	_ =	sdelay $0x1  }
0x44e: {  	v13 =	vor.u32 s6, v43;
	v43 =	vor.u32 s6, v26;
	[tilespmem:$0x1EE50] =	vst v1;
	v1 =	vmul.f32 v42, v32  }
0x44f: {  	v6 =	vmov v13  }
0x450: {  	[tilespmem:$0x1EE60] =	vst v1;
	v1 =	vld [tilespmem:$0x1E080];
	_ =	sdelay $0x2  }
0x451: {  	v24 =	vld.idx.msk [tilespmem:v43+s7+$0x0], $0xffff  }
0x452: {  	v7 =	vld.idx.msk [tilespmem:v6+s17+$0x0], $0xffff  }
0x453: {  	[tilespmem:$0x1E8B0] =	vst v0;
	v0 =	vadd.f32 v1, v2;
	v2 =	vld [tilespmem:$0x1E090]  }
0x454: {  	v6 =	vld.idx.msk [tilespmem:v43+s17+$0x0], $0xffff  }
0x455: {  	[tilespmem:$0x1E630] =	vst v43;
	v43 =	vld [tilespmem:$0x1E0A0];
	_ =	sdelay $0x2  }
0x456: {  	v1 =	vmul.f32 v2, v31;
	_ =	sdelay $0x1  }
0x457: {  	v33 =	vld [tilespmem:$0x1E0D0];
	[tilespmem:$0x1F460] =	vst v1;
	v1 =	vmul.f32 v43, v32  }
0x458: {  	v3 =	vld [tilespmem:$0x1E0C0]  }
0x459: {  	[tilespmem:$0x1F470] =	vst v1;
	v1 =	vld [tilespmem:$0x1E0B0]  }
0x45a: {  	v40 =	vld [tilespmem:$0x1E0E0]  }
0x45b: {  	v34 =	vld [tilespmem:$0x1E0F0];
	_ =	sdelay $0x2  }
0x45c: {  	[tilespmem:$0x1E8E0] =	vst v0;
	v0 =	vadd.f32 v1, v9;
	v1 =	vmul.f32 v3, v33;
	_ =	sdelay $0x1  }
0x45d: {  	[tilespmem:$0x1EE20] =	vst v1;
	v1 =	vmul.f32 v40, v34  }
0x45e: {  	v12 =	vld [tilespmem:$0x1E110]  }
0x45f: {  	[tilespmem:$0x1EE30] =	vst v1;
	v1 =	vld [tilespmem:$0x1E100];
	_ =	sdelay $0x1  }
0x460: {  	v15 =	vor.u32 s6, v39;
	v39 =	vld [tilespmem:$0x1E120];
	_ =	sdelay $0x2  }
0x461: {  	[tilespmem:$0x1E8D0] =	vst v0;
	v0 =	vadd.f32 v1, v5;
	v1 =	vmul.f32 v12, v33;
	_ =	sdelay $0x1  }
0x462: {  	[tilespmem:$0x1F430] =	vst v1;
	v1 =	vmul.f32 v39, v34;
	_ =	sdelay $0x1  }
0x463: {  	[tilespmem:$0x1F440] =	vst v1;
	v1 =	vld [tilespmem:$0x1E130];
	_ =	sdelay $0x2  }
0x464: {  	v10 =	vld.idx.msk [tilespmem:v36+s7+$0x0], $0xffff  }
0x465: {  	v35 =	vld [tilespmem:$0x1E150]  }
0x466: {  	[tilespmem:$0x1E910] =	vst v0;
	v0 =	vadd.f32 v1, v8;
	v8 =	vld [tilespmem:$0x1E140]  }
0x467: {  	v59 =	vld [tilespmem:$0x1E170]  }
0x468: {  	v36 =	vld [tilespmem:$0x1E160];
	_ =	sdelay $0x2  }
0x469: {  	v37 =	vor.u32 s6, v37;
	v26 =	vld.idx.msk [tilespmem:v57+s7+$0x0], $0xffff;
	v1 =	vmul.f32 v8, v35  }
0x46a: {  	v57 =	vld.idx.msk [tilespmem:v29+s7+$0x0], $0xffff  }
0x46b: {  	v5 =	vld [tilespmem:$0x1E810];
	[tilespmem:$0x1EDF0] =	vst v1;
	v1 =	vmul.f32 v36, v59  }
0x46c: {  	[tilespmem:$0x1E510] =	vst v29;
	v29 =	vld.idx.msk [tilespmem:v29+s17+$0x0], $0xffff  }
0x46d: {  	[tilespmem:$0x1EE00] =	vst v1;
	v1 =	vld [tilespmem:$0x1E180]  }
0x46e: {  	v46 =	vld.idx.msk [tilespmem:v37+s7+$0x0], $0xffff  }
0x46f: {  	[tilespmem:$0x1E6D0] =	vst v37;
	v37 =	vld.idx.msk [tilespmem:v37+s17+$0x0], $0xffff  }
0x470: {  	v56 =	vld.idx.msk [tilespmem:v15+s7+$0x0], $0xffff  }
0x471: {  	[tilespmem:$0x1E590] =	vst v13;
	v13 =	vld.idx.msk [tilespmem:v13+s7+$0x0], $0xffff  }
0x472: {  	v9 =	vld.idx.msk [tilespmem:v15+s17+$0x0], $0xffff;
	[tilespmem:$0x1E900] =	vst v0;
	v0 =	vadd.f32 v1, v4  }
0x473: {  	[tilespmem:$0x1E770] =	vst v15;
	v58 =	vld.idx.msk [tilespmem:v5+s7+$0x0], $0xffff  }
0x474: {  	v5 =	vld.idx.msk [tilespmem:v5+s17+$0x0], $0xffff;
	[tilespmem:$0x1E940] =	vst v0  }
0x475: {  	v17 =	vld [tilespmem:$0x1E190];
	_ =	sdelay $0x1  }
0x476: {  	v38 =	vld [tilespmem:$0x1E1A0];
	_ =	sdelay $0x2  }
0x477: {  	v1 =	vmul.f32 v17, v35;
	_ =	sdelay $0x1  }
0x478: {  	[tilespmem:$0x1F400] =	vst v1;
	v1 =	vmul.f32 v38, v59;
	_ =	sdelay $0x1  }
0x479: {  	[tilespmem:$0x1F410] =	vst v1;
	v1 =	vld [tilespmem:$0x1E1B0];
	_ =	sdelay $0x3  }
0x47a: {  	v61 =	vld [tilespmem:$0x1E1C0]  }
0x47b: {  	v0 =	vadd.f32 v1, v28;
	v28 =	vld [tilespmem:$0x1E1D0]  }
0x47c: {  	v33 =	vld [tilespmem:$0x1E1E0]  }
0x47d: {  	v15 =	vld [tilespmem:$0x1E1F0];
	_ =	sdelay $0x2  }
0x47e: {  	v1 =	vmul.f32 v28, v61;
	_ =	sdelay $0x1  }
0x47f: {  	[tilespmem:$0x1EDC0] =	vst v1;
	v1 =	vmul.f32 v33, v15  }
0x480: {  	v59 =	vld [tilespmem:$0x1E210]  }
0x481: {  	[tilespmem:$0x1EDD0] =	vst v1;
	v1 =	vld [tilespmem:$0x1E200];
	_ =	sdelay $0x1  }
0x482: {  	v34 =	vld [tilespmem:$0x1E220];
	_ =	sdelay $0x2  }
0x483: {  	[tilespmem:$0x1E930] =	vst v0;
	v0 =	vadd.f32 v1, v2;
	v1 =	vmul.f32 v59, v61;
	_ =	sdelay $0x1  }
0x484: {  	[tilespmem:$0x1F3D0] =	vst v1;
	v1 =	vmul.f32 v34, v15;
	_ =	sdelay $0x1  }
0x485: {  	[tilespmem:$0x1F3E0] =	vst v1;
	v1 =	vld [tilespmem:$0x1E230];
	_ =	sdelay $0x3  }
0x486: {  	v61 =	vld [tilespmem:$0x1E250]  }
0x487: {  	[tilespmem:$0x1E980] =	vst v0;
	v0 =	vadd.f32 v1, v3;
	v3 =	vld [tilespmem:$0x1E240]  }
0x488: {  	v20 =	vld [tilespmem:$0x1E260]  }
0x489: {  	v25 =	vld [tilespmem:$0x1E270];
	_ =	sdelay $0x2  }
0x48a: {  	v2 =	vmul.f32 v61, v3;
	_ =	sdelay $0x1  }
0x48b: {  	[tilespmem:$0x1ED90] =	vst v2;
	v2 =	vmul.f32 v20, v25;
	_ =	sdelay $0x1  }
0x48c: {  	[tilespmem:$0x1EDA0] =	vst v2;
	v2 =	vld [tilespmem:$0x1E280];
	_ =	sdelay $0x4  }
0x48d: {  	[tilespmem:$0x1E970] =	vst v0;
	v0 =	vadd.f32 v2, v12  }
0x48e: {  	v30 =	vor.u32 s6, v30  }
0x48f: {  	v1 =	vmov v30;
	[tilespmem:$0x1E9A0] =	vst v0;
	v0 =	vld [tilespmem:$0x1E290];
	_ =	sdelay $0x1  }
0x490: {  	v32 =	vld [tilespmem:$0x1E2A0];
	_ =	sdelay $0x2  }
0x491: {  	v31 =	vld.idx.msk [tilespmem:v1+s17+$0x0], $0xffff;
	v1 =	vmul.f32 v0, v3;
	_ =	sdelay $0x1  }
0x492: {  	[tilespmem:$0x1F3A0] =	vst v1;
	v1 =	vmul.f32 v32, v25;
	_ =	sdelay $0x1  }
0x493: {  	[tilespmem:$0x1F3B0] =	vst v1;
	v1 =	vld [tilespmem:$0x1E2B0]  }
0x494: {  	v2 =	vld [tilespmem:$0x1E2C0]  }
0x495: {  	v25 =	vld [tilespmem:$0x1E2D0]  }
0x496: {  	v22 =	vld [tilespmem:$0x1E2E0]  }
0x497: {  	v3 =	vld [tilespmem:$0x1E2F0]  }
0x498: {  	v1 =	vadd.f32 v1, v8;
	_ =	sdelay $0x1  }
0x499: {  	[tilespmem:$0x1E990] =	vst v1;
	v1 =	vmul.f32 v25, v2;
	_ =	sdelay $0x1  }
0x49a: {  	[tilespmem:$0x1ED60] =	vst v1;
	v1 =	vmul.f32 v22, v3;
	_ =	sdelay $0x1  }
0x49b: {  	[tilespmem:$0x1ED70] =	vst v1;
	v1 =	vld [tilespmem:$0x1E300];
	_ =	sdelay $0x3  }
0x49c: {  	v21 =	vld [tilespmem:$0x1E310]  }
0x49d: {  	v1 =	vadd.f32 v1, v17;
	_ =	sdelay $0x1  }
0x49e: {  	[tilespmem:$0x1E9C0] =	vst v1;
	v1 =	vmul.f32 v23, v2;
	_ =	sdelay $0x1  }
0x49f: {  	[tilespmem:$0x1F370] =	vst v1;
	v1 =	vmul.f32 v21, v3;
	_ =	sdelay $0x1  }
0x4a0: {  	[tilespmem:$0x1F380] =	vst v1;
	v1 =	vld [tilespmem:$0x1E320];
	_ =	sdelay $0x4  }
0x4a1: {  	v1 =	vadd.f32 v1, v28;
	_ =	sdelay $0x1  }
0x4a2: {  	[tilespmem:$0x1E9B0] =	vst v1;
	v1 =	vld [tilespmem:$0x1E330];
	_ =	sdelay $0x4  }
0x4a3: {  	v2 =	vmul.f32 v26, v1;
	_ =	sdelay $0x1  }
0x4a4: {  	[tilespmem:$0x1ED30] =	vst v2;
	v2 =	vld [tilespmem:$0x1E340];
	_ =	sdelay $0x4  }
0x4a5: {  	v2 =	vadd.f32 v2, v61;
	_ =	sdelay $0x1  }
0x4a6: {  	[tilespmem:$0x1E9E0] =	vst v2;
	v2 =	vld [tilespmem:$0x1E350];
	_ =	sdelay $0x4  }
0x4a7: {  	v12 =	vld [tilespmem:$0x1E360];
	v2 =	vadd.f32 v2, v59  }
0x4a8: {  	v28 =	vld.idx.msk [tilespmem:v53+s7+$0x0], $0xffff  }
0x4a9: {  	[tilespmem:$0x1E9F0] =	vst v2;
	v2 =	vld.idx.msk [tilespmem:v53+s17+$0x0], $0xffff  }
0x4aa: {  	v61 =	vmov v53;
	v53 =	vld [tilespmem:$0x1E370];
	_ =	sdelay $0x4  }
0x4ab: {  	v3 =	vmul.f32 v12, v53;
	_ =	sdelay $0x1  }
0x4ac: {  	[tilespmem:$0x1ED40] =	vst v3;
	v3 =	vld [tilespmem:$0x1E380];
	_ =	sdelay $0x4  }
0x4ad: {  	v3 =	vadd.f32 v3, v25;
	_ =	sdelay $0x1  }
0x4ae: {  	[tilespmem:$0x1EA10] =	vst v3;
	v3 =	vld [tilespmem:$0x1E390];
	_ =	sdelay $0x4  }
0x4af: {  	v0 =	vadd.f32 v3, v0;
	_ =	sdelay $0x1  }
0x4b0: {  	[tilespmem:$0x1EA20] =	vst v0;
	v0 =	vld [tilespmem:$0x1E3B0];
	_ =	sdelay $0x4  }
0x4b1: {  	v0 =	vadd.f32 v0, v26;
	_ =	sdelay $0x1  }
0x4b2: {  	[tilespmem:$0x1EA30] =	vst v0;
	v0 =	vld [tilespmem:$0x1E3C0];
	_ =	sdelay $0x4  }
0x4b3: {  	v0 =	vadd.f32 v0, v23;
	_ =	sdelay $0x1  }
0x4b4: {  	[tilespmem:$0x1EA40] =	vst v0;
	v0 =	vld [tilespmem:$0x1E3D0];
	_ =	sdelay $0x4  }
0x4b5: {  	v0 =	vadd.f32 v0, v10;
	_ =	sdelay $0x1  }
0x4b6: {  	[tilespmem:$0x1EA50] =	vst v0;
	v0 =	vld [tilespmem:$0x1E3E0];
	_ =	sdelay $0x1  }
0x4b7: {  	v17 =	vld [tilespmem:$0x1E3F0];
	_ =	sdelay $0x2  }
0x4b8: {  	v0 =	vadd.f32 v0, v16;
	_ =	sdelay $0x1  }
0x4b9: {  	[tilespmem:$0x1EA60] =	vst v0;
	v0 =	vmul.f32 v17, v53;
	_ =	sdelay $0x1  }
0x4ba: {  	[tilespmem:$0x1F350] =	vst v0;
	v0 =	vld [tilespmem:$0x1E410];
	_ =	sdelay $0x4  }
0x4bb: {  	v0 =	vadd.f32 v0, v18;
	_ =	sdelay $0x1  }
0x4bc: {  	[tilespmem:$0x1EA80] =	vst v0;
	v0 =	vld [tilespmem:$0x1E420];
	_ =	sdelay $0x2  }
0x4bd: {  	v1 =	vmul.f32 v16, v1;
	_ =	sdelay $0x1  }
0x4be: {  	[tilespmem:$0x1F340] =	vst v1;
	v1 =	vmul.f32 v10, v0;
	v10 =	vadd.f32 v11, v63;
	_ =	sdelay $0x1  }
0x4bf: {  	[tilespmem:$0x1EAB0] =	vst v10;
	v10 =	vld [tilespmem:$0x1E440]  }
0x4c0: {  	v15 =	vld [tilespmem:$0x1E450]  }
0x4c1: {  	v16 =	vld [tilespmem:$0x1E460];
	_ =	sdelay $0x2  }
0x4c2: {  	v10 =	vadd.f32 v10, v27;
	_ =	sdelay $0x1  }
0x4c3: {  	[tilespmem:$0x1EAC0] =	vst v10;
	v10 =	vmul.f32 v15, v16;
	_ =	sdelay $0x1  }
0x4c4: {  	[tilespmem:$0x1ED10] =	vst v10;
	v10 =	vadd.f32 v51, v14;
	_ =	sdelay $0x1  }
0x4c5: {  	[tilespmem:$0x1EAD0] =	vst v10;
	v10 =	vadd.f32 v55, v41  }
0x4c6: {  	v11 =	vld [tilespmem:$0x1E470]  }
0x4c7: {  	[tilespmem:$0x1EAE0] =	vst v10;
	v10 =	vmul.f32 v19, v0;
	v0 =	vadd.f32 v7, v13  }
0x4c8: {  	[tilespmem:$0x1ED00] =	vst v1  }
0x4c9: {  	v1 =	vld [tilespmem:$0x1E430];
	[tilespmem:$0x1EAF0] =	vst v0;
	v0 =	vadd.f32 v29, v57  }
0x4ca: {  	v7 =	vld [tilespmem:$0x1E490]  }
0x4cb: {  	[tilespmem:$0x1EB00] =	vst v0;
	v0 =	vadd.f32 v37, v46;
	_ =	sdelay $0x1  }
0x4cc: {  	[tilespmem:$0x1EB20] =	vst v0;
	v0 =	vadd.f32 v6, v24  }
0x4cd: {  	v26 =	vld.idx.msk [tilespmem:v11+s7+$0x0], $0xffff  }
0x4ce: {  	v1 =	vadd.f32 v1, v19;
	v19 =	vld.idx.msk [tilespmem:v11+s17+$0x0], $0xffff;
	[tilespmem:$0x1EB30] =	vst v0;
	v0 =	vmul.f32 v18, v7  }
0x4cf: {  	v51 =	vmov v11;
	v11 =	vld [tilespmem:$0x1E480]  }
0x4d0: {  	[tilespmem:$0x1ECD0] =	vst v0;
	v0 =	vadd.f32 v5, v58;
	_ =	sdelay $0x1  }
0x4d1: {  	v4 =	vld [tilespmem:$0x1E890];
	[tilespmem:$0x1EB50] =	vst v0;
	v0 =	vadd.f32 v9, v56  }
0x4d2: {  	[tilespmem:$0x1F310] =	vst v10  }
0x4d3: {  	v10 =	vmul.f32 v11, v16;
	[tilespmem:$0x1EB60] =	vst v0;
	v0 =	vld [tilespmem:$0x1E4B0]  }
0x4d4: {  	v8 =	vld [tilespmem:$0x1E950]  }
0x4d5: {  	[tilespmem:$0x1F320] =	vst v10;
	v10 =	vld [tilespmem:$0x1E4C0]  }
0x4d6: {  	v5 =	vld [tilespmem:$0x1E4D0];
	_ =	sdelay $0x1  }
0x4d7: {  	[tilespmem:$0x1E8F0] =	vst v30;
	v30 =	vld.idx.msk [tilespmem:v30+s7+$0x0], $0xffff  }
0x4d8: {  	v62 =	vld.idx.msk [tilespmem:v4+s7+$0x0], $0xffff  }
0x4d9: {  	v4 =	vld.idx.msk [tilespmem:v4+s17+$0x0], $0xffff  }
0x4da: {  	v16 =	vld.idx.msk [tilespmem:v0+s16+$0x0], $0xffff;
	v0 =	vmul.f32 v10, v5  }
0x4db: {  	v35 =	vld.idx.msk [tilespmem:v8+s7+$0x0], $0xffff  }
0x4dc: {  	v8 =	vld.idx.msk [tilespmem:v8+s17+$0x0], $0xffff;
	[tilespmem:$0x1ECE0] =	vst v0;
	v0 =	vadd.f32 v31, v30  }
0x4dd: {  	v59 =	vld [tilespmem:$0x1E3A0]  }
0x4de: {  	[tilespmem:$0x1EB90] =	vst v0;
	v0 =	vadd.f32 v4, v62;
	_ =	sdelay $0x1  }
0x4df: {  	[tilespmem:$0x1EB70] =	vst v0;
	v0 =	vadd.f32 v2, v28;
	_ =	sdelay $0x1  }
0x4e0: {  	v55 =	vld [tilespmem:$0x1E4F0];
	[tilespmem:$0x1EB80] =	vst v0;
	v0 =	vadd.f32 v8, v35;
	_ =	sdelay $0x1  }
0x4e1: {  	[tilespmem:$0x1EBB0] =	vst v0;
	v0 =	vld [tilespmem:$0x1E4E0]  }
0x4e2: {  	v25 =	vld.idx.msk [tilespmem:v59+s7+$0x0], $0xffff  }
0x4e3: {  	v3 =	vld.idx.msk [tilespmem:v59+s17+$0x0], $0xffff  }
0x4e4: {  	v53 =	vld [tilespmem:$0x1E400];
	v2 =	vmul.f32 v55, v5;
	_ =	sdelay $0x1  }
0x4e5: {  	[tilespmem:$0x1F2F0] =	vst v2;
	v2 =	vld [tilespmem:$0x1E500];
	_ =	sdelay $0x1  }
0x4e6: {  	v6 =	vld [tilespmem:$0x1E4A0]  }
0x4e7: {  	v4 =	vmul.f32 v27, v7;
	v7 =	vld.idx.msk [tilespmem:v0+s16+$0x0], $0xffff;
	v0 =	vadd.f32 v3, v25;
	_ =	sdelay $0x1  }
0x4e8: {  	[tilespmem:$0x1EBD0] =	vst v0;
	v0 =	vmul.f32 v63, v2  }
0x4e9: {  	v23 =	vld.idx.msk [tilespmem:v53+s7+$0x0], $0xffff;
	[tilespmem:$0x1EA90] =	vst v1  }
0x4ea: {  	v1 =	vld.idx.msk [tilespmem:v53+s17+$0x0], $0xffff;
	[tilespmem:$0x1ECA0] =	vst v0;
	v0 =	vadd.f32 v19, v26;
	_ =	sdelay $0x1  }
0x4eb: {  	[tilespmem:$0x1EBC0] =	vst v0;
	v0 =	vld [tilespmem:$0x1E510]  }
0x4ec: {  	v37 =	vld.idx.msk [tilespmem:v6+s16+$0x0], $0xffff  }
0x4ed: {  	v6 =	vld [tilespmem:$0x1E530]  }
0x4ee: {  	v31 =	vadd.f32 v1, v23;
	v1 =	vld [tilespmem:$0x1E520];
	_ =	sdelay $0x4  }
0x4ef: {  	v9 =	vld.idx.msk [tilespmem:v0+s16+$0x0], $0xffff;
	v0 =	vmul.f32 v6, v1  }
0x4f0: {  	v3 =	vld [tilespmem:$0x1E550]  }
0x4f1: {  	[tilespmem:$0x1ECB0] =	vst v0;
	v0 =	vld [tilespmem:$0x1E540];
	_ =	sdelay $0x4  }
0x4f2: {  	v0 =	vsub.f32 v3, v0;
	_ =	sdelay $0x1  }
0x4f3: {  	[tilespmem:$0x1F180] =	vst v0;
	v0 =	vmul.f32 v41, v2  }
0x4f4: {  	v2 =	vld [tilespmem:$0x1E570]  }
0x4f5: {  	[tilespmem:$0x1F2B0] =	vst v0;
	v0 =	vld [tilespmem:$0x1E560];
	_ =	sdelay $0x4  }
0x4f6: {  	v0 =	vsub.f32 v2, v0;
	_ =	sdelay $0x1  }
0x4f7: {  	[tilespmem:$0x1F140] =	vst v0;
	v0 =	vld [tilespmem:$0x1E580];
	_ =	sdelay $0x4  }
0x4f8: {  	v0 =	vsub.f32 v0, v37;
	_ =	sdelay $0x1  }
0x4f9: {  	[tilespmem:$0x1F6F0] =	vst v0;
	v0 =	vld [tilespmem:$0x1E590];
	_ =	sdelay $0x7  }
0x4fa: {  	v27 =	vld.idx.msk [tilespmem:v0+s16+$0x0], $0xffff;
	v0 =	vmul.f32 v16, v1  }
0x4fb: {  	v1 =	vld [tilespmem:$0x1E5B0]  }
0x4fc: {  	[tilespmem:$0x1F2C0] =	vst v0;
	v0 =	vld [tilespmem:$0x1E5A0];
	_ =	sdelay $0x4  }
0x4fd: {  	v0 =	vsub.f32 v1, v0  }
0x4fe: {  	v1 =	vld [tilespmem:$0x1E5D0]  }
0x4ff: {  	[tilespmem:$0x1F100] =	vst v0;
	v0 =	vld [tilespmem:$0x1E5C0];
	_ =	sdelay $0x4  }
0x500: {  	v0 =	vsub.f32 v1, v0;
	v1 =	vld [tilespmem:$0x1E5E0];
	_ =	sdelay $0x4  }
0x501: {  	[tilespmem:$0x1F6C0] =	vst v0;
	v0 =	vmul.f32 v14, v1  }
0x502: {  	v2 =	vld [tilespmem:$0x1E600]  }
0x503: {  	[tilespmem:$0x1EC70] =	vst v0;
	v0 =	vld [tilespmem:$0x1E5F0];
	_ =	sdelay $0x4  }
0x504: {  	v0 =	vsub.f32 v2, v0  }
0x505: {  	v2 =	vld [tilespmem:$0x1E620]  }
0x506: {  	[tilespmem:$0x1F0C0] =	vst v0;
	v0 =	vld [tilespmem:$0x1E610];
	_ =	sdelay $0x4  }
0x507: {  	v0 =	vsub.f32 v2, v0;
	_ =	sdelay $0x1  }
0x508: {  	[tilespmem:$0x1F690] =	vst v0;
	v0 =	vld [tilespmem:$0x1E630];
	_ =	sdelay $0x2  }
0x509: {  	v2 =	vld [tilespmem:$0x1E640];
	_ =	sdelay $0x4  }
0x50a: {  	v14 =	vld.idx.msk [tilespmem:v0+s16+$0x0], $0xffff;
	v0 =	vmul.f32 v7, v2  }
0x50b: {  	v3 =	vld [tilespmem:$0x1E660]  }
0x50c: {  	[tilespmem:$0x1EC80] =	vst v0;
	v0 =	vld [tilespmem:$0x1E650];
	_ =	sdelay $0x4  }
0x50d: {  	v0 =	vsub.f32 v3, v0  }
0x50e: {  	v3 =	vld [tilespmem:$0x1E680]  }
0x50f: {  	[tilespmem:$0x1F080] =	vst v0;
	v0 =	vld [tilespmem:$0x1E670];
	_ =	sdelay $0x4  }
0x510: {  	v0 =	vsub.f32 v3, v0;
	_ =	sdelay $0x1  }
0x511: {  	[tilespmem:$0x1F660] =	vst v0;
	v0 =	vmul.f32 v57, v1  }
0x512: {  	v1 =	vld [tilespmem:$0x1E6A0]  }
0x513: {  	[tilespmem:$0x1F290] =	vst v0;
	v0 =	vld [tilespmem:$0x1E690];
	_ =	sdelay $0x4  }
0x514: {  	v0 =	vsub.f32 v1, v0  }
0x515: {  	v1 =	vld [tilespmem:$0x1E6C0]  }
0x516: {  	[tilespmem:$0x1F040] =	vst v0;
	v0 =	vld [tilespmem:$0x1E6B0];
	_ =	sdelay $0x4  }
0x517: {  	v0 =	vsub.f32 v1, v0;
	_ =	sdelay $0x1  }
0x518: {  	[tilespmem:$0x1F630] =	vst v0;
	v0 =	vld [tilespmem:$0x1E6D0];
	_ =	sdelay $0x7  }
0x519: {  	v29 =	vld.idx.msk [tilespmem:v0+s16+$0x0], $0xffff;
	v0 =	vmul.f32 v9, v2  }
0x51a: {  	v1 =	vld [tilespmem:$0x1E6F0]  }
0x51b: {  	[tilespmem:$0x1F2A0] =	vst v0;
	v0 =	vld [tilespmem:$0x1E6E0];
	_ =	sdelay $0x4  }
0x51c: {  	v0 =	vsub.f32 v1, v0  }
0x51d: {  	v1 =	vld [tilespmem:$0x1E710]  }
0x51e: {  	[tilespmem:$0x1F000] =	vst v0;
	v0 =	vld [tilespmem:$0x1E700];
	_ =	sdelay $0x1  }
0x51f: {  	v2 =	vld [tilespmem:$0x1E720];
	_ =	sdelay $0x2  }
0x520: {  	v0 =	vsub.f32 v1, v0;
	_ =	sdelay $0x1  }
0x521: {  	[tilespmem:$0x1F600] =	vst v0;
	v0 =	vmul.f32 v13, v2  }
0x522: {  	v1 =	vld [tilespmem:$0x1E740]  }
0x523: {  	[tilespmem:$0x1EC40] =	vst v0;
	v0 =	vld [tilespmem:$0x1E730];
	_ =	sdelay $0x4  }
0x524: {  	v0 =	vsub.f32 v1, v0  }
0x525: {  	v1 =	vld [tilespmem:$0x1E760]  }
0x526: {  	[tilespmem:$0x1EFC0] =	vst v0;
	v0 =	vld [tilespmem:$0x1E750];
	_ =	sdelay $0x4  }
0x527: {  	v0 =	vsub.f32 v1, v0;
	_ =	sdelay $0x1  }
0x528: {  	[tilespmem:$0x1F5D0] =	vst v0;
	v0 =	vld [tilespmem:$0x1E770];
	_ =	sdelay $0x2  }
0x529: {  	v1 =	vld [tilespmem:$0x1E780];
	_ =	sdelay $0x4  }
0x52a: {  	v13 =	vld.idx.msk [tilespmem:v0+s16+$0x0], $0xffff;
	v0 =	vmul.f32 v27, v1  }
0x52b: {  	v3 =	vld [tilespmem:$0x1E7A0]  }
0x52c: {  	[tilespmem:$0x1EC50] =	vst v0;
	v0 =	vld [tilespmem:$0x1E790];
	_ =	sdelay $0x4  }
0x52d: {  	v0 =	vsub.f32 v3, v0  }
0x52e: {  	v3 =	vld [tilespmem:$0x1E7C0]  }
0x52f: {  	[tilespmem:$0x1EF80] =	vst v0;
	v0 =	vld [tilespmem:$0x1E7B0];
	_ =	sdelay $0x4  }
0x530: {  	v0 =	vsub.f32 v3, v0;
	_ =	sdelay $0x1  }
0x531: {  	[tilespmem:$0x1F5A0] =	vst v0;
	v0 =	vmul.f32 v24, v2  }
0x532: {  	v2 =	vld [tilespmem:$0x1E7E0]  }
0x533: {  	[tilespmem:$0x1F270] =	vst v0;
	v0 =	vld [tilespmem:$0x1E7D0];
	_ =	sdelay $0x4  }
0x534: {  	v0 =	vsub.f32 v2, v0  }
0x535: {  	v2 =	vld [tilespmem:$0x1E800]  }
0x536: {  	[tilespmem:$0x1EF40] =	vst v0;
	v0 =	vld [tilespmem:$0x1E7F0];
	_ =	sdelay $0x4  }
0x537: {  	v0 =	vsub.f32 v2, v0;
	_ =	sdelay $0x1  }
0x538: {  	[tilespmem:$0x1F570] =	vst v0;
	v0 =	vld [tilespmem:$0x1E810];
	_ =	sdelay $0x7  }
0x539: {  	v24 =	vld.idx.msk [tilespmem:v0+s16+$0x0], $0xffff;
	v0 =	vmul.f32 v14, v1;
	_ =	sdelay $0x1  }
0x53a: {  	[tilespmem:$0x1F280] =	vst v0;
	v0 =	vld [tilespmem:$0x1E820];
	_ =	sdelay $0x4  }
0x53b: {  	v0 =	vsub.f32 v0, v54  }
0x53c: {  	v1 =	vld [tilespmem:$0x1E840]  }
0x53d: {  	[tilespmem:$0x1EF00] =	vst v0;
	v0 =	vld [tilespmem:$0x1E830];
	_ =	sdelay $0x4  }
0x53e: {  	v0 =	vsub.f32 v1, v0  }
0x53f: {  	v1 =	vld [tilespmem:$0x1E850]  }
0x540: {  	[tilespmem:$0x1F540] =	vst v0;
	v0 =	vld [tilespmem:$0x1E860];
	_ =	sdelay $0x3  }
0x541: {  	v2 =	vld [tilespmem:$0x1E880]  }
0x542: {  	v54 =	vmul.f32 v46, v1;
	v46 =	vsub.f32 v0, v52;
	v0 =	vld [tilespmem:$0x1E870];
	_ =	sdelay $0x4  }
0x543: {  	v0 =	vsub.f32 v2, v0;
	_ =	sdelay $0x1  }
0x544: {  	[tilespmem:$0x1F510] =	vst v0;
	v0 =	vld [tilespmem:$0x1E890];
	_ =	sdelay $0x7  }
0x545: {  	[tilespmem:$0x1F2E0] =	vst v4;
	v4 =	vld.idx.msk [tilespmem:v0+s16+$0x0], $0xffff  }
0x546: {  	v0 =	vld [tilespmem:$0x1E8B0];
	_ =	sdelay $0x4  }
0x547: {  	v41 =	vsub.f32 v0, v50;
	v0 =	vld [tilespmem:$0x1E8C0];
	_ =	sdelay $0x4  }
0x548: {  	v0 =	vsub.f32 v0, v60;
	_ =	sdelay $0x1  }
0x549: {  	[tilespmem:$0x1F4E0] =	vst v0;
	v0 =	vmul.f32 v56, v1;
	_ =	sdelay $0x1  }
0x54a: {  	[tilespmem:$0x1F250] =	vst v0;
	v0 =	vld [tilespmem:$0x1E8D0];
	_ =	sdelay $0x4  }
0x54b: {  	[tilespmem:$0x1F730] =	vst v37;
	v37 =	vsub.f32 v0, v47;
	v0 =	vld [tilespmem:$0x1E8E0];
	_ =	sdelay $0x4  }
0x54c: {  	v0 =	vsub.f32 v0, v49;
	_ =	sdelay $0x1  }
0x54d: {  	[tilespmem:$0x1F4B0] =	vst v0;
	v0 =	vld [tilespmem:$0x1E8F0];
	_ =	sdelay $0x2  }
0x54e: {  	v2 =	vld [tilespmem:$0x1E8A0];
	_ =	sdelay $0x4  }
0x54f: {  	v3 =	vld.idx.msk [tilespmem:v0+s16+$0x0], $0xffff;
	v0 =	vmul.f32 v13, v2;
	_ =	sdelay $0x1  }
0x550: {  	[tilespmem:$0x1F260] =	vst v0;
	v0 =	vld [tilespmem:$0x1E900];
	_ =	sdelay $0x4  }
0x551: {  	v50 =	vsub.f32 v0, v45;
	v0 =	vld [tilespmem:$0x1E910];
	_ =	sdelay $0x4  }
0x552: {  	v0 =	vsub.f32 v0, v48;
	_ =	sdelay $0x1  }
0x553: {  	[tilespmem:$0x1F480] =	vst v0;
	v0 =	vld [tilespmem:$0x1E930];
	_ =	sdelay $0x4  }
0x554: {  	v57 =	vsub.f32 v0, v42;
	v0 =	vld [tilespmem:$0x1E940];
	_ =	sdelay $0x4  }
0x555: {  	v0 =	vsub.f32 v0, v44;
	_ =	sdelay $0x1  }
0x556: {  	[tilespmem:$0x1F450] =	vst v0;
	v0 =	vld [tilespmem:$0x1E950];
	_ =	sdelay $0x7  }
0x557: {  	v52 =	vmul.f32 v29, v2;
	v2 =	vld.idx.msk [tilespmem:v0+s16+$0x0], $0xffff  }
0x558: {  	v0 =	vld [tilespmem:$0x1E970];
	_ =	sdelay $0x4  }
0x559: {  	v63 =	vsub.f32 v0, v40;
	v0 =	vld [tilespmem:$0x1E980];
	_ =	sdelay $0x1  }
0x55a: {  	v1 =	vld [tilespmem:$0x1E920];
	_ =	sdelay $0x2  }
0x55b: {  	v0 =	vsub.f32 v0, v43;
	_ =	sdelay $0x1  }
0x55c: {  	[tilespmem:$0x1F420] =	vst v0;
	v0 =	vmul.f32 v62, v1;
	_ =	sdelay $0x1  }
0x55d: {  	[tilespmem:$0x1F230] =	vst v0;
	v0 =	vld [tilespmem:$0x1E990];
	_ =	sdelay $0x4  }
0x55e: {  	v19 =	vsub.f32 v0, v36;
	v0 =	vld [tilespmem:$0x1E9A0];
	_ =	sdelay $0x1  }
0x55f: {  	v5 =	vld [tilespmem:$0x1E960];
	_ =	sdelay $0x2  }
0x560: {  	v0 =	vsub.f32 v0, v39;
	_ =	sdelay $0x1  }
0x561: {  	[tilespmem:$0x1F3F0] =	vst v0;
	v0 =	vmul.f32 v4, v5;
	_ =	sdelay $0x1  }
0x562: {  	[tilespmem:$0x1F240] =	vst v0;
	v0 =	vld [tilespmem:$0x1E9B0];
	_ =	sdelay $0x4  }
0x563: {  	v62 =	vsub.f32 v0, v33;
	v0 =	vld [tilespmem:$0x1E9C0];
	_ =	sdelay $0x4  }
0x564: {  	v0 =	vsub.f32 v0, v38;
	_ =	sdelay $0x1  }
0x565: {  	[tilespmem:$0x1F3C0] =	vst v0;
	v0 =	vld [tilespmem:$0x1E9E0];
	_ =	sdelay $0x4  }
0x566: {  	v33 =	vsub.f32 v0, v20;
	v0 =	vld [tilespmem:$0x1E9F0];
	_ =	sdelay $0x4  }
0x567: {  	v0 =	vsub.f32 v0, v34;
	_ =	sdelay $0x1  }
0x568: {  	[tilespmem:$0x1F390] =	vst v0;
	v0 =	vld [tilespmem:$0x1EA10];
	_ =	sdelay $0x4  }
0x569: {  	v44 =	vsub.f32 v0, v22;
	v0 =	vld [tilespmem:$0x1EA20];
	_ =	sdelay $0x4  }
0x56a: {  	v0 =	vsub.f32 v0, v32;
	_ =	sdelay $0x1  }
0x56b: {  	[tilespmem:$0x1F360] =	vst v0;
	v0 =	vld [tilespmem:$0x1EA30];
	_ =	sdelay $0x4  }
0x56c: {  	v60 =	vsub.f32 v0, v12;
	v0 =	vld [tilespmem:$0x1EA40];
	_ =	sdelay $0x4  }
0x56d: {  	v0 =	vsub.f32 v0, v21;
	_ =	sdelay $0x1  }
0x56e: {  	[tilespmem:$0x1F330] =	vst v0;
	v0 =	vld [tilespmem:$0x1EA50];
	_ =	sdelay $0x4  }
0x56f: {  	v15 =	vsub.f32 v0, v15;
	v0 =	vld [tilespmem:$0x1EA60];
	_ =	sdelay $0x4  }
0x570: {  	v0 =	vsub.f32 v0, v17;
	_ =	sdelay $0x1  }
0x571: {  	[tilespmem:$0x1F300] =	vst v0;
	v0 =	vld [tilespmem:$0x1EA80];
	_ =	sdelay $0x4  }
0x572: {  	v45 =	vsub.f32 v0, v10;
	v10 =	vld [tilespmem:$0x1EAB0];
	_ =	sdelay $0x4  }
0x573: {  	v49 =	vsub.f32 v10, v6;
	v6 =	vld [tilespmem:$0x1EAC0];
	_ =	sdelay $0x4  }
0x574: {  	v18 =	vmul.f32 v58, v1;
	v58 =	vsub.f32 v6, v55;
	v6 =	vld [tilespmem:$0x1EAD0];
	_ =	sdelay $0x3  }
0x575: {  	v40 =	vld [tilespmem:$0x1EA00]  }
0x576: {  	v7 =	vsub.f32 v6, v7;
	v6 =	vld [tilespmem:$0x1EAE0];
	_ =	sdelay $0x1  }
0x577: {  	v0 =	vld [tilespmem:$0x1EA90]  }
0x578: {  	v43 =	vld [tilespmem:$0x1EA70]  }
0x579: {  	v12 =	vld.idx.msk [tilespmem:v53+s16+$0x0], $0xffff  }
0x57a: {  	v34 =	vmul.f32 v3, v40;
	v53 =	vmul.f32 v2, v40;
	v40 =	vsub.f32 v6, v16;
	v6 =	vld [tilespmem:$0x1EAF0];
	_ =	sdelay $0x1  }
0x57b: {  	v0 =	vsub.f32 v0, v11;
	_ =	sdelay $0x1  }
0x57c: {  	[tilespmem:$0x1F2D0] =	vst v0;
	v0 =	vld.idx.msk [tilespmem:v51+s16+$0x0], $0xffff  }
0x57d: {  	v8 =	vmul.f32 v28, v43;
	v51 =	vmul.f32 v25, v43;
	v43 =	vsub.f32 v6, v27;
	v6 =	vld [tilespmem:$0x1EB00];
	_ =	sdelay $0x4  }
0x57e: {  	v42 =	vsub.f32 v6, v9;
	v9 =	vld [tilespmem:$0x1EB20];
	_ =	sdelay $0x4  }
0x57f: {  	v29 =	vsub.f32 v9, v29;
	v9 =	vld [tilespmem:$0x1EB30];
	_ =	sdelay $0x4  }
0x580: {  	v39 =	vsub.f32 v9, v14;
	v9 =	vld [tilespmem:$0x1EB50];
	_ =	sdelay $0x4  }
0x581: {  	v56 =	vmul.f32 v24, v5;
	v24 =	vsub.f32 v9, v24;
	v9 =	vld [tilespmem:$0x1EB60];
	_ =	sdelay $0x3  }
0x582: {  	v10 =	vld [tilespmem:$0x1EB40]  }
0x583: {  	v36 =	vsub.f32 v9, v13;
	v9 =	vld [tilespmem:$0x1EB70];
	_ =	sdelay $0x2  }
0x584: {  	v47 =	vld [tilespmem:$0x1EAA0]  }
0x585: {  	v48 =	vld.idx.msk [tilespmem:v59+s16+$0x0], $0xffff  }
0x586: {  	v1 =	vld.idx.msk [tilespmem:v61+s16+$0x0], $0xffff;
	v38 =	vsub.f32 v9, v4;
	v4 =	vmul.f32 v0, v10  }
0x587: {  	v5 =	vld [tilespmem:$0x1E9D0]  }
0x588: {  	[tilespmem:$0x1F220] =	vst v4;
	v4 =	vld [tilespmem:$0x1EB80];
	_ =	sdelay $0x3  }
0x589: {  	v30 =	vmul.f32 v30, v5;
	v61 =	vmul.f32 v35, v5  }
0x58a: {  	v5 =	vmul.f32 v1, v47;
	v55 =	vmul.f32 v48, v47;
	v47 =	vsub.f32 v4, v1;
	v1 =	vld [tilespmem:$0x1EB90];
	_ =	sdelay $0x4  }
0x58b: {  	v59 =	vsub.f32 v1, v3;
	v1 =	vld [tilespmem:$0x1EBB0];
	_ =	sdelay $0x1  }
0x58c: {  	v6 =	vld [tilespmem:$0x1EB10];
	_ =	sdelay $0x2  }
0x58d: {  	v27 =	vsub.f32 v1, v2;
	v2 =	vld [tilespmem:$0x1EBD0]  }
0x58e: {  	v28 =	vld [tilespmem:$0x1F8B0]  }
0x58f: {  	v16 =	vmul.f32 v23, v6;
	v6 =	vmul.f32 v26, v6;
	v26 =	vld [tilespmem:$0x1F890]  }
0x590: {  	v35 =	vmul.f32 v12, v10;
	v12 =	vsub.f32 v31, v12;
	v3 =	vld [tilespmem:$0x1EBA0]  }
0x591: {  	v31 =	vld [tilespmem:$0x1F8D0]  }
0x592: {  	v17 =	vmul.f32 v12, v12;
	v4 =	vsub.f32 v2, v48;
	v2 =	vld [tilespmem:$0x1EBE0]  }
0x593: {  	v1 =	vld [tilespmem:$0x1EBC0]  }
0x594: {  	v22 =	vadd.f32 v17, v26;
	v17 =	vld [tilespmem:$0x1EBF0]  }
0x595: {  	v32 =	vld [tilespmem:$0x1F8E0];
	v12 =	vmul.f32 v12, v3  }
0x596: {  	v23 =	vadd.f32 v16, v31;
	v16 =	vld [tilespmem:$0x1EC00]  }
0x597: {  	v12 =	vadd.f32 v12, v28;
	v13 =	vmul.f32 v47, v2  }
0x598: {  	v1 =	vsub.f32 v1, v0  }
0x599: {  	v0 =	vmul.f32 v47, v47;
	v47 =	vmul.f32 v59, v17;
	v12 =	vadd.f32 v13, v12  }
0x59a: {  	v14 =	vadd.f32 v35, v32  }
0x59b: {  	v10 =	vld [tilespmem:$0x1EC10];
	v35 =	vmul.f32 v59, v59;
	v59 =	vmul.f32 v24, v16;
	v12 =	vadd.f32 v47, v12  }
0x59c: {  	v0 =	vadd.f32 v0, v22  }
0x59d: {  	v11 =	vadd.f32 v59, v12;
	v59 =	vld [tilespmem:$0x1EC20]  }
0x59e: {  	v48 =	vmul.f32 v24, v24;
	v0 =	vadd.f32 v35, v0;
	_ =	sdelay $0x1  }
0x59f: {  	v9 =	vmul.f32 v29, v29;
	v20 =	vmul.f32 v29, v10;
	v0 =	vadd.f32 v48, v0  }
0x5a0: {  	v8 =	vadd.f32 v8, v23  }
0x5a1: {  	v0 =	vadd.f32 v9, v0;
	v9 =	vadd.f32 v20, v11;
	v11 =	vmul.f32 v43, v59  }
0x5a2: {  	v8 =	vadd.f32 v30, v8  }
0x5a3: {  	v9 =	vadd.f32 v11, v9;
	v11 =	vld [tilespmem:$0x1EC40]  }
0x5a4: {  	v8 =	vadd.f32 v18, v8  }
0x5a5: {  	v5 =	vadd.f32 v5, v14  }
0x5a6: {  	v8 =	vadd.f32 v54, v8  }
0x5a7: {  	v5 =	vadd.f32 v34, v5  }
0x5a8: {  	v8 =	vadd.f32 v11, v8;
	v11 =	vld [tilespmem:$0x1EC50]  }
0x5a9: {  	v21 =	vmul.f32 v43, v43;
	v5 =	vadd.f32 v56, v5;
	_ =	sdelay $0x1  }
0x5aa: {  	v5 =	vadd.f32 v52, v5;
	v22 =	vmul.f32 v7, v7;
	v0 =	vadd.f32 v21, v0;
	_ =	sdelay $0x1  }
0x5ab: {  	v23 =	vld [tilespmem:$0x1EC70];
	v0 =	vadd.f32 v22, v0;
	v5 =	vadd.f32 v11, v5;
	v11 =	vmul.f32 v49, v49;
	_ =	sdelay $0x1  }
0x5ac: {  	v0 =	vadd.f32 v11, v0;
	v11 =	vld [tilespmem:$0x1ECA0];
	_ =	sdelay $0x2  }
0x5ad: {  	v24 =	vld [tilespmem:$0x1EC80];
	v8 =	vadd.f32 v23, v8;
	_ =	sdelay $0x1  }
0x5ae: {  	v8 =	vadd.f32 v11, v8;
	v11 =	vld [tilespmem:$0x1ECB0];
	_ =	sdelay $0x2  }
0x5af: {  	v25 =	vmul.f32 v45, v45;
	v5 =	vadd.f32 v24, v5;
	_ =	sdelay $0x1  }
0x5b0: {  	v26 =	vld [tilespmem:$0x1ECD0];
	v0 =	vadd.f32 v25, v0;
	v5 =	vadd.f32 v11, v5;
	v11 =	vmul.f32 v15, v15;
	_ =	sdelay $0x1  }
0x5b1: {  	v0 =	vadd.f32 v11, v0;
	v11 =	vld [tilespmem:$0x1ED00];
	_ =	sdelay $0x2  }
0x5b2: {  	v28 =	vld [tilespmem:$0x1ECE0];
	v8 =	vadd.f32 v26, v8;
	_ =	sdelay $0x1  }
0x5b3: {  	v8 =	vadd.f32 v11, v8;
	v11 =	vld [tilespmem:$0x1ED10];
	_ =	sdelay $0x2  }
0x5b4: {  	v29 =	vmul.f32 v60, v60;
	v5 =	vadd.f32 v28, v5;
	_ =	sdelay $0x1  }
0x5b5: {  	v30 =	vld [tilespmem:$0x1ED30];
	v0 =	vadd.f32 v29, v0;
	v5 =	vadd.f32 v11, v5;
	v11 =	vmul.f32 v44, v44;
	_ =	sdelay $0x1  }
0x5b6: {  	v0 =	vadd.f32 v11, v0;
	v11 =	vld [tilespmem:$0x1ED60];
	_ =	sdelay $0x2  }
0x5b7: {  	v31 =	vld [tilespmem:$0x1ED40];
	v8 =	vadd.f32 v30, v8  }
0x5b8: {  	v56 =	vld [tilespmem:$0x1EC30]  }
0x5b9: {  	v8 =	vadd.f32 v11, v8;
	v11 =	vld [tilespmem:$0x1ED70];
	_ =	sdelay $0x1  }
0x5ba: {  	v52 =	vld [tilespmem:$0x1EC60]  }
0x5bb: {  	v32 =	vmul.f32 v33, v33;
	v5 =	vadd.f32 v31, v5  }
0x5bc: {  	v7 =	vmul.f32 v7, v56;
	v48 =	vld [tilespmem:$0x1EC90]  }
0x5bd: {  	v34 =	vld [tilespmem:$0x1ED90];
	v0 =	vadd.f32 v32, v0;
	v5 =	vadd.f32 v11, v5;
	v11 =	vmul.f32 v62, v62  }
0x5be: {  	v47 =	vld [tilespmem:$0x1ECC0]  }
0x5bf: {  	v7 =	vadd.f32 v7, v9;
	v9 =	vmul.f32 v49, v52;
	v0 =	vadd.f32 v11, v0;
	v11 =	vld [tilespmem:$0x1EDC0]  }
0x5c0: {  	v43 =	vld [tilespmem:$0x1ECF0]  }
0x5c1: {  	v7 =	vadd.f32 v9, v7;
	v9 =	vmul.f32 v45, v48;
	v45 =	vld [tilespmem:$0x1EDA0]  }
0x5c2: {  	v49 =	vld [tilespmem:$0x1ED20];
	v8 =	vadd.f32 v34, v8  }
0x5c3: {  	v7 =	vadd.f32 v9, v7;
	v9 =	vmul.f32 v15, v47  }
0x5c4: {  	v8 =	vadd.f32 v11, v8;
	v11 =	vld [tilespmem:$0x1EDD0]  }
0x5c5: {  	v7 =	vadd.f32 v9, v7;
	v9 =	vmul.f32 v60, v43  }
0x5c6: {  	v54 =	vmul.f32 v19, v19  }
0x5c7: {  	v7 =	vadd.f32 v9, v7;
	v9 =	vmul.f32 v44, v49;
	v44 =	vld [tilespmem:$0x1ED50];
	v5 =	vadd.f32 v45, v5  }
0x5c8: {  	v35 =	vld [tilespmem:$0x1ED80]  }
0x5c9: {  	v60 =	vld [tilespmem:$0x1EDF0];
	v0 =	vadd.f32 v54, v0;
	v5 =	vadd.f32 v11, v5;
	v11 =	vmul.f32 v63, v63  }
0x5ca: {  	v34 =	vld [tilespmem:$0x1EDB0]  }
0x5cb: {  	v0 =	vadd.f32 v11, v0;
	v11 =	vld [tilespmem:$0x1EE20]  }
0x5cc: {  	v7 =	vadd.f32 v9, v7;
	v9 =	vmul.f32 v33, v44  }
0x5cd: {  	v32 =	vld [tilespmem:$0x1EDE0]  }
0x5ce: {  	v7 =	vadd.f32 v9, v7;
	v9 =	vmul.f32 v62, v35;
	v62 =	vld [tilespmem:$0x1EE00];
	v8 =	vadd.f32 v60, v8;
	_ =	sdelay $0x1  }
0x5cf: {  	v7 =	vadd.f32 v9, v7;
	v9 =	vmul.f32 v19, v34;
	v8 =	vadd.f32 v11, v8;
	v11 =	vld [tilespmem:$0x1EE30];
	_ =	sdelay $0x1  }
0x5d0: {  	v7 =	vadd.f32 v9, v7  }
0x5d1: {  	v9 =	vmul.f32 v63, v32;
	v63 =	vmul.f32 v57, v57;
	v5 =	vadd.f32 v62, v5;
	_ =	sdelay $0x1  }
0x5d2: {  	v18 =	vld [tilespmem:$0x1EE50];
	v0 =	vadd.f32 v63, v0;
	v5 =	vadd.f32 v11, v5;
	v11 =	vmul.f32 v50, v50;
	_ =	sdelay $0x1  }
0x5d3: {  	v0 =	vadd.f32 v11, v0;
	v11 =	vld [tilespmem:$0x1EE80];
	_ =	sdelay $0x2  }
0x5d4: {  	v19 =	vld [tilespmem:$0x1EE60];
	v8 =	vadd.f32 v18, v8;
	_ =	sdelay $0x1  }
0x5d5: {  	v8 =	vadd.f32 v11, v8;
	v11 =	vld [tilespmem:$0x1EE90];
	_ =	sdelay $0x2  }
0x5d6: {  	v20 =	vmul.f32 v37, v37;
	v5 =	vadd.f32 v19, v5;
	_ =	sdelay $0x1  }
0x5d7: {  	v21 =	vld [tilespmem:$0x1EEB0];
	v0 =	vadd.f32 v20, v0;
	v5 =	vadd.f32 v11, v5;
	v11 =	vmul.f32 v41, v41  }
0x5d8: {  	v31 =	vld [tilespmem:$0x1EE10]  }
0x5d9: {  	v0 =	vadd.f32 v11, v0;
	v11 =	vld [tilespmem:$0x1EEE0]  }
0x5da: {  	v22 =	vld [tilespmem:$0x1EEC0]  }
0x5db: {  	v30 =	vld [tilespmem:$0x1EE40]  }
0x5dc: {  	v29 =	vld [tilespmem:$0x1EE70];
	v8 =	vadd.f32 v21, v8  }
0x5dd: {  	v33 =	vld [tilespmem:$0x1EF00]  }
0x5de: {  	v7 =	vadd.f32 v9, v7;
	v9 =	vmul.f32 v57, v31;
	v8 =	vadd.f32 v11, v8;
	v11 =	vld [tilespmem:$0x1EEF0];
	_ =	sdelay $0x1  }
0x5df: {  	v28 =	vld [tilespmem:$0x1EEA0];
	v7 =	vadd.f32 v9, v7;
	v9 =	vmul.f32 v50, v30  }
0x5e0: {  	v23 =	vmul.f32 v46, v46;
	v5 =	vadd.f32 v22, v5  }
0x5e1: {  	v26 =	vld [tilespmem:$0x1EED0];
	v7 =	vadd.f32 v9, v7;
	v9 =	vmul.f32 v37, v29  }
0x5e2: {  	v37 =	vld [tilespmem:$0x1EF20];
	v0 =	vadd.f32 v23, v0;
	v5 =	vadd.f32 v11, v5;
	v11 =	vmul.f32 v33, v33;
	_ =	sdelay $0x1  }
0x5e3: {  	v7 =	vadd.f32 v9, v7;
	v9 =	vmul.f32 v41, v28;
	v0 =	vadd.f32 v11, v0;
	v11 =	vld [tilespmem:$0x1EF60];
	_ =	sdelay $0x1  }
0x5e4: {  	v7 =	vadd.f32 v9, v7;
	v9 =	vmul.f32 v46, v26;
	v46 =	vld [tilespmem:$0x1EF40]  }
0x5e5: {  	v41 =	vld [tilespmem:$0x1EF30];
	v8 =	vadd.f32 v37, v8  }
0x5e6: {  	v54 =	vld [tilespmem:$0x1EF80]  }
0x5e7: {  	v8 =	vadd.f32 v11, v8;
	v11 =	vld [tilespmem:$0x1EF70];
	_ =	sdelay $0x2  }
0x5e8: {  	v50 =	vmul.f32 v46, v46;
	v5 =	vadd.f32 v41, v5;
	_ =	sdelay $0x1  }
0x5e9: {  	v57 =	vld [tilespmem:$0x1EFA0];
	v0 =	vadd.f32 v50, v0;
	v5 =	vadd.f32 v11, v5;
	v11 =	vmul.f32 v54, v54;
	_ =	sdelay $0x1  }
0x5ea: {  	v0 =	vadd.f32 v11, v0;
	v11 =	vld [tilespmem:$0x1EFE0];
	_ =	sdelay $0x1  }
0x5eb: {  	v60 =	vld [tilespmem:$0x1EFB0]  }
0x5ec: {  	v62 =	vld [tilespmem:$0x1EFC0];
	v8 =	vadd.f32 v57, v8  }
0x5ed: {  	v18 =	vld [tilespmem:$0x1F000]  }
0x5ee: {  	v8 =	vadd.f32 v11, v8;
	v11 =	vld [tilespmem:$0x1EFF0];
	_ =	sdelay $0x2  }
0x5ef: {  	v63 =	vmul.f32 v62, v62;
	v5 =	vadd.f32 v60, v5  }
0x5f0: {  	v25 =	vld [tilespmem:$0x1EF10]  }
0x5f1: {  	v19 =	vld [tilespmem:$0x1F020];
	v0 =	vadd.f32 v63, v0;
	v5 =	vadd.f32 v11, v5;
	v11 =	vmul.f32 v18, v18;
	_ =	sdelay $0x1  }
0x5f2: {  	v0 =	vadd.f32 v11, v0;
	v11 =	vld [tilespmem:$0x1F060]  }
0x5f3: {  	v24 =	vld [tilespmem:$0x1EF50]  }
0x5f4: {  	v20 =	vld [tilespmem:$0x1F030]  }
0x5f5: {  	v7 =	vadd.f32 v9, v7;
	v9 =	vmul.f32 v33, v25;
	v33 =	vld [tilespmem:$0x1F040];
	v8 =	vadd.f32 v19, v8  }
0x5f6: {  	v41 =	vld [tilespmem:$0x1F080]  }
0x5f7: {  	v8 =	vadd.f32 v11, v8;
	v11 =	vld [tilespmem:$0x1F070];
	_ =	sdelay $0x2  }
0x5f8: {  	v37 =	vmul.f32 v33, v33;
	v5 =	vadd.f32 v20, v5  }
0x5f9: {  	v7 =	vadd.f32 v9, v7;
	v9 =	vmul.f32 v46, v24;
	v46 =	vld [tilespmem:$0x1F0A0]  }
0x5fa: {  	v23 =	vld [tilespmem:$0x1EF90];
	v0 =	vadd.f32 v37, v0;
	v5 =	vadd.f32 v11, v5;
	v11 =	vmul.f32 v41, v41;
	_ =	sdelay $0x1  }
0x5fb: {  	v0 =	vadd.f32 v11, v0;
	v11 =	vld [tilespmem:$0x1F0E0]  }
0x5fc: {  	v22 =	vld [tilespmem:$0x1EFD0]  }
0x5fd: {  	v50 =	vld [tilespmem:$0x1F0B0]  }
0x5fe: {  	v7 =	vadd.f32 v9, v7;
	v9 =	vmul.f32 v54, v23;
	v54 =	vld [tilespmem:$0x1F0C0];
	v8 =	vadd.f32 v46, v8  }
0x5ff: {  	v60 =	vld [tilespmem:$0x1F100]  }
0x600: {  	v8 =	vadd.f32 v11, v8;
	v11 =	vld [tilespmem:$0x1F0F0]  }
0x601: {  	v21 =	vld [tilespmem:$0x1F010]  }
0x602: {  	v15 =	vld [tilespmem:$0x1F110]  }
0x603: {  	v57 =	vmul.f32 v54, v54;
	v20 =	vld [tilespmem:$0x1F050];
	v5 =	vadd.f32 v50, v5  }
0x604: {  	v7 =	vadd.f32 v9, v7;
	v9 =	vmul.f32 v62, v22;
	v62 =	vld [tilespmem:$0x1F120]  }
0x605: {  	v19 =	vld [tilespmem:$0x1F090];
	v0 =	vadd.f32 v57, v0;
	v5 =	vadd.f32 v11, v5;
	v11 =	vmul.f32 v60, v60  }
0x606: {  	v7 =	vadd.f32 v9, v7;
	v9 =	vmul.f32 v18, v21;
	v18 =	vld [tilespmem:$0x1F0D0]  }
0x607: {  	v0 =	vadd.f32 v11, v0;
	v11 =	vld [tilespmem:$0x1F160]  }
0x608: {  	v7 =	vadd.f32 v9, v7;
	v63 =	vld [tilespmem:$0x1F130];
	v9 =	vmul.f32 v33, v20  }
0x609: {  	v33 =	vld [tilespmem:$0x1F140]  }
0x60a: {  	v7 =	vadd.f32 v9, v7;
	v9 =	vmul.f32 v41, v19;
	v46 =	vld [tilespmem:$0x1F180];
	v8 =	vadd.f32 v62, v8  }
0x60b: {  	v41 =	vld [tilespmem:$0x1F150]  }
0x60c: {  	v7 =	vadd.f32 v9, v7;
	v9 =	vmul.f32 v54, v18;
	v8 =	vadd.f32 v11, v8;
	v11 =	vld [tilespmem:$0x1F170]  }
0x60d: {  	v50 =	vld [tilespmem:$0x1F190]  }
0x60e: {  	v7 =	vadd.f32 v9, v7;
	v9 =	vmul.f32 v60, v15;
	v57 =	vld [tilespmem:$0x1F1A0]  }
0x60f: {  	v54 =	vmul.f32 v1, v1;
	v37 =	vmul.f32 v33, v33;
	v5 =	vadd.f32 v63, v5  }
0x610: {  	v1 =	vmul.f32 v1, v3;
	v3 =	vld [tilespmem:$0x1F1C0];
	v7 =	vadd.f32 v9, v7;
	v9 =	vmul.f32 v33, v41  }
0x611: {  	v0 =	vadd.f32 v37, v0;
	v5 =	vadd.f32 v11, v5;
	v11 =	vmul.f32 v46, v46  }
0x612: {  	v7 =	vadd.f32 v9, v7  }
0x613: {  	v9 =	vmul.f32 v46, v50;
	v8 =	vadd.f32 v57, v8;
	v0 =	vadd.f32 v11, v0;
	_ =	sdelay $0x1  }
0x614: {  	[tilespmem:$0x1F890] =	vst v0;
	v0 =	vadd.f32 v9, v7;
	v7 =	vadd.f32 v3, v8  }
0x615: {  	v60 =	vld [tilespmem:$0x1F1B0]  }
0x616: {  	[tilespmem:$0x1F8D0] =	vst v7;
	v7 =	vld [tilespmem:$0x1F1F0]  }
0x617: {  	v3 =	vld [tilespmem:$0x1F1D0];
	_ =	sdelay $0x2  }
0x618: {  	v5 =	vadd.f32 v60, v5  }
0x619: {  	v1 =	vadd.f32 v1, v7;
	v7 =	vld [tilespmem:$0x1F200]  }
0x61a: {  	v5 =	vadd.f32 v3, v5;
	_ =	sdelay $0x1  }
0x61b: {  	[tilespmem:$0x1F8E0] =	vst v5;
	v5 =	vld [tilespmem:$0x1F1E0]  }
0x61c: {  	v3 =	vld [tilespmem:$0x1F220]  }
0x61d: {  	v6 =	vadd.f32 v6, v7;
	v7 =	vld [tilespmem:$0x1F210];
	_ =	sdelay $0x2  }
0x61e: {  	[tilespmem:$0x1F8B0] =	vst v0;
	v0 =	vmul.f32 v4, v4;
	v5 =	vadd.f32 v54, v5  }
0x61f: {  	v2 =	vmul.f32 v4, v2  }
0x620: {  	v0 =	vadd.f32 v0, v5;
	v4 =	vadd.f32 v3, v7;
	v7 =	vmul.f32 v27, v27;
	_ =	sdelay $0x1  }
0x621: {  	v5 =	vmul.f32 v38, v38;
	v0 =	vadd.f32 v7, v0;
	_ =	sdelay $0x1  }
0x622: {  	v0 =	vadd.f32 v5, v0;
	v5 =	vld [tilespmem:$0x1F230]  }
0x623: {  	v3 =	vadd.f32 v51, v6  }
0x624: {  	v6 =	vmul.f32 v36, v36  }
0x625: {  	v3 =	vadd.f32 v61, v3  }
0x626: {  	v0 =	vadd.f32 v6, v0;
	v6 =	vld [tilespmem:$0x1F250]  }
0x627: {  	v3 =	vadd.f32 v5, v3;
	v5 =	vld [tilespmem:$0x1F240]  }
0x628: {  	v4 =	vadd.f32 v55, v4;
	_ =	sdelay $0x1  }
0x629: {  	v4 =	vadd.f32 v53, v4  }
0x62a: {  	v3 =	vadd.f32 v6, v3;
	v6 =	vld [tilespmem:$0x1F260]  }
0x62b: {  	v4 =	vadd.f32 v5, v4;
	v5 =	vmul.f32 v39, v39;
	_ =	sdelay $0x1  }
0x62c: {  	v0 =	vadd.f32 v5, v0;
	v5 =	vld [tilespmem:$0x1F270];
	_ =	sdelay $0x1  }
0x62d: {  	v4 =	vadd.f32 v6, v4;
	v6 =	vmul.f32 v42, v42;
	_ =	sdelay $0x1  }
0x62e: {  	v0 =	vadd.f32 v6, v0;
	v6 =	vld [tilespmem:$0x1F290]  }
0x62f: {  	v3 =	vadd.f32 v5, v3;
	v5 =	vld [tilespmem:$0x1F280];
	_ =	sdelay $0x3  }
0x630: {  	v1 =	vadd.f32 v2, v1;
	v2 =	vmul.f32 v27, v17;
	v3 =	vadd.f32 v6, v3;
	v6 =	vld [tilespmem:$0x1F2A0]  }
0x631: {  	v4 =	vadd.f32 v5, v4;
	v5 =	vmul.f32 v40, v40  }
0x632: {  	v1 =	vadd.f32 v2, v1;
	v2 =	vmul.f32 v38, v16  }
0x633: {  	v0 =	vadd.f32 v5, v0;
	v5 =	vld [tilespmem:$0x1F2B0]  }
0x634: {  	v1 =	vadd.f32 v2, v1;
	v2 =	vmul.f32 v36, v10  }
0x635: {  	v4 =	vadd.f32 v6, v4;
	v6 =	vmul.f32 v58, v58  }
0x636: {  	v1 =	vadd.f32 v2, v1;
	v2 =	vmul.f32 v39, v59;
	v7 =	vld [tilespmem:$0x1F2D0]  }
0x637: {  	v0 =	vadd.f32 v6, v0;
	v6 =	vld [tilespmem:$0x1F2E0]  }
0x638: {  	v1 =	vadd.f32 v2, v1;
	v2 =	vmul.f32 v42, v56;
	v3 =	vadd.f32 v5, v3;
	v5 =	vld [tilespmem:$0x1F2C0];
	_ =	sdelay $0x1  }
0x639: {  	v1 =	vadd.f32 v2, v1;
	v2 =	vmul.f32 v40, v52;
	_ =	sdelay $0x1  }
0x63a: {  	v1 =	vadd.f32 v2, v1;
	v2 =	vmul.f32 v58, v48  }
0x63b: {  	v3 =	vadd.f32 v6, v3;
	v6 =	vld [tilespmem:$0x1F2F0];
	v4 =	vadd.f32 v5, v4;
	v5 =	vmul.f32 v7, v7  }
0x63c: {  	v1 =	vadd.f32 v2, v1;
	v2 =	vmul.f32 v7, v47;
	v7 =	vld [tilespmem:$0x1F300]  }
0x63d: {  	v0 =	vadd.f32 v5, v0;
	v5 =	vld [tilespmem:$0x1F310];
	_ =	sdelay $0x2  }
0x63e: {  	v1 =	vadd.f32 v2, v1  }
0x63f: {  	v4 =	vadd.f32 v6, v4;
	v6 =	vmul.f32 v7, v7;
	v2 =	vmul.f32 v7, v43;
	v7 =	vld [tilespmem:$0x1F330]  }
0x640: {  	v3 =	vadd.f32 v5, v3;
	v5 =	vld [tilespmem:$0x1F320]  }
0x641: {  	v0 =	vadd.f32 v6, v0;
	v6 =	vld [tilespmem:$0x1F340];
	_ =	sdelay $0x4  }
0x642: {  	v4 =	vadd.f32 v5, v4;
	v5 =	vmul.f32 v7, v7;
	v3 =	vadd.f32 v6, v3;
	v6 =	vld [tilespmem:$0x1F350]  }
0x643: {  	v1 =	vadd.f32 v2, v1;
	v2 =	vmul.f32 v7, v49;
	v7 =	vld [tilespmem:$0x1F360]  }
0x644: {  	v0 =	vadd.f32 v5, v0;
	v5 =	vld [tilespmem:$0x1F370];
	_ =	sdelay $0x2  }
0x645: {  	v1 =	vadd.f32 v2, v1  }
0x646: {  	v4 =	vadd.f32 v6, v4;
	v6 =	vmul.f32 v7, v7;
	v2 =	vmul.f32 v7, v44;
	v7 =	vld [tilespmem:$0x1F390]  }
0x647: {  	v3 =	vadd.f32 v5, v3;
	v5 =	vld [tilespmem:$0x1F380]  }
0x648: {  	v0 =	vadd.f32 v6, v0;
	v6 =	vld [tilespmem:$0x1F3A0];
	_ =	sdelay $0x4  }
0x649: {  	v4 =	vadd.f32 v5, v4;
	v5 =	vmul.f32 v7, v7;
	v3 =	vadd.f32 v6, v3;
	v6 =	vld [tilespmem:$0x1F3B0]  }
0x64a: {  	v1 =	vadd.f32 v2, v1;
	v2 =	vmul.f32 v7, v35;
	v7 =	vld [tilespmem:$0x1F3C0]  }
0x64b: {  	v0 =	vadd.f32 v5, v0;
	v5 =	vld [tilespmem:$0x1F3D0];
	_ =	sdelay $0x2  }
0x64c: {  	v1 =	vadd.f32 v2, v1  }
0x64d: {  	v4 =	vadd.f32 v6, v4;
	v6 =	vmul.f32 v7, v7;
	v2 =	vmul.f32 v7, v34;
	v7 =	vld [tilespmem:$0x1F3F0]  }
0x64e: {  	v3 =	vadd.f32 v5, v3;
	v5 =	vld [tilespmem:$0x1F3E0]  }
0x64f: {  	v0 =	vadd.f32 v6, v0;
	v6 =	vld [tilespmem:$0x1F400];
	_ =	sdelay $0x4  }
0x650: {  	v4 =	vadd.f32 v5, v4;
	v5 =	vmul.f32 v7, v7;
	v3 =	vadd.f32 v6, v3;
	v6 =	vld [tilespmem:$0x1F410]  }
0x651: {  	v1 =	vadd.f32 v2, v1;
	v2 =	vmul.f32 v7, v32;
	v7 =	vld [tilespmem:$0x1F420]  }
0x652: {  	v0 =	vadd.f32 v5, v0;
	v5 =	vld [tilespmem:$0x1F430];
	_ =	sdelay $0x2  }
0x653: {  	v1 =	vadd.f32 v2, v1  }
0x654: {  	v4 =	vadd.f32 v6, v4;
	v6 =	vmul.f32 v7, v7;
	v2 =	vmul.f32 v7, v31;
	v7 =	vld [tilespmem:$0x1F450]  }
0x655: {  	v3 =	vadd.f32 v5, v3;
	v5 =	vld [tilespmem:$0x1F440]  }
0x656: {  	v0 =	vadd.f32 v6, v0;
	v6 =	vld [tilespmem:$0x1F460];
	_ =	sdelay $0x4  }
0x657: {  	v4 =	vadd.f32 v5, v4;
	v5 =	vmul.f32 v7, v7;
	v3 =	vadd.f32 v6, v3;
	v6 =	vld [tilespmem:$0x1F470]  }
0x658: {  	v1 =	vadd.f32 v2, v1;
	v2 =	vmul.f32 v7, v30;
	v7 =	vld [tilespmem:$0x1F480]  }
0x659: {  	v0 =	vadd.f32 v5, v0;
	v5 =	vld [tilespmem:$0x1F490];
	_ =	sdelay $0x2  }
0x65a: {  	v1 =	vadd.f32 v2, v1  }
0x65b: {  	v4 =	vadd.f32 v6, v4;
	v6 =	vmul.f32 v7, v7;
	v2 =	vmul.f32 v7, v29;
	v7 =	vld [tilespmem:$0x1F4B0]  }
0x65c: {  	v3 =	vadd.f32 v5, v3;
	v5 =	vld [tilespmem:$0x1F4A0]  }
0x65d: {  	v0 =	vadd.f32 v6, v0;
	v6 =	vld [tilespmem:$0x1F4C0];
	_ =	sdelay $0x3  }
0x65e: {  	v61 =	vld [tilespmem:$0x1F4E0];
	v4 =	vadd.f32 v5, v4;
	v5 =	vmul.f32 v7, v7  }
0x65f: {  	v3 =	vadd.f32 v6, v3;
	v6 =	vld [tilespmem:$0x1F4D0]  }
0x660: {  	v0 =	vadd.f32 v5, v0;
	v5 =	vld [tilespmem:$0x1F4F0];
	_ =	sdelay $0x3  }
0x661: {  	v62 =	vld [tilespmem:$0x1F510];
	v4 =	vadd.f32 v6, v4;
	v6 =	vmul.f32 v61, v61  }
0x662: {  	v3 =	vadd.f32 v5, v3;
	v5 =	vld [tilespmem:$0x1F500]  }
0x663: {  	v0 =	vadd.f32 v6, v0;
	v6 =	vld [tilespmem:$0x1F520];
	_ =	sdelay $0x3  }
0x664: {  	v63 =	vld [tilespmem:$0x1F540];
	v4 =	vadd.f32 v5, v4;
	v5 =	vmul.f32 v62, v62  }
0x665: {  	v3 =	vadd.f32 v6, v3;
	v6 =	vld [tilespmem:$0x1F530]  }
0x666: {  	v0 =	vadd.f32 v5, v0;
	v5 =	vld [tilespmem:$0x1F550];
	_ =	sdelay $0x2  }
0x667: {  	v1 =	vadd.f32 v2, v1  }
0x668: {  	v2 =	vmul.f32 v7, v28;
	v7 =	vld [tilespmem:$0x1F570];
	v4 =	vadd.f32 v6, v4;
	v6 =	vmul.f32 v63, v63  }
0x669: {  	v3 =	vadd.f32 v5, v3;
	v5 =	vld [tilespmem:$0x1F560]  }
0x66a: {  	v1 =	vadd.f32 v2, v1;
	v2 =	vmul.f32 v61, v26;
	v0 =	vadd.f32 v6, v0;
	v6 =	vld [tilespmem:$0x1F580];
	_ =	sdelay $0x1  }
0x66b: {  	v1 =	vadd.f32 v2, v1;
	v2 =	vmul.f32 v62, v25;
	_ =	sdelay $0x1  }
0x66c: {  	v1 =	vadd.f32 v2, v1;
	v2 =	vmul.f32 v63, v24  }
0x66d: {  	v4 =	vadd.f32 v5, v4;
	v5 =	vmul.f32 v7, v7;
	v3 =	vadd.f32 v6, v3;
	v6 =	vld [tilespmem:$0x1F590]  }
0x66e: {  	v1 =	vadd.f32 v2, v1;
	v2 =	vmul.f32 v7, v23;
	v7 =	vld [tilespmem:$0x1F5A0]  }
0x66f: {  	v0 =	vadd.f32 v5, v0;
	v5 =	vld [tilespmem:$0x1F5B0];
	_ =	sdelay $0x2  }
0x670: {  	v1 =	vadd.f32 v2, v1  }
0x671: {  	v4 =	vadd.f32 v6, v4;
	v6 =	vmul.f32 v7, v7;
	v2 =	vmul.f32 v7, v22;
	v7 =	vld [tilespmem:$0x1F5D0]  }
0x672: {  	v3 =	vadd.f32 v5, v3;
	v5 =	vld [tilespmem:$0x1F5C0]  }
0x673: {  	v0 =	vadd.f32 v6, v0;
	v6 =	vld [tilespmem:$0x1F5E0];
	_ =	sdelay $0x4  }
0x674: {  	v4 =	vadd.f32 v5, v4;
	v5 =	vmul.f32 v7, v7;
	v3 =	vadd.f32 v6, v3;
	v6 =	vld [tilespmem:$0x1F5F0]  }
0x675: {  	v1 =	vadd.f32 v2, v1;
	v2 =	vmul.f32 v7, v21;
	v7 =	vld [tilespmem:$0x1F600]  }
0x676: {  	v0 =	vadd.f32 v5, v0;
	v5 =	vld [tilespmem:$0x1F610];
	_ =	sdelay $0x2  }
0x677: {  	v1 =	vadd.f32 v2, v1  }
0x678: {  	v4 =	vadd.f32 v6, v4;
	v6 =	vmul.f32 v7, v7;
	v2 =	vmul.f32 v7, v20;
	v7 =	vld [tilespmem:$0x1F630]  }
0x679: {  	v3 =	vadd.f32 v5, v3;
	v5 =	vld [tilespmem:$0x1F620]  }
0x67a: {  	v0 =	vadd.f32 v6, v0;
	v6 =	vld [tilespmem:$0x1F640];
	_ =	sdelay $0x4  }
0x67b: {  	v4 =	vadd.f32 v5, v4;
	v5 =	vmul.f32 v7, v7;
	v3 =	vadd.f32 v6, v3;
	v6 =	vld [tilespmem:$0x1F650]  }
0x67c: {  	v1 =	vadd.f32 v2, v1;
	v2 =	vmul.f32 v7, v19;
	v7 =	vld [tilespmem:$0x1F660]  }
0x67d: {  	v0 =	vadd.f32 v5, v0;
	v5 =	vld [tilespmem:$0x1F670];
	_ =	sdelay $0x2  }
0x67e: {  	v1 =	vadd.f32 v2, v1  }
0x67f: {  	v4 =	vadd.f32 v6, v4;
	v6 =	vmul.f32 v7, v7;
	v2 =	vmul.f32 v7, v18;
	v7 =	vld [tilespmem:$0x1F690]  }
0x680: {  	v3 =	vadd.f32 v5, v3;
	v5 =	vld [tilespmem:$0x1F680];
	_ =	sdelay $0x3  }
0x681: {  	v0 =	vadd.f32 v6, v0;
	v1 =	vadd.f32 v2, v1;
	v6 =	vld [tilespmem:$0x1F6A0]  }
0x682: {  	v2 =	vmul.f32 v7, v15;
	v4 =	vadd.f32 v5, v4;
	v5 =	vmul.f32 v7, v7;
	v7 =	vld [tilespmem:$0x1F6C0];
	_ =	sdelay $0x3  }
0x683: {  	v3 =	vadd.f32 v6, v3;
	v6 =	vld [tilespmem:$0x1F6B0]  }
0x684: {  	v2 =	vadd.f32 v2, v1;
	v1 =	vld [tilespmem:$0x1F6D0];
	v0 =	vadd.f32 v5, v0;
	v5 =	vmul.f32 v7, v41;
	_ =	sdelay $0x1  }
0x685: {  	v2 =	vadd.f32 v5, v2;
	v5 =	vld [tilespmem:$0x1F700];
	_ =	sdelay $0x2  }
0x686: {  	v4 =	vadd.f32 v6, v4;
	v6 =	vmul.f32 v7, v7;
	v3 =	vadd.f32 v1, v3;
	v1 =	vld [tilespmem:$0x1F6E0];
	_ =	sdelay $0x1  }
0x687: {  	v0 =	vadd.f32 v6, v0;
	v6 =	vadd.f32 v5, v3;
	v3 =	vld [tilespmem:$0x1F710];
	_ =	sdelay $0x2  }
0x688: {  	v7 =	vadd.f32 v1, v4  }
0x689: {  	v4 =	vld [tilespmem:$0x1F6F0]  }
0x68a: {  	s4 =	sadd.s32 $0x2, s4;
	v5 =	vadd.f32 v3, v7;
	v3 =	vld [tilespmem:$0x1F720]  }
0x68b: {  	p0 =	slt.u32 s4, $0x1E;
	v7 =	vld [tilespmem:$0x1F730]  }
.Ltmp0:
0x68c: {  	_ = 	snop;
	(pc) =	sbr.rel @p0 .LBB2_4-.Ltmp0, $3  }
0x68d: {  	_ =	sdelay $0x1  }
0x68e: {  	v1 =	vmul.f32 v4, v4  }
0x68f: {  	s5 =	sadd.s32 $0x20, s5;
	v45 =	vld [tilespmem:$0x1FE30];
	v4 =	vmul.f32 v4, v50;
	v8 =	vmul.f32 v7, v3  }
0x690: {  	v3 =	vld [tilespmem:$0x1F740];
	_ =	sdelay $0x3  }
0x691: {  	v7 =	vld [tilespmem:$0x1F8E0]  }
0x692: {  	v3 =	vadd.f32 v3, v6;
	v6 =	vld [tilespmem:$0x1F8D0]  }
0x693: {  	v5 =	vadd.f32 v8, v5;
	_ =	sdelay $0x1  }
0x694: {  	v3 =	vsub.f32 v3, v5  }
0x695: {  	v2 =	vadd.f32 v4, v2  }
0x696: {  	v4 =	vadd.f32 v3, v3;
	v6 =	vsub.f32 v6, v7;
	v7 =	vld [tilespmem:$0x1F8B0];
	_ =	sdelay $0x1  }
0x697: {  	v0 =	vadd.f32 v1, v0;
	v1 =	vmul.f32 v4, v2;
	v2 =	vmul.f32 v3, v3;
	v3 =	vld [tilespmem:$0x1F890]  }
0x698: {  	v5 =	vadd.f32 v6, v6;
	_ =	sdelay $0x1  }
0x699: {  	v5 =	vmul.f32 v5, v7;
	_ =	sdelay $0x1  }
0x69a: {  	v3 =	vadd.f32 v5, v3;
	v5 =	vld [tilespmem:$0x1FE20];
	_ =	sdelay $0x2  }
0x69b: {  	v6 =	vmul.f32 v6, v6;
	_ =	sdelay $0x1  }
0x69c: {  	v4 =	vmul.f32 v6, v5  }
0x69d: {  	p0 =	seq.s32 s3, $0x7;
	v0 =	vadd.f32 v1, v0;
	v1 =	vmul.f32 v2, v5  }
0x69e: {  	s4 =	sshll.u32 @!p0 s3, $0xF;
	v2 =	vadd.f32 v3, v4  }
0x69f: {  	s4 =	sadd.s32 @!p0 s4, s29;
	v0 =	vadd.f32 v0, v1  }
0x6a0: {  	s4 =	sshrl.u32 @!p0 s4, $0x3;
	[tilespmem:s30+$0x18600] =	vst v2  }
0x6a1: {  	s6 =	simm.s32 @!p0 $0x0;
	s5 =	sadd.s32 @!p0 s0, s4;
	[tilespmem:s30+$0x18610] =	vst v0  }
0x6a2: {  	[tilespmem:s6], [sflag:$0x1] =	stream.linear.gather @!p0 [hbm4b:s5+s6], $0x4000, $0x38;
	[tilespmem:$0x18800] =	vst v63  }
0x6a3: {  	s8 =	simm.s32 @!p0 $0x8000;
	s5 =	sadd.s32 @!p0 s1, s4  }
0x6a4: {  	[tilespmem:s8], [sflag:$0x1] =	stream.linear.gather @!p0 [hbm4b:s5+s6], $0x4000, $0x38;
	[tilespmem:$0x18800] =	vst v63  }
0x6a5: {  	s4 =	sadd.s32 @!p0 s2, s4;
	s5 =	simm.s32 @!p0 $0x10000  }
0x6a6: {  	v63 =	vld [tilespmem:$0x1FFF0];
	[tilespmem:s5], [sflag:$0x1] =	stream.linear.gather @!p0 [hbm4b:s4+s6], $0x4000, $0x38  }
0x6a7: {  	v60 =	vld [tilespmem:$0x1FFD0];
	_ =	swait.ge [sflag:s22], $0x4000  }
0x6a8: {  	[sflag:s22] =	ssyncset.done $0x0  }
0x6a9: {  	[sflag:s22] =	ssyncadd.s32 $0xFFFFC000  }
0x6aa: {  	_ =	swait.ge [sflag:s22], $0x4000  }
0x6ab: {  	[sflag:s22] =	ssyncset.done $0x0  }
0x6ac: {  	[sflag:s22] =	ssyncadd.s32 $0xFFFFC000  }
0x6ad: {  	s11 =	simm.s32 $0x18410;
	s24 =	simm.s32 $0x10;
	v10 =	vimm.f32 $0.0e+00;
	v8 =	vimm.f32 $0.0e+00;
	_ =	swait.ge [sflag:s22], $0x4000  }
0x6ae: {  	s3 =	sadd.s32 $0x1, s3;
	v7 =	vimm.f32 $0.0e+00;
	v5 =	vimm.f32 $0.0e+00;
	v6 =	vimm.f32 $0.0e+00;
	s8 =	simm.s32 $0x18210;
	[sflag:s22] =	ssyncset.done $0x0  }
0x6af: {  	v4 =	vimm.f32 $0.0e+00;
	v1 =	vimm.f32 $0.0e+00;
	v2 =	vimm.f32 $0.0e+00;
	s4 =	simm.s32 $0xFFFFFFFE;
	s5 =	simm.s32 $0x18010;
	[sflag:s22] =	ssyncadd.s32 $0xFFFFC000  }
.LBB2_6:
0x6b0: {  	v58 =	vld [tilespmem:$0x1FFB0];
	_ =	sdelay $0x4  }
0x6b1: {  	s6 =	sadd.s32 $0xFFFFFFF0, s24;
	v30 =	vor.u32 $0x4000, v58  }
0x6b2: {  	v0 =	vor.u32 s6, v30;
	_ =	sdelay $0x1  }
0x6b3: {  	v13 =	vld [tilespmem:s5+$0xFFFFFFF0];
	v25 =	vor.u32 $0x6000, v58  }
0x6b4: {  	v23 =	vld [tilespmem:s11+$0xFFFFFFF0];
	v3 =	vor.u32 s6, v25  }
0x6b5: {  	v21 =	vld [tilespmem:s8+$0xFFFFFFF0]  }
0x6b6: {  	v11 =	vld.idx.msk [tilespmem:v0+s7+$0x0], $0xffff  }
0x6b7: {  	v12 =	vld.idx.msk [tilespmem:v0+s17+$0x0], $0xffff  }
0x6b8: {  	v9 =	vor.u32 $0x4001, v58;
	v14 =	vld.idx.msk [tilespmem:v0+s16+$0x0], $0xffff  }
0x6b9: {  	v15 =	vld.idx.msk [tilespmem:v3+s7+$0x0], $0xffff;
	v0 =	vor.u32 s6, v9  }
0x6ba: {  	v19 =	vbroadcast v23, $0x0;
	v24 =	vbroadcast v13, $0x0;
	v16 =	vld.idx.msk [tilespmem:v3+s17+$0x0], $0xffff  }
0x6bb: {  	v27 =	vbroadcast v21, $0x0;
	v49 =	vbroadcast v23, $0x1  }
0x6bc: {  	v52 =	vbroadcast v13, $0x1;
	v31 =	vbroadcast v21, $0x1;
	v17 =	vld.idx.msk [tilespmem:v3+s16+$0x0], $0xffff  }
0x6bd: {  	v36 =	vbroadcast v23, $0x2;
	v39 =	vbroadcast v13, $0x2;
	v3 =	vor.u32 $0x6001, v58  }
0x6be: {  	v33 =	vbroadcast v21, $0x2;
	v25 =	vor.u32 s24, v25;
	v18 =	vor.u32 s6, v3;
	v20 =	vld.idx.msk [tilespmem:v0+s7+$0x0], $0xffff  }
0x6bf: {  	v3 =	vor.u32 s24, v3;
	v12 =	vadd.f32 v12, v11;
	v16 =	vadd.f32 v16, v15;
	v26 =	vld.idx.msk [tilespmem:v0+s17+$0x0], $0xffff  }
0x6c0: {  	v11 =	vmul.f32 v11, v24;
	v28 =	vld.idx.msk [tilespmem:v0+s16+$0x0], $0xffff;
	v0 =	vor.u32 $0x4002, v58;
	v15 =	vmul.f32 v15, v24  }
0x6c1: {  	v48 =	vmul.f32 v17, v27;
	v29 =	vor.u32 s6, v0;
	v0 =	vor.u32 s24, v0  }
0x6c2: {  	v12 =	vsub.f32 v12, v14;
	v16 =	vsub.f32 v16, v17;
	v14 =	vmul.f32 v14, v27  }
0x6c3: {  	v42 =	vld.idx.msk [tilespmem:v18+s7+$0x0], $0xffff;
	v5 =	vadd.f32 v15, v5;
	v15 =	vadd.f32 v48, v2;
	v2 =	vor.u32 $0x4003, v58  }
0x6c4: {  	v43 =	vld.idx.msk [tilespmem:v18+s17+$0x0], $0xffff;
	v10 =	vadd.f32 v11, v10;
	v32 =	vor.u32 s6, v2;
	v22 =	vmul.f32 v12, v12  }
0x6c5: {  	v18 =	vld.idx.msk [tilespmem:v18+s16+$0x0], $0xffff;
	v2 =	vor.u32 s24, v2;
	v12 =	vmul.f32 v12, v19;
	v11 =	vmul.f32 v16, v16  }
0x6c6: {  	v6 =	vadd.f32 v14, v6;
	v44 =	vmul.f32 v16, v19;
	v45 =	vadd.f32 v26, v20  }
0x6c7: {  	v20 =	vmul.f32 v20, v52;
	v54 =	vmul.f32 v28, v31;
	v8 =	vadd.f32 v22, v8  }
0x6c8: {  	v7 =	vadd.f32 v12, v7;
	v11 =	vadd.f32 v11, v1;
	v1 =	vor.u32 $0x6002, v58  }
0x6c9: {  	v4 =	vadd.f32 v44, v4;
	v12 =	vadd.f32 v43, v42;
	v61 =	vmul.f32 v42, v52  }
0x6ca: {  	v50 =	vld.idx.msk [tilespmem:v29+s7+$0x0], $0xffff;
	v35 =	vmul.f32 v18, v31;
	v52 =	vbroadcast v13, $0x3;
	v46 =	vsub.f32 v45, v28  }
0x6cb: {  	v53 =	vld.idx.msk [tilespmem:v29+s17+$0x0], $0xffff;
	v47 =	vor.u32 s6, v1;
	v10 =	vadd.f32 v20, v10;
	v24 =	vadd.f32 v54, v6  }
0x6cc: {  	v29 =	vld.idx.msk [tilespmem:v29+s16+$0x0], $0xffff;
	v6 =	vor.u32 $0x6003, v58;
	v1 =	vor.u32 s24, v1;
	v12 =	vsub.f32 v12, v18  }
0x6cd: {  	v62 =	vor.u32 s6, v6;
	v37 =	vld.idx.msk [tilespmem:v32+s7+$0x0], $0xffff;
	v51 =	vmul.f32 v46, v46;
	v14 =	vmul.f32 v46, v49  }
0x6ce: {  	v5 =	vadd.f32 v61, v5;
	v40 =	vld.idx.msk [tilespmem:v32+s17+$0x0], $0xffff;
	v6 =	vor.u32 s24, v6;
	v56 =	vmul.f32 v12, v12  }
0x6cf: {  	v32 =	vld.idx.msk [tilespmem:v32+s16+$0x0], $0xffff;
	v12 =	vmul.f32 v12, v49;
	v8 =	vadd.f32 v51, v8;
	v7 =	vadd.f32 v14, v7  }
0x6d0: {  	v49 =	vbroadcast v23, $0x3;
	v59 =	vadd.f32 v53, v50;
	v14 =	vadd.f32 v35, v15;
	v55 =	vld.idx.msk [tilespmem:v47+s7+$0x0], $0xffff  }
0x6d1: {  	v19 =	vmul.f32 v50, v39;
	v42 =	vmul.f32 v29, v33;
	v57 =	vld.idx.msk [tilespmem:v47+s17+$0x0], $0xffff;
	v11 =	vadd.f32 v56, v11  }
0x6d2: {  	v35 =	vbroadcast v21, $0x3;
	v16 =	vld.idx.msk [tilespmem:v47+s16+$0x0], $0xffff;
	v12 =	vadd.f32 v12, v4;
	v4 =	vsub.f32 v59, v29  }
0x6d3: {  	v56 =	vbroadcast v13, $0x4;
	v43 =	vld.idx.msk [tilespmem:v62+s7+$0x0], $0xffff;
	v10 =	vadd.f32 v19, v10;
	v45 =	vadd.f32 v40, v37  }
0x6d4: {  	v44 =	vld.idx.msk [tilespmem:v62+s17+$0x0], $0xffff;
	v24 =	vadd.f32 v42, v24;
	v22 =	vmul.f32 v37, v52;
	v38 =	vmul.f32 v4, v4  }
0x6d5: {  	v41 =	vmul.f32 v4, v36;
	v4 =	vor.u32 $0x4004, v58;
	v47 =	vsub.f32 v45, v32  }
0x6d6: {  	v34 =	vor.u32 s6, v4;
	v20 =	vadd.f32 v57, v55;
	v46 =	vmul.f32 v55, v39  }
0x6d7: {  	v17 =	vld.idx.msk [tilespmem:v62+s16+$0x0], $0xffff;
	v8 =	vadd.f32 v38, v8;
	v15 =	vadd.f32 v41, v7;
	v51 =	vmul.f32 v47, v47  }
0x6d8: {  	v20 =	vsub.f32 v20, v16;
	v26 =	vadd.f32 v46, v5;
	v5 =	vmul.f32 v16, v33  }
0x6d9: {  	v42 =	vbroadcast v23, $0x4;
	v19 =	vadd.f32 v44, v43;
	v28 =	vadd.f32 v51, v8  }
0x6da: {  	v7 =	vmul.f32 v20, v20;
	v14 =	vadd.f32 v5, v14;
	v5 =	vor.u32 $0x4005, v58  }
0x6db: {  	v8 =	vmul.f32 v32, v35;
	v18 =	vmul.f32 v20, v36;
	v36 =	vor.u32 s6, v5  }
0x6dc: {  	v19 =	vsub.f32 v19, v17;
	v50 =	vld.idx.msk [tilespmem:v34+s7+$0x0], $0xffff;
	v11 =	vadd.f32 v7, v11;
	v7 =	vor.u32 $0x6004, v58  }
0x6dd: {  	v37 =	vbroadcast v21, $0x4;
	v62 =	vadd.f32 v22, v10;
	v53 =	vld.idx.msk [tilespmem:v34+s17+$0x0], $0xffff;
	v48 =	vor.u32 s6, v7  }
0x6de: {  	v24 =	vadd.f32 v8, v24;
	v8 =	vor.u32 $0x6005, v58;
	v10 =	vmul.f32 v19, v19  }
0x6df: {  	v45 =	vbroadcast v13, $0x5;
	v4 =	vor.u32 s24, v4;
	v34 =	vld.idx.msk [tilespmem:v34+s16+$0x0], $0xffff;
	v41 =	vor.u32 s6, v8  }
0x6e0: {  	v16 =	vmul.f32 v19, v49;
	v11 =	vadd.f32 v10, v11;
	v10 =	vmul.f32 v43, v52;
	v43 =	vld.idx.msk [tilespmem:v36+s7+$0x0], $0xffff  }
0x6e1: {  	v5 =	vor.u32 s24, v5;
	v12 =	vadd.f32 v18, v12;
	v18 =	vmul.f32 v47, v49;
	v57 =	vld.idx.msk [tilespmem:v36+s17+$0x0], $0xffff  }
0x6e2: {  	v8 =	vor.u32 s24, v8;
	v7 =	vor.u32 s24, v7;
	v39 =	vadd.f32 v53, v50;
	v54 =	vld.idx.msk [tilespmem:v48+s7+$0x0], $0xffff  }
0x6e3: {  	v15 =	vadd.f32 v18, v15;
	v12 =	vadd.f32 v16, v12;
	v27 =	vmul.f32 v50, v56;
	v38 =	vld.idx.msk [tilespmem:v48+s17+$0x0], $0xffff  }
0x6e4: {  	v59 =	vmul.f32 v34, v37;
	v53 =	vbroadcast v23, $0x5;
	v61 =	vld.idx.msk [tilespmem:v41+s7+$0x0], $0xffff;
	v40 =	vsub.f32 v39, v34  }
0x6e5: {  	v26 =	vadd.f32 v10, v26;
	v10 =	vmul.f32 v17, v35;
	v62 =	vadd.f32 v27, v62;
	v20 =	vld.idx.msk [tilespmem:v48+s16+$0x0], $0xffff  }
0x6e6: {  	v36 =	vld.idx.msk [tilespmem:v36+s16+$0x0], $0xffff;
	v24 =	vadd.f32 v59, v24;
	v39 =	vbroadcast v21, $0x5;
	v55 =	vmul.f32 v40, v40  }
0x6e7: {  	v14 =	vadd.f32 v10, v14;
	v10 =	vor.u32 $0x4006, v58;
	v48 =	vld.idx.msk [tilespmem:v41+s17+$0x0], $0xffff;
	v16 =	vmul.f32 v40, v42  }
0x6e8: {  	v19 =	vld.idx.msk [tilespmem:v41+s16+$0x0], $0xffff;
	v41 =	vbroadcast v21, $0x6;
	v28 =	vadd.f32 v55, v28;
	v22 =	vadd.f32 v38, v54  }
0x6e9: {  	v15 =	vadd.f32 v16, v15;
	v49 =	vadd.f32 v57, v43;
	v38 =	vor.u32 s6, v10  }
0x6ea: {  	v29 =	vmul.f32 v43, v45;
	v59 =	vmul.f32 v61, v45;
	v22 =	vsub.f32 v22, v20  }
0x6eb: {  	v16 =	vor.u32 $0x6007, v58;
	v45 =	vbroadcast v23, $0x6;
	v50 =	vmul.f32 v54, v56  }
0x6ec: {  	v51 =	vsub.f32 v49, v36;
	v27 =	vadd.f32 v48, v61;
	v47 =	vmul.f32 v22, v22  }
0x6ed: {  	v48 =	vmul.f32 v36, v39;
	v10 =	vor.u32 s24, v10;
	v26 =	vadd.f32 v50, v26  }
0x6ee: {  	v20 =	vmul.f32 v20, v37;
	v54 =	vld.idx.msk [tilespmem:v38+s7+$0x0], $0xffff;
	v18 =	vadd.f32 v47, v11;
	v11 =	vor.u32 $0x6006, v58  }
0x6ef: {  	v27 =	vsub.f32 v27, v19;
	v17 =	vmul.f32 v22, v42;
	v46 =	vld.idx.msk [tilespmem:v38+s17+$0x0], $0xffff;
	v52 =	vor.u32 s6, v11  }
0x6f0: {  	v44 =	vmul.f32 v51, v51;
	v50 =	vadd.f32 v29, v62;
	v24 =	vadd.f32 v48, v24  }
0x6f1: {  	v62 =	vor.u32 s6, v16;
	v38 =	vld.idx.msk [tilespmem:v38+s16+$0x0], $0xffff;
	v17 =	vadd.f32 v17, v12;
	v12 =	vor.u32 $0x4007, v58  }
0x6f2: {  	v19 =	vmul.f32 v19, v39;
	v48 =	vbroadcast v23, $0x7;
	v40 =	vor.u32 s6, v12  }
0x6f3: {  	v16 =	vor.u32 s24, v16;
	v14 =	vadd.f32 v20, v14;
	v28 =	vadd.f32 v44, v28  }
0x6f4: {  	v55 =	vmul.f32 v27, v27;
	v27 =	vmul.f32 v27, v53;
	v57 =	vadd.f32 v46, v54;
	v49 =	vld.idx.msk [tilespmem:v52+s7+$0x0], $0xffff  }
0x6f5: {  	v47 =	vmul.f32 v51, v53;
	v19 =	vadd.f32 v19, v14;
	v14 =	vor.u32 $0x4008, v58;
	v56 =	vld.idx.msk [tilespmem:v52+s17+$0x0], $0xffff  }
0x6f6: {  	v26 =	vadd.f32 v59, v26;
	v42 =	vor.u32 s6, v14;
	v22 =	vld.idx.msk [tilespmem:v52+s16+$0x0], $0xffff;
	v61 =	vsub.f32 v57, v38  }
0x6f7: {  	v11 =	vor.u32 s24, v11;
	v15 =	vadd.f32 v47, v15;
	v46 =	vld.idx.msk [tilespmem:v40+s7+$0x0], $0xffff;
	v52 =	vbroadcast v13, $0x6  }
0x6f8: {  	v27 =	vadd.f32 v27, v17;
	v53 =	vld.idx.msk [tilespmem:v40+s17+$0x0], $0xffff;
	v51 =	vmul.f32 v61, v61;
	v17 =	vmul.f32 v61, v45  }
0x6f9: {  	v18 =	vadd.f32 v55, v18;
	v32 =	vmul.f32 v54, v52;
	v54 =	vmul.f32 v38, v41  }
0x6fa: {  	v12 =	vor.u32 s24, v12;
	v28 =	vadd.f32 v51, v28;
	v43 =	vadd.f32 v17, v15  }
0x6fb: {  	v14 =	vor.u32 s24, v14;
	v40 =	vld.idx.msk [tilespmem:v40+s16+$0x0], $0xffff;
	v20 =	vadd.f32 v32, v50;
	v24 =	vadd.f32 v54, v24  }
0x6fc: {  	v31 =	vld.idx.msk [tilespmem:v62+s16+$0x0], $0xffff;
	v17 =	vor.u32 $0x6008, v58;
	v50 =	vbroadcast v13, $0x7;
	v15 =	vor.u32 $0x4009, v58  }
0x6fd: {  	v38 =	vld.idx.msk [tilespmem:v62+s7+$0x0], $0xffff;
	v29 =	vadd.f32 v56, v49;
	v57 =	vadd.f32 v53, v46;
	v59 =	vmul.f32 v49, v52  }
0x6fe: {  	v56 =	vld.idx.msk [tilespmem:v62+s17+$0x0], $0xffff;
	v62 =	vor.u32 s6, v17;
	v47 =	vmul.f32 v22, v41;
	v52 =	vbroadcast v21, $0x7  }
0x6ff: {  	v44 =	vor.u32 s6, v15;
	v17 =	vor.u32 s24, v17;
	v15 =	vor.u32 s24, v15  }
0x700: {  	v35 =	vld.idx.msk [tilespmem:v42+s7+$0x0], $0xffff;
	v34 =	vmul.f32 v46, v50;
	v29 =	vsub.f32 v29, v22;
	v61 =	vsub.f32 v57, v40  }
0x701: {  	v51 =	vld.idx.msk [tilespmem:v42+s17+$0x0], $0xffff;
	v26 =	vadd.f32 v59, v26;
	v19 =	vadd.f32 v47, v19;
	v53 =	vmul.f32 v40, v52  }
0x702: {  	v57 =	vmul.f32 v38, v50;
	v50 =	vbroadcast v13, $0x8;
	v34 =	vadd.f32 v34, v20  }
0x703: {  	v20 =	vor.u32 $0x400A, v58;
	v55 =	vmul.f32 v29, v29;
	v32 =	vadd.f32 v56, v38  }
0x704: {  	v42 =	vld.idx.msk [tilespmem:v42+s16+$0x0], $0xffff;
	v29 =	vmul.f32 v29, v45;
	v49 =	vmul.f32 v61, v61;
	v24 =	vadd.f32 v53, v24  }
0x705: {  	v26 =	vadd.f32 v57, v26;
	v46 =	vor.u32 s6, v20;
	v32 =	vsub.f32 v32, v31  }
0x706: {  	v40 =	vld.idx.msk [tilespmem:v62+s7+$0x0], $0xffff;
	v56 =	vadd.f32 v51, v35;
	v35 =	vmul.f32 v35, v50;
	v18 =	vadd.f32 v55, v18  }
0x707: {  	v27 =	vadd.f32 v29, v27;
	v29 =	vmul.f32 v61, v48;
	v55 =	vld.idx.msk [tilespmem:v62+s17+$0x0], $0xffff;
	v54 =	vmul.f32 v32, v32  }
0x708: {  	v33 =	vld.idx.msk [tilespmem:v62+s16+$0x0], $0xffff;
	v28 =	vadd.f32 v49, v28;
	v61 =	vmul.f32 v31, v52;
	v62 =	vbroadcast v23, $0x8  }
0x709: {  	v59 =	vsub.f32 v56, v42;
	v36 =	vadd.f32 v54, v18;
	v18 =	vor.u32 $0x6009, v58  }
0x70a: {  	v52 =	vld.idx.msk [tilespmem:v44+s17+$0x0], $0xffff;
	v34 =	vadd.f32 v35, v34;
	v22 =	vmul.f32 v32, v48;
	v32 =	vor.u32 s6, v18  }
0x70b: {  	v29 =	vadd.f32 v29, v43;
	v45 =	vadd.f32 v61, v19;
	v48 =	vld.idx.msk [tilespmem:v44+s7+$0x0], $0xffff;
	v53 =	vmul.f32 v59, v62  }
0x70c: {  	v19 =	vor.u32 $0x600A, v58;
	v44 =	vld.idx.msk [tilespmem:v44+s16+$0x0], $0xffff;
	v51 =	vadd.f32 v55, v40;
	v54 =	vbroadcast v21, $0x8  }
0x70d: {  	v49 =	vmul.f32 v59, v59;
	v39 =	vmul.f32 v40, v50;
	v29 =	vadd.f32 v53, v29;
	v53 =	vld.idx.msk [tilespmem:v46+s17+$0x0], $0xffff  }
0x70e: {  	v22 =	vadd.f32 v22, v27;
	v41 =	vsub.f32 v51, v33;
	v61 =	vmul.f32 v33, v54;
	v33 =	vld.idx.msk [tilespmem:v46+s7+$0x0], $0xffff  }
0x70f: {  	v28 =	vadd.f32 v49, v28;
	v40 =	vor.u32 s6, v19;
	v55 =	vmul.f32 v42, v54;
	v42 =	vld.idx.msk [tilespmem:v32+s7+$0x0], $0xffff  }
0x710: {  	v26 =	vadd.f32 v39, v26;
	v59 =	vadd.f32 v52, v48;
	v56 =	vmul.f32 v41, v41;
	v57 =	vld.idx.msk [tilespmem:v32+s17+$0x0], $0xffff  }
0x711: {  	v24 =	vadd.f32 v55, v24;
	v31 =	vmul.f32 v41, v62;
	v54 =	vadd.f32 v61, v45  }
0x712: {  	v62 =	vbroadcast v23, $0x9;
	v38 =	vsub.f32 v59, v44;
	v36 =	vadd.f32 v56, v36;
	v32 =	vld.idx.msk [tilespmem:v32+s16+$0x0], $0xffff  }
0x713: {  	v59 =	vld.idx.msk [tilespmem:v46+s16+$0x0], $0xffff;
	v31 =	vadd.f32 v31, v22;
	v56 =	vbroadcast v13, $0x9;
	v22 =	vor.u32 $0x400B, v58  }
0x714: {  	v46 =	vld.idx.msk [tilespmem:v40+s7+$0x0], $0xffff;
	v52 =	vmul.f32 v38, v38;
	v55 =	vmul.f32 v38, v62;
	v49 =	vor.u32 s6, v22  }
0x715: {  	v41 =	vadd.f32 v53, v33;
	v37 =	vmul.f32 v48, v56;
	v48 =	vld.idx.msk [tilespmem:v40+s17+$0x0], $0xffff;
	v35 =	vadd.f32 v57, v42  }
0x716: {  	v38 =	vld.idx.msk [tilespmem:v40+s16+$0x0], $0xffff;
	v40 =	vbroadcast v23, $0xA;
	v28 =	vadd.f32 v52, v28;
	v50 =	vmul.f32 v42, v56  }
0x717: {  	v29 =	vadd.f32 v55, v29;
	v57 =	vbroadcast v21, $0x9;
	v35 =	vsub.f32 v35, v32  }
0x718: {  	v55 =	vbroadcast v21, $0xA;
	v34 =	vadd.f32 v37, v34;
	v37 =	vadd.f32 v50, v26  }
0x719: {  	v51 =	vmul.f32 v32, v57;
	v26 =	vor.u32 $0x400C, v58;
	v27 =	vmul.f32 v35, v62  }
0x71a: {  	v53 =	vadd.f32 v48, v46;
	v50 =	vor.u32 s6, v26;
	v47 =	vmul.f32 v35, v35  }
0x71b: {  	v35 =	vsub.f32 v41, v59;
	v31 =	vadd.f32 v27, v31;
	v27 =	vor.u32 $0x600B, v58  }
0x71c: {  	v42 =	vld.idx.msk [tilespmem:v49+s7+$0x0], $0xffff;
	v44 =	vmul.f32 v44, v57;
	v62 =	vsub.f32 v53, v38;
	v32 =	vor.u32 s6, v27  }
0x71d: {  	v61 =	vld.idx.msk [tilespmem:v49+s17+$0x0], $0xffff;
	v43 =	vadd.f32 v51, v54;
	v54 =	vbroadcast v13, $0xA;
	v52 =	vmul.f32 v35, v35  }
0x71e: {  	v53 =	vld.idx.msk [tilespmem:v49+s16+$0x0], $0xffff;
	v36 =	vadd.f32 v47, v36;
	v35 =	vmul.f32 v35, v40;
	v56 =	vmul.f32 v62, v62  }
0x71f: {  	v20 =	vor.u32 s24, v20;
	v24 =	vadd.f32 v44, v24;
	v38 =	vmul.f32 v38, v55;
	v47 =	vld.idx.msk [tilespmem:v50+s7+$0x0], $0xffff  }
0x720: {  	v33 =	vmul.f32 v33, v54;
	v29 =	vadd.f32 v35, v29;
	v35 =	vadd.f32 v56, v36;
	v56 =	vld.idx.msk [tilespmem:v50+s17+$0x0], $0xffff  }
0x721: {  	v39 =	vmul.f32 v62, v40;
	v62 =	vbroadcast v23, $0xB;
	v38 =	vadd.f32 v38, v43;
	v49 =	vld.idx.msk [tilespmem:v32+s7+$0x0], $0xffff  }
0x722: {  	v28 =	vadd.f32 v52, v28;
	v52 =	vmul.f32 v59, v55;
	v59 =	vadd.f32 v61, v42;
	v57 =	vld.idx.msk [tilespmem:v32+s17+$0x0], $0xffff  }
0x723: {  	v33 =	vadd.f32 v33, v34;
	v61 =	vmul.f32 v46, v54;
	v54 =	vbroadcast v13, $0xB  }
0x724: {  	v34 =	vadd.f32 v52, v24;
	v24 =	vor.u32 $0x600C, v58;
	v36 =	vsub.f32 v59, v53;
	v32 =	vld.idx.msk [tilespmem:v32+s16+$0x0], $0xffff  }
0x725: {  	v31 =	vadd.f32 v39, v31;
	v42 =	vmul.f32 v42, v54;
	v44 =	vor.u32 s6, v24  }
0x726: {  	v37 =	vadd.f32 v61, v37;
	v55 =	vmul.f32 v36, v36;
	v36 =	vmul.f32 v36, v62  }
0x727: {  	v61 =	vadd.f32 v56, v47;
	v41 =	vadd.f32 v57, v49;
	v57 =	vbroadcast v21, $0xB  }
0x728: {  	v19 =	vor.u32 s24, v19;
	v43 =	vld.idx.msk [tilespmem:v50+s16+$0x0], $0xffff;
	v29 =	vadd.f32 v36, v29;
	v36 =	vadd.f32 v42, v33  }
0x729: {  	v41 =	vsub.f32 v41, v32;
	v40 =	vmul.f32 v32, v57;
	v32 =	vor.u32 $0x600D, v58  }
0x72a: {  	v33 =	vor.u32 $0x400D, v58;
	v42 =	vld.idx.msk [tilespmem:v44+s7+$0x0], $0xffff;
	v54 =	vmul.f32 v49, v54;
	v46 =	vor.u32 s6, v32  }
0x72b: {  	v51 =	vld.idx.msk [tilespmem:v44+s17+$0x0], $0xffff;
	v49 =	vbroadcast v13, $0xC;
	v39 =	vmul.f32 v41, v62;
	v62 =	vor.u32 s6, v33  }
0x72c: {  	v18 =	vor.u32 s24, v18;
	v22 =	vor.u32 s24, v22;
	v28 =	vadd.f32 v55, v28  }
0x72d: {  	v55 =	vsub.f32 v61, v43;
	v45 =	vmul.f32 v53, v57;
	v47 =	vmul.f32 v47, v49  }
0x72e: {  	v44 =	vld.idx.msk [tilespmem:v44+s16+$0x0], $0xffff;
	v37 =	vadd.f32 v54, v37;
	v57 =	vbroadcast v21, $0xC;
	v59 =	vmul.f32 v41, v41  }
0x72f: {  	v34 =	vadd.f32 v45, v34;
	v41 =	vmul.f32 v55, v55;
	v36 =	vadd.f32 v47, v36;
	v47 =	vld.idx.msk [tilespmem:v46+s7+$0x0], $0xffff  }
0x730: {  	v56 =	vadd.f32 v51, v42;
	v39 =	vadd.f32 v39, v31;
	v31 =	vor.u32 $0x400E, v58;
	v50 =	vld.idx.msk [tilespmem:v62+s7+$0x0], $0xffff  }
0x731: {  	v38 =	vadd.f32 v40, v38;
	v40 =	vbroadcast v23, $0xC;
	v54 =	vor.u32 s6, v31;
	v61 =	vld.idx.msk [tilespmem:v62+s17+$0x0], $0xffff  }
0x732: {  	v43 =	vmul.f32 v43, v57;
	v42 =	vmul.f32 v42, v49;
	v35 =	vadd.f32 v59, v35;
	v48 =	vld.idx.msk [tilespmem:v62+s16+$0x0], $0xffff  }
0x733: {  	v41 =	vadd.f32 v41, v28;
	v59 =	vsub.f32 v56, v44;
	v52 =	vmul.f32 v55, v40;
	v62 =	vld.idx.msk [tilespmem:v46+s17+$0x0], $0xffff  }
0x734: {  	v43 =	vadd.f32 v43, v34;
	v28 =	vor.u32 $0x600E, v58;
	v44 =	vmul.f32 v44, v57  }
0x735: {  	v37 =	vadd.f32 v42, v37;
	v42 =	vbroadcast v13, $0xD;
	v53 =	vmul.f32 v59, v59;
	v46 =	vld.idx.msk [tilespmem:v46+s16+$0x0], $0xffff  }
0x736: {  	v55 =	vbroadcast v21, $0xD;
	v49 =	vor.u32 s6, v28;
	v29 =	vadd.f32 v52, v29;
	v51 =	vld.idx.msk [tilespmem:v54+s7+$0x0], $0xffff  }
0x737: {  	v40 =	vmul.f32 v59, v40;
	v38 =	vadd.f32 v44, v38;
	v35 =	vadd.f32 v53, v35;
	v44 =	vld.idx.msk [tilespmem:v54+s17+$0x0], $0xffff  }
0x738: {  	v34 =	vor.u32 $0x400F, v58;
	v45 =	vadd.f32 v61, v50;
	v59 =	vadd.f32 v62, v47  }
0x739: {  	v39 =	vadd.f32 v40, v39;
	v54 =	vld.idx.msk [tilespmem:v54+s16+$0x0], $0xffff;
	v50 =	vmul.f32 v50, v42;
	v42 =	vmul.f32 v47, v42  }
0x73a: {  	v56 =	vsub.f32 v45, v48;
	v45 =	vbroadcast v23, $0xD;
	v61 =	vsub.f32 v59, v46  }
0x73b: {  	v36 =	vadd.f32 v50, v36;
	v48 =	vmul.f32 v48, v55;
	v37 =	vadd.f32 v42, v37  }
0x73c: {  	v53 =	vld.idx.msk [tilespmem:v49+s7+$0x0], $0xffff;
	v59 =	vor.u32 s24, v30;
	v44 =	vadd.f32 v44, v51;
	v57 =	vmul.f32 v56, v56  }
0x73d: {  	v62 =	vld.idx.msk [tilespmem:v49+s17+$0x0], $0xffff;
	v40 =	vmul.f32 v56, v45;
	v56 =	vor.u32 s6, v34;
	v45 =	vmul.f32 v61, v45  }
0x73e: {  	v26 =	vor.u32 s24, v26;
	v43 =	vadd.f32 v48, v43;
	v44 =	vsub.f32 v44, v54  }
0x73f: {  	v48 =	vld.idx.msk [tilespmem:v49+s16+$0x0], $0xffff;
	v41 =	vadd.f32 v57, v41;
	v39 =	vadd.f32 v45, v39;
	v45 =	vmul.f32 v46, v55  }
0x740: {  	v30 =	vld [tilespmem:s5+$0x0];
	v40 =	vadd.f32 v40, v29;
	v57 =	vmul.f32 v61, v61;
	v29 =	vor.u32 $0x600F, v58  }
0x741: {  	v46 =	vbroadcast v23, $0xE;
	v49 =	vor.u32 s6, v29;
	v38 =	vadd.f32 v45, v38;
	v45 =	vld.idx.msk [tilespmem:v59+s17+$0x0], $0xffff  }
0x742: {  	v50 =	vadd.f32 v62, v53;
	v55 =	vbroadcast v13, $0xE;
	v61 =	vmul.f32 v44, v44;
	v47 =	vld.idx.msk [tilespmem:v56+s7+$0x0], $0xffff  }
0x743: {  	v35 =	vadd.f32 v57, v35;
	v62 =	vmul.f32 v44, v46;
	v44 =	vbroadcast v21, $0xE;
	v57 =	vld.idx.msk [tilespmem:v56+s17+$0x0], $0xffff  }
0x744: {  	v51 =	vmul.f32 v51, v55;
	v56 =	vld.idx.msk [tilespmem:v56+s16+$0x0], $0xffff;
	v50 =	vsub.f32 v50, v48;
	v41 =	vadd.f32 v61, v41  }
0x745: {  	v52 =	vmul.f32 v54, v44;
	v40 =	vadd.f32 v62, v40;
	v44 =	vmul.f32 v48, v44;
	v48 =	vld.idx.msk [tilespmem:v59+s7+$0x0], $0xffff  }
0x746: {  	v36 =	vadd.f32 v51, v36;
	v61 =	vmul.f32 v50, v50;
	v46 =	vmul.f32 v50, v46;
	v58 =	vld.idx.msk [tilespmem:v49+s7+$0x0], $0xffff  }
0x747: {  	v50 =	vbroadcast v13, $0xF;
	v54 =	vld.idx.msk [tilespmem:v49+s17+$0x0], $0xffff;
	v43 =	vadd.f32 v52, v43;
	v52 =	vmul.f32 v53, v55  }
0x748: {  	v21 =	vbroadcast v21, $0xF;
	v49 =	vld.idx.msk [tilespmem:v49+s16+$0x0], $0xffff;
	v38 =	vadd.f32 v44, v38;
	v62 =	vadd.f32 v57, v47  }
0x749: {  	v51 =	vld.idx.msk [tilespmem:v59+s16+$0x0], $0xffff;
	v35 =	vadd.f32 v61, v35;
	v37 =	vadd.f32 v52, v37;
	v57 =	vmul.f32 v47, v50  }
0x74a: {  	v52 =	vor.u32 s24, v9;
	v59 =	vmul.f32 v56, v21;
	v9 =	vld [tilespmem:s8+$0x0];
	v53 =	vsub.f32 v62, v56  }
0x74b: {  	v23 =	vbroadcast v23, $0xF;
	v13 =	vld [tilespmem:s11+$0x0];
	v36 =	vadd.f32 v57, v36;
	v57 =	vadd.f32 v45, v48  }
0x74c: {  	v47 =	vld.idx.msk [tilespmem:v25+s7+$0x0], $0xffff;
	v43 =	vadd.f32 v59, v43;
	v54 =	vadd.f32 v54, v58;
	v59 =	vmul.f32 v58, v50  }
0x74d: {  	v39 =	vadd.f32 v46, v39;
	v62 =	vld.idx.msk [tilespmem:v25+s17+$0x0], $0xffff;
	v21 =	vmul.f32 v49, v21;
	v55 =	vmul.f32 v53, v53  }
0x74e: {  	v25 =	vld.idx.msk [tilespmem:v25+s16+$0x0], $0xffff;
	v46 =	vmul.f32 v53, v23;
	v44 =	vsub.f32 v57, v51;
	v42 =	vsub.f32 v54, v49  }
0x74f: {  	v45 =	vld.idx.msk [tilespmem:v52+s7+$0x0], $0xffff;
	v49 =	vbroadcast v30, $0x0;
	v37 =	vadd.f32 v59, v37;
	v58 =	vbroadcast v9, $0x0  }
0x750: {  	v56 =	vld.idx.msk [tilespmem:v52+s17+$0x0], $0xffff;
	v21 =	vadd.f32 v21, v38;
	v41 =	vadd.f32 v55, v41;
	v61 =	vmul.f32 v42, v42  }
0x751: {  	v40 =	vadd.f32 v46, v40;
	v23 =	vmul.f32 v42, v23;
	v48 =	vmul.f32 v48, v49  }
0x752: {  	v62 =	vadd.f32 v62, v47;
	v59 =	vmul.f32 v51, v58;
	v54 =	vmul.f32 v47, v49  }
0x753: {  	v52 =	vld.idx.msk [tilespmem:v52+s16+$0x0], $0xffff;
	v35 =	vadd.f32 v61, v35;
	v23 =	vadd.f32 v23, v39;
	v39 =	vbroadcast v13, $0x0  }
0x754: {  	v46 =	vld.idx.msk [tilespmem:v3+s7+$0x0], $0xffff;
	v61 =	vmul.f32 v44, v44;
	v50 =	vsub.f32 v62, v25;
	v36 =	vadd.f32 v48, v36  }
0x755: {  	v62 =	vld.idx.msk [tilespmem:v3+s17+$0x0], $0xffff;
	v37 =	vadd.f32 v54, v37;
	v25 =	vmul.f32 v25, v58;
	v53 =	vadd.f32 v56, v45  }
0x756: {  	v56 =	vbroadcast v13, $0x1;
	v57 =	vmul.f32 v44, v39;
	v38 =	vadd.f32 v61, v41  }
0x757: {  	v3 =	vld.idx.msk [tilespmem:v3+s16+$0x0], $0xffff;
	v61 =	vmul.f32 v50, v50;
	v41 =	vadd.f32 v59, v43;
	v59 =	vbroadcast v30, $0x1  }
0x758: {  	v39 =	vmul.f32 v50, v39;
	v21 =	vadd.f32 v25, v21;
	v55 =	vsub.f32 v53, v52  }
0x759: {  	v43 =	vld.idx.msk [tilespmem:v0+s7+$0x0], $0xffff;
	v40 =	vadd.f32 v57, v40;
	v35 =	vadd.f32 v61, v35;
	v45 =	vmul.f32 v45, v59  }
0x75a: {  	v57 =	vld.idx.msk [tilespmem:v0+s17+$0x0], $0xffff;
	v58 =	vmul.f32 v55, v55;
	v48 =	vadd.f32 v62, v46;
	v61 =	vmul.f32 v55, v56  }
0x75b: {  	v50 =	vld.idx.msk [tilespmem:v1+s7+$0x0], $0xffff;
	v23 =	vadd.f32 v39, v23;
	v62 =	vbroadcast v9, $0x1;
	v55 =	vmul.f32 v46, v59  }
0x75c: {  	v0 =	vld.idx.msk [tilespmem:v0+s16+$0x0], $0xffff;
	v36 =	vadd.f32 v45, v36;
	v45 =	vbroadcast v9, $0x6;
	v48 =	vsub.f32 v48, v3  }
0x75d: {  	v59 =	vld.idx.msk [tilespmem:v2+s17+$0x0], $0xffff;
	v38 =	vadd.f32 v58, v38;
	v25 =	vadd.f32 v61, v40;
	v51 =	vmul.f32 v52, v62  }
0x75e: {  	v52 =	vld.idx.msk [tilespmem:v1+s17+$0x0], $0xffff;
	v3 =	vmul.f32 v3, v62;
	v58 =	vbroadcast v30, $0x2;
	v37 =	vadd.f32 v55, v37  }
0x75f: {  	v1 =	vld.idx.msk [tilespmem:v1+s16+$0x0], $0xffff;
	v62 =	vbroadcast v9, $0x2;
	v53 =	vmul.f32 v48, v48;
	v44 =	vadd.f32 v57, v43  }
0x760: {  	v40 =	vadd.f32 v51, v41;
	v54 =	vmul.f32 v48, v56;
	v41 =	vld.idx.msk [tilespmem:v2+s7+$0x0], $0xffff;
	v43 =	vmul.f32 v43, v58  }
0x761: {  	v3 =	vadd.f32 v3, v21;
	v55 =	vmul.f32 v50, v58;
	v35 =	vadd.f32 v53, v35  }
0x762: {  	v44 =	vsub.f32 v44, v0;
	v23 =	vadd.f32 v54, v23;
	v0 =	vmul.f32 v0, v62  }
0x763: {  	v56 =	vbroadcast v13, $0x2;
	v2 =	vld.idx.msk [tilespmem:v2+s16+$0x0], $0xffff;
	v36 =	vadd.f32 v43, v36;
	v47 =	vadd.f32 v52, v50  }
0x764: {  	v49 =	vld.idx.msk [tilespmem:v6+s7+$0x0], $0xffff;
	v37 =	vadd.f32 v55, v37;
	v57 =	vmul.f32 v44, v44;
	v0 =	vadd.f32 v0, v40  }
0x765: {  	v52 =	vld.idx.msk [tilespmem:v6+s17+$0x0], $0xffff;
	v61 =	vmul.f32 v44, v56;
	v47 =	vsub.f32 v47, v1;
	v54 =	vadd.f32 v59, v41  }
0x766: {  	v1 =	vmul.f32 v1, v62;
	v59 =	vbroadcast v30, $0x3;
	v51 =	vadd.f32 v57, v38  }
0x767: {  	v58 =	vld.idx.msk [tilespmem:v4+s17+$0x0], $0xffff;
	v25 =	vadd.f32 v61, v25;
	v57 =	vbroadcast v13, $0x3;
	v61 =	vbroadcast v9, $0x3  }
0x768: {  	v6 =	vld.idx.msk [tilespmem:v6+s16+$0x0], $0xffff;
	v53 =	vmul.f32 v47, v47;
	v39 =	vmul.f32 v47, v56;
	v56 =	vsub.f32 v54, v2  }
0x769: {  	v40 =	vld.idx.msk [tilespmem:v4+s7+$0x0], $0xffff;
	v1 =	vadd.f32 v1, v3;
	v62 =	vmul.f32 v41, v59;
	v54 =	vbroadcast v13, $0x4  }
0x76a: {  	v38 =	vadd.f32 v52, v49;
	v2 =	vmul.f32 v2, v61;
	v35 =	vadd.f32 v53, v35  }
0x76b: {  	v50 =	vld.idx.msk [tilespmem:v7+s17+$0x0], $0xffff;
	v23 =	vadd.f32 v39, v23;
	v3 =	vmul.f32 v56, v56;
	v39 =	vmul.f32 v56, v57  }
0x76c: {  	v41 =	vld.idx.msk [tilespmem:v7+s7+$0x0], $0xffff;
	v21 =	vadd.f32 v62, v36;
	v53 =	vmul.f32 v49, v59;
	v56 =	vbroadcast v30, $0x4  }
0x76d: {  	v4 =	vld.idx.msk [tilespmem:v4+s16+$0x0], $0xffff;
	v59 =	vbroadcast v9, $0x4;
	v38 =	vsub.f32 v38, v6;
	v0 =	vadd.f32 v2, v0  }
0x76e: {  	v7 =	vld.idx.msk [tilespmem:v7+s16+$0x0], $0xffff;
	v6 =	vmul.f32 v6, v61;
	v3 =	vadd.f32 v3, v51;
	v51 =	vadd.f32 v58, v40  }
0x76f: {  	v37 =	vadd.f32 v53, v37;
	v40 =	vmul.f32 v40, v56;
	v53 =	vbroadcast v30, $0x5  }
0x770: {  	v25 =	vadd.f32 v39, v25;
	v39 =	vld.idx.msk [tilespmem:v5+s7+$0x0], $0xffff;
	v48 =	vmul.f32 v38, v38;
	v52 =	vmul.f32 v38, v57  }
0x771: {  	v58 =	vld.idx.msk [tilespmem:v5+s17+$0x0], $0xffff;
	v57 =	vadd.f32 v50, v41;
	v1 =	vadd.f32 v6, v1;
	v47 =	vmul.f32 v41, v56  }
0x772: {  	v62 =	vld.idx.msk [tilespmem:v8+s17+$0x0], $0xffff;
	v50 =	vbroadcast v13, $0x5;
	v36 =	vsub.f32 v51, v4;
	v21 =	vadd.f32 v40, v21  }
0x773: {  	v6 =	vld.idx.msk [tilespmem:v8+s7+$0x0], $0xffff;
	v4 =	vmul.f32 v4, v59;
	v2 =	vadd.f32 v48, v35;
	v44 =	vsub.f32 v57, v7  }
0x774: {  	v49 =	vld.idx.msk [tilespmem:v10+s7+$0x0], $0xffff;
	v23 =	vadd.f32 v52, v23;
	v7 =	vmul.f32 v7, v59;
	v55 =	vmul.f32 v36, v36  }
0x775: {  	v5 =	vld.idx.msk [tilespmem:v5+s16+$0x0], $0xffff;
	v36 =	vmul.f32 v36, v54;
	v0 =	vadd.f32 v4, v0;
	v61 =	vmul.f32 v44, v44  }
0x776: {  	v51 =	vld.idx.msk [tilespmem:v10+s17+$0x0], $0xffff;
	v4 =	vmul.f32 v44, v54;
	v46 =	vadd.f32 v58, v39;
	v1 =	vadd.f32 v7, v1  }
0x777: {  	v8 =	vld.idx.msk [tilespmem:v8+s16+$0x0], $0xffff;
	v54 =	vbroadcast v9, $0x5;
	v3 =	vadd.f32 v55, v3;
	v25 =	vadd.f32 v36, v25  }
0x778: {  	v39 =	vmul.f32 v39, v53;
	v36 =	vadd.f32 v47, v37;
	v40 =	vadd.f32 v62, v6  }
0x779: {  	v10 =	vld.idx.msk [tilespmem:v10+s16+$0x0], $0xffff;
	v6 =	vmul.f32 v6, v53;
	v2 =	vadd.f32 v61, v2;
	v4 =	vadd.f32 v4, v23  }
0x77a: {  	v56 =	vld.idx.msk [tilespmem:v11+s17+$0x0], $0xffff;
	v48 =	vsub.f32 v46, v5;
	v5 =	vmul.f32 v5, v54;
	v21 =	vadd.f32 v39, v21  }
0x77b: {  	v55 =	vld.idx.msk [tilespmem:v11+s7+$0x0], $0xffff;
	v38 =	vadd.f32 v51, v49;
	v61 =	vbroadcast v30, $0x6;
	v51 =	vbroadcast v30, $0x7  }
0x77c: {  	v40 =	vsub.f32 v40, v8;
	v6 =	vadd.f32 v6, v36;
	v52 =	vmul.f32 v48, v48  }
0x77d: {  	v59 =	vld.idx.msk [tilespmem:v12+s7+$0x0], $0xffff;
	v7 =	vmul.f32 v48, v50;
	v0 =	vadd.f32 v5, v0;
	v35 =	vmul.f32 v49, v61  }
0x77e: {  	v46 =	vld.idx.msk [tilespmem:v16+s7+$0x0], $0xffff;
	v58 =	vsub.f32 v38, v10;
	v49 =	vbroadcast v13, $0x7;
	v57 =	vmul.f32 v40, v40  }
0x77f: {  	v11 =	vld.idx.msk [tilespmem:v11+s16+$0x0], $0xffff;
	v5 =	vmul.f32 v40, v50;
	v40 =	vbroadcast v30, $0x8;
	v3 =	vadd.f32 v52, v3  }
0x780: {  	v62 =	vld.idx.msk [tilespmem:v12+s17+$0x0], $0xffff;
	v7 =	vadd.f32 v7, v25;
	v38 =	vmul.f32 v58, v58;
	v25 =	vadd.f32 v56, v55  }
0x781: {  	v12 =	vld.idx.msk [tilespmem:v12+s16+$0x0], $0xffff;
	v21 =	vadd.f32 v35, v21;
	v48 =	vmul.f32 v55, v61;
	v52 =	vbroadcast v9, $0x7  }
0x782: {  	v53 =	vld.idx.msk [tilespmem:v17+s7+$0x0], $0xffff;
	v35 =	vbroadcast v13, $0xD;
	v4 =	vadd.f32 v5, v4;
	v5 =	vmul.f32 v8, v54  }
0x783: {  	v55 =	vld.idx.msk [tilespmem:v17+s17+$0x0], $0xffff;
	v2 =	vadd.f32 v57, v2;
	v8 =	vbroadcast v13, $0x6;
	v57 =	vmul.f32 v46, v51  }
0x784: {  	v25 =	vsub.f32 v25, v11;
	v1 =	vadd.f32 v5, v1;
	v5 =	vmul.f32 v10, v45;
	v10 =	vld.idx.msk [tilespmem:v16+s17+$0x0], $0xffff  }
0x785: {  	v42 =	vld.idx.msk [tilespmem:v15+s17+$0x0], $0xffff;
	v3 =	vadd.f32 v38, v3;
	v6 =	vadd.f32 v48, v6;
	v44 =	vmul.f32 v58, v8  }
0x786: {  	v61 =	vld.idx.msk [tilespmem:v15+s7+$0x0], $0xffff;
	v0 =	vadd.f32 v5, v0;
	v5 =	vmul.f32 v25, v8;
	v8 =	vadd.f32 v62, v59  }
0x787: {  	v16 =	vld.idx.msk [tilespmem:v16+s16+$0x0], $0xffff;
	v47 =	vmul.f32 v25, v25;
	v6 =	vadd.f32 v57, v6;
	v7 =	vadd.f32 v44, v7  }
0x788: {  	v50 =	vld.idx.msk [tilespmem:v14+s17+$0x0], $0xffff;
	v4 =	vadd.f32 v5, v4;
	v5 =	vmul.f32 v11, v45;
	v8 =	vsub.f32 v8, v12  }
0x789: {  	v41 =	vadd.f32 v55, v53;
	v44 =	vbroadcast v9, $0x8;
	v11 =	vld.idx.msk [tilespmem:v14+s7+$0x0], $0xffff;
	v10 =	vadd.f32 v10, v46  }
0x78a: {  	v45 =	vld.idx.msk [tilespmem:v18+s7+$0x0], $0xffff;
	v1 =	vadd.f32 v5, v1;
	v5 =	vmul.f32 v8, v8;
	v8 =	vmul.f32 v8, v49  }
0x78b: {  	v55 =	vor.u32 s24, v27;
	v2 =	vadd.f32 v47, v2;
	v47 =	vadd.f32 v42, v61;
	v46 =	vld.idx.msk [tilespmem:v18+s17+$0x0], $0xffff  }
0x78c: {  	v14 =	vld.idx.msk [tilespmem:v14+s16+$0x0], $0xffff;
	v10 =	vsub.f32 v10, v16;
	v7 =	vadd.f32 v8, v7;
	v8 =	vmul.f32 v12, v52  }
0x78d: {  	v18 =	vld.idx.msk [tilespmem:v18+s16+$0x0], $0xffff;
	v3 =	vadd.f32 v5, v3;
	v5 =	vmul.f32 v59, v51;
	v59 =	vbroadcast v13, $0x8  }
0x78e: {  	v54 =	vmul.f32 v10, v10;
	v0 =	vadd.f32 v8, v0;
	v8 =	vmul.f32 v10, v49;
	v10 =	vld.idx.msk [tilespmem:v17+s16+$0x0], $0xffff  }
0x78f: {  	v51 =	vbroadcast v30, $0x9;
	v56 =	vadd.f32 v50, v11;
	v5 =	vadd.f32 v5, v21  }
0x790: {  	v11 =	vmul.f32 v11, v40;
	v12 =	vadd.f32 v46, v45;
	v2 =	vadd.f32 v54, v2  }
0x791: {  	v48 =	vld.idx.msk [tilespmem:v20+s7+$0x0], $0xffff;
	v21 =	vmul.f32 v61, v51;
	v58 =	vsub.f32 v56, v14;
	v4 =	vadd.f32 v8, v4  }
0x792: {  	v49 =	vld.idx.msk [tilespmem:v20+s17+$0x0], $0xffff;
	v8 =	vmul.f32 v16, v52;
	v5 =	vadd.f32 v11, v5;
	v12 =	vsub.f32 v12, v18  }
0x793: {  	v62 =	vmul.f32 v58, v58;
	v43 =	vmul.f32 v58, v59;
	v36 =	vsub.f32 v41, v10  }
0x794: {  	v15 =	vld.idx.msk [tilespmem:v15+s16+$0x0], $0xffff;
	v58 =	vbroadcast v30, $0xA;
	v1 =	vadd.f32 v8, v1;
	v8 =	vmul.f32 v14, v44  }
0x795: {  	v5 =	vadd.f32 v21, v5;
	v54 =	vmul.f32 v12, v12;
	v11 =	vmul.f32 v36, v36  }
0x796: {  	v10 =	vmul.f32 v10, v44;
	v0 =	vadd.f32 v8, v0;
	v8 =	vmul.f32 v36, v59  }
0x797: {  	v37 =	vld.idx.msk [tilespmem:v55+s17+$0x0], $0xffff;
	v17 =	vadd.f32 v49, v48;
	v2 =	vadd.f32 v11, v2;
	v11 =	vmul.f32 v53, v40  }
0x798: {  	v20 =	vld.idx.msk [tilespmem:v20+s16+$0x0], $0xffff;
	v16 =	vmul.f32 v48, v58;
	v48 =	vor.u32 s24, v33;
	v4 =	vadd.f32 v8, v4  }
0x799: {  	v52 =	vld.idx.msk [tilespmem:v19+s7+$0x0], $0xffff;
	v8 =	vsub.f32 v47, v15;
	v6 =	vadd.f32 v11, v6;
	v11 =	vbroadcast v13, $0x9  }
0x79a: {  	v56 =	vld.idx.msk [tilespmem:v22+s7+$0x0], $0xffff;
	v14 =	vmul.f32 v45, v51;
	v1 =	vadd.f32 v10, v1;
	v10 =	vbroadcast v9, $0x9  }
0x79b: {  	v7 =	vadd.f32 v43, v7;
	v59 =	vld.idx.msk [tilespmem:v22+s17+$0x0], $0xffff;
	v50 =	vmul.f32 v8, v8;
	v8 =	vmul.f32 v8, v11  }
0x79c: {  	v45 =	vbroadcast v9, $0xB;
	v3 =	vadd.f32 v62, v3;
	v62 =	vbroadcast v9, $0xA;
	v36 =	vld.idx.msk [tilespmem:v55+s7+$0x0], $0xffff  }
0x79d: {  	v41 =	vbroadcast v13, $0xB;
	v53 =	vld.idx.msk [tilespmem:v19+s17+$0x0], $0xffff;
	v7 =	vadd.f32 v8, v7;
	v8 =	vmul.f32 v15, v10  }
0x79e: {  	v17 =	vsub.f32 v17, v20;
	v39 =	vmul.f32 v52, v58;
	v40 =	vor.u32 s24, v24;
	v58 =	vld.idx.msk [tilespmem:v48+s17+$0x0], $0xffff  }
0x79f: {  	v44 =	vbroadcast v30, $0xB;
	v0 =	vadd.f32 v8, v0;
	v8 =	vmul.f32 v12, v11;
	v11 =	vld.idx.msk [tilespmem:v19+s16+$0x0], $0xffff  }
0x7a0: {  	v5 =	vadd.f32 v16, v5;
	v57 =	vmul.f32 v17, v17;
	v23 =	vld.idx.msk [tilespmem:v48+s16+$0x0], $0xffff;
	v2 =	vadd.f32 v54, v2  }
0x7a1: {  	v54 =	vld.idx.msk [tilespmem:v48+s7+$0x0], $0xffff;
	v48 =	vbroadcast v13, $0xE;
	v42 =	vadd.f32 v37, v36;
	v51 =	vmul.f32 v36, v44  }
0x7a2: {  	v22 =	vld.idx.msk [tilespmem:v22+s16+$0x0], $0xffff;
	v15 =	vadd.f32 v53, v52;
	v4 =	vadd.f32 v8, v4;
	v8 =	vmul.f32 v18, v10  }
0x7a3: {  	v3 =	vadd.f32 v50, v3;
	v6 =	vadd.f32 v14, v6;
	v47 =	vld.idx.msk [tilespmem:v40+s7+$0x0], $0xffff;
	v10 =	vbroadcast v13, $0xA  }
0x7a4: {  	v24 =	vld.idx.msk [tilespmem:v40+s17+$0x0], $0xffff;
	v1 =	vadd.f32 v8, v1;
	v8 =	vmul.f32 v20, v62;
	v15 =	vsub.f32 v15, v11  }
0x7a5: {  	v3 =	vadd.f32 v57, v3;
	v6 =	vadd.f32 v39, v6;
	v12 =	vld.idx.msk [tilespmem:v55+s16+$0x0], $0xffff;
	v61 =	vmul.f32 v17, v10  }
0x7a6: {  	v0 =	vadd.f32 v8, v0;
	v8 =	vmul.f32 v15, v10;
	v10 =	vadd.f32 v59, v56  }
0x7a7: {  	v52 =	vor.u32 s24, v32;
	v53 =	vbroadcast v13, $0xC;
	v32 =	vor.u32 s24, v28  }
0x7a8: {  	v43 =	vld.idx.msk [tilespmem:v26+s17+$0x0], $0xffff;
	v4 =	vadd.f32 v8, v4;
	v8 =	vmul.f32 v11, v62;
	v10 =	vsub.f32 v10, v22  }
0x7a9: {  	v39 =	vbroadcast v9, $0xD;
	v6 =	vadd.f32 v51, v6;
	v57 =	vadd.f32 v24, v47;
	v11 =	vld.idx.msk [tilespmem:v26+s7+$0x0], $0xffff  }
0x7aa: {  	v16 =	vsub.f32 v42, v12;
	v1 =	vadd.f32 v8, v1;
	v8 =	vmul.f32 v10, v10  }
0x7ab: {  	v46 =	vld.idx.msk [tilespmem:v26+s16+$0x0], $0xffff;
	v7 =	vadd.f32 v61, v7;
	v38 =	vmul.f32 v15, v15;
	v10 =	vmul.f32 v10, v41  }
0x7ac: {  	v61 =	vor.u32 s24, v31;
	v3 =	vadd.f32 v8, v3;
	v8 =	vmul.f32 v56, v44  }
0x7ad: {  	v50 =	vld.idx.msk [tilespmem:v40+s16+$0x0], $0xffff;
	v2 =	vadd.f32 v38, v2;
	v7 =	vadd.f32 v10, v7;
	v10 =	vmul.f32 v22, v45  }
0x7ae: {  	v49 =	vmul.f32 v16, v16;
	v5 =	vadd.f32 v8, v5;
	v8 =	vadd.f32 v43, v11  }
0x7af: {  	v56 =	vbroadcast v30, $0xC;
	v0 =	vadd.f32 v10, v0;
	v10 =	vmul.f32 v16, v41  }
0x7b0: {  	v59 =	vbroadcast v9, $0xC;
	v2 =	vadd.f32 v49, v2;
	v8 =	vsub.f32 v8, v46  }
0x7b1: {  	v42 =	vld.idx.msk [tilespmem:v32+s7+$0x0], $0xffff;
	v11 =	vmul.f32 v11, v56;
	v4 =	vadd.f32 v10, v4;
	v10 =	vmul.f32 v12, v45  }
0x7b2: {  	v62 =	vld.idx.msk [tilespmem:v52+s7+$0x0], $0xffff;
	v22 =	vsub.f32 v57, v50;
	v55 =	vmul.f32 v8, v8;
	v8 =	vmul.f32 v8, v53  }
0x7b3: {  	v33 =	vld.idx.msk [tilespmem:v61+s7+$0x0], $0xffff;
	v41 =	vor.u32 s24, v34;
	v1 =	vadd.f32 v10, v1;
	v10 =	vmul.f32 v46, v59  }
0x7b4: {  	v5 =	vadd.f32 v11, v5;
	v11 =	vld.idx.msk [tilespmem:v52+s17+$0x0], $0xffff;
	v7 =	vadd.f32 v8, v7;
	v8 =	vmul.f32 v22, v22  }
0x7b5: {  	v31 =	vadd.f32 v58, v54;
	v36 =	vld.idx.msk [tilespmem:v61+s17+$0x0], $0xffff;
	v0 =	vadd.f32 v10, v0;
	v10 =	vmul.f32 v22, v53  }
0x7b6: {  	v58 =	vbroadcast v30, $0xF;
	v16 =	vld.idx.msk [tilespmem:v52+s16+$0x0], $0xffff;
	v2 =	vadd.f32 v8, v2;
	v8 =	vmul.f32 v47, v56  }
0x7b7: {  	v40 =	vld.idx.msk [tilespmem:v61+s16+$0x0], $0xffff;
	v44 =	vor.u32 s24, v29;
	v4 =	vadd.f32 v10, v4;
	v10 =	vsub.f32 v31, v23  }
0x7b8: {  	v38 =	vbroadcast v30, $0xD;
	v43 =	vld.idx.msk [tilespmem:v32+s17+$0x0], $0xffff;
	v6 =	vadd.f32 v8, v6;
	v8 =	vmul.f32 v50, v59  }
0x7b9: {  	v45 =	vld.idx.msk [tilespmem:v41+s7+$0x0], $0xffff;
	v11 =	vadd.f32 v11, v62;
	v37 =	vmul.f32 v10, v10;
	v10 =	vmul.f32 v10, v35  }
0x7ba: {  	v49 =	vbroadcast v9, $0xE;
	v46 =	vld.idx.msk [tilespmem:v41+s17+$0x0], $0xffff;
	v1 =	vadd.f32 v8, v1;
	v8 =	vmul.f32 v54, v38  }
0x7bb: {  	v11 =	vsub.f32 v11, v16;
	v7 =	vadd.f32 v10, v7;
	v10 =	vmul.f32 v23, v39  }
0x7bc: {  	v9 =	vbroadcast v9, $0xF;
	v52 =	vld.idx.msk [tilespmem:v44+s7+$0x0], $0xffff;
	v3 =	vadd.f32 v55, v3;
	v5 =	vadd.f32 v8, v5  }
0x7bd: {  	v8 =	vmul.f32 v11, v11;
	v0 =	vadd.f32 v10, v0;
	v10 =	vmul.f32 v11, v35;
	v11 =	vld.idx.msk [tilespmem:v32+s16+$0x0], $0xffff  }
0x7be: {  	v15 =	vadd.f32 v36, v33;
	v20 =	vadd.f32 v43, v42;
	v53 =	vmul.f32 v40, v49;
	v54 =	vld.idx.msk [tilespmem:v44+s17+$0x0], $0xffff  }
0x7bf: {  	v16 =	vmul.f32 v16, v39;
	v18 =	vadd.f32 v46, v45;
	v3 =	vadd.f32 v37, v3  }
0x7c0: {  	v14 =	vld.idx.msk [tilespmem:v44+s16+$0x0], $0xffff;
	v56 =	vbroadcast v13, $0xF;
	v2 =	vadd.f32 v8, v2;
	v8 =	vsub.f32 v15, v40  }
0x7c1: {  	v50 =	vld.idx.msk [tilespmem:v41+s16+$0x0], $0xffff;
	v1 =	vadd.f32 v16, v1;
	v4 =	vadd.f32 v10, v4;
	v10 =	vmul.f32 v62, v38  }
0x7c2: {  	v47 =	vmul.f32 v8, v8;
	v8 =	vmul.f32 v8, v48;
	v51 =	vsub.f32 v20, v11  }
0x7c3: {  	v59 =	vadd.f32 v54, v52;
	v6 =	vadd.f32 v10, v6;
	v10 =	vbroadcast v30, $0xE  }
0x7c4: {  	v0 =	vadd.f32 v53, v0;
	v7 =	vadd.f32 v8, v7;
	v8 =	vmul.f32 v51, v51  }
0x7c5: {  	v11 =	vmul.f32 v11, v49;
	v62 =	vsub.f32 v59, v14;
	v12 =	vmul.f32 v33, v10  }
0x7c6: {  	v2 =	vadd.f32 v8, v2;
	v8 =	vmul.f32 v42, v10;
	v10 =	vsub.f32 v18, v50  }
0x7c7: {  	v3 =	vadd.f32 v47, v3;
	v55 =	vmul.f32 v51, v48;
	v11 =	vadd.f32 v11, v1  }
0x7c8: {  	s4 =	sadd.s32 $0x2, s4;
	v1 =	vmul.f32 v45, v58;
	v5 =	vadd.f32 v12, v5;
	v57 =	vmul.f32 v10, v10  }
0x7c9: {  	p0 =	slt.u32 s4, $0x1E;
	v4 =	vadd.f32 v55, v4;
	v61 =	vadd.f32 v8, v6;
	v6 =	vmul.f32 v10, v56  }
.Ltmp1:
0x7ca: {  	v10 =	vadd.f32 v1, v5;
	v8 =	vadd.f32 v57, v3;
	v3 =	vmul.f32 v50, v9;
	(pc) =	sbr.rel @p0 .LBB2_6-.Ltmp1, $4  }
0x7cb: {  	v1 =	vmul.f32 v62, v62;
	v5 =	vmul.f32 v62, v56;
	v7 =	vadd.f32 v6, v7  }
0x7cc: {  	v6 =	vadd.f32 v3, v0;
	v0 =	vmul.f32 v52, v58;
	v3 =	vmul.f32 v14, v9  }
0x7cd: {  	s5 =	sadd.s32 $0x20, s5;
	v1 =	vadd.f32 v1, v2;
	v4 =	vadd.f32 v5, v4  }
0x7ce: {  	s11 =	sadd.s32 $0x20, s11;
	s8 =	sadd.s32 $0x20, s8;
	s24 =	sadd.s32 $0x20, s24;
	v5 =	vadd.f32 v0, v61;
	v2 =	vadd.f32 v3, v11  }
0x7cf: {  	v62 =	vld [tilespmem:$0x1FE20]  }
0x7d0: {  	v49 =	vld [tilespmem:$0x1FFB0]  }
0x7d1: {  	v54 =	vld [tilespmem:$0x1FEA0]  }
0x7d2: {  	v38 =	vld [tilespmem:$0x1FEB0]  }
0x7d3: {  	v55 =	vld [tilespmem:$0x1FEC0]  }
0x7d4: {  	v57 =	vld [tilespmem:$0x1FED0]  }
0x7d5: {  	v0 =	vsub.f32 v10, v6;
	v50 =	vld [tilespmem:$0x1FEE0]  }
0x7d6: {  	v17 =	vmov v60;
	v60 =	vld [tilespmem:$0x1FEF0];
	v2 =	vsub.f32 v5, v2  }
0x7d7: {  	v10 =	vld [tilespmem:$0x1FF00];
	v3 =	vadd.f32 v0, v0  }
0x7d8: {  	v61 =	vld [tilespmem:$0x1FF10];
	v5 =	vadd.f32 v2, v2  }
0x7d9: {  	v14 =	vld [tilespmem:$0x1FF20];
	v0 =	vmul.f32 v0, v0;
	v3 =	vmul.f32 v3, v7  }
0x7da: {  	v13 =	vld [tilespmem:$0x1FF30];
	v2 =	vmul.f32 v2, v2;
	v4 =	vmul.f32 v5, v4  }
0x7db: {  	p0 =	sne.s32 s3, $0x8;
	v52 =	vmov v63;
	v63 =	vld [tilespmem:$0x1FF50];
	v0 =	vmul.f32 v0, v62;
	v3 =	vadd.f32 v3, v8  }
.Ltmp2:
0x7dc: {  	v15 =	vld [tilespmem:$0x1FF60];
	v2 =	vmul.f32 v2, v62;
	v1 =	vadd.f32 v4, v1;
	(pc) =	sbr.rel @p0 .LBB2_3-.Ltmp2, $4  }
0x7dd: {  	v48 =	vld [tilespmem:$0x1FF70];
	v0 =	vadd.f32 v3, v0  }
0x7de: {  	v53 =	vld [tilespmem:$0x1FF80];
	v1 =	vadd.f32 v1, v2  }
0x7df: {  	v58 =	vld [tilespmem:$0x1FF90];
	[tilespmem:s31+$0x18600] =	vst v0  }
0x7e0: {  	v56 =	vld [tilespmem:$0x1FFA0];
	[tilespmem:s30+$0x18630] =	vst v1  }
0x7e1: {  	s25 =	sadd.s32 $0x1, s25  }
0x7e2: {  	p0 =	sne.s32 s25, $0x8  }
.Ltmp3:
0x7e3: {  	s3 =	sadd.s32 s9, s26;
	(pc) =	sbr.rel @p0 .LBB2_2-.Ltmp3, $4  }
0x7e4: {  	[hbm4b:s3+s7] =	stream.linear.scatter [tilespmem:s23], [sflag:$0x3], $0x200, $0x38;
	[tilespmem:$0x18800] =	vst v63  }
0x7e5: {  	_ =	swait.ge [sflag:s13], $0x200  }
0x7e6: {  	[sflag:s13] =	ssyncset.done $0x0  }
0x7e7: {  	[sflag:s13] =	ssyncadd.s32 $0xFFFFFE00  }
0x7e8: {  	s4 =	rddreg [dreg:$0x9]  }
0x7e9: {  	s3 =	rddreg [dreg:$0x8];
	s4 =	sadd.s32 $0x1, s4  }
0x7ea: {  	p0 =	sne.s32 s4, s3  }
.Ltmp4:
0x7eb: {  	_ = 	snop;
	(pc) =	sbr.rel @p0 .LBB2_1-.Ltmp4, $1  }
0x7ec: {  	_ =	sdelay $0x3  }
0x7ed: {  	_ =	sfence.sel $0x180000  }
0x7ee: {  	[bflag:$0x0] =	sbarrier.arrive $0xFFFF  }
0x7ef: {  	_ =	strace $0x90000047  }
0x7f0: {  	s0 =	stileid.u32;
	[bflag:$0x2] =	sbarrier.arrive $0xFFFF  }
0x7f1: {  	p0 =	sne.s32 s0, $0x0;
	s0 =	rddreg [dreg:$0x7]  }
0x7f2: {  	s0 =	sadd.s32 @!p0 $0x100000, s0  }
0x7f3: {  	[sflag:s0] =	ssyncadd.tile.s32 @!p0 $0x1;
	_ =	shalt  }
.Lfunc_end2:
_tile_overlayer_lowered:
.L_overlay_start_2:
0x7f4: {  	(tag) =	ssettag $0x2  }
0x7f5: {  	s0 =	rddreg [dreg:$0x0];
	s2 =	stileid.u32  }
0x7f6: {  	s1 =	rddreg [dreg:$0x1];
	p0 =	sne.s32 s2, $0x0  }
0x7f7: {  	s3 =	rddreg [dreg:$0x2];
	[bflag:$0x3] =	sbarrier.arrive $0xFFFF;
	s2 =	simm.s32 @!p0 $0x1C03  }
0x7f8: {  	[timem:s3], [sflag:s2] =	dma.local @!p0 [hbm:s0], s1  }
0x7f9: {  	s0 =	simm.s32 @!p0 $0x3  }
0x7fa: {  	_ =	swait.ge @!p0 [sflag:s0], s1  }
0x7fb: {  	s1 =	ssub.s32 @!p0 $0x0, s1;
	[sflag:s0] =	ssyncset.done @!p0 $0x0  }
0x7fc: {  	[sflag:s0] =	ssyncadd.s32 @!p0 s1  }
0x7fd: {  	[bflag:$0x3] =	sbarrier.arrive $0xFFFF  }
0x7fe: {  	_ =	shalt  }

</sc_bundles>
